<compile_context>
chip_gen: v7x
topology: tpu7x:2x2x1
jax: 0.10.2.dev20260603
libtpu: 0.0.44.dev20260713+nightly
codegen_flags: <defaults>
</compile_context>

<pallas_src>
import functools

import jax
import jax.numpy as jnp
from jax import lax
from jax.experimental import pallas as pl
from jax.experimental.pallas import tpu as pltpu
from jax.experimental.pallas import tpu_sc as plsc

N = 10000
D_IN = 128
D_H = 64
E = 320000

NC, NS = 2, 16
NW = NC * NS
NPAD = 10240
ROWS_PER_TILE = NPAD // NS
CHUNK = 128
CPW = 80
EPW = CPW * CHUNK
EPAD = EPW * NW
CCOL = D_H

BLK = 512



CH = CPW // 2


def _sc_agg_body(with_mark, z_hbm, src_hbm, dst_hbm, acc_out,
                 acc_sp, sidx, didx, rows_a, rows_b, gsem_a, gsem_b):
    c = lax.axis_index("c")
    s = lax.axis_index("s")

    zeros16 = jnp.zeros((16,), jnp.float32)
    onehot16 = jnp.where(lax.iota(jnp.int32, 16) == 0, 1.0, 0.0)

    def _zb(i, carry):
        for k in range(128 // 16):
            rows_b[i, pl.ds(16 * k, 16)] = zeros16
        return carry
    lax.fori_loop(0, CHUNK, _zb, 0)

    wid = s * NC + c
    cb = pl.multiple_of(wid * CPW, 8)
    pltpu.sync_copy(src_hbm.at[pl.ds(cb, CH)], sidx)
    pltpu.sync_copy(dst_hbm.at[pl.ds(cb, CH)], didx)
    pltpu.async_copy(z_hbm.at[sidx.at[0]], rows_a, gsem_a)

    r0 = pl.multiple_of(s * ROWS_PER_TILE, ROWS_PER_TILE)
    for j in range(ROWS_PER_TILE // CHUNK):
        pltpu.sync_copy(rows_b, acc_sp.at[pl.ds(r0 + j * CHUNK, CHUNK)])

    plsc.subcore_barrier()

    for h in range(CPW // CH):
        if h > 0:
            hb = pl.multiple_of(cb + h * CH, 8)
            pltpu.sync_copy(src_hbm.at[pl.ds(hb, CH)], sidx)
            pltpu.sync_copy(dst_hbm.at[pl.ds(hb, CH)], didx)
            pltpu.async_copy(z_hbm.at[sidx.at[0]], rows_a, gsem_a)
        pltpu.async_copy(z_hbm.at[sidx.at[1]], rows_b, gsem_b)

        def _mark(rows):
            if with_mark:
                for r in range(CHUNK):
                    rows[r, pl.ds(CCOL, 16)] = onehot16

        def _edges(j, carry):
            ca = 2 * j
            last = j >= CH // 2 - 1
            pltpu.make_async_copy(z_hbm.at[sidx.at[ca]], rows_a, gsem_a).wait()
            _mark(rows_a)
            pltpu.sync_copy(rows_a, acc_sp.at[didx.at[ca]], add=True)

            @pl.when(jnp.logical_not(last))
            def _():
                pltpu.async_copy(z_hbm.at[sidx.at[ca + 2]], rows_a, gsem_a)
            pltpu.make_async_copy(z_hbm.at[sidx.at[ca + 1]], rows_b,
                                  gsem_b).wait()
            _mark(rows_b)
            pltpu.sync_copy(rows_b, acc_sp.at[didx.at[ca + 1]], add=True)

            @pl.when(jnp.logical_not(last))
            def _():
                pltpu.async_copy(z_hbm.at[sidx.at[ca + 3]], rows_b, gsem_b)
            return carry
        lax.fori_loop(0, CH // 2, _edges, 0)

    plsc.subcore_barrier()

    o0 = pl.multiple_of(c * NPAD + r0, ROWS_PER_TILE)
    pltpu.sync_copy(acc_sp.at[pl.ds(r0, ROWS_PER_TILE)],
                    acc_out.at[pl.ds(o0, ROWS_PER_TILE)])


def _make_sc_agg(with_mark):
    return pl.kernel(
        functools.partial(_sc_agg_body, with_mark),
        out_type=jax.ShapeDtypeStruct((NC * NPAD, 128), jnp.float32),
        mesh=plsc.VectorSubcoreMesh(core_axis_name="c", subcore_axis_name="s"),
        scratch_types=[
            pltpu.VMEM_SHARED((NPAD, 128), jnp.float32),
            pltpu.VMEM((CH, CHUNK), jnp.int32),
            pltpu.VMEM((CH, CHUNK), jnp.int32),
            pltpu.VMEM((CHUNK, 128), jnp.float32),
            pltpu.VMEM((CHUNK, 128), jnp.float32),
            pltpu.SemaphoreType.DMA,
            pltpu.SemaphoreType.DMA,
        ],
    )


_sc_agg_cnt = _make_sc_agg(True)
_sc_agg = _make_sc_agg(False)



def _tc1_body(x_ref, wl_ref, wr_ref, zxr_ref):
    xb = x_ref[...]
    dn = (((1,), (1,)), ((), ()))
    z = lax.dot_general(xb, wl_ref[...], dn, preferred_element_type=jnp.float32)
    xr = lax.dot_general(xb, wr_ref[...], dn, preferred_element_type=jnp.float32)
    zxr_ref[...] = jnp.concatenate([z, xr], axis=1)


_tc1 = pl.pallas_call(
    _tc1_body,
    grid=(NPAD // BLK,),
    in_specs=[
        pl.BlockSpec((BLK, D_IN), lambda i: (i, 0)),
        pl.BlockSpec((D_H, D_IN), lambda i: (0, 0)),
        pl.BlockSpec((D_H, D_IN), lambda i: (0, 0)),
    ],
    out_specs=pl.BlockSpec((BLK, 2 * D_H), lambda i: (i, 0)),
    out_shape=jax.ShapeDtypeStruct((NPAD, 2 * D_H), jnp.float32),
)


def _tc2_body(parts_ref, b_ref, zxr1_ref, wl_ref, wr_ref,
              cnt_ref, zxr2_ref):
    ssum = parts_ref[0, :, :D_H] + parts_ref[1, :, :D_H]
    cnt = jnp.maximum(parts_ref[0, :, CCOL] + parts_ref[1, :, CCOL], 1.0)
    xr = zxr1_ref[:, D_H:]
    h = jnp.maximum(ssum / cnt[:, None] + b_ref[...] + xr, 0.0)
    cnt_ref[...] = cnt
    dn = (((1,), (1,)), ((), ()))
    z2 = lax.dot_general(h, wl_ref[...], dn, preferred_element_type=jnp.float32)
    xr2 = lax.dot_general(h, wr_ref[...], dn, preferred_element_type=jnp.float32)
    zxr2_ref[...] = jnp.concatenate([z2, xr2], axis=1)


_tc2 = pl.pallas_call(
    _tc2_body,
    grid=(NPAD // BLK,),
    in_specs=[
        pl.BlockSpec((NC, BLK, 128), lambda i: (0, i, 0)),
        pl.BlockSpec((1, D_H), lambda i: (0, 0)),
        pl.BlockSpec((BLK, 2 * D_H), lambda i: (i, 0)),
        pl.BlockSpec((D_H, D_H), lambda i: (0, 0)),
        pl.BlockSpec((D_H, D_H), lambda i: (0, 0)),
    ],
    out_specs=[
        pl.BlockSpec((BLK,), lambda i: (i,)),
        pl.BlockSpec((BLK, 2 * D_H), lambda i: (i, 0)),
    ],
    out_shape=[
        jax.ShapeDtypeStruct((NPAD,), jnp.float32),
        jax.ShapeDtypeStruct((NPAD, 2 * D_H), jnp.float32),
    ],
)


def _tc3_body(parts_ref, cnt_in_ref, b_ref, zxr2_ref, wlin_ref, blin_ref,
              h_ref, out_ref):
    ssum = parts_ref[0, :, :D_H] + parts_ref[1, :, :D_H]
    cnt = cnt_in_ref[...]
    xr = zxr2_ref[:, D_H:]
    h = jnp.maximum(ssum / cnt[:, None] + b_ref[...] + xr, 0.0)
    h_ref[...] = h
    out_ref[...] = jnp.sum(h * wlin_ref[...], axis=1) + blin_ref[0, 0]


_tc3 = pl.pallas_call(
    _tc3_body,
    grid=(NPAD // BLK,),
    in_specs=[
        pl.BlockSpec((NC, BLK, 128), lambda i: (0, i, 0)),
        pl.BlockSpec((BLK,), lambda i: (i,)),
        pl.BlockSpec((1, D_H), lambda i: (0, 0)),
        pl.BlockSpec((BLK, 2 * D_H), lambda i: (i, 0)),
        pl.BlockSpec((1, D_H), lambda i: (0, 0)),
        pl.BlockSpec((1, 1), lambda i: (0, 0)),
    ],
    out_specs=[
        pl.BlockSpec((BLK, D_H), lambda i: (i, 0)),
        pl.BlockSpec((BLK,), lambda i: (i,)),
    ],
    out_shape=[
        jax.ShapeDtypeStruct((NPAD, D_H), jnp.float32),
        jax.ShapeDtypeStruct((NPAD,), jnp.float32),
    ],
)



def kernel(x, edge_index, W1l, b1l, W1r, W2l, b2l, W2r, Wlin, blin):
    x_p = jnp.pad(x, ((0, NPAD - N), (0, 0)))
    pad_len = EPAD - E
    pad_idx = (N + jnp.arange(pad_len, dtype=jnp.int32) % (NPAD - N))
    src_p = jnp.concatenate([edge_index[0], pad_idx]).reshape(EPAD // CHUNK,
                                                              CHUNK)
    dst_p = jnp.concatenate([edge_index[1], pad_idx]).reshape(EPAD // CHUNK,
                                                              CHUNK)

    zxr1 = _tc1(x_p, W1l, W1r)
    parts1 = _sc_agg_cnt(zxr1, src_p, dst_p).reshape(NC, NPAD, 128)
    cnt1, zxr2 = _tc2(parts1, b1l.reshape(1, D_H), zxr1, W2l, W2r)
    parts2 = _sc_agg(zxr2, src_p, dst_p).reshape(NC, NPAD, 128)
    h2, out = _tc3(parts2, cnt1, b2l.reshape(1, D_H), zxr2, Wlin,
                   blin.reshape(1, 1))
    return (out[:N], h2[:N])

# --- scband reference (transcript-rebuilt; emitter-appended) ---
"""Pipeline reference for scband-net-cost-gnn-49606872269110 (READ-ONLY COPY).

The authoritative reference and input builder live on the scoring server;
editing this copy changes nothing except your own understanding.
"""

import jax, jax.numpy as jnp
import numpy as np

N, E, D_IN, D_H, D_OUT = 10000, 320000, 128, 64, 1


def setup_inputs(seed: int = 0) -> dict:
    key = jax.random.key(seed)
    ks = jax.random.split(key, 12)
    x = jax.random.normal(ks[0], (N, D_IN), dtype=jnp.float32)
    edge_index = jax.random.randint(ks[1], (2, E), 0, N, dtype=jnp.int32)
    def lin_w(k, fan_out, fan_in):
        bound = 1.0 / np.sqrt(fan_in)
        return jax.random.uniform(k, (fan_out, fan_in), dtype=jnp.float32, minval=-bound, maxval=bound)
    def lin_b(k, fan_out, fan_in):
        bound = 1.0 / np.sqrt(fan_in)
        return jax.random.uniform(k, (fan_out,), dtype=jnp.float32, minval=-bound, maxval=bound)
    return {
        'x': x,
        'edge_index': edge_index,
        'W1l': lin_w(ks[2], D_H, D_IN), 'b1l': lin_b(ks[3], D_H, D_IN), 'W1r': lin_w(ks[4], D_H, D_IN),
        'W2l': lin_w(ks[5], D_H, D_H), 'b2l': lin_b(ks[6], D_H, D_H), 'W2r': lin_w(ks[7], D_H, D_H),
        'Wlin': lin_w(ks[8], D_OUT, D_H), 'blin': lin_b(ks[9], D_OUT, D_H),
    }


def _sage_conv(x, edge_index, Wl, bl, Wr):
    # PyG SAGEConv with mean aggregation:
    #   out = lin_l(mean_{j in N(i)} x_j) + lin_r(x_i)
    src = edge_index[0]
    dst = edge_index[1]
    n = x.shape[0]
    msg = jnp.take(x, src, axis=0)
    summed = jnp.zeros((n, x.shape[1]), dtype=x.dtype).at[dst].add(msg)
    cnt = jnp.zeros((n,), dtype=x.dtype).at[dst].add(1.0)
    mean = summed / jnp.clip(cnt, 1.0, None)[:, None]
    return mean @ Wl.T + bl + x @ Wr.T


def reference(x, edge_index, W1l, b1l, W1r, W2l, b2l, W2r, Wlin, blin):
    h = jax.nn.relu(_sage_conv(x, edge_index, W1l, b1l, W1r))
    h = jax.nn.relu(_sage_conv(h, edge_index, W2l, b2l, W2r))
    out = h @ Wlin.T + blin
    return (jnp.squeeze(out), h)

if __name__ == "__main__":
    import jax
    _d = setup_inputs()
    print(jax.jit(kernel)(*tuple(_d.values())))

</pallas_src>

<mosaic_0001>
#map = affine_map<(d0, d1) -> (0, 0)>
module attributes {stable_mosaic.version = 14 : i64} {
  func.func @_sc_agg_body(%arg0: i32, %arg1: i32, %arg2: memref<10240x128xf32, #tpu.memory_space<hbm>>, %arg3: memref<2560x128xi32, #tpu.memory_space<hbm>>, %arg4: memref<2560x128xi32, #tpu.memory_space<hbm>>, %arg5: memref<20480x128xf32, #tpu.memory_space<hbm>>, %arg6: memref<10240x128xf32, #tpu.memory_space<vmem_shared>>, %arg7: memref<40x128xi32, #tpu.memory_space<vmem>>, %arg8: memref<40x128xi32, #tpu.memory_space<vmem>>, %arg9: memref<128x128xf32, #tpu.memory_space<vmem>>, %arg10: memref<128x128xf32, #tpu.memory_space<vmem>>, %arg11: memref<!tpu.dma_semaphore, #tpu.memory_space<semaphore_mem>>, %arg12: memref<!tpu.dma_semaphore, #tpu.memory_space<semaphore_mem>>) attributes {dimension_semantics = [#tpu.dimension_semantics<core_parallel>, #tpu.dimension_semantics<subcore_parallel>], iteration_bounds = array<i64: 2, 16>, scalar_prefetch = 0 : i64, scratch_operands = 7 : i64, tpu.core_type = #tpu.core_type<sc_vector_subcore>, window_params = [{transform_indices = #map}, {transform_indices = #map}, {transform_indices = #map}, {transform_indices = #map}]} {
    %broadcast_in_dim3A = arith.constant 0.000000e+00 : f32
    %broadcast_in_dim3A_0 = vector.broadcast %broadcast_in_dim3A : f32 to vector<16xf32>
    %iota3A = tpu.iota {dimensions = array<i32: 0>} : vector<16xi32>
    %eq3A = arith.constant 0 : i32
    %eq3A_1 = vector.broadcast %eq3A : i32 to vector<16xi32>
    %eq3A_2 = arith.cmpi eq, %iota3A, %eq3A_1 : vector<16xi32>
    %jit3A = arith.constant 1.000000e+00 : f32
    %jit3A_3 = arith.constant 0.000000e+00 : f32
    %broadcast_in_dim3A_4 = vector.broadcast %jit3A : f32 to vector<16xf32>
    %broadcast_in_dim3A_5 = vector.broadcast %jit3A_3 : f32 to vector<16xf32>
    %select_n3A = arith.select %eq3A_2, %broadcast_in_dim3A_4, %broadcast_in_dim3A_5 : vector<16xi1>, vector<16xf32>
    %scan3A = arith.constant 0 : i32
    %scan3A_6 = arith.constant 0 : i32
    %scan3A_7 = arith.constant 128 : i32
    %scan3A_8 = arith.addi %scan3A_6, %scan3A_7 : i32
    %scan3A_9 = arith.constant 1 : i32
    scf.for %scan3A_74 = %scan3A_6 to %scan3A_8 step %scan3A_9  : i32 {
      %swap3A = arith.index_cast %scan3A_74 : i32 to index
      %swap3A_75 = arith.constant 0 : index
      %swap3A_76 = tpu.vector_load %arg10[%swap3A, %swap3A_75] {strides = array<i32>} : memref<128x128xf32, #tpu.memory_space<vmem>>, vector<1x16xf32>,
      %swap3A_77 = vector.shape_cast %swap3A_76 : vector<1x16xf32> to vector<16xf32>
      %swap3A_78 = vector.shape_cast %broadcast_in_dim3A_0 : vector<16xf32> to vector<1x16xf32>
      tpu.vector_store %arg10[%swap3A, %swap3A_75], %swap3A_78 {strides = array<i32>} : memref<128x128xf32, #tpu.memory_space<vmem>>, vector<1x16xf32>,
      %swap3A_79 = arith.index_cast %scan3A_74 : i32 to index
      %swap3A_80 = arith.constant 16 : index
      %swap3A_81 = tpu.vector_load %arg10[%swap3A_79, %swap3A_80] {strides = array<i32>} : memref<128x128xf32, #tpu.memory_space<vmem>>, vector<1x16xf32>,
      %swap3A_82 = vector.shape_cast %swap3A_81 : vector<1x16xf32> to vector<16xf32>
      %swap3A_83 = vector.shape_cast %broadcast_in_dim3A_0 : vector<16xf32> to vector<1x16xf32>
      tpu.vector_store %arg10[%swap3A_79, %swap3A_80], %swap3A_83 {strides = array<i32>} : memref<128x128xf32, #tpu.memory_space<vmem>>, vector<1x16xf32>,
      %swap3A_84 = arith.index_cast %scan3A_74 : i32 to index
      %swap3A_85 = arith.constant 32 : index
      %swap3A_86 = tpu.vector_load %arg10[%swap3A_84, %swap3A_85] {strides = array<i32>} : memref<128x128xf32, #tpu.memory_space<vmem>>, vector<1x16xf32>,
      %swap3A_87 = vector.shape_cast %swap3A_86 : vector<1x16xf32> to vector<16xf32>
      %swap3A_88 = vector.shape_cast %broadcast_in_dim3A_0 : vector<16xf32> to vector<1x16xf32>
      tpu.vector_store %arg10[%swap3A_84, %swap3A_85], %swap3A_88 {strides = array<i32>} : memref<128x128xf32, #tpu.memory_space<vmem>>, vector<1x16xf32>,
      %swap3A_89 = arith.index_cast %scan3A_74 : i32 to index
      %swap3A_90 = arith.constant 48 : index
      %swap3A_91 = tpu.vector_load %arg10[%swap3A_89, %swap3A_90] {strides = array<i32>} : memref<128x128xf32, #tpu.memory_space<vmem>>, vector<1x16xf32>,
      %swap3A_92 = vector.shape_cast %swap3A_91 : vector<1x16xf32> to vector<16xf32>
      %swap3A_93 = vector.shape_cast %broadcast_in_dim3A_0 : vector<16xf32> to vector<1x16xf32>
      tpu.vector_store %arg10[%swap3A_89, %swap3A_90], %swap3A_93 {strides = array<i32>} : memref<128x128xf32, #tpu.memory_space<vmem>>, vector<1x16xf32>,
      %swap3A_94 = arith.index_cast %scan3A_74 : i32 to index
      %swap3A_95 = arith.constant 64 : index
      %swap3A_96 = tpu.vector_load %arg10[%swap3A_94, %swap3A_95] {strides = array<i32>} : memref<128x128xf32, #tpu.memory_space<vmem>>, vector<1x16xf32>,
      %swap3A_97 = vector.shape_cast %swap3A_96 : vector<1x16xf32> to vector<16xf32>
      %swap3A_98 = vector.shape_cast %broadcast_in_dim3A_0 : vector<16xf32> to vector<1x16xf32>
      tpu.vector_store %arg10[%swap3A_94, %swap3A_95], %swap3A_98 {strides = array<i32>} : memref<128x128xf32, #tpu.memory_space<vmem>>, vector<1x16xf32>,
      %swap3A_99 = arith.index_cast %scan3A_74 : i32 to index
      %swap3A_100 = arith.constant 80 : index
      %swap3A_101 = tpu.vector_load %arg10[%swap3A_99, %swap3A_100] {strides = array<i32>} : memref<128x128xf32, #tpu.memory_space<vmem>>, vector<1x16xf32>,
      %swap3A_102 = vector.shape_cast %swap3A_101 : vector<1x16xf32> to vector<16xf32>
      %swap3A_103 = vector.shape_cast %broadcast_in_dim3A_0 : vector<16xf32> to vector<1x16xf32>
      tpu.vector_store %arg10[%swap3A_99, %swap3A_100], %swap3A_103 {strides = array<i32>} : memref<128x128xf32, #tpu.memory_space<vmem>>, vector<1x16xf32>,
      %swap3A_104 = arith.index_cast %scan3A_74 : i32 to index
      %swap3A_105 = arith.constant 96 : index
      %swap3A_106 = tpu.vector_load %arg10[%swap3A_104, %swap3A_105] {strides = array<i32>} : memref<128x128xf32, #tpu.memory_space<vmem>>, vector<1x16xf32>,
      %swap3A_107 = vector.shape_cast %swap3A_106 : vector<1x16xf32> to vector<16xf32>
      %swap3A_108 = vector.shape_cast %broadcast_in_dim3A_0 : vector<16xf32> to vector<1x16xf32>
      tpu.vector_store %arg10[%swap3A_104, %swap3A_105], %swap3A_108 {strides = array<i32>} : memref<128x128xf32, #tpu.memory_space<vmem>>, vector<1x16xf32>,
      %swap3A_109 = arith.index_cast %scan3A_74 : i32 to index
      %swap3A_110 = arith.constant 112 : index
      %swap3A_111 = tpu.vector_load %arg10[%swap3A_109, %swap3A_110] {strides = array<i32>} : memref<128x128xf32, #tpu.memory_space<vmem>>, vector<1x16xf32>,
      %swap3A_112 = vector.shape_cast %swap3A_111 : vector<1x16xf32> to vector<16xf32>
      %swap3A_113 = vector.shape_cast %broadcast_in_dim3A_0 : vector<16xf32> to vector<1x16xf32>
      tpu.vector_store %arg10[%swap3A_109, %swap3A_110], %swap3A_113 {strides = array<i32>} : memref<128x128xf32, #tpu.memory_space<vmem>>, vector<1x16xf32>,
    }
    %scan3A_10 = arith.constant 128 : i32
    %mul3A = arith.constant 2 : i32
    %mul3A_11 = arith.muli %arg1, %mul3A : i32
    %add3A = arith.addi %mul3A_11, %arg0 : i32
    %mul3A_12 = arith.constant 80 : i32
    %mul3A_13 = arith.muli %add3A, %mul3A_12 : i32
    %multiple_of3A = tpu.assume_multiple %mul3A_13, 8 : i32
    "tpu.region"() ({
      %run_scoped3A = tpu.sem_alloc : memref<!tpu.dma_semaphore, #tpu.memory_space<semaphore_mem>>
      %dma_start3A_74 = arith.constant 0 : i32
      %dma_start3A_75 = tpu.memref_slice %arg3[%multiple_of3A, %dma_start3A_74] : memref<2560x128xi32, #tpu.memory_space<hbm>> -> memref<40x128xi32, #tpu.memory_space<hbm>>
      %dma_start3A_76 = arith.constant 0 : i32
      %dma_start3A_77 = tpu.memref_slice %arg3[%multiple_of3A, %dma_start3A_76] : memref<2560x128xi32, #tpu.memory_space<hbm>> -> memref<40x128xi32, #tpu.memory_space<hbm>>
      tpu.enqueue_dma source(%dma_start3A_77 : memref<40x128xi32, #tpu.memory_space<hbm>>) target(%arg7 : memref<40x128xi32, #tpu.memory_space<vmem>>) target_semaphore(%run_scoped3A : memref<!tpu.dma_semaphore, #tpu.memory_space<semaphore_mem>>)
      %dma_wait3A = arith.constant 0 : i32
      %dma_wait3A_78 = tpu.memref_slice %arg3[%multiple_of3A, %dma_wait3A] : memref<2560x128xi32, #tpu.memory_space<hbm>> -> memref<40x128xi32, #tpu.memory_space<hbm>>
      %dma_wait3A_79 = arith.constant 0 : i32
      %dma_wait3A_80 = tpu.memref_slice %arg3[%multiple_of3A, %dma_wait3A_79] : memref<2560x128xi32, #tpu.memory_space<hbm>> -> memref<40x128xi32, #tpu.memory_space<hbm>>
      tpu.wait_dma2 semaphore(%run_scoped3A : memref<!tpu.dma_semaphore, #tpu.memory_space<semaphore_mem>>) src(%dma_wait3A_80 : memref<40x128xi32, #tpu.memory_space<hbm>>) dst(%arg7 : memref<40x128xi32, #tpu.memory_space<vmem>>)
      tpu.yield
    }) : () -> ()
    "tpu.region"() ({
      %run_scoped3A = tpu.sem_alloc : memref<!tpu.dma_semaphore, #tpu.memory_space<semaphore_mem>>
      %dma_start3A_74 = arith.constant 0 : i32
      %dma_start3A_75 = tpu.memref_slice %arg4[%multiple_of3A, %dma_start3A_74] : memref<2560x128xi32, #tpu.memory_space<hbm>> -> memref<40x128xi32, #tpu.memory_space<hbm>>
      %dma_start3A_76 = arith.constant 0 : i32
      %dma_start3A_77 = tpu.memref_slice %arg4[%multiple_of3A, %dma_start3A_76] : memref<2560x128xi32, #tpu.memory_space<hbm>> -> memref<40x128xi32, #tpu.memory_space<hbm>>
      tpu.enqueue_dma source(%dma_start3A_77 : memref<40x128xi32, #tpu.memory_space<hbm>>) target(%arg8 : memref<40x128xi32, #tpu.memory_space<vmem>>) target_semaphore(%run_scoped3A : memref<!tpu.dma_semaphore, #tpu.memory_space<semaphore_mem>>)
      %dma_wait3A = arith.constant 0 : i32
      %dma_wait3A_78 = tpu.memref_slice %arg4[%multiple_of3A, %dma_wait3A] : memref<2560x128xi32, #tpu.memory_space<hbm>> -> memref<40x128xi32, #tpu.memory_space<hbm>>
      %dma_wait3A_79 = arith.constant 0 : i32
      %dma_wait3A_80 = tpu.memref_slice %arg4[%multiple_of3A, %dma_wait3A_79] : memref<2560x128xi32, #tpu.memory_space<hbm>> -> memref<40x128xi32, #tpu.memory_space<hbm>>
      tpu.wait_dma2 semaphore(%run_scoped3A : memref<!tpu.dma_semaphore, #tpu.memory_space<semaphore_mem>>) src(%dma_wait3A_80 : memref<40x128xi32, #tpu.memory_space<hbm>>) dst(%arg8 : memref<40x128xi32, #tpu.memory_space<vmem>>)
      tpu.yield
    }) : () -> ()
    %dma_start3A = arith.constant 0 : i32
    %dma_start3A_14 = arith.constant 0 : i32
    %dma_start3A_15 = tpu.memref_slice %arg7[%dma_start3A, %dma_start3A_14] : memref<40x128xi32, #tpu.memory_space<vmem>> -> memref<1x128xi32, #tpu.memory_space<vmem>>
    %dma_start3A_16 = tpu.memref_squeeze %dma_start3A_15 : memref<1x128xi32, #tpu.memory_space<vmem>> -> memref<128xi32, #tpu.memory_space<vmem>>
    %dma_start3A_17 = arith.constant 0 : i32
    %dma_start3A_18 = arith.constant 0 : i32
    %dma_start3A_19 = tpu.memref_slice %arg2[%dma_start3A_17, %dma_start3A_18] : memref<10240x128xf32, #tpu.memory_space<hbm>> -> memref<10240x128xf32, #tpu.memory_space<hbm>>
    tpu.enqueue_indirect_dma source(%dma_start3A_19 : memref<10240x128xf32, #tpu.memory_space<hbm>>) target(%arg9 : memref<128x128xf32, #tpu.memory_space<vmem>>) offsets(%dma_start3A_16 : memref<128xi32, #tpu.memory_space<vmem>>) semaphore(%arg11 : memref<!tpu.dma_semaphore, #tpu.memory_space<semaphore_mem>>)
    %mul3A_20 = arith.constant 640 : i32
    %mul3A_21 = arith.muli %arg1, %mul3A_20 : i32
    %multiple_of3A_22 = tpu.assume_multiple %mul3A_21, 640 : i32
    %add3A_23 = arith.constant 0 : i32
    %add3A_24 = arith.addi %multiple_of3A_22, %add3A_23 : i32
    "tpu.region"() ({
      %run_scoped3A = tpu.sem_alloc : memref<!tpu.dma_semaphore, #tpu.memory_space<semaphore_mem>>
      %dma_start3A_74 = arith.constant 0 : i32
      %dma_start3A_75 = tpu.memref_slice %arg6[%add3A_24, %dma_start3A_74] : memref<10240x128xf32, #tpu.memory_space<vmem_shared>> -> memref<128x128xf32, #tpu.memory_space<vmem_shared>>
      %dma_start3A_76 = arith.constant 0 : i32
      %dma_start3A_77 = tpu.memref_slice %arg6[%add3A_24, %dma_start3A_76] : memref<10240x128xf32, #tpu.memory_space<vmem_shared>> -> memref<128x128xf32, #tpu.memory_space<vmem_shared>>
      tpu.enqueue_dma source(%arg10 : memref<128x128xf32, #tpu.memory_space<vmem>>) target(%dma_start3A_77 : memref<128x128xf32, #tpu.memory_space<vmem_shared>>) target_semaphore(%run_scoped3A : memref<!tpu.dma_semaphore, #tpu.memory_space<semaphore_mem>>)
      %dma_wait3A = arith.constant 0 : i32
      %dma_wait3A_78 = tpu.memref_slice %arg6[%add3A_24, %dma_wait3A] : memref<10240x128xf32, #tpu.memory_space<vmem_shared>> -> memref<128x128xf32, #tpu.memory_space<vmem_shared>>
      %dma_wait3A_79 = arith.constant 0 : i32
      %dma_wait3A_80 = tpu.memref_slice %arg6[%add3A_24, %dma_wait3A_79] : memref<10240x128xf32, #tpu.memory_space<vmem_shared>> -> memref<128x128xf32, #tpu.memory_space<vmem_shared>>
      tpu.wait_dma2 semaphore(%run_scoped3A : memref<!tpu.dma_semaphore, #tpu.memory_space<semaphore_mem>>) src(%arg10 : memref<128x128xf32, #tpu.memory_space<vmem>>) dst(%dma_wait3A_80 : memref<128x128xf32, #tpu.memory_space<vmem_shared>>)
      tpu.yield
    }) : () -> ()
    %add3A_25 = arith.constant 128 : i32
    %add3A_26 = arith.addi %multiple_of3A_22, %add3A_25 : i32
    "tpu.region"() ({
      %run_scoped3A = tpu.sem_alloc : memref<!tpu.dma_semaphore, #tpu.memory_space<semaphore_mem>>
      %dma_start3A_74 = arith.constant 0 : i32
      %dma_start3A_75 = tpu.memref_slice %arg6[%add3A_26, %dma_start3A_74] : memref<10240x128xf32, #tpu.memory_space<vmem_shared>> -> memref<128x128xf32, #tpu.memory_space<vmem_shared>>
      %dma_start3A_76 = arith.constant 0 : i32
      %dma_start3A_77 = tpu.memref_slice %arg6[%add3A_26, %dma_start3A_76] : memref<10240x128xf32, #tpu.memory_space<vmem_shared>> -> memref<128x128xf32, #tpu.memory_space<vmem_shared>>
      tpu.enqueue_dma source(%arg10 : memref<128x128xf32, #tpu.memory_space<vmem>>) target(%dma_start3A_77 : memref<128x128xf32, #tpu.memory_space<vmem_shared>>) target_semaphore(%run_scoped3A : memref<!tpu.dma_semaphore, #tpu.memory_space<semaphore_mem>>)
      %dma_wait3A = arith.constant 0 : i32
      %dma_wait3A_78 = tpu.memref_slice %arg6[%add3A_26, %dma_wait3A] : memref<10240x128xf32, #tpu.memory_space<vmem_shared>> -> memref<128x128xf32, #tpu.memory_space<vmem_shared>>
      %dma_wait3A_79 = arith.constant 0 : i32
      %dma_wait3A_80 = tpu.memref_slice %arg6[%add3A_26, %dma_wait3A_79] : memref<10240x128xf32, #tpu.memory_space<vmem_shared>> -> memref<128x128xf32, #tpu.memory_space<vmem_shared>>
      tpu.wait_dma2 semaphore(%run_scoped3A : memref<!tpu.dma_semaphore, #tpu.memory_space<semaphore_mem>>) src(%arg10 : memref<128x128xf32, #tpu.memory_space<vmem>>) dst(%dma_wait3A_80 : memref<128x128xf32, #tpu.memory_space<vmem_shared>>)
      tpu.yield
    }) : () -> ()
    %add3A_27 = arith.constant 256 : i32
    %add3A_28 = arith.addi %multiple_of3A_22, %add3A_27 : i32
    "tpu.region"() ({
      %run_scoped3A = tpu.sem_alloc : memref<!tpu.dma_semaphore, #tpu.memory_space<semaphore_mem>>
      %dma_start3A_74 = arith.constant 0 : i32
      %dma_start3A_75 = tpu.memref_slice %arg6[%add3A_28, %dma_start3A_74] : memref<10240x128xf32, #tpu.memory_space<vmem_shared>> -> memref<128x128xf32, #tpu.memory_space<vmem_shared>>
      %dma_start3A_76 = arith.constant 0 : i32
      %dma_start3A_77 = tpu.memref_slice %arg6[%add3A_28, %dma_start3A_76] : memref<10240x128xf32, #tpu.memory_space<vmem_shared>> -> memref<128x128xf32, #tpu.memory_space<vmem_shared>>
      tpu.enqueue_dma source(%arg10 : memref<128x128xf32, #tpu.memory_space<vmem>>) target(%dma_start3A_77 : memref<128x128xf32, #tpu.memory_space<vmem_shared>>) target_semaphore(%run_scoped3A : memref<!tpu.dma_semaphore, #tpu.memory_space<semaphore_mem>>)
      %dma_wait3A = arith.constant 0 : i32
      %dma_wait3A_78 = tpu.memref_slice %arg6[%add3A_28, %dma_wait3A] : memref<10240x128xf32, #tpu.memory_space<vmem_shared>> -> memref<128x128xf32, #tpu.memory_space<vmem_shared>>
      %dma_wait3A_79 = arith.constant 0 : i32
      %dma_wait3A_80 = tpu.memref_slice %arg6[%add3A_28, %dma_wait3A_79] : memref<10240x128xf32, #tpu.memory_space<vmem_shared>> -> memref<128x128xf32, #tpu.memory_space<vmem_shared>>
      tpu.wait_dma2 semaphore(%run_scoped3A : memref<!tpu.dma_semaphore, #tpu.memory_space<semaphore_mem>>) src(%arg10 : memref<128x128xf32, #tpu.memory_space<vmem>>) dst(%dma_wait3A_80 : memref<128x128xf32, #tpu.memory_space<vmem_shared>>)
      tpu.yield
    }) : () -> ()
    %add3A_29 = arith.constant 384 : i32
    %add3A_30 = arith.addi %multiple_of3A_22, %add3A_29 : i32
    "tpu.region"() ({
      %run_scoped3A = tpu.sem_alloc : memref<!tpu.dma_semaphore, #tpu.memory_space<semaphore_mem>>
      %dma_start3A_74 = arith.constant 0 : i32
      %dma_start3A_75 = tpu.memref_slice %arg6[%add3A_30, %dma_start3A_74] : memref<10240x128xf32, #tpu.memory_space<vmem_shared>> -> memref<128x128xf32, #tpu.memory_space<vmem_shared>>
      %dma_start3A_76 = arith.constant 0 : i32
      %dma_start3A_77 = tpu.memref_slice %arg6[%add3A_30, %dma_start3A_76] : memref<10240x128xf32, #tpu.memory_space<vmem_shared>> -> memref<128x128xf32, #tpu.memory_space<vmem_shared>>
      tpu.enqueue_dma source(%arg10 : memref<128x128xf32, #tpu.memory_space<vmem>>) target(%dma_start3A_77 : memref<128x128xf32, #tpu.memory_space<vmem_shared>>) target_semaphore(%run_scoped3A : memref<!tpu.dma_semaphore, #tpu.memory_space<semaphore_mem>>)
      %dma_wait3A = arith.constant 0 : i32
      %dma_wait3A_78 = tpu.memref_slice %arg6[%add3A_30, %dma_wait3A] : memref<10240x128xf32, #tpu.memory_space<vmem_shared>> -> memref<128x128xf32, #tpu.memory_space<vmem_shared>>
      %dma_wait3A_79 = arith.constant 0 : i32
      %dma_wait3A_80 = tpu.memref_slice %arg6[%add3A_30, %dma_wait3A_79] : memref<10240x128xf32, #tpu.memory_space<vmem_shared>> -> memref<128x128xf32, #tpu.memory_space<vmem_shared>>
      tpu.wait_dma2 semaphore(%run_scoped3A : memref<!tpu.dma_semaphore, #tpu.memory_space<semaphore_mem>>) src(%arg10 : memref<128x128xf32, #tpu.memory_space<vmem>>) dst(%dma_wait3A_80 : memref<128x128xf32, #tpu.memory_space<vmem_shared>>)
      tpu.yield
    }) : () -> ()
    %add3A_31 = arith.constant 512 : i32
    %add3A_32 = arith.addi %multiple_of3A_22, %add3A_31 : i32
    "tpu.region"() ({
      %run_scoped3A = tpu.sem_alloc : memref<!tpu.dma_semaphore, #tpu.memory_space<semaphore_mem>>
      %dma_start3A_74 = arith.constant 0 : i32
      %dma_start3A_75 = tpu.memref_slice %arg6[%add3A_32, %dma_start3A_74] : memref<10240x128xf32, #tpu.memory_space<vmem_shared>> -> memref<128x128xf32, #tpu.memory_space<vmem_shared>>
      %dma_start3A_76 = arith.constant 0 : i32
      %dma_start3A_77 = tpu.memref_slice %arg6[%add3A_32, %dma_start3A_76] : memref<10240x128xf32, #tpu.memory_space<vmem_shared>> -> memref<128x128xf32, #tpu.memory_space<vmem_shared>>
      tpu.enqueue_dma source(%arg10 : memref<128x128xf32, #tpu.memory_space<vmem>>) target(%dma_start3A_77 : memref<128x128xf32, #tpu.memory_space<vmem_shared>>) target_semaphore(%run_scoped3A : memref<!tpu.dma_semaphore, #tpu.memory_space<semaphore_mem>>)
      %dma_wait3A = arith.constant 0 : i32
      %dma_wait3A_78 = tpu.memref_slice %arg6[%add3A_32, %dma_wait3A] : memref<10240x128xf32, #tpu.memory_space<vmem_shared>> -> memref<128x128xf32, #tpu.memory_space<vmem_shared>>
      %dma_wait3A_79 = arith.constant 0 : i32
      %dma_wait3A_80 = tpu.memref_slice %arg6[%add3A_32, %dma_wait3A_79] : memref<10240x128xf32, #tpu.memory_space<vmem_shared>> -> memref<128x128xf32, #tpu.memory_space<vmem_shared>>
      tpu.wait_dma2 semaphore(%run_scoped3A : memref<!tpu.dma_semaphore, #tpu.memory_space<semaphore_mem>>) src(%arg10 : memref<128x128xf32, #tpu.memory_space<vmem>>) dst(%dma_wait3A_80 : memref<128x128xf32, #tpu.memory_space<vmem_shared>>)
      tpu.yield
    }) : () -> ()
    %barrier3A = arith.constant 0 : index
    tpu.barrier barrier_id(%barrier3A)
    %dma_start3A_33 = arith.constant 1 : i32
    %dma_start3A_34 = arith.constant 0 : i32
    %dma_start3A_35 = tpu.memref_slice %arg7[%dma_start3A_33, %dma_start3A_34] : memref<40x128xi32, #tpu.memory_space<vmem>> -> memref<1x128xi32, #tpu.memory_space<vmem>>
    %dma_start3A_36 = tpu.memref_squeeze %dma_start3A_35 : memref<1x128xi32, #tpu.memory_space<vmem>> -> memref<128xi32, #tpu.memory_space<vmem>>
    %dma_start3A_37 = arith.constant 0 : i32
    %dma_start3A_38 = arith.constant 0 : i32
    %dma_start3A_39 = tpu.memref_slice %arg2[%dma_start3A_37, %dma_start3A_38] : memref<10240x128xf32, #tpu.memory_space<hbm>> -> memref<10240x128xf32, #tpu.memory_space<hbm>>
    tpu.enqueue_indirect_dma source(%dma_start3A_39 : memref<10240x128xf32, #tpu.memory_space<hbm>>) target(%arg10 : memref<128x128xf32, #tpu.memory_space<vmem>>) offsets(%dma_start3A_36 : memref<128xi32, #tpu.memory_space<vmem>>) semaphore(%arg12 : memref<!tpu.dma_semaphore, #tpu.memory_space<semaphore_mem>>)
    %scan3A_40 = arith.constant 0 : i32
    %scan3A_41 = arith.constant 0 : i32
    %scan3A_42 = arith.constant 20 : i32
    %scan3A_43 = arith.addi %scan3A_41, %scan3A_42 : i32
    %scan3A_44 = arith.constant 1 : i32
    scf.for %scan3A_74 = %scan3A_41 to %scan3A_43 step %scan3A_44  : i32 {
      %mul3A_75 = arith.constant 2 : i32
      %mul3A_76 = arith.muli %mul3A_75, %scan3A_74 : i32
      %ge3A = arith.constant 19 : i32
      %ge3A_77 = arith.cmpi sge, %scan3A_74, %ge3A : i32
      %dma_wait3A = arith.constant 0 : i32
      %dma_wait3A_78 = tpu.memref_slice %arg7[%mul3A_76, %dma_wait3A] : memref<40x128xi32, #tpu.memory_space<vmem>> -> memref<1x128xi32, #tpu.memory_space<vmem>>
      %dma_wait3A_79 = tpu.memref_squeeze %dma_wait3A_78 : memref<1x128xi32, #tpu.memory_space<vmem>> -> memref<128xi32, #tpu.memory_space<vmem>>
      %dma_wait3A_80 = arith.constant 0 : i32
      %dma_wait3A_81 = arith.constant 0 : i32
      %dma_wait3A_82 = tpu.memref_slice %arg2[%dma_wait3A_80, %dma_wait3A_81] : memref<10240x128xf32, #tpu.memory_space<hbm>> -> memref<10240x128xf32, #tpu.memory_space<hbm>>
      tpu.wait_indirect_dma semaphore(%arg11 : memref<!tpu.dma_semaphore, #tpu.memory_space<semaphore_mem>>) src(%dma_wait3A_82 : memref<10240x128xf32, #tpu.memory_space<hbm>>) dst(%arg9 : memref<128x128xf32, #tpu.memory_space<vmem>>)
      %swap3A = arith.constant 0 : i32
      %swap3A_83 = arith.index_cast %swap3A : i32 to index
      %swap3A_84 = arith.constant 64 : index
      %swap3A_85 = tpu.vector_load %arg9[%swap3A_83, %swap3A_84] {strides = array<i32>} : memref<128x128xf32, #tpu.memory_space<vmem>>, vector<1x16xf32>,
      %swap3A_86 = vector.shape_cast %swap3A_85 : vector<1x16xf32> to vector<16xf32>
      %swap3A_87 = vector.shape_cast %select_n3A : vector<16xf32> to vector<1x16xf32>
      tpu.vector_store %arg9[%swap3A_83, %swap3A_84], %swap3A_87 {strides = array<i32>} : memref<128x128xf32, #tpu.memory_space<vmem>>, vector<1x16xf32>,
      %swap3A_88 = arith.constant 1 : i32
      %swap3A_89 = arith.index_cast %swap3A_88 : i32 to index
      %swap3A_90 = arith.constant 64 : index
      %swap3A_91 = tpu.vector_load %arg9[%swap3A_89, %swap3A_90] {strides = array<i32>} : memref<128x128xf32, #tpu.memory_space<vmem>>, vector<1x16xf32>,
      %swap3A_92 = vector.shape_cast %swap3A_91 : vector<1x16xf32> to vector<16xf32>
      %swap3A_93 = vector.shape_cast %select_n3A : vector<16xf32> to vector<1x16xf32>
      tpu.vector_store %arg9[%swap3A_89, %swap3A_90], %swap3A_93 {strides = array<i32>} : memref<128x128xf32, #tpu.memory_space<vmem>>, vector<1x16xf32>,
      %swap3A_94 = arith.constant 2 : i32
      %swap3A_95 = arith.index_cast %swap3A_94 : i32 to index
      %swap3A_96 = arith.constant 64 : index
      %swap3A_97 = tpu.vector_load %arg9[%swap3A_95, %swap3A_96] {strides = array<i32>} : memref<128x128xf32, #tpu.memory_space<vmem>>, vector<1x16xf32>,
      %swap3A_98 = vector.shape_cast %swap3A_97 : vector<1x16xf32> to vector<16xf32>
      %swap3A_99 = vector.shape_cast %select_n3A : vector<16xf32> to vector<1x16xf32>
      tpu.vector_store %arg9[%swap3A_95, %swap3A_96], %swap3A_99 {strides = array<i32>} : memref<128x128xf32, #tpu.memory_space<vmem>>, vector<1x16xf32>,
      %swap3A_100 = arith.constant 3 : i32
      %swap3A_101 = arith.index_cast %swap3A_100 : i32 to index
      %swap3A_102 = arith.constant 64 : index
      %swap3A_103 = tpu.vector_load %arg9[%swap3A_101, %swap3A_102] {strides = array<i32>} : memref<128x128xf32, #tpu.memory_space<vmem>>, vector<1x16xf32>,
      %swap3A_104 = vector.shape_cast %swap3A_103 : vector<1x16xf32> to vector<16xf32>
      %swap3A_105 = vector.shape_cast %select_n3A : vector<16xf32> to vector<1x16xf32>
      tpu.vector_store %arg9[%swap3A_101, %swap3A_102], %swap3A_105 {strides = array<i32>} : memref<128x128xf32, #tpu.memory_space<vmem>>, vector<1x16xf32>,
      %swap3A_106 = arith.constant 4 : i32
      %swap3A_107 = arith.index_cast %swap3A_106 : i32 to index
      %swap3A_108 = arith.constant 64 : index
      %swap3A_109 = tpu.vector_load %arg9[%swap3A_107, %swap3A_108] {strides = array<i32>} : memref<128x128xf32, #tpu.memory_space<vmem>>, vector<1x16xf32>,
      %swap3A_110 = vector.shape_cast %swap3A_109 : vector<1x16xf32> to vector<16xf32>
      %swap3A_111 = vector.shape_cast %select_n3A : vector<16xf32> to vector<1x16xf32>
      tpu.vector_store %arg9[%swap3A_107, %swap3A_108], %swap3A_111 {strides = array<i32>} : memref<128x128xf32, #tpu.memory_space<vmem>>, vector<1x16xf32>,
      %swap3A_112 = arith.constant 5 : i32
      %swap3A_113 = arith.index_cast %swap3A_112 : i32 to index
      %swap3A_114 = arith.constant 64 : index
      %swap3A_115 = tpu.vector_load %arg9[%swap3A_113, %swap3A_114] {strides = array<i32>} : memref<128x128xf32, #tpu.memory_space<vmem>>, vector<1x16xf32>,
      %swap3A_116 = vector.shape_cast %swap3A_115 : vector<1x16xf32> to vector<16xf32>
      %swap3A_117 = vector.shape_cast %select_n3A : vector<16xf32> to vector<1x16xf32>
      tpu.vector_store %arg9[%swap3A_113, %swap3A_114], %swap3A_117 {strides = array<i32>} : memref<128x128xf32, #tpu.memory_space<vmem>>, vector<1x16xf32>,
      %swap3A_118 = arith.constant 6 : i32
      %swap3A_119 = arith.index_cast %swap3A_118 : i32 to index
      %swap3A_120 = arith.constant 64 : index
      %swap3A_121 = tpu.vector_load %arg9[%swap3A_119, %swap3A_120] {strides = array<i32>} : memref<128x128xf32, #tpu.memory_space<vmem>>, vector<1x16xf32>,
      %swap3A_122 = vector.shape_cast %swap3A_121 : vector<1x16xf32> to vector<16xf32>
      %swap3A_123 = vector.shape_cast %select_n3A : vector<16xf32> to vector<1x16xf32>
      tpu.vector_store %arg9[%swap3A_119, %swap3A_120], %swap3A_123 {strides = array<i32>} : memref<128x128xf32, #tpu.memory_space<vmem>>, vector<1x16xf32>,
      %swap3A_124 = arith.constant 7 : i32
      %swap3A_125 = arith.index_cast %swap3A_124 : i32 to index
      %swap3A_126 = arith.constant 64 : index
      %swap3A_127 = tpu.vector_load %arg9[%swap3A_125, %swap3A_126] {strides = array<i32>} : memref<128x128xf32, #tpu.memory_space<vmem>>, vector<1x16xf32>,
      %swap3A_128 = vector.shape_cast %swap3A_127 : vector<1x16xf32> to vector<16xf32>
      %swap3A_129 = vector.shape_cast %select_n3A : vector<16xf32> to vector<1x16xf32>
      tpu.vector_store %arg9[%swap3A_125, %swap3A_126], %swap3A_129 {strides = array<i32>} : memref<128x128xf32, #tpu.memory_space<vmem>>, vector<1x16xf32>,
      %swap3A_130 = arith.constant 8 : i32
      %swap3A_131 = arith.index_cast %swap3A_130 : i32 to index
      %swap3A_132 = arith.constant 64 : index
      %swap3A_133 = tpu.vector_load %arg9[%swap3A_131, %swap3A_132] {strides = array<i32>} : memref<128x128xf32, #tpu.memory_space<vmem>>, vector<1x16xf32>,
      %swap3A_134 = vector.shape_cast %swap3A_133 : vector<1x16xf32> to vector<16xf32>
      %swap3A_135 = vector.shape_cast %select_n3A : vector<16xf32> to vector<1x16xf32>
      tpu.vector_store %arg9[%swap3A_131, %swap3A_132], %swap3A_135 {strides = array<i32>} : memref<128x128xf32, #tpu.memory_space<vmem>>, vector<1x16xf32>,
      %swap3A_136 = arith.constant 9 : i32
      %swap3A_137 = arith.index_cast %swap3A_136 : i32 to index
      %swap3A_138 = arith.constant 64 : index
      %swap3A_139 = tpu.vector_load %arg9[%swap3A_137, %swap3A_138] {strides = array<i32>} : memref<128x128xf32, #tpu.memory_space<vmem>>, vector<1x16xf32>,
      %swap3A_140 = vector.shape_cast %swap3A_139 : vector<1x16xf32> to vector<16xf32>
      %swap3A_141 = vector.shape_cast %select_n3A : vector<16xf32> to vector<1x16xf32>
      tpu.vector_store %arg9[%swap3A_137, %swap3A_138], %swap3A_141 {strides = array<i32>} : memref<128x128xf32, #tpu.memory_space<vmem>>, vector<1x16xf32>,
      %swap3A_142 = arith.constant 10 : i32
      %swap3A_143 = arith.index_cast %swap3A_142 : i32 to index
      %swap3A_144 = arith.constant 64 : index
      %swap3A_145 = tpu.vector_load %arg9[%swap3A_143, %swap3A_144] {strides = array<i32>} : memref<128x128xf32, #tpu.memory_space<vmem>>, vector<1x16xf32>,
      %swap3A_146 = vector.shape_cast %swap3A_145 : vector<1x16xf32> to vector<16xf32>
      %swap3A_147 = vector.shape_cast %select_n3A : vector<16xf32> to vector<1x16xf32>
      tpu.vector_store %arg9[%swap3A_143, %swap3A_144], %swap3A_147 {strides = array<i32>} : memref<128x128xf32, #tpu.memory_space<vmem>>, vector<1x16xf32>,
      %swap3A_148 = arith.constant 11 : i32
      %swap3A_149 = arith.index_cast %swap3A_148 : i32 to index
      %swap3A_150 = arith.constant 64 : index
      %swap3A_151 = tpu.vector_load %arg9[%swap3A_149, %swap3A_150] {strides = array<i32>} : memref<128x128xf32, #tpu.memory_space<vmem>>, vector<1x16xf32>,
      %swap3A_152 = vector.shape_cast %swap3A_151 : vector<1x16xf32> to vector<16xf32>
      %swap3A_153 = vector.shape_cast %select_n3A : vector<16xf32> to vector<1x16xf32>
      tpu.vector_store %arg9[%swap3A_149, %swap3A_150], %swap3A_153 {strides = array<i32>} : memref<128x128xf32, #tpu.memory_space<vmem>>, vector<1x16xf32>,
      %swap3A_154 = arith.constant 12 : i32
      %swap3A_155 = arith.index_cast %swap3A_154 : i32 to index
      %swap3A_156 = arith.constant 64 : index
      %swap3A_157 = tpu.vector_load %arg9[%swap3A_155, %swap3A_156] {strides = array<i32>} : memref<128x128xf32, #tpu.memory_space<vmem>>, vector<1x16xf32>,
      %swap3A_158 = vector.shape_cast %swap3A_157 : vector<1x16xf32> to vector<16xf32>
      %swap3A_159 = vector.shape_cast %select_n3A : vector<16xf32> to vector<1x16xf32>
      tpu.vector_store %arg9[%swap3A_155, %swap3A_156], %swap3A_159 {strides = array<i32>} : memref<128x128xf32, #tpu.memory_space<vmem>>, vector<1x16xf32>,
      %swap3A_160 = arith.constant 13 : i32
      %swap3A_161 = arith.index_cast %swap3A_160 : i32 to index
      %swap3A_162 = arith.constant 64 : index
      %swap3A_163 = tpu.vector_load %arg9[%swap3A_161, %swap3A_162] {strides = array<i32>} : memref<128x128xf32, #tpu.memory_space<vmem>>, vector<1x16xf32>,
      %swap3A_164 = vector.shape_cast %swap3A_163 : vector<1x16xf32> to vector<16xf32>
      %swap3A_165 = vector.shape_cast %select_n3A : vector<16xf32> to vector<1x16xf32>
      tpu.vector_store %arg9[%swap3A_161, %swap3A_162], %swap3A_165 {strides = array<i32>} : memref<128x128xf32, #tpu.memory_space<vmem>>, vector<1x16xf32>,
      %swap3A_166 = arith.constant 14 : i32
      %swap3A_167 = arith.index_cast %swap3A_166 : i32 to index
      %swap3A_168 = arith.constant 64 : index
      %swap3A_169 = tpu.vector_load %arg9[%swap3A_167, %swap3A_168] {strides = array<i32>} : memref<128x128xf32, #tpu.memory_space<vmem>>, vector<1x16xf32>,
      %swap3A_170 = vector.shape_cast %swap3A_169 : vector<1x16xf32> to vector<16xf32>
      %swap3A_171 = vector.shape_cast %select_n3A : vector<16xf32> to vector<1x16xf32>
      tpu.vector_store %arg9[%swap3A_167, %swap3A_168], %swap3A_171 {strides = array<i32>} : memref<128x128xf32, #tpu.memory_space<vmem>>, vector<1x16xf32>,
      %swap3A_172 = arith.constant 15 : i32
      %swap3A_173 = arith.index_cast %swap3A_172 : i32 to index
      %swap3A_174 = arith.constant 64 : index
      %swap3A_175 = tpu.vector_load %arg9[%swap3A_173, %swap3A_174] {strides = array<i32>} : memref<128x128xf32, #tpu.memory_space<vmem>>, vector<1x16xf32>,
      %swap3A_176 = vector.shape_cast %swap3A_175 : vector<1x16xf32> to vector<16xf32>
      %swap3A_177 = vector.shape_cast %select_n3A : vector<16xf32> to vector<1x16xf32>
      tpu.vector_store %arg9[%swap3A_173, %swap3A_174], %swap3A_177 {strides = array<i32>} : memref<128x128xf32, #tpu.memory_space<vmem>>, vector<1x16xf32>,
      %swap3A_178 = arith.constant 16 : i32
      %swap3A_179 = arith.index_cast %swap3A_178 : i32 to index
      %swap3A_180 = arith.constant 64 : index
      %swap3A_181 = tpu.vector_load %arg9[%swap3A_179, %swap3A_180] {strides = array<i32>} : memref<128x128xf32, #tpu.memory_space<vmem>>, vector<1x16xf32>,
      %swap3A_182 = vector.shape_cast %swap3A_181 : vector<1x16xf32> to vector<16xf32>
      %swap3A_183 = vector.shape_cast %select_n3A : vector<16xf32> to vector<1x16xf32>
      tpu.vector_store %arg9[%swap3A_179, %swap3A_180], %swap3A_183 {strides = array<i32>} : memref<128x128xf32, #tpu.memory_space<vmem>>, vector<1x16xf32>,
      %swap3A_184 = arith.constant 17 : i32
      %swap3A_185 = arith.index_cast %swap3A_184 : i32 to index
      %swap3A_186 = arith.constant 64 : index
      %swap3A_187 = tpu.vector_load %arg9[%swap3A_185, %swap3A_186] {strides = array<i32>} : memref<128x128xf32, #tpu.memory_space<vmem>>, vector<1x16xf32>,
      %swap3A_188 = vector.shape_cast %swap3A_187 : vector<1x16xf32> to vector<16xf32>
      %swap3A_189 = vector.shape_cast %select_n3A : vector<16xf32> to vector<1x16xf32>
      tpu.vector_store %arg9[%swap3A_185, %swap3A_186], %swap3A_189 {strides = array<i32>} : memref<128x128xf32, #tpu.memory_space<vmem>>, vector<1x16xf32>,
      %swap3A_190 = arith.constant 18 : i32
      %swap3A_191 = arith.index_cast %swap3A_190 : i32 to index
      %swap3A_192 = arith.constant 64 : index
      %swap3A_193 = tpu.vector_load %arg9[%swap3A_191, %swap3A_192] {strides = array<i32>} : memref<128x128xf32, #tpu.memory_space<vmem>>, vector<1x16xf32>,
      %swap3A_194 = vector.shape_cast %swap3A_193 : vector<1x16xf32> to vector<16xf32>
      %swap3A_195 = vector.shape_cast %select_n3A : vector<16xf32> to vector<1x16xf32>
      tpu.vector_store %arg9[%swap3A_191, %swap3A_192], %swap3A_195 {strides = array<i32>} : memref<128x128xf32, #tpu.memory_space<vmem>>, vector<1x16xf32>,
      %swap3A_196 = arith.constant 19 : i32
      %swap3A_197 = arith.index_cast %swap3A_196 : i32 to index
      %swap3A_198 = arith.constant 64 : index
      %swap3A_199 = tpu.vector_load %arg9[%swap3A_197, %swap3A_198] {strides = array<i32>} : memref<128x128xf32, #tpu.memory_space<vmem>>, vector<1x16xf32>,
      %swap3A_200 = vector.shape_cast %swap3A_199 : vector<1x16xf32> to vector<16xf32>
      %swap3A_201 = vector.shape_cast %select_n3A : vector<16xf32> to vector<1x16xf32>
      tpu.vector_store %arg9[%swap3A_197, %swap3A_198], %swap3A_201 {strides = array<i32>} : memref<128x128xf32, #tpu.memory_space<vmem>>, vector<1x16xf32>,
      %swap3A_202 = arith.constant 20 : i32
      %swap3A_203 = arith.index_cast %swap3A_202 : i32 to index
      %swap3A_204 = arith.constant 64 : index
      %swap3A_205 = tpu.vector_load %arg9[%swap3A_203, %swap3A_204] {strides = array<i32>} : memref<128x128xf32, #tpu.memory_space<vmem>>, vector<1x16xf32>,
      %swap3A_206 = vector.shape_cast %swap3A_205 : vector<1x16xf32> to vector<16xf32>
      %swap3A_207 = vector.shape_cast %select_n3A : vector<16xf32> to vector<1x16xf32>
      tpu.vector_store %arg9[%swap3A_203, %swap3A_204], %swap3A_207 {strides = array<i32>} : memref<128x128xf32, #tpu.memory_space<vmem>>, vector<1x16xf32>,
      %swap3A_208 = arith.constant 21 : i32
      %swap3A_209 = arith.index_cast %swap3A_208 : i32 to index
      %swap3A_210 = arith.constant 64 : index
      %swap3A_211 = tpu.vector_load %arg9[%swap3A_209, %swap3A_210] {strides = array<i32>} : memref<128x128xf32, #tpu.memory_space<vmem>>, vector<1x16xf32>,
      %swap3A_212 = vector.shape_cast %swap3A_211 : vector<1x16xf32> to vector<16xf32>
      %swap3A_213 = vector.shape_cast %select_n3A : vector<16xf32> to vector<1x16xf32>
      tpu.vector_store %arg9[%swap3A_209, %swap3A_210], %swap3A_213 {strides = array<i32>} : memref<128x128xf32, #tpu.memory_space<vmem>>, vector<1x16xf32>,
      %swap3A_214 = arith.constant 22 : i32
      %swap3A_215 = arith.index_cast %swap3A_214 : i32 to index
      %swap3A_216 = arith.constant 64 : index
      %swap3A_217 = tpu.vector_load %arg9[%swap3A_215, %swap3A_216] {strides = array<i32>} : memref<128x128xf32, #tpu.memory_space<vmem>>, vector<1x16xf32>,
      %swap3A_218 = vector.shape_cast %swap3A_217 : vector<1x16xf32> to vector<16xf32>
      %swap3A_219 = vector.shape_cast %select_n3A : vector<16xf32> to vector<1x16xf32>
      tpu.vector_store %arg9[%swap3A_215, %swap3A_216], %swap3A_219 {strides = array<i32>} : memref<128x128xf32, #tpu.memory_space<vmem>>, vector<1x16xf32>,
      %swap3A_220 = arith.constant 23 : i32
      %swap3A_221 = arith.index_cast %swap3A_220 : i32 to index
      %swap3A_222 = arith.constant 64 : index
      %swap3A_223 = tpu.vector_load %arg9[%swap3A_221, %swap3A_222] {strides = array<i32>} : memref<128x128xf32, #tpu.memory_space<vmem>>, vector<1x16xf32>,
      %swap3A_224 = vector.shape_cast %swap3A_223 : vector<1x16xf32> to vector<16xf32>
      %swap3A_225 = vector.shape_cast %select_n3A : vector<16xf32> to vector<1x16xf32>
      tpu.vector_store %arg9[%swap3A_221, %swap3A_222], %swap3A_225 {strides = array<i32>} : memref<128x128xf32, #tpu.memory_space<vmem>>, vector<1x16xf32>,
      %swap3A_226 = arith.constant 24 : i32
      %swap3A_227 = arith.index_cast %swap3A_226 : i32 to index
      %swap3A_228 = arith.constant 64 : index
      %swap3A_229 = tpu.vector_load %arg9[%swap3A_227, %swap3A_228] {strides = array<i32>} : memref<128x128xf32, #tpu.memory_space<vmem>>, vector<1x16xf32>,
      %swap3A_230 = vector.shape_cast %swap3A_229 : vector<1x16xf32> to vector<16xf32>
      %swap3A_231 = vector.shape_cast %select_n3A : vector<16xf32> to vector<1x16xf32>
      tpu.vector_store %arg9[%swap3A_227, %swap3A_228], %swap3A_231 {strides = array<i32>} : memref<128x128xf32, #tpu.memory_space<vmem>>, vector<1x16xf32>,
      %swap3A_232 = arith.constant 25 : i32
      %swap3A_233 = arith.index_cast %swap3A_232 : i32 to index
      %swap3A_234 = arith.constant 64 : index
      %swap3A_235 = tpu.vector_load %arg9[%swap3A_233, %swap3A_234] {strides = array<i32>} : memref<128x128xf32, #tpu.memory_space<vmem>>, vector<1x16xf32>,
      %swap3A_236 = vector.shape_cast %swap3A_235 : vector<1x16xf32> to vector<16xf32>
      %swap3A_237 = vector.shape_cast %select_n3A : vector<16xf32> to vector<1x16xf32>
      tpu.vector_store %arg9[%swap3A_233, %swap3A_234], %swap3A_237 {strides = array<i32>} : memref<128x128xf32, #tpu.memory_space<vmem>>, vector<1x16xf32>,
      %swap3A_238 = arith.constant 26 : i32
      %swap3A_239 = arith.index_cast %swap3A_238 : i32 to index
      %swap3A_240 = arith.constant 64 : index
      %swap3A_241 = tpu.vector_load %arg9[%swap3A_239, %swap3A_240] {strides = array<i32>} : memref<128x128xf32, #tpu.memory_space<vmem>>, vector<1x16xf32>,
      %swap3A_242 = vector.shape_cast %swap3A_241 : vector<1x16xf32> to vector<16xf32>
      %swap3A_243 = vector.shape_cast %select_n3A : vector<16xf32> to vector<1x16xf32>
      tpu.vector_store %arg9[%swap3A_239, %swap3A_240], %swap3A_243 {strides = array<i32>} : memref<128x128xf32, #tpu.memory_space<vmem>>, vector<1x16xf32>,
      %swap3A_244 = arith.constant 27 : i32
      %swap3A_245 = arith.index_cast %swap3A_244 : i32 to index
      %swap3A_246 = arith.constant 64 : index
      %swap3A_247 = tpu.vector_load %arg9[%swap3A_245, %swap3A_246] {strides = array<i32>} : memref<128x128xf32, #tpu.memory_space<vmem>>, vector<1x16xf32>,
      %swap3A_248 = vector.shape_cast %swap3A_247 : vector<1x16xf32> to vector<16xf32>
      %swap3A_249 = vector.shape_cast %select_n3A : vector<16xf32> to vector<1x16xf32>
      tpu.vector_store %arg9[%swap3A_245, %swap3A_246], %swap3A_249 {strides = array<i32>} : memref<128x128xf32, #tpu.memory_space<vmem>>, vector<1x16xf32>,
      %swap3A_250 = arith.constant 28 : i32
      %swap3A_251 = arith.index_cast %swap3A_250 : i32 to index
      %swap3A_252 = arith.constant 64 : index
      %swap3A_253 = tpu.vector_load %arg9[%swap3A_251, %swap3A_252] {strides = array<i32>} : memref<128x128xf32, #tpu.memory_space<vmem>>, vector<1x16xf32>,
      %swap3A_254 = vector.shape_cast %swap3A_253 : vector<1x16xf32> to vector<16xf32>
      %swap3A_255 = vector.shape_cast %select_n3A : vector<16xf32> to vector<1x16xf32>
      tpu.vector_store %arg9[%swap3A_251, %swap3A_252], %swap3A_255 {strides = array<i32>} : memref<128x128xf32, #tpu.memory_space<vmem>>, vector<1x16xf32>,
      %swap3A_256 = arith.constant 29 : i32
      %swap3A_257 = arith.index_cast %swap3A_256 : i32 to index
      %swap3A_258 = arith.constant 64 : index
      %swap3A_259 = tpu.vector_load %arg9[%swap3A_257, %swap3A_258] {strides = array<i32>} : memref<128x128xf32, #tpu.memory_space<vmem>>, vector<1x16xf32>,
      %swap3A_260 = vector.shape_cast %swap3A_259 : vector<1x16xf32> to vector<16xf32>
      %swap3A_261 = vector.shape_cast %select_n3A : vector<16xf32> to vector<1x16xf32>
      tpu.vector_store %arg9[%swap3A_257, %swap3A_258], %swap3A_261 {strides = array<i32>} : memref<128x128xf32, #tpu.memory_space<vmem>>, vector<1x16xf32>,
      %swap3A_262 = arith.constant 30 : i32
      %swap3A_263 = arith.index_cast %swap3A_262 : i32 to index
      %swap3A_264 = arith.constant 64 : index
      %swap3A_265 = tpu.vector_load %arg9[%swap3A_263, %swap3A_264] {strides = array<i32>} : memref<128x128xf32, #tpu.memory_space<vmem>>, vector<1x16xf32>,
      %swap3A_266 = vector.shape_cast %swap3A_265 : vector<1x16xf32> to vector<16xf32>
      %swap3A_267 = vector.shape_cast %select_n3A : vector<16xf32> to vector<1x16xf32>
      tpu.vector_store %arg9[%swap3A_263, %swap3A_264], %swap3A_267 {strides = array<i32>} : memref<128x128xf32, #tpu.memory_space<vmem>>, vector<1x16xf32>,
      %swap3A_268 = arith.constant 31 : i32
      %swap3A_269 = arith.index_cast %swap3A_268 : i32 to index
      %swap3A_270 = arith.constant 64 : index
      %swap3A_271 = tpu.vector_load %arg9[%swap3A_269, %swap3A_270] {strides = array<i32>} : memref<128x128xf32, #tpu.memory_space<vmem>>, vector<1x16xf32>,
      %swap3A_272 = vector.shape_cast %swap3A_271 : vector<1x16xf32> to vector<16xf32>
      %swap3A_273 = vector.shape_cast %select_n3A : vector<16xf32> to vector<1x16xf32>
      tpu.vector_store %arg9[%swap3A_269, %swap3A_270], %swap3A_273 {strides = array<i32>} : memref<128x128xf32, #tpu.memory_space<vmem>>, vector<1x16xf32>,
      %swap3A_274 = arith.constant 32 : i32
      %swap3A_275 = arith.index_cast %swap3A_274 : i32 to index
      %swap3A_276 = arith.constant 64 : index
      %swap3A_277 = tpu.vector_load %arg9[%swap3A_275, %swap3A_276] {strides = array<i32>} : memref<128x128xf32, #tpu.memory_space<vmem>>, vector<1x16xf32>,
      %swap3A_278 = vector.shape_cast %swap3A_277 : vector<1x16xf32> to vector<16xf32>
      %swap3A_279 = vector.shape_cast %select_n3A : vector<16xf32> to vector<1x16xf32>
      tpu.vector_store %arg9[%swap3A_275, %swap3A_276], %swap3A_279 {strides = array<i32>} : memref<128x128xf32, #tpu.memory_space<vmem>>, vector<1x16xf32>,
      %swap3A_280 = arith.constant 33 : i32
      %swap3A_281 = arith.index_cast %swap3A_280 : i32 to index
      %swap3A_282 = arith.constant 64 : index
      %swap3A_283 = tpu.vector_load %arg9[%swap3A_281, %swap3A_282] {strides = array<i32>} : memref<128x128xf32, #tpu.memory_space<vmem>>, vector<1x16xf32>,
      %swap3A_284 = vector.shape_cast %swap3A_283 : vector<1x16xf32> to vector<16xf32>
      %swap3A_285 = vector.shape_cast %select_n3A : vector<16xf32> to vector<1x16xf32>
      tpu.vector_store %arg9[%swap3A_281, %swap3A_282], %swap3A_285 {strides = array<i32>} : memref<128x128xf32, #tpu.memory_space<vmem>>, vector<1x16xf32>,
      %swap3A_286 = arith.constant 34 : i32
      %swap3A_287 = arith.index_cast %swap3A_286 : i32 to index
      %swap3A_288 = arith.constant 64 : index
      %swap3A_289 = tpu.vector_load %arg9[%swap3A_287, %swap3A_288] {strides = array<i32>} : memref<128x128xf32, #tpu.memory_space<vmem>>, vector<1x16xf32>,
      %swap3A_290 = vector.shape_cast %swap3A_289 : vector<1x16xf32> to vector<16xf32>
      %swap3A_291 = vector.shape_cast %select_n3A : vector<16xf32> to vector<1x16xf32>
      tpu.vector_store %arg9[%swap3A_287, %swap3A_288], %swap3A_291 {strides = array<i32>} : memref<128x128xf32, #tpu.memory_space<vmem>>, vector<1x16xf32>,
      %swap3A_292 = arith.constant 35 : i32
      %swap3A_293 = arith.index_cast %swap3A_292 : i32 to index
      %swap3A_294 = arith.constant 64 : index
      %swap3A_295 = tpu.vector_load %arg9[%swap3A_293, %swap3A_294] {strides = array<i32>} : memref<128x128xf32, #tpu.memory_space<vmem>>, vector<1x16xf32>,
      %swap3A_296 = vector.shape_cast %swap3A_295 : vector<1x16xf32> to vector<16xf32>
      %swap3A_297 = vector.shape_cast %select_n3A : vector<16xf32> to vector<1x16xf32>
      tpu.vector_store %arg9[%swap3A_293, %swap3A_294], %swap3A_297 {strides = array<i32>} : memref<128x128xf32, #tpu.memory_space<vmem>>, vector<1x16xf32>,
      %swap3A_298 = arith.constant 36 : i32
      %swap3A_299 = arith.index_cast %swap3A_298 : i32 to index
      %swap3A_300 = arith.constant 64 : index
      %swap3A_301 = tpu.vector_load %arg9[%swap3A_299, %swap3A_300] {strides = array<i32>} : memref<128x128xf32, #tpu.memory_space<vmem>>, vector<1x16xf32>,
      %swap3A_302 = vector.shape_cast %swap3A_301 : vector<1x16xf32> to vector<16xf32>
      %swap3A_303 = vector.shape_cast %select_n3A : vector<16xf32> to vector<1x16xf32>
      tpu.vector_store %arg9[%swap3A_299, %swap3A_300], %swap3A_303 {strides = array<i32>} : memref<128x128xf32, #tpu.memory_space<vmem>>, vector<1x16xf32>,
      %swap3A_304 = arith.constant 37 : i32
      %swap3A_305 = arith.index_cast %swap3A_304 : i32 to index
      %swap3A_306 = arith.constant 64 : index
      %swap3A_307 = tpu.vector_load %arg9[%swap3A_305, %swap3A_306] {strides = array<i32>} : memref<128x128xf32, #tpu.memory_space<vmem>>, vector<1x16xf32>,
      %swap3A_308 = vector.shape_cast %swap3A_307 : vector<1x16xf32> to vector<16xf32>
      %swap3A_309 = vector.shape_cast %select_n3A : vector<16xf32> to vector<1x16xf32>
      tpu.vector_store %arg9[%swap3A_305, %swap3A_306], %swap3A_309 {strides = array<i32>} : memref<128x128xf32, #tpu.memory_space<vmem>>, vector<1x16xf32>,
      %swap3A_310 = arith.constant 38 : i32
      %swap3A_311 = arith.index_cast %swap3A_310 : i32 to index
      %swap3A_312 = arith.constant 64 : index
      %swap3A_313 = tpu.vector_load %arg9[%swap3A_311, %swap3A_312] {strides = array<i32>} : memref<128x128xf32, #tpu.memory_space<vmem>>, vector<1x16xf32>,
      %swap3A_314 = vector.shape_cast %swap3A_313 : vector<1x16xf32> to vector<16xf32>
      %swap3A_315 = vector.shape_cast %select_n3A : vector<16xf32> to vector<1x16xf32>
      tpu.vector_store %arg9[%swap3A_311, %swap3A_312], %swap3A_315 {strides = array<i32>} : memref<128x128xf32, #tpu.memory_space<vmem>>, vector<1x16xf32>,
      %swap3A_316 = arith.constant 39 : i32
      %swap3A_317 = arith.index_cast %swap3A_316 : i32 to index
      %swap3A_318 = arith.constant 64 : index
      %swap3A_319 = tpu.vector_load %arg9[%swap3A_317, %swap3A_318] {strides = array<i32>} : memref<128x128xf32, #tpu.memory_space<vmem>>, vector<1x16xf32>,
      %swap3A_320 = vector.shape_cast %swap3A_319 : vector<1x16xf32> to vector<16xf32>
      %swap3A_321 = vector.shape_cast %select_n3A : vector<16xf32> to vector<1x16xf32>
      tpu.vector_store %arg9[%swap3A_317, %swap3A_318], %swap3A_321 {strides = array<i32>} : memref<128x128xf32, #tpu.memory_space<vmem>>, vector<1x16xf32>,
      %swap3A_322 = arith.constant 40 : i32
      %swap3A_323 = arith.index_cast %swap3A_322 : i32 to index
      %swap3A_324 = arith.constant 64 : index
      %swap3A_325 = tpu.vector_load %arg9[%swap3A_323, %swap3A_324] {strides = array<i32>} : memref<128x128xf32, #tpu.memory_space<vmem>>, vector<1x16xf32>,
      %swap3A_326 = vector.shape_cast %swap3A_325 : vector<1x16xf32> to vector<16xf32>
      %swap3A_327 = vector.shape_cast %select_n3A : vector<16xf32> to vector<1x16xf32>
      tpu.vector_store %arg9[%swap3A_323, %swap3A_324], %swap3A_327 {strides = array<i32>} : memref<128x128xf32, #tpu.memory_space<vmem>>, vector<1x16xf32>,
      %swap3A_328 = arith.constant 41 : i32
      %swap3A_329 = arith.index_cast %swap3A_328 : i32 to index
      %swap3A_330 = arith.constant 64 : index
      %swap3A_331 = tpu.vector_load %arg9[%swap3A_329, %swap3A_330] {strides = array<i32>} : memref<128x128xf32, #tpu.memory_space<vmem>>, vector<1x16xf32>,
      %swap3A_332 = vector.shape_cast %swap3A_331 : vector<1x16xf32> to vector<16xf32>
      %swap3A_333 = vector.shape_cast %select_n3A : vector<16xf32> to vector<1x16xf32>
      tpu.vector_store %arg9[%swap3A_329, %swap3A_330], %swap3A_333 {strides = array<i32>} : memref<128x128xf32, #tpu.memory_space<vmem>>, vector<1x16xf32>,
      %swap3A_334 = arith.constant 42 : i32
      %swap3A_335 = arith.index_cast %swap3A_334 : i32 to index
      %swap3A_336 = arith.constant 64 : index
      %swap3A_337 = tpu.vector_load %arg9[%swap3A_335, %swap3A_336] {strides = array<i32>} : memref<128x128xf32, #tpu.memory_space<vmem>>, vector<1x16xf32>,
      %swap3A_338 = vector.shape_cast %swap3A_337 : vector<1x16xf32> to vector<16xf32>
      %swap3A_339 = vector.shape_cast %select_n3A : vector<16xf32> to vector<1x16xf32>
      tpu.vector_store %arg9[%swap3A_335, %swap3A_336], %swap3A_339 {strides = array<i32>} : memref<128x128xf32, #tpu.memory_space<vmem>>, vector<1x16xf32>,
      %swap3A_340 = arith.constant 43 : i32
      %swap3A_341 = arith.index_cast %swap3A_340 : i32 to index
      %swap3A_342 = arith.constant 64 : index
      %swap3A_343 = tpu.vector_load %arg9[%swap3A_341, %swap3A_342] {strides = array<i32>} : memref<128x128xf32, #tpu.memory_space<vmem>>, vector<1x16xf32>,
      %swap3A_344 = vector.shape_cast %swap3A_343 : vector<1x16xf32> to vector<16xf32>
      %swap3A_345 = vector.shape_cast %select_n3A : vector<16xf32> to vector<1x16xf32>
      tpu.vector_store %arg9[%swap3A_341, %swap3A_342], %swap3A_345 {strides = array<i32>} : memref<128x128xf32, #tpu.memory_space<vmem>>, vector<1x16xf32>,
      %swap3A_346 = arith.constant 44 : i32
      %swap3A_347 = arith.index_cast %swap3A_346 : i32 to index
      %swap3A_348 = arith.constant 64 : index
      %swap3A_349 = tpu.vector_load %arg9[%swap3A_347, %swap3A_348] {strides = array<i32>} : memref<128x128xf32, #tpu.memory_space<vmem>>, vector<1x16xf32>,
      %swap3A_350 = vector.shape_cast %swap3A_349 : vector<1x16xf32> to vector<16xf32>
      %swap3A_351 = vector.shape_cast %select_n3A : vector<16xf32> to vector<1x16xf32>
      tpu.vector_store %arg9[%swap3A_347, %swap3A_348], %swap3A_351 {strides = array<i32>} : memref<128x128xf32, #tpu.memory_space<vmem>>, vector<1x16xf32>,
      %swap3A_352 = arith.constant 45 : i32
      %swap3A_353 = arith.index_cast %swap3A_352 : i32 to index
      %swap3A_354 = arith.constant 64 : index
      %swap3A_355 = tpu.vector_load %arg9[%swap3A_353, %swap3A_354] {strides = array<i32>} : memref<128x128xf32, #tpu.memory_space<vmem>>, vector<1x16xf32>,
      %swap3A_356 = vector.shape_cast %swap3A_355 : vector<1x16xf32> to vector<16xf32>
      %swap3A_357 = vector.shape_cast %select_n3A : vector<16xf32> to vector<1x16xf32>
      tpu.vector_store %arg9[%swap3A_353, %swap3A_354], %swap3A_357 {strides = array<i32>} : memref<128x128xf32, #tpu.memory_space<vmem>>, vector<1x16xf32>,
      %swap3A_358 = arith.constant 46 : i32
      %swap3A_359 = arith.index_cast %swap3A_358 : i32 to index
      %swap3A_360 = arith.constant 64 : index
      %swap3A_361 = tpu.vector_load %arg9[%swap3A_359, %swap3A_360] {strides = array<i32>} : memref<128x128xf32, #tpu.memory_space<vmem>>, vector<1x16xf32>,
      %swap3A_362 = vector.shape_cast %swap3A_361 : vector<1x16xf32> to vector<16xf32>
      %swap3A_363 = vector.shape_cast %select_n3A : vector<16xf32> to vector<1x16xf32>
      tpu.vector_store %arg9[%swap3A_359, %swap3A_360], %swap3A_363 {strides = array<i32>} : memref<128x128xf32, #tpu.memory_space<vmem>>, vector<1x16xf32>,
      %swap3A_364 = arith.constant 47 : i32
      %swap3A_365 = arith.index_cast %swap3A_364 : i32 to index
      %swap3A_366 = arith.constant 64 : index
      %swap3A_367 = tpu.vector_load %arg9[%swap3A_365, %swap3A_366] {strides = array<i32>} : memref<128x128xf32, #tpu.memory_space<vmem>>, vector<1x16xf32>,
      %swap3A_368 = vector.shape_cast %swap3A_367 : vector<1x16xf32> to vector<16xf32>
      %swap3A_369 = vector.shape_cast %select_n3A : vector<16xf32> to vector<1x16xf32>
      tpu.vector_store %arg9[%swap3A_365, %swap3A_366], %swap3A_369 {strides = array<i32>} : memref<128x128xf32, #tpu.memory_space<vmem>>, vector<1x16xf32>,
      %swap3A_370 = arith.constant 48 : i32
      %swap3A_371 = arith.index_cast %swap3A_370 : i32 to index
      %swap3A_372 = arith.constant 64 : index
      %swap3A_373 = tpu.vector_load %arg9[%swap3A_371, %swap3A_372] {strides = array<i32>} : memref<128x128xf32, #tpu.memory_space<vmem>>, vector<1x16xf32>,
      %swap3A_374 = vector.shape_cast %swap3A_373 : vector<1x16xf32> to vector<16xf32>
      %swap3A_375 = vector.shape_cast %select_n3A : vector<16xf32> to vector<1x16xf32>
      tpu.vector_store %arg9[%swap3A_371, %swap3A_372], %swap3A_375 {strides = array<i32>} : memref<128x128xf32, #tpu.memory_space<vmem>>, vector<1x16xf32>,
      %swap3A_376 = arith.constant 49 : i32
      %swap3A_377 = arith.index_cast %swap3A_376 : i32 to index
      %swap3A_378 = arith.constant 64 : index
      %swap3A_379 = tpu.vector_load %arg9[%swap3A_377, %swap3A_378] {strides = array<i32>} : memref<128x128xf32, #tpu.memory_space<vmem>>, vector<1x16xf32>,
      %swap3A_380 = vector.shape_cast %swap3A_379 : vector<1x16xf32> to vector<16xf32>
      %swap3A_381 = vector.shape_cast %select_n3A : vector<16xf32> to vector<1x16xf32>
      tpu.vector_store %arg9[%swap3A_377, %swap3A_378], %swap3A_381 {strides = array<i32>} : memref<128x128xf32, #tpu.memory_space<vmem>>, vector<1x16xf32>,
      %swap3A_382 = arith.constant 50 : i32
      %swap3A_383 = arith.index_cast %swap3A_382 : i32 to index
      %swap3A_384 = arith.constant 64 : index
      %swap3A_385 = tpu.vector_load %arg9[%swap3A_383, %swap3A_384] {strides = array<i32>} : memref<128x128xf32, #tpu.memory_space<vmem>>, vector<1x16xf32>,
      %swap3A_386 = vector.shape_cast %swap3A_385 : vector<1x16xf32> to vector<16xf32>
      %swap3A_387 = vector.shape_cast %select_n3A : vector<16xf32> to vector<1x16xf32>
      tpu.vector_store %arg9[%swap3A_383, %swap3A_384], %swap3A_387 {strides = array<i32>} : memref<128x128xf32, #tpu.memory_space<vmem>>, vector<1x16xf32>,
      %swap3A_388 = arith.constant 51 : i32
      %swap3A_389 = arith.index_cast %swap3A_388 : i32 to index
      %swap3A_390 = arith.constant 64 : index
      %swap3A_391 = tpu.vector_load %arg9[%swap3A_389, %swap3A_390] {strides = array<i32>} : memref<128x128xf32, #tpu.memory_space<vmem>>, vector<1x16xf32>,
      %swap3A_392 = vector.shape_cast %swap3A_391 : vector<1x16xf32> to vector<16xf32>
      %swap3A_393 = vector.shape_cast %select_n3A : vector<16xf32> to vector<1x16xf32>
      tpu.vector_store %arg9[%swap3A_389, %swap3A_390], %swap3A_393 {strides = array<i32>} : memref<128x128xf32, #tpu.memory_space<vmem>>, vector<1x16xf32>,
      %swap3A_394 = arith.constant 52 : i32
      %swap3A_395 = arith.index_cast %swap3A_394 : i32 to index
      %swap3A_396 = arith.constant 64 : index
      %swap3A_397 = tpu.vector_load %arg9[%swap3A_395, %swap3A_396] {strides = array<i32>} : memref<128x128xf32, #tpu.memory_space<vmem>>, vector<1x16xf32>,
      %swap3A_398 = vector.shape_cast %swap3A_397 : vector<1x16xf32> to vector<16xf32>
      %swap3A_399 = vector.shape_cast %select_n3A : vector<16xf32> to vector<1x16xf32>
      tpu.vector_store %arg9[%swap3A_395, %swap3A_396], %swap3A_399 {strides = array<i32>} : memref<128x128xf32, #tpu.memory_space<vmem>>, vector<1x16xf32>,
      %swap3A_400 = arith.constant 53 : i32
      %swap3A_401 = arith.index_cast %swap3A_400 : i32 to index
      %swap3A_402 = arith.constant 64 : index
      %swap3A_403 = tpu.vector_load %arg9[%swap3A_401, %swap3A_402] {strides = array<i32>} : memref<128x128xf32, #tpu.memory_space<vmem>>, vector<1x16xf32>,
      %swap3A_404 = vector.shape_cast %swap3A_403 : vector<1x16xf32> to vector<16xf32>
      %swap3A_405 = vector.shape_cast %select_n3A : vector<16xf32> to vector<1x16xf32>
      tpu.vector_store %arg9[%swap3A_401, %swap3A_402], %swap3A_405 {strides = array<i32>} : memref<128x128xf32, #tpu.memory_space<vmem>>, vector<1x16xf32>,
      %swap3A_406 = arith.constant 54 : i32
      %swap3A_407 = arith.index_cast %swap3A_406 : i32 to index
      %swap3A_408 = arith.constant 64 : index
      %swap3A_409 = tpu.vector_load %arg9[%swap3A_407, %swap3A_408] {strides = array<i32>} : memref<128x128xf32, #tpu.memory_space<vmem>>, vector<1x16xf32>,
      %swap3A_410 = vector.shape_cast %swap3A_409 : vector<1x16xf32> to vector<16xf32>
      %swap3A_411 = vector.shape_cast %select_n3A : vector<16xf32> to vector<1x16xf32>
      tpu.vector_store %arg9[%swap3A_407, %swap3A_408], %swap3A_411 {strides = array<i32>} : memref<128x128xf32, #tpu.memory_space<vmem>>, vector<1x16xf32>,
      %swap3A_412 = arith.constant 55 : i32
      %swap3A_413 = arith.index_cast %swap3A_412 : i32 to index
      %swap3A_414 = arith.constant 64 : index
      %swap3A_415 = tpu.vector_load %arg9[%swap3A_413, %swap3A_414] {strides = array<i32>} : memref<128x128xf32, #tpu.memory_space<vmem>>, vector<1x16xf32>,
      %swap3A_416 = vector.shape_cast %swap3A_415 : vector<1x16xf32> to vector<16xf32>
      %swap3A_417 = vector.shape_cast %select_n3A : vector<16xf32> to vector<1x16xf32>
      tpu.vector_store %arg9[%swap3A_413, %swap3A_414], %swap3A_417 {strides = array<i32>} : memref<128x128xf32, #tpu.memory_space<vmem>>, vector<1x16xf32>,
      %swap3A_418 = arith.constant 56 : i32
      %swap3A_419 = arith.index_cast %swap3A_418 : i32 to index
      %swap3A_420 = arith.constant 64 : index
      %swap3A_421 = tpu.vector_load %arg9[%swap3A_419, %swap3A_420] {strides = array<i32>} : memref<128x128xf32, #tpu.memory_space<vmem>>, vector<1x16xf32>,
      %swap3A_422 = vector.shape_cast %swap3A_421 : vector<1x16xf32> to vector<16xf32>
      %swap3A_423 = vector.shape_cast %select_n3A : vector<16xf32> to vector<1x16xf32>
      tpu.vector_store %arg9[%swap3A_419, %swap3A_420], %swap3A_423 {strides = array<i32>} : memref<128x128xf32, #tpu.memory_space<vmem>>, vector<1x16xf32>,
      %swap3A_424 = arith.constant 57 : i32
      %swap3A_425 = arith.index_cast %swap3A_424 : i32 to index
      %swap3A_426 = arith.constant 64 : index
      %swap3A_427 = tpu.vector_load %arg9[%swap3A_425, %swap3A_426] {strides = array<i32>} : memref<128x128xf32, #tpu.memory_space<vmem>>, vector<1x16xf32>,
      %swap3A_428 = vector.shape_cast %swap3A_427 : vector<1x16xf32> to vector<16xf32>
      %swap3A_429 = vector.shape_cast %select_n3A : vector<16xf32> to vector<1x16xf32>
      tpu.vector_store %arg9[%swap3A_425, %swap3A_426], %swap3A_429 {strides = array<i32>} : memref<128x128xf32, #tpu.memory_space<vmem>>, vector<1x16xf32>,
      %swap3A_430 = arith.constant 58 : i32
      %swap3A_431 = arith.index_cast %swap3A_430 : i32 to index
      %swap3A_432 = arith.constant 64 : index
      %swap3A_433 = tpu.vector_load %arg9[%swap3A_431, %swap3A_432] {strides = array<i32>} : memref<128x128xf32, #tpu.memory_space<vmem>>, vector<1x16xf32>,
      %swap3A_434 = vector.shape_cast %swap3A_433 : vector<1x16xf32> to vector<16xf32>
      %swap3A_435 = vector.shape_cast %select_n3A : vector<16xf32> to vector<1x16xf32>
      tpu.vector_store %arg9[%swap3A_431, %swap3A_432], %swap3A_435 {strides = array<i32>} : memref<128x128xf32, #tpu.memory_space<vmem>>, vector<1x16xf32>,
      %swap3A_436 = arith.constant 59 : i32
      %swap3A_437 = arith.index_cast %swap3A_436 : i32 to index
      %swap3A_438 = arith.constant 64 : index
      %swap3A_439 = tpu.vector_load %arg9[%swap3A_437, %swap3A_438] {strides = array<i32>} : memref<128x128xf32, #tpu.memory_space<vmem>>, vector<1x16xf32>,
      %swap3A_440 = vector.shape_cast %swap3A_439 : vector<1x16xf32> to vector<16xf32>
      %swap3A_441 = vector.shape_cast %select_n3A : vector<16xf32> to vector<1x16xf32>
      tpu.vector_store %arg9[%swap3A_437, %swap3A_438], %swap3A_441 {strides = array<i32>} : memref<128x128xf32, #tpu.memory_space<vmem>>, vector<1x16xf32>,
      %swap3A_442 = arith.constant 60 : i32
      %swap3A_443 = arith.index_cast %swap3A_442 : i32 to index
      %swap3A_444 = arith.constant 64 : index
      %swap3A_445 = tpu.vector_load %arg9[%swap3A_443, %swap3A_444] {strides = array<i32>} : memref<128x128xf32, #tpu.memory_space<vmem>>, vector<1x16xf32>,
      %swap3A_446 = vector.shape_cast %swap3A_445 : vector<1x16xf32> to vector<16xf32>
      %swap3A_447 = vector.shape_cast %select_n3A : vector<16xf32> to vector<1x16xf32>
      tpu.vector_store %arg9[%swap3A_443, %swap3A_444], %swap3A_447 {strides = array<i32>} : memref<128x128xf32, #tpu.memory_space<vmem>>, vector<1x16xf32>,
      %swap3A_448 = arith.constant 61 : i32
      %swap3A_449 = arith.index_cast %swap3A_448 : i32 to index
      %swap3A_450 = arith.constant 64 : index
      %swap3A_451 = tpu.vector_load %arg9[%swap3A_449, %swap3A_450] {strides = array<i32>} : memref<128x128xf32, #tpu.memory_space<vmem>>, vector<1x16xf32>,
      %swap3A_452 = vector.shape_cast %swap3A_451 : vector<1x16xf32> to vector<16xf32>
      %swap3A_453 = vector.shape_cast %select_n3A : vector<16xf32> to vector<1x16xf32>
      tpu.vector_store %arg9[%swap3A_449, %swap3A_450], %swap3A_453 {strides = array<i32>} : memref<128x128xf32, #tpu.memory_space<vmem>>, vector<1x16xf32>,
      %swap3A_454 = arith.constant 62 : i32
      %swap3A_455 = arith.index_cast %swap3A_454 : i32 to index
      %swap3A_456 = arith.constant 64 : index
      %swap3A_457 = tpu.vector_load %arg9[%swap3A_455, %swap3A_456] {strides = array<i32>} : memref<128x128xf32, #tpu.memory_space<vmem>>, vector<1x16xf32>,
      %swap3A_458 = vector.shape_cast %swap3A_457 : vector<1x16xf32> to vector<16xf32>
      %swap3A_459 = vector.shape_cast %select_n3A : vector<16xf32> to vector<1x16xf32>
      tpu.vector_store %arg9[%swap3A_455, %swap3A_456], %swap3A_459 {strides = array<i32>} : memref<128x128xf32, #tpu.memory_space<vmem>>, vector<1x16xf32>,
      %swap3A_460 = arith.constant 63 : i32
      %swap3A_461 = arith.index_cast %swap3A_460 : i32 to index
      %swap3A_462 = arith.constant 64 : index
      %swap3A_463 = tpu.vector_load %arg9[%swap3A_461, %swap3A_462] {strides = array<i32>} : memref<128x128xf32, #tpu.memory_space<vmem>>, vector<1x16xf32>,
      %swap3A_464 = vector.shape_cast %swap3A_463 : vector<1x16xf32> to vector<16xf32>
      %swap3A_465 = vector.shape_cast %select_n3A : vector<16xf32> to vector<1x16xf32>
      tpu.vector_store %arg9[%swap3A_461, %swap3A_462], %swap3A_465 {strides = array<i32>} : memref<128x128xf32, #tpu.memory_space<vmem>>, vector<1x16xf32>,
      %swap3A_466 = arith.constant 64 : i32
      %swap3A_467 = arith.index_cast %swap3A_466 : i32 to index
      %swap3A_468 = arith.constant 64 : index
      %swap3A_469 = tpu.vector_load %arg9[%swap3A_467, %swap3A_468] {strides = array<i32>} : memref<128x128xf32, #tpu.memory_space<vmem>>, vector<1x16xf32>,
      %swap3A_470 = vector.shape_cast %swap3A_469 : vector<1x16xf32> to vector<16xf32>
      %swap3A_471 = vector.shape_cast %select_n3A : vector<16xf32> to vector<1x16xf32>
      tpu.vector_store %arg9[%swap3A_467, %swap3A_468], %swap3A_471 {strides = array<i32>} : memref<128x128xf32, #tpu.memory_space<vmem>>, vector<1x16xf32>,
      %swap3A_472 = arith.constant 65 : i32
      %swap3A_473 = arith.index_cast %swap3A_472 : i32 to index
      %swap3A_474 = arith.constant 64 : index
      %swap3A_475 = tpu.vector_load %arg9[%swap3A_473, %swap3A_474] {strides = array<i32>} : memref<128x128xf32, #tpu.memory_space<vmem>>, vector<1x16xf32>,
      %swap3A_476 = vector.shape_cast %swap3A_475 : vector<1x16xf32> to vector<16xf32>
      %swap3A_477 = vector.shape_cast %select_n3A : vector<16xf32> to vector<1x16xf32>
      tpu.vector_store %arg9[%swap3A_473, %swap3A_474], %swap3A_477 {strides = array<i32>} : memref<128x128xf32, #tpu.memory_space<vmem>>, vector<1x16xf32>,
      %swap3A_478 = arith.constant 66 : i32
      %swap3A_479 = arith.index_cast %swap3A_478 : i32 to index
      %swap3A_480 = arith.constant 64 : index
      %swap3A_481 = tpu.vector_load %arg9[%swap3A_479, %swap3A_480] {strides = array<i32>} : memref<128x128xf32, #tpu.memory_space<vmem>>, vector<1x16xf32>,
      %swap3A_482 = vector.shape_cast %swap3A_481 : vector<1x16xf32> to vector<16xf32>
      %swap3A_483 = vector.shape_cast %select_n3A : vector<16xf32> to vector<1x16xf32>
      tpu.vector_store %arg9[%swap3A_479, %swap3A_480], %swap3A_483 {strides = array<i32>} : memref<128x128xf32, #tpu.memory_space<vmem>>, vector<1x16xf32>,
      %swap3A_484 = arith.constant 67 : i32
      %swap3A_485 = arith.index_cast %swap3A_484 : i32 to index
      %swap3A_486 = arith.constant 64 : index
      %swap3A_487 = tpu.vector_load %arg9[%swap3A_485, %swap3A_486] {strides = array<i32>} : memref<128x128xf32, #tpu.memory_space<vmem>>, vector<1x16xf32>,
      %swap3A_488 = vector.shape_cast %swap3A_487 : vector<1x16xf32> to vector<16xf32>
      %swap3A_489 = vector.shape_cast %select_n3A : vector<16xf32> to vector<1x16xf32>
      tpu.vector_store %arg9[%swap3A_485, %swap3A_486], %swap3A_489 {strides = array<i32>} : memref<128x128xf32, #tpu.memory_space<vmem>>, vector<1x16xf32>,
      %swap3A_490 = arith.constant 68 : i32
      %swap3A_491 = arith.index_cast %swap3A_490 : i32 to index
      %swap3A_492 = arith.constant 64 : index
      %swap3A_493 = tpu.vector_load %arg9[%swap3A_491, %swap3A_492] {strides = array<i32>} : memref<128x128xf32, #tpu.memory_space<vmem>>, vector<1x16xf32>,
      %swap3A_494 = vector.shape_cast %swap3A_493 : vector<1x16xf32> to vector<16xf32>
      %swap3A_495 = vector.shape_cast %select_n3A : vector<16xf32> to vector<1x16xf32>
      tpu.vector_store %arg9[%swap3A_491, %swap3A_492], %swap3A_495 {strides = array<i32>} : memref<128x128xf32, #tpu.memory_space<vmem>>, vector<1x16xf32>,
      %swap3A_496 = arith.constant 69 : i32
      %swap3A_497 = arith.index_cast %swap3A_496 : i32 to index
      %swap3A_498 = arith.constant 64 : index
      %swap3A_499 = tpu.vector_load %arg9[%swap3A_497, %swap3A_498] {strides = array<i32>} : memref<128x128xf32, #tpu.memory_space<vmem>>, vector<1x16xf32>,
      %swap3A_500 = vector.shape_cast %swap3A_499 : vector<1x16xf32> to vector<16xf32>
      %swap3A_501 = vector.shape_cast %select_n3A : vector<16xf32> to vector<1x16xf32>
      tpu.vector_store %arg9[%swap3A_497, %swap3A_498], %swap3A_501 {strides = array<i32>} : memref<128x128xf32, #tpu.memory_space<vmem>>, vector<1x16xf32>,
      %swap3A_502 = arith.constant 70 : i32
      %swap3A_503 = arith.index_cast %swap3A_502 : i32 to index
      %swap3A_504 = arith.constant 64 : index
      %swap3A_505 = tpu.vector_load %arg9[%swap3A_503, %swap3A_504] {strides = array<i32>} : memref<128x128xf32, #tpu.memory_space<vmem>>, vector<1x16xf32>,
      %swap3A_506 = vector.shape_cast %swap3A_505 : vector<1x16xf32> to vector<16xf32>
      %swap3A_507 = vector.shape_cast %select_n3A : vector<16xf32> to vector<1x16xf32>
      tpu.vector_store %arg9[%swap3A_503, %swap3A_504], %swap3A_507 {strides = array<i32>} : memref<128x128xf32, #tpu.memory_space<vmem>>, vector<1x16xf32>,
      %swap3A_508 = arith.constant 71 : i32
      %swap3A_509 = arith.index_cast %swap3A_508 : i32 to index
      %swap3A_510 = arith.constant 64 : index
      %swap3A_511 = tpu.vector_load %arg9[%swap3A_509, %swap3A_510] {strides = array<i32>} : memref<128x128xf32, #tpu.memory_space<vmem>>, vector<1x16xf32>,
      %swap3A_512 = vector.shape_cast %swap3A_511 : vector<1x16xf32> to vector<16xf32>
      %swap3A_513 = vector.shape_cast %select_n3A : vector<16xf32> to vector<1x16xf32>
      tpu.vector_store %arg9[%swap3A_509, %swap3A_510], %swap3A_513 {strides = array<i32>} : memref<128x128xf32, #tpu.memory_space<vmem>>, vector<1x16xf32>,
      %swap3A_514 = arith.constant 72 : i32
      %swap3A_515 = arith.index_cast %swap3A_514 : i32 to index
      %swap3A_516 = arith.constant 64 : index
      %swap3A_517 = tpu.vector_load %arg9[%swap3A_515, %swap3A_516] {strides = array<i32>} : memref<128x128xf32, #tpu.memory_space<vmem>>, vector<1x16xf32>,
      %swap3A_518 = vector.shape_cast %swap3A_517 : vector<1x16xf32> to vector<16xf32>
      %swap3A_519 = vector.shape_cast %select_n3A : vector<16xf32> to vector<1x16xf32>
      tpu.vector_store %arg9[%swap3A_515, %swap3A_516], %swap3A_519 {strides = array<i32>} : memref<128x128xf32, #tpu.memory_space<vmem>>, vector<1x16xf32>,
      %swap3A_520 = arith.constant 73 : i32
      %swap3A_521 = arith.index_cast %swap3A_520 : i32 to index
      %swap3A_522 = arith.constant 64 : index
      %swap3A_523 = tpu.vector_load %arg9[%swap3A_521, %swap3A_522] {strides = array<i32>} : memref<128x128xf32, #tpu.memory_space<vmem>>, vector<1x16xf32>,
      %swap3A_524 = vector.shape_cast %swap3A_523 : vector<1x16xf32> to vector<16xf32>
      %swap3A_525 = vector.shape_cast %select_n3A : vector<16xf32> to vector<1x16xf32>
      tpu.vector_store %arg9[%swap3A_521, %swap3A_522], %swap3A_525 {strides = array<i32>} : memref<128x128xf32, #tpu.memory_space<vmem>>, vector<1x16xf32>,
      %swap3A_526 = arith.constant 74 : i32
      %swap3A_527 = arith.index_cast %swap3A_526 : i32 to index
      %swap3A_528 = arith.constant 64 : index
      %swap3A_529 = tpu.vector_load %arg9[%swap3A_527, %swap3A_528] {strides = array<i32>} : memref<128x128xf32, #tpu.memory_space<vmem>>, vector<1x16xf32>,
      %swap3A_530 = vector.shape_cast %swap3A_529 : vector<1x16xf32> to vector<16xf32>
      %swap3A_531 = vector.shape_cast %select_n3A : vector<16xf32> to vector<1x16xf32>
      tpu.vector_store %arg9[%swap3A_527, %swap3A_528], %swap3A_531 {strides = array<i32>} : memref<128x128xf32, #tpu.memory_space<vmem>>, vector<1x16xf32>,
      %swap3A_532 = arith.constant 75 : i32
      %swap3A_533 = arith.index_cast %swap3A_532 : i32 to index
      %swap3A_534 = arith.constant 64 : index
      %swap3A_535 = tpu.vector_load %arg9[%swap3A_533, %swap3A_534] {strides = array<i32>} : memref<128x128xf32, #tpu.memory_space<vmem>>, vector<1x16xf32>,
      %swap3A_536 = vector.shape_cast %swap3A_535 : vector<1x16xf32> to vector<16xf32>
      %swap3A_537 = vector.shape_cast %select_n3A : vector<16xf32> to vector<1x16xf32>
      tpu.vector_store %arg9[%swap3A_533, %swap3A_534], %swap3A_537 {strides = array<i32>} : memref<128x128xf32, #tpu.memory_space<vmem>>, vector<1x16xf32>,
      %swap3A_538 = arith.constant 76 : i32
      %swap3A_539 = arith.index_cast %swap3A_538 : i32 to index
      %swap3A_540 = arith.constant 64 : index
      %swap3A_541 = tpu.vector_load %arg9[%swap3A_539, %swap3A_540] {strides = array<i32>} : memref<128x128xf32, #tpu.memory_space<vmem>>, vector<1x16xf32>,
      %swap3A_542 = vector.shape_cast %swap3A_541 : vector<1x16xf32> to vector<16xf32>
      %swap3A_543 = vector.shape_cast %select_n3A : vector<16xf32> to vector<1x16xf32>
      tpu.vector_store %arg9[%swap3A_539, %swap3A_540], %swap3A_543 {strides = array<i32>} : memref<128x128xf32, #tpu.memory_space<vmem>>, vector<1x16xf32>,
      %swap3A_544 = arith.constant 77 : i32
      %swap3A_545 = arith.index_cast %swap3A_544 : i32 to index
      %swap3A_546 = arith.constant 64 : index
      %swap3A_547 = tpu.vector_load %arg9[%swap3A_545, %swap3A_546] {strides = array<i32>} : memref<128x128xf32, #tpu.memory_space<vmem>>, vector<1x16xf32>,
      %swap3A_548 = vector.shape_cast %swap3A_547 : vector<1x16xf32> to vector<16xf32>
      %swap3A_549 = vector.shape_cast %select_n3A : vector<16xf32> to vector<1x16xf32>
      tpu.vector_store %arg9[%swap3A_545, %swap3A_546], %swap3A_549 {strides = array<i32>} : memref<128x128xf32, #tpu.memory_space<vmem>>, vector<1x16xf32>,
      %swap3A_550 = arith.constant 78 : i32
      %swap3A_551 = arith.index_cast %swap3A_550 : i32 to index
      %swap3A_552 = arith.constant 64 : index
      %swap3A_553 = tpu.vector_load %arg9[%swap3A_551, %swap3A_552] {strides = array<i32>} : memref<128x128xf32, #tpu.memory_space<vmem>>, vector<1x16xf32>,
      %swap3A_554 = vector.shape_cast %swap3A_553 : vector<1x16xf32> to vector<16xf32>
      %swap3A_555 = vector.shape_cast %select_n3A : vector<16xf32> to vector<1x16xf32>
      tpu.vector_store %arg9[%swap3A_551, %swap3A_552], %swap3A_555 {strides = array<i32>} : memref<128x128xf32, #tpu.memory_space<vmem>>, vector<1x16xf32>,
      %swap3A_556 = arith.constant 79 : i32
      %swap3A_557 = arith.index_cast %swap3A_556 : i32 to index
      %swap3A_558 = arith.constant 64 : index
      %swap3A_559 = tpu.vector_load %arg9[%swap3A_557, %swap3A_558] {strides = array<i32>} : memref<128x128xf32, #tpu.memory_space<vmem>>, vector<1x16xf32>,
      %swap3A_560 = vector.shape_cast %swap3A_559 : vector<1x16xf32> to vector<16xf32>
      %swap3A_561 = vector.shape_cast %select_n3A : vector<16xf32> to vector<1x16xf32>
      tpu.vector_store %arg9[%swap3A_557, %swap3A_558], %swap3A_561 {strides = array<i32>} : memref<128x128xf32, #tpu.memory_space<vmem>>, vector<1x16xf32>,
      %swap3A_562 = arith.constant 80 : i32
      %swap3A_563 = arith.index_cast %swap3A_562 : i32 to index
      %swap3A_564 = arith.constant 64 : index
      %swap3A_565 = tpu.vector_load %arg9[%swap3A_563, %swap3A_564] {strides = array<i32>} : memref<128x128xf32, #tpu.memory_space<vmem>>, vector<1x16xf32>,
      %swap3A_566 = vector.shape_cast %swap3A_565 : vector<1x16xf32> to vector<16xf32>
      %swap3A_567 = vector.shape_cast %select_n3A : vector<16xf32> to vector<1x16xf32>
      tpu.vector_store %arg9[%swap3A_563, %swap3A_564], %swap3A_567 {strides = array<i32>} : memref<128x128xf32, #tpu.memory_space<vmem>>, vector<1x16xf32>,
      %swap3A_568 = arith.constant 81 : i32
      %swap3A_569 = arith.index_cast %swap3A_568 : i32 to index
      %swap3A_570 = arith.constant 64 : index
      %swap3A_571 = tpu.vector_load %arg9[%swap3A_569, %swap3A_570] {strides = array<i32>} : memref<128x128xf32, #tpu.memory_space<vmem>>, vector<1x16xf32>,
      %swap3A_572 = vector.shape_cast %swap3A_571 : vector<1x16xf32> to vector<16xf32>
      %swap3A_573 = vector.shape_cast %select_n3A : vector<16xf32> to vector<1x16xf32>
      tpu.vector_store %arg9[%swap3A_569, %swap3A_570], %swap3A_573 {strides = array<i32>} : memref<128x128xf32, #tpu.memory_space<vmem>>, vector<1x16xf32>,
      %swap3A_574 = arith.constant 82 : i32
      %swap3A_575 = arith.index_cast %swap3A_574 : i32 to index
      %swap3A_576 = arith.constant 64 : index
      %swap3A_577 = tpu.vector_load %arg9[%swap3A_575, %swap3A_576] {strides = array<i32>} : memref<128x128xf32, #tpu.memory_space<vmem>>, vector<1x16xf32>,
      %swap3A_578 = vector.shape_cast %swap3A_577 : vector<1x16xf32> to vector<16xf32>
      %swap3A_579 = vector.shape_cast %select_n3A : vector<16xf32> to vector<1x16xf32>
      tpu.vector_store %arg9[%swap3A_575, %swap3A_576], %swap3A_579 {strides = array<i32>} : memref<128x128xf32, #tpu.memory_space<vmem>>, vector<1x16xf32>,
      %swap3A_580 = arith.constant 83 : i32
      %swap3A_581 = arith.index_cast %swap3A_580 : i32 to index
      %swap3A_582 = arith.constant 64 : index
      %swap3A_583 = tpu.vector_load %arg9[%swap3A_581, %swap3A_582] {strides = array<i32>} : memref<128x128xf32, #tpu.memory_space<vmem>>, vector<1x16xf32>,
      %swap3A_584 = vector.shape_cast %swap3A_583 : vector<1x16xf32> to vector<16xf32>
      %swap3A_585 = vector.shape_cast %select_n3A : vector<16xf32> to vector<1x16xf32>
      tpu.vector_store %arg9[%swap3A_581, %swap3A_582], %swap3A_585 {strides = array<i32>} : memref<128x128xf32, #tpu.memory_space<vmem>>, vector<1x16xf32>,
      %swap3A_586 = arith.constant 84 : i32
      %swap3A_587 = arith.index_cast %swap3A_586 : i32 to index
      %swap3A_588 = arith.constant 64 : index
      %swap3A_589 = tpu.vector_load %arg9[%swap3A_587, %swap3A_588] {strides = array<i32>} : memref<128x128xf32, #tpu.memory_space<vmem>>, vector<1x16xf32>,
      %swap3A_590 = vector.shape_cast %swap3A_589 : vector<1x16xf32> to vector<16xf32>
      %swap3A_591 = vector.shape_cast %select_n3A : vector<16xf32> to vector<1x16xf32>
      tpu.vector_store %arg9[%swap3A_587, %swap3A_588], %swap3A_591 {strides = array<i32>} : memref<128x128xf32, #tpu.memory_space<vmem>>, vector<1x16xf32>,
      %swap3A_592 = arith.constant 85 : i32
      %swap3A_593 = arith.index_cast %swap3A_592 : i32 to index
      %swap3A_594 = arith.constant 64 : index
      %swap3A_595 = tpu.vector_load %arg9[%swap3A_593, %swap3A_594] {strides = array<i32>} : memref<128x128xf32, #tpu.memory_space<vmem>>, vector<1x16xf32>,
      %swap3A_596 = vector.shape_cast %swap3A_595 : vector<1x16xf32> to vector<16xf32>
      %swap3A_597 = vector.shape_cast %select_n3A : vector<16xf32> to vector<1x16xf32>
      tpu.vector_store %arg9[%swap3A_593, %swap3A_594], %swap3A_597 {strides = array<i32>} : memref<128x128xf32, #tpu.memory_space<vmem>>, vector<1x16xf32>,
      %swap3A_598 = arith.constant 86 : i32
      %swap3A_599 = arith.index_cast %swap3A_598 : i32 to index
      %swap3A_600 = arith.constant 64 : index
      %swap3A_601 = tpu.vector_load %arg9[%swap3A_599, %swap3A_600] {strides = array<i32>} : memref<128x128xf32, #tpu.memory_space<vmem>>, vector<1x16xf32>,
      %swap3A_602 = vector.shape_cast %swap3A_601 : vector<1x16xf32> to vector<16xf32>
      %swap3A_603 = vector.shape_cast %select_n3A : vector<16xf32> to vector<1x16xf32>
      tpu.vector_store %arg9[%swap3A_599, %swap3A_600], %swap3A_603 {strides = array<i32>} : memref<128x128xf32, #tpu.memory_space<vmem>>, vector<1x16xf32>,
      %swap3A_604 = arith.constant 87 : i32
      %swap3A_605 = arith.index_cast %swap3A_604 : i32 to index
      %swap3A_606 = arith.constant 64 : index
      %swap3A_607 = tpu.vector_load %arg9[%swap3A_605, %swap3A_606] {strides = array<i32>} : memref<128x128xf32, #tpu.memory_space<vmem>>, vector<1x16xf32>,
      %swap3A_608 = vector.shape_cast %swap3A_607 : vector<1x16xf32> to vector<16xf32>
      %swap3A_609 = vector.shape_cast %select_n3A : vector<16xf32> to vector<1x16xf32>
      tpu.vector_store %arg9[%swap3A_605, %swap3A_606], %swap3A_609 {strides = array<i32>} : memref<128x128xf32, #tpu.memory_space<vmem>>, vector<1x16xf32>,
      %swap3A_610 = arith.constant 88 : i32
      %swap3A_611 = arith.index_cast %swap3A_610 : i32 to index
      %swap3A_612 = arith.constant 64 : index
      %swap3A_613 = tpu.vector_load %arg9[%swap3A_611, %swap3A_612] {strides = array<i32>} : memref<128x128xf32, #tpu.memory_space<vmem>>, vector<1x16xf32>,
      %swap3A_614 = vector.shape_cast %swap3A_613 : vector<1x16xf32> to vector<16xf32>
      %swap3A_615 = vector.shape_cast %select_n3A : vector<16xf32> to vector<1x16xf32>
      tpu.vector_store %arg9[%swap3A_611, %swap3A_612], %swap3A_615 {strides = array<i32>} : memref<128x128xf32, #tpu.memory_space<vmem>>, vector<1x16xf32>,
      %swap3A_616 = arith.constant 89 : i32
      %swap3A_617 = arith.index_cast %swap3A_616 : i32 to index
      %swap3A_618 = arith.constant 64 : index
      %swap3A_619 = tpu.vector_load %arg9[%swap3A_617, %swap3A_618] {strides = array<i32>} : memref<128x128xf32, #tpu.memory_space<vmem>>, vector<1x16xf32>,
      %swap3A_620 = vector.shape_cast %swap3A_619 : vector<1x16xf32> to vector<16xf32>
      %swap3A_621 = vector.shape_cast %select_n3A : vector<16xf32> to vector<1x16xf32>
      tpu.vector_store %arg9[%swap3A_617, %swap3A_618], %swap3A_621 {strides = array<i32>} : memref<128x128xf32, #tpu.memory_space<vmem>>, vector<1x16xf32>,
      %swap3A_622 = arith.constant 90 : i32
      %swap3A_623 = arith.index_cast %swap3A_622 : i32 to index
      %swap3A_624 = arith.constant 64 : index
      %swap3A_625 = tpu.vector_load %arg9[%swap3A_623, %swap3A_624] {strides = array<i32>} : memref<128x128xf32, #tpu.memory_space<vmem>>, vector<1x16xf32>,
      %swap3A_626 = vector.shape_cast %swap3A_625 : vector<1x16xf32> to vector<16xf32>
      %swap3A_627 = vector.shape_cast %select_n3A : vector<16xf32> to vector<1x16xf32>
      tpu.vector_store %arg9[%swap3A_623, %swap3A_624], %swap3A_627 {strides = array<i32>} : memref<128x128xf32, #tpu.memory_space<vmem>>, vector<1x16xf32>,
      %swap3A_628 = arith.constant 91 : i32
      %swap3A_629 = arith.index_cast %swap3A_628 : i32 to index
      %swap3A_630 = arith.constant 64 : index
      %swap3A_631 = tpu.vector_load %arg9[%swap3A_629, %swap3A_630] {strides = array<i32>} : memref<128x128xf32, #tpu.memory_space<vmem>>, vector<1x16xf32>,
      %swap3A_632 = vector.shape_cast %swap3A_631 : vector<1x16xf32> to vector<16xf32>
      %swap3A_633 = vector.shape_cast %select_n3A : vector<16xf32> to vector<1x16xf32>
      tpu.vector_store %arg9[%swap3A_629, %swap3A_630], %swap3A_633 {strides = array<i32>} : memref<128x128xf32, #tpu.memory_space<vmem>>, vector<1x16xf32>,
      %swap3A_634 = arith.constant 92 : i32
      %swap3A_635 = arith.index_cast %swap3A_634 : i32 to index
      %swap3A_636 = arith.constant 64 : index
      %swap3A_637 = tpu.vector_load %arg9[%swap3A_635, %swap3A_636] {strides = array<i32>} : memref<128x128xf32, #tpu.memory_space<vmem>>, vector<1x16xf32>,
      %swap3A_638 = vector.shape_cast %swap3A_637 : vector<1x16xf32> to vector<16xf32>
      %swap3A_639 = vector.shape_cast %select_n3A : vector<16xf32> to vector<1x16xf32>
      tpu.vector_store %arg9[%swap3A_635, %swap3A_636], %swap3A_639 {strides = array<i32>} : memref<128x128xf32, #tpu.memory_space<vmem>>, vector<1x16xf32>,
      %swap3A_640 = arith.constant 93 : i32
      %swap3A_641 = arith.index_cast %swap3A_640 : i32 to index
      %swap3A_642 = arith.constant 64 : index
      %swap3A_643 = tpu.vector_load %arg9[%swap3A_641, %swap3A_642] {strides = array<i32>} : memref<128x128xf32, #tpu.memory_space<vmem>>, vector<1x16xf32>,
      %swap3A_644 = vector.shape_cast %swap3A_643 : vector<1x16xf32> to vector<16xf32>
      %swap3A_645 = vector.shape_cast %select_n3A : vector<16xf32> to vector<1x16xf32>
      tpu.vector_store %arg9[%swap3A_641, %swap3A_642], %swap3A_645 {strides = array<i32>} : memref<128x128xf32, #tpu.memory_space<vmem>>, vector<1x16xf32>,
      %swap3A_646 = arith.constant 94 : i32
      %swap3A_647 = arith.index_cast %swap3A_646 : i32 to index
      %swap3A_648 = arith.constant 64 : index
      %swap3A_649 = tpu.vector_load %arg9[%swap3A_647, %swap3A_648] {strides = array<i32>} : memref<128x128xf32, #tpu.memory_space<vmem>>, vector<1x16xf32>,
      %swap3A_650 = vector.shape_cast %swap3A_649 : vector<1x16xf32> to vector<16xf32>
      %swap3A_651 = vector.shape_cast %select_n3A : vector<16xf32> to vector<1x16xf32>
      tpu.vector_store %arg9[%swap3A_647, %swap3A_648], %swap3A_651 {strides = array<i32>} : memref<128x128xf32, #tpu.memory_space<vmem>>, vector<1x16xf32>,
      %swap3A_652 = arith.constant 95 : i32
      %swap3A_653 = arith.index_cast %swap3A_652 : i32 to index
      %swap3A_654 = arith.constant 64 : index
      %swap3A_655 = tpu.vector_load %arg9[%swap3A_653, %swap3A_654] {strides = array<i32>} : memref<128x128xf32, #tpu.memory_space<vmem>>, vector<1x16xf32>,
      %swap3A_656 = vector.shape_cast %swap3A_655 : vector<1x16xf32> to vector<16xf32>
      %swap3A_657 = vector.shape_cast %select_n3A : vector<16xf32> to vector<1x16xf32>
      tpu.vector_store %arg9[%swap3A_653, %swap3A_654], %swap3A_657 {strides = array<i32>} : memref<128x128xf32, #tpu.memory_space<vmem>>, vector<1x16xf32>,
      %swap3A_658 = arith.constant 96 : i32
      %swap3A_659 = arith.index_cast %swap3A_658 : i32 to index
      %swap3A_660 = arith.constant 64 : index
      %swap3A_661 = tpu.vector_load %arg9[%swap3A_659, %swap3A_660] {strides = array<i32>} : memref<128x128xf32, #tpu.memory_space<vmem>>, vector<1x16xf32>,
      %swap3A_662 = vector.shape_cast %swap3A_661 : vector<1x16xf32> to vector<16xf32>
      %swap3A_663 = vector.shape_cast %select_n3A : vector<16xf32> to vector<1x16xf32>
      tpu.vector_store %arg9[%swap3A_659, %swap3A_660], %swap3A_663 {strides = array<i32>} : memref<128x128xf32, #tpu.memory_space<vmem>>, vector<1x16xf32>,
      %swap3A_664 = arith.constant 97 : i32
      %swap3A_665 = arith.index_cast %swap3A_664 : i32 to index
      %swap3A_666 = arith.constant 64 : index
      %swap3A_667 = tpu.vector_load %arg9[%swap3A_665, %swap3A_666] {strides = array<i32>} : memref<128x128xf32, #tpu.memory_space<vmem>>, vector<1x16xf32>,
      %swap3A_668 = vector.shape_cast %swap3A_667 : vector<1x16xf32> to vector<16xf32>
      %swap3A_669 = vector.shape_cast %select_n3A : vector<16xf32> to vector<1x16xf32>
      tpu.vector_store %arg9[%swap3A_665, %swap3A_666], %swap3A_669 {strides = array<i32>} : memref<128x128xf32, #tpu.memory_space<vmem>>, vector<1x16xf32>,
      %swap3A_670 = arith.constant 98 : i32
      %swap3A_671 = arith.index_cast %swap3A_670 : i32 to index
      %swap3A_672 = arith.constant 64 : index
      %swap3A_673 = tpu.vector_load %arg9[%swap3A_671, %swap3A_672] {strides = array<i32>} : memref<128x128xf32, #tpu.memory_space<vmem>>, vector<1x16xf32>,
      %swap3A_674 = vector.shape_cast %swap3A_673 : vector<1x16xf32> to vector<16xf32>
      %swap3A_675 = vector.shape_cast %select_n3A : vector<16xf32> to vector<1x16xf32>
      tpu.vector_store %arg9[%swap3A_671, %swap3A_672], %swap3A_675 {strides = array<i32>} : memref<128x128xf32, #tpu.memory_space<vmem>>, vector<1x16xf32>,
      %swap3A_676 = arith.constant 99 : i32
      %swap3A_677 = arith.index_cast %swap3A_676 : i32 to index
      %swap3A_678 = arith.constant 64 : index
      %swap3A_679 = tpu.vector_load %arg9[%swap3A_677, %swap3A_678] {strides = array<i32>} : memref<128x128xf32, #tpu.memory_space<vmem>>, vector<1x16xf32>,
      %swap3A_680 = vector.shape_cast %swap3A_679 : vector<1x16xf32> to vector<16xf32>
      %swap3A_681 = vector.shape_cast %select_n3A : vector<16xf32> to vector<1x16xf32>
      tpu.vector_store %arg9[%swap3A_677, %swap3A_678], %swap3A_681 {strides = array<i32>} : memref<128x128xf32, #tpu.memory_space<vmem>>, vector<1x16xf32>,
      %swap3A_682 = arith.constant 100 : i32
      %swap3A_683 = arith.index_cast %swap3A_682 : i32 to index
      %swap3A_684 = arith.constant 64 : index
      %swap3A_685 = tpu.vector_load %arg9[%swap3A_683, %swap3A_684] {strides = array<i32>} : memref<128x128xf32, #tpu.memory_space<vmem>>, vector<1x16xf32>,
      %swap3A_686 = vector.shape_cast %swap3A_685 : vector<1x16xf32> to vector<16xf32>
      %swap3A_687 = vector.shape_cast %select_n3A : vector<16xf32> to vector<1x16xf32>
      tpu.vector_store %arg9[%swap3A_683, %swap3A_684], %swap3A_687 {strides = array<i32>} : memref<128x128xf32, #tpu.memory_space<vmem>>, vector<1x16xf32>,
      %swap3A_688 = arith.constant 101 : i32
      %swap3A_689 = arith.index_cast %swap3A_688 : i32 to index
      %swap3A_690 = arith.constant 64 : index
      %swap3A_691 = tpu.vector_load %arg9[%swap3A_689, %swap3A_690] {strides = array<i32>} : memref<128x128xf32, #tpu.memory_space<vmem>>, vector<1x16xf32>,
      %swap3A_692 = vector.shape_cast %swap3A_691 : vector<1x16xf32> to vector<16xf32>
      %swap3A_693 = vector.shape_cast %select_n3A : vector<16xf32> to vector<1x16xf32>
      tpu.vector_store %arg9[%swap3A_689, %swap3A_690], %swap3A_693 {strides = array<i32>} : memref<128x128xf32, #tpu.memory_space<vmem>>, vector<1x16xf32>,
      %swap3A_694 = arith.constant 102 : i32
      %swap3A_695 = arith.index_cast %swap3A_694 : i32 to index
      %swap3A_696 = arith.constant 64 : index
      %swap3A_697 = tpu.vector_load %arg9[%swap3A_695, %swap3A_696] {strides = array<i32>} : memref<128x128xf32, #tpu.memory_space<vmem>>, vector<1x16xf32>,
      %swap3A_698 = vector.shape_cast %swap3A_697 : vector<1x16xf32> to vector<16xf32>
      %swap3A_699 = vector.shape_cast %select_n3A : vector<16xf32> to vector<1x16xf32>
      tpu.vector_store %arg9[%swap3A_695, %swap3A_696], %swap3A_699 {strides = array<i32>} : memref<128x128xf32, #tpu.memory_space<vmem>>, vector<1x16xf32>,
      %swap3A_700 = arith.constant 103 : i32
      %swap3A_701 = arith.index_cast %swap3A_700 : i32 to index
      %swap3A_702 = arith.constant 64 : index
      %swap3A_703 = tpu.vector_load %arg9[%swap3A_701, %swap3A_702] {strides = array<i32>} : memref<128x128xf32, #tpu.memory_space<vmem>>, vector<1x16xf32>,
      %swap3A_704 = vector.shape_cast %swap3A_703 : vector<1x16xf32> to vector<16xf32>
      %swap3A_705 = vector.shape_cast %select_n3A : vector<16xf32> to vector<1x16xf32>
      tpu.vector_store %arg9[%swap3A_701, %swap3A_702], %swap3A_705 {strides = array<i32>} : memref<128x128xf32, #tpu.memory_space<vmem>>, vector<1x16xf32>,
      %swap3A_706 = arith.constant 104 : i32
      %swap3A_707 = arith.index_cast %swap3A_706 : i32 to index
      %swap3A_708 = arith.constant 64 : index
      %swap3A_709 = tpu.vector_load %arg9[%swap3A_707, %swap3A_708] {strides = array<i32>} : memref<128x128xf32, #tpu.memory_space<vmem>>, vector<1x16xf32>,
      %swap3A_710 = vector.shape_cast %swap3A_709 : vector<1x16xf32> to vector<16xf32>
      %swap3A_711 = vector.shape_cast %select_n3A : vector<16xf32> to vector<1x16xf32>
      tpu.vector_store %arg9[%swap3A_707, %swap3A_708], %swap3A_711 {strides = array<i32>} : memref<128x128xf32, #tpu.memory_space<vmem>>, vector<1x16xf32>,
      %swap3A_712 = arith.constant 105 : i32
      %swap3A_713 = arith.index_cast %swap3A_712 : i32 to index
      %swap3A_714 = arith.constant 64 : index
      %swap3A_715 = tpu.vector_load %arg9[%swap3A_713, %swap3A_714] {strides = array<i32>} : memref<128x128xf32, #tpu.memory_space<vmem>>, vector<1x16xf32>,
      %swap3A_716 = vector.shape_cast %swap3A_715 : vector<1x16xf32> to vector<16xf32>
      %swap3A_717 = vector.shape_cast %select_n3A : vector<16xf32> to vector<1x16xf32>
      tpu.vector_store %arg9[%swap3A_713, %swap3A_714], %swap3A_717 {strides = array<i32>} : memref<128x128xf32, #tpu.memory_space<vmem>>, vector<1x16xf32>,
      %swap3A_718 = arith.constant 106 : i32
      %swap3A_719 = arith.index_cast %swap3A_718 : i32 to index
      %swap3A_720 = arith.constant 64 : index
      %swap3A_721 = tpu.vector_load %arg9[%swap3A_719, %swap3A_720] {strides = array<i32>} : memref<128x128xf32, #tpu.memory_space<vmem>>, vector<1x16xf32>,
      %swap3A_722 = vector.shape_cast %swap3A_721 : vector<1x16xf32> to vector<16xf32>
      %swap3A_723 = vector.shape_cast %select_n3A : vector<16xf32> to vector<1x16xf32>
      tpu.vector_store %arg9[%swap3A_719, %swap3A_720], %swap3A_723 {strides = array<i32>} : memref<128x128xf32, #tpu.memory_space<vmem>>, vector<1x16xf32>,
      %swap3A_724 = arith.constant 107 : i32
      %swap3A_725 = arith.index_cast %swap3A_724 : i32 to index
      %swap3A_726 = arith.constant 64 : index
      %swap3A_727 = tpu.vector_load %arg9[%swap3A_725, %swap3A_726] {strides = array<i32>} : memref<128x128xf32, #tpu.memory_space<vmem>>, vector<1x16xf32>,
      %swap3A_728 = vector.shape_cast %swap3A_727 : vector<1x16xf32> to vector<16xf32>
      %swap3A_729 = vector.shape_cast %select_n3A : vector<16xf32> to vector<1x16xf32>
      tpu.vector_store %arg9[%swap3A_725, %swap3A_726], %swap3A_729 {strides = array<i32>} : memref<128x128xf32, #tpu.memory_space<vmem>>, vector<1x16xf32>,
      %swap3A_730 = arith.constant 108 : i32
      %swap3A_731 = arith.index_cast %swap3A_730 : i32 to index
      %swap3A_732 = arith.constant 64 : index
      %swap3A_733 = tpu.vector_load %arg9[%swap3A_731, %swap3A_732] {strides = array<i32>} : memref<128x128xf32, #tpu.memory_space<vmem>>, vector<1x16xf32>,
      %swap3A_734 = vector.shape_cast %swap3A_733 : vector<1x16xf32> to vector<16xf32>
      %swap3A_735 = vector.shape_cast %select_n3A : vector<16xf32> to vector<1x16xf32>
      tpu.vector_store %arg9[%swap3A_731, %swap3A_732], %swap3A_735 {strides = array<i32>} : memref<128x128xf32, #tpu.memory_space<vmem>>, vector<1x16xf32>,
      %swap3A_736 = arith.constant 109 : i32
      %swap3A_737 = arith.index_cast %swap3A_736 : i32 to index
      %swap3A_738 = arith.constant 64 : index
      %swap3A_739 = tpu.vector_load %arg9[%swap3A_737, %swap3A_738] {strides = array<i32>} : memref<128x128xf32, #tpu.memory_space<vmem>>, vector<1x16xf32>,
      %swap3A_740 = vector.shape_cast %swap3A_739 : vector<1x16xf32> to vector<16xf32>
      %swap3A_741 = vector.shape_cast %select_n3A : vector<16xf32> to vector<1x16xf32>
      tpu.vector_store %arg9[%swap3A_737, %swap3A_738], %swap3A_741 {strides = array<i32>} : memref<128x128xf32, #tpu.memory_space<vmem>>, vector<1x16xf32>,
      %swap3A_742 = arith.constant 110 : i32
      %swap3A_743 = arith.index_cast %swap3A_742 : i32 to index
      %swap3A_744 = arith.constant 64 : index
      %swap3A_745 = tpu.vector_load %arg9[%swap3A_743, %swap3A_744] {strides = array<i32>} : memref<128x128xf32, #tpu.memory_space<vmem>>, vector<1x16xf32>,
      %swap3A_746 = vector.shape_cast %swap3A_745 : vector<1x16xf32> to vector<16xf32>
      %swap3A_747 = vector.shape_cast %select_n3A : vector<16xf32> to vector<1x16xf32>
      tpu.vector_store %arg9[%swap3A_743, %swap3A_744], %swap3A_747 {strides = array<i32>} : memref<128x128xf32, #tpu.memory_space<vmem>>, vector<1x16xf32>,
      %swap3A_748 = arith.constant 111 : i32
      %swap3A_749 = arith.index_cast %swap3A_748 : i32 to index
      %swap3A_750 = arith.constant 64 : index
      %swap3A_751 = tpu.vector_load %arg9[%swap3A_749, %swap3A_750] {strides = array<i32>} : memref<128x128xf32, #tpu.memory_space<vmem>>, vector<1x16xf32>,
      %swap3A_752 = vector.shape_cast %swap3A_751 : vector<1x16xf32> to vector<16xf32>
      %swap3A_753 = vector.shape_cast %select_n3A : vector<16xf32> to vector<1x16xf32>
      tpu.vector_store %arg9[%swap3A_749, %swap3A_750], %swap3A_753 {strides = array<i32>} : memref<128x128xf32, #tpu.memory_space<vmem>>, vector<1x16xf32>,
      %swap3A_754 = arith.constant 112 : i32
      %swap3A_755 = arith.index_cast %swap3A_754 : i32 to index
      %swap3A_756 = arith.constant 64 : index
      %swap3A_757 = tpu.vector_load %arg9[%swap3A_755, %swap3A_756] {strides = array<i32>} : memref<128x128xf32, #tpu.memory_space<vmem>>, vector<1x16xf32>,
      %swap3A_758 = vector.shape_cast %swap3A_757 : vector<1x16xf32> to vector<16xf32>
      %swap3A_759 = vector.shape_cast %select_n3A : vector<16xf32> to vector<1x16xf32>
      tpu.vector_store %arg9[%swap3A_755, %swap3A_756], %swap3A_759 {strides = array<i32>} : memref<128x128xf32, #tpu.memory_space<vmem>>, vector<1x16xf32>,
      %swap3A_760 = arith.constant 113 : i32
      %swap3A_761 = arith.index_cast %swap3A_760 : i32 to index
      %swap3A_762 = arith.constant 64 : index
      %swap3A_763 = tpu.vector_load %arg9[%swap3A_761, %swap3A_762] {strides = array<i32>} : memref<128x128xf32, #tpu.memory_space<vmem>>, vector<1x16xf32>,
      %swap3A_764 = vector.shape_cast %swap3A_763 : vector<1x16xf32> to vector<16xf32>
      %swap3A_765 = vector.shape_cast %select_n3A : vector<16xf32> to vector<1x16xf32>
      tpu.vector_store %arg9[%swap3A_761, %swap3A_762], %swap3A_765 {strides = array<i32>} : memref<128x128xf32, #tpu.memory_space<vmem>>, vector<1x16xf32>,
      %swap3A_766 = arith.constant 114 : i32
      %swap3A_767 = arith.index_cast %swap3A_766 : i32 to index
      %swap3A_768 = arith.constant 64 : index
      %swap3A_769 = tpu.vector_load %arg9[%swap3A_767, %swap3A_768] {strides = array<i32>} : memref<128x128xf32, #tpu.memory_space<vmem>>, vector<1x16xf32>,
      %swap3A_770 = vector.shape_cast %swap3A_769 : vector<1x16xf32> to vector<16xf32>
      %swap3A_771 = vector.shape_cast %select_n3A : vector<16xf32> to vector<1x16xf32>
      tpu.vector_store %arg9[%swap3A_767, %swap3A_768], %swap3A_771 {strides = array<i32>} : memref<128x128xf32, #tpu.memory_space<vmem>>, vector<1x16xf32>,
      %swap3A_772 = arith.constant 115 : i32
      %swap3A_773 = arith.index_cast %swap3A_772 : i32 to index
      %swap3A_774 = arith.constant 64 : index
      %swap3A_775 = tpu.vector_load %arg9[%swap3A_773, %swap3A_774] {strides = array<i32>} : memref<128x128xf32, #tpu.memory_space<vmem>>, vector<1x16xf32>,
      %swap3A_776 = vector.shape_cast %swap3A_775 : vector<1x16xf32> to vector<16xf32>
      %swap3A_777 = vector.shape_cast %select_n3A : vector<16xf32> to vector<1x16xf32>
      tpu.vector_store %arg9[%swap3A_773, %swap3A_774], %swap3A_777 {strides = array<i32>} : memref<128x128xf32, #tpu.memory_space<vmem>>, vector<1x16xf32>,
      %swap3A_778 = arith.constant 116 : i32
      %swap3A_779 = arith.index_cast %swap3A_778 : i32 to index
      %swap3A_780 = arith.constant 64 : index
      %swap3A_781 = tpu.vector_load %arg9[%swap3A_779, %swap3A_780] {strides = array<i32>} : memref<128x128xf32, #tpu.memory_space<vmem>>, vector<1x16xf32>,
      %swap3A_782 = vector.shape_cast %swap3A_781 : vector<1x16xf32> to vector<16xf32>
      %swap3A_783 = vector.shape_cast %select_n3A : vector<16xf32> to vector<1x16xf32>
      tpu.vector_store %arg9[%swap3A_779, %swap3A_780], %swap3A_783 {strides = array<i32>} : memref<128x128xf32, #tpu.memory_space<vmem>>, vector<1x16xf32>,
      %swap3A_784 = arith.constant 117 : i32
      %swap3A_785 = arith.index_cast %swap3A_784 : i32 to index
      %swap3A_786 = arith.constant 64 : index
      %swap3A_787 = tpu.vector_load %arg9[%swap3A_785, %swap3A_786] {strides = array<i32>} : memref<128x128xf32, #tpu.memory_space<vmem>>, vector<1x16xf32>,
      %swap3A_788 = vector.shape_cast %swap3A_787 : vector<1x16xf32> to vector<16xf32>
      %swap3A_789 = vector.shape_cast %select_n3A : vector<16xf32> to vector<1x16xf32>
      tpu.vector_store %arg9[%swap3A_785, %swap3A_786], %swap3A_789 {strides = array<i32>} : memref<128x128xf32, #tpu.memory_space<vmem>>, vector<1x16xf32>,
      %swap3A_790 = arith.constant 118 : i32
      %swap3A_791 = arith.index_cast %swap3A_790 : i32 to index
      %swap3A_792 = arith.constant 64 : index
      %swap3A_793 = tpu.vector_load %arg9[%swap3A_791, %swap3A_792] {strides = array<i32>} : memref<128x128xf32, #tpu.memory_space<vmem>>, vector<1x16xf32>,
      %swap3A_794 = vector.shape_cast %swap3A_793 : vector<1x16xf32> to vector<16xf32>
      %swap3A_795 = vector.shape_cast %select_n3A : vector<16xf32> to vector<1x16xf32>
      tpu.vector_store %arg9[%swap3A_791, %swap3A_792], %swap3A_795 {strides = array<i32>} : memref<128x128xf32, #tpu.memory_space<vmem>>, vector<1x16xf32>,
      %swap3A_796 = arith.constant 119 : i32
      %swap3A_797 = arith.index_cast %swap3A_796 : i32 to index
      %swap3A_798 = arith.constant 64 : index
      %swap3A_799 = tpu.vector_load %arg9[%swap3A_797, %swap3A_798] {strides = array<i32>} : memref<128x128xf32, #tpu.memory_space<vmem>>, vector<1x16xf32>,
      %swap3A_800 = vector.shape_cast %swap3A_799 : vector<1x16xf32> to vector<16xf32>
      %swap3A_801 = vector.shape_cast %select_n3A : vector<16xf32> to vector<1x16xf32>
      tpu.vector_store %arg9[%swap3A_797, %swap3A_798], %swap3A_801 {strides = array<i32>} : memref<128x128xf32, #tpu.memory_space<vmem>>, vector<1x16xf32>,
      %swap3A_802 = arith.constant 120 : i32
      %swap3A_803 = arith.index_cast %swap3A_802 : i32 to index
      %swap3A_804 = arith.constant 64 : index
      %swap3A_805 = tpu.vector_load %arg9[%swap3A_803, %swap3A_804] {strides = array<i32>} : memref<128x128xf32, #tpu.memory_space<vmem>>, vector<1x16xf32>,
      %swap3A_806 = vector.shape_cast %swap3A_805 : vector<1x16xf32> to vector<16xf32>
      %swap3A_807 = vector.shape_cast %select_n3A : vector<16xf32> to vector<1x16xf32>
      tpu.vector_store %arg9[%swap3A_803, %swap3A_804], %swap3A_807 {strides = array<i32>} : memref<128x128xf32, #tpu.memory_space<vmem>>, vector<1x16xf32>,
      %swap3A_808 = arith.constant 121 : i32
      %swap3A_809 = arith.index_cast %swap3A_808 : i32 to index
      %swap3A_810 = arith.constant 64 : index
      %swap3A_811 = tpu.vector_load %arg9[%swap3A_809, %swap3A_810] {strides = array<i32>} : memref<128x128xf32, #tpu.memory_space<vmem>>, vector<1x16xf32>,
      %swap3A_812 = vector.shape_cast %swap3A_811 : vector<1x16xf32> to vector<16xf32>
      %swap3A_813 = vector.shape_cast %select_n3A : vector<16xf32> to vector<1x16xf32>
      tpu.vector_store %arg9[%swap3A_809, %swap3A_810], %swap3A_813 {strides = array<i32>} : memref<128x128xf32, #tpu.memory_space<vmem>>, vector<1x16xf32>,
      %swap3A_814 = arith.constant 122 : i32
      %swap3A_815 = arith.index_cast %swap3A_814 : i32 to index
      %swap3A_816 = arith.constant 64 : index
      %swap3A_817 = tpu.vector_load %arg9[%swap3A_815, %swap3A_816] {strides = array<i32>} : memref<128x128xf32, #tpu.memory_space<vmem>>, vector<1x16xf32>,
      %swap3A_818 = vector.shape_cast %swap3A_817 : vector<1x16xf32> to vector<16xf32>
      %swap3A_819 = vector.shape_cast %select_n3A : vector<16xf32> to vector<1x16xf32>
      tpu.vector_store %arg9[%swap3A_815, %swap3A_816], %swap3A_819 {strides = array<i32>} : memref<128x128xf32, #tpu.memory_space<vmem>>, vector<1x16xf32>,
      %swap3A_820 = arith.constant 123 : i32
      %swap3A_821 = arith.index_cast %swap3A_820 : i32 to index
      %swap3A_822 = arith.constant 64 : index
      %swap3A_823 = tpu.vector_load %arg9[%swap3A_821, %swap3A_822] {strides = array<i32>} : memref<128x128xf32, #tpu.memory_space<vmem>>, vector<1x16xf32>,
      %swap3A_824 = vector.shape_cast %swap3A_823 : vector<1x16xf32> to vector<16xf32>
      %swap3A_825 = vector.shape_cast %select_n3A : vector<16xf32> to vector<1x16xf32>
      tpu.vector_store %arg9[%swap3A_821, %swap3A_822], %swap3A_825 {strides = array<i32>} : memref<128x128xf32, #tpu.memory_space<vmem>>, vector<1x16xf32>,
      %swap3A_826 = arith.constant 124 : i32
      %swap3A_827 = arith.index_cast %swap3A_826 : i32 to index
      %swap3A_828 = arith.constant 64 : index
      %swap3A_829 = tpu.vector_load %arg9[%swap3A_827, %swap3A_828] {strides = array<i32>} : memref<128x128xf32, #tpu.memory_space<vmem>>, vector<1x16xf32>,
      %swap3A_830 = vector.shape_cast %swap3A_829 : vector<1x16xf32> to vector<16xf32>
      %swap3A_831 = vector.shape_cast %select_n3A : vector<16xf32> to vector<1x16xf32>
      tpu.vector_store %arg9[%swap3A_827, %swap3A_828], %swap3A_831 {strides = array<i32>} : memref<128x128xf32, #tpu.memory_space<vmem>>, vector<1x16xf32>,
      %swap3A_832 = arith.constant 125 : i32
      %swap3A_833 = arith.index_cast %swap3A_832 : i32 to index
      %swap3A_834 = arith.constant 64 : index
      %swap3A_835 = tpu.vector_load %arg9[%swap3A_833, %swap3A_834] {strides = array<i32>} : memref<128x128xf32, #tpu.memory_space<vmem>>, vector<1x16xf32>,
      %swap3A_836 = vector.shape_cast %swap3A_835 : vector<1x16xf32> to vector<16xf32>
      %swap3A_837 = vector.shape_cast %select_n3A : vector<16xf32> to vector<1x16xf32>
      tpu.vector_store %arg9[%swap3A_833, %swap3A_834], %swap3A_837 {strides = array<i32>} : memref<128x128xf32, #tpu.memory_space<vmem>>, vector<1x16xf32>,
      %swap3A_838 = arith.constant 126 : i32
      %swap3A_839 = arith.index_cast %swap3A_838 : i32 to index
      %swap3A_840 = arith.constant 64 : index
      %swap3A_841 = tpu.vector_load %arg9[%swap3A_839, %swap3A_840] {strides = array<i32>} : memref<128x128xf32, #tpu.memory_space<vmem>>, vector<1x16xf32>,
      %swap3A_842 = vector.shape_cast %swap3A_841 : vector<1x16xf32> to vector<16xf32>
      %swap3A_843 = vector.shape_cast %select_n3A : vector<16xf32> to vector<1x16xf32>
      tpu.vector_store %arg9[%swap3A_839, %swap3A_840], %swap3A_843 {strides = array<i32>} : memref<128x128xf32, #tpu.memory_space<vmem>>, vector<1x16xf32>,
      %swap3A_844 = arith.constant 127 : i32
      %swap3A_845 = arith.index_cast %swap3A_844 : i32 to index
      %swap3A_846 = arith.constant 64 : index
      %swap3A_847 = tpu.vector_load %arg9[%swap3A_845, %swap3A_846] {strides = array<i32>} : memref<128x128xf32, #tpu.memory_space<vmem>>, vector<1x16xf32>,
      %swap3A_848 = vector.shape_cast %swap3A_847 : vector<1x16xf32> to vector<16xf32>
      %swap3A_849 = vector.shape_cast %select_n3A : vector<16xf32> to vector<1x16xf32>
      tpu.vector_store %arg9[%swap3A_845, %swap3A_846], %swap3A_849 {strides = array<i32>} : memref<128x128xf32, #tpu.memory_space<vmem>>, vector<1x16xf32>,
      "tpu.region"() ({
        %run_scoped3A = tpu.sem_alloc : memref<!tpu.dma_semaphore, #tpu.memory_space<semaphore_mem>>
        %dma_start3A_1635 = arith.constant 0 : i32
        %dma_start3A_1636 = tpu.memref_slice %arg8[%mul3A_76, %dma_start3A_1635] : memref<40x128xi32, #tpu.memory_space<vmem>> -> memref<1x128xi32, #tpu.memory_space<vmem>>
        %dma_start3A_1637 = tpu.memref_squeeze %dma_start3A_1636 : memref<1x128xi32, #tpu.memory_space<vmem>> -> memref<128xi32, #tpu.memory_space<vmem>>
        %dma_start3A_1638 = arith.constant 0 : i32
        %dma_start3A_1639 = arith.constant 0 : i32
        %dma_start3A_1640 = tpu.memref_slice %arg6[%dma_start3A_1638, %dma_start3A_1639] : memref<10240x128xf32, #tpu.memory_space<vmem_shared>> -> memref<10240x128xf32, #tpu.memory_space<vmem_shared>>
        tpu.enqueue_indirect_dma source(%arg9 : memref<128x128xf32, #tpu.memory_space<vmem>>) target(%dma_start3A_1640 : memref<10240x128xf32, #tpu.memory_space<vmem_shared>>) offsets(%dma_start3A_1637 : memref<128xi32, #tpu.memory_space<vmem>>) semaphore(%run_scoped3A : memref<!tpu.dma_semaphore, #tpu.memory_space<semaphore_mem>>) {add = true}
        %dma_wait3A_1641 = arith.constant 0 : i32
        %dma_wait3A_1642 = tpu.memref_slice %arg8[%mul3A_76, %dma_wait3A_1641] : memref<40x128xi32, #tpu.memory_space<vmem>> -> memref<1x128xi32, #tpu.memory_space<vmem>>
        %dma_wait3A_1643 = tpu.memref_squeeze %dma_wait3A_1642 : memref<1x128xi32, #tpu.memory_space<vmem>> -> memref<128xi32, #tpu.memory_space<vmem>>
        %dma_wait3A_1644 = arith.constant 0 : i32
        %dma_wait3A_1645 = arith.constant 0 : i32
        %dma_wait3A_1646 = tpu.memref_slice %arg6[%dma_wait3A_1644, %dma_wait3A_1645] : memref<10240x128xf32, #tpu.memory_space<vmem_shared>> -> memref<10240x128xf32, #tpu.memory_space<vmem_shared>>
        tpu.wait_indirect_dma semaphore(%run_scoped3A : memref<!tpu.dma_semaphore, #tpu.memory_space<semaphore_mem>>) src(%arg9 : memref<128x128xf32, #tpu.memory_space<vmem>>) dst(%dma_wait3A_1646 : memref<10240x128xf32, #tpu.memory_space<vmem_shared>>)
        tpu.yield
      }) : () -> ()
      %not3A = arith.constant true
      %not3A_850 = arith.xori %ge3A_77, %not3A : i1
      %convert_element_type3A = arith.extui %not3A_850 : i1 to i32
      %cond3A = arith.constant 0 : i32
      %cond3A_851 = arith.cmpi ne, %convert_element_type3A, %cond3A : i32
      scf.if %cond3A_851 {
        %add3A_1635 = arith.constant 2 : i32
        %add3A_1636 = arith.addi %mul3A_76, %add3A_1635 : i32
        %dma_start3A_1637 = arith.constant 0 : i32
        %dma_start3A_1638 = tpu.memref_slice %arg7[%add3A_1636, %dma_start3A_1637] : memref<40x128xi32, #tpu.memory_space<vmem>> -> memref<1x128xi32, #tpu.memory_space<vmem>>
        %dma_start3A_1639 = tpu.memref_squeeze %dma_start3A_1638 : memref<1x128xi32, #tpu.memory_space<vmem>> -> memref<128xi32, #tpu.memory_space<vmem>>
        %dma_start3A_1640 = arith.constant 0 : i32
        %dma_start3A_1641 = arith.constant 0 : i32
        %dma_start3A_1642 = tpu.memref_slice %arg2[%dma_start3A_1640, %dma_start3A_1641] : memref<10240x128xf32, #tpu.memory_space<hbm>> -> memref<10240x128xf32, #tpu.memory_space<hbm>>
        tpu.enqueue_indirect_dma source(%dma_start3A_1642 : memref<10240x128xf32, #tpu.memory_space<hbm>>) target(%arg9 : memref<128x128xf32, #tpu.memory_space<vmem>>) offsets(%dma_start3A_1639 : memref<128xi32, #tpu.memory_space<vmem>>) semaphore(%arg11 : memref<!tpu.dma_semaphore, #tpu.memory_space<semaphore_mem>>)
      } else {
      }
      %add3A_852 = arith.constant 1 : i32
      %add3A_853 = arith.addi %mul3A_76, %add3A_852 : i32
      %dma_wait3A_854 = arith.constant 0 : i32
      %dma_wait3A_855 = tpu.memref_slice %arg7[%add3A_853, %dma_wait3A_854] : memref<40x128xi32, #tpu.memory_space<vmem>> -> memref<1x128xi32, #tpu.memory_space<vmem>>
      %dma_wait3A_856 = tpu.memref_squeeze %dma_wait3A_855 : memref<1x128xi32, #tpu.memory_space<vmem>> -> memref<128xi32, #tpu.memory_space<vmem>>
      %dma_wait3A_857 = arith.constant 0 : i32
      %dma_wait3A_858 = arith.constant 0 : i32
      %dma_wait3A_859 = tpu.memref_slice %arg2[%dma_wait3A_857, %dma_wait3A_858] : memref<10240x128xf32, #tpu.memory_space<hbm>> -> memref<10240x128xf32, #tpu.memory_space<hbm>>
      tpu.wait_indirect_dma semaphore(%arg12 : memref<!tpu.dma_semaphore, #tpu.memory_space<semaphore_mem>>) src(%dma_wait3A_859 : memref<10240x128xf32, #tpu.memory_space<hbm>>) dst(%arg10 : memref<128x128xf32, #tpu.memory_space<vmem>>)
      %swap3A_860 = arith.constant 0 : i32
      %swap3A_861 = arith.index_cast %swap3A_860 : i32 to index
      %swap3A_862 = arith.constant 64 : index
      %swap3A_863 = tpu.vector_load %arg10[%swap3A_861, %swap3A_862] {strides = array<i32>} : memref<128x128xf32, #tpu.memory_space<vmem>>, vector<1x16xf32>,
      %swap3A_864 = vector.shape_cast %swap3A_863 : vector<1x16xf32> to vector<16xf32>
      %swap3A_865 = vector.shape_cast %select_n3A : vector<16xf32> to vector<1x16xf32>
      tpu.vector_store %arg10[%swap3A_861, %swap3A_862], %swap3A_865 {strides = array<i32>} : memref<128x128xf32, #tpu.memory_space<vmem>>, vector<1x16xf32>,
      %swap3A_866 = arith.constant 1 : i32
      %swap3A_867 = arith.index_cast %swap3A_866 : i32 to index
      %swap3A_868 = arith.constant 64 : index
      %swap3A_869 = tpu.vector_load %arg10[%swap3A_867, %swap3A_868] {strides = array<i32>} : memref<128x128xf32, #tpu.memory_space<vmem>>, vector<1x16xf32>,
      %swap3A_870 = vector.shape_cast %swap3A_869 : vector<1x16xf32> to vector<16xf32>
      %swap3A_871 = vector.shape_cast %select_n3A : vector<16xf32> to vector<1x16xf32>
      tpu.vector_store %arg10[%swap3A_867, %swap3A_868], %swap3A_871 {strides = array<i32>} : memref<128x128xf32, #tpu.memory_space<vmem>>, vector<1x16xf32>,
      %swap3A_872 = arith.constant 2 : i32
      %swap3A_873 = arith.index_cast %swap3A_872 : i32 to index
      %swap3A_874 = arith.constant 64 : index
      %swap3A_875 = tpu.vector_load %arg10[%swap3A_873, %swap3A_874] {strides = array<i32>} : memref<128x128xf32, #tpu.memory_space<vmem>>, vector<1x16xf32>,
      %swap3A_876 = vector.shape_cast %swap3A_875 : vector<1x16xf32> to vector<16xf32>
      %swap3A_877 = vector.shape_cast %select_n3A : vector<16xf32> to vector<1x16xf32>
      tpu.vector_store %arg10[%swap3A_873, %swap3A_874], %swap3A_877 {strides = array<i32>} : memref<128x128xf32, #tpu.memory_space<vmem>>, vector<1x16xf32>,
      %swap3A_878 = arith.constant 3 : i32
      %swap3A_879 = arith.index_cast %swap3A_878 : i32 to index
      %swap3A_880 = arith.constant 64 : index
      %swap3A_881 = tpu.vector_load %arg10[%swap3A_879, %swap3A_880] {strides = array<i32>} : memref<128x128xf32, #tpu.memory_space<vmem>>, vector<1x16xf32>,
      %swap3A_882 = vector.shape_cast %swap3A_881 : vector<1x16xf32> to vector<16xf32>
      %swap3A_883 = vector.shape_cast %select_n3A : vector<16xf32> to vector<1x16xf32>
      tpu.vector_store %arg10[%swap3A_879, %swap3A_880], %swap3A_883 {strides = array<i32>} : memref<128x128xf32, #tpu.memory_space<vmem>>, vector<1x16xf32>,
      %swap3A_884 = arith.constant 4 : i32
      %swap3A_885 = arith.index_cast %swap3A_884 : i32 to index
      %swap3A_886 = arith.constant 64 : index
      %swap3A_887 = tpu.vector_load %arg10[%swap3A_885, %swap3A_886] {strides = array<i32>} : memref<128x128xf32, #tpu.memory_space<vmem>>, vector<1x16xf32>,
      %swap3A_888 = vector.shape_cast %swap3A_887 : vector<1x16xf32> to vector<16xf32>
      %swap3A_889 = vector.shape_cast %select_n3A : vector<16xf32> to vector<1x16xf32>
      tpu.vector_store %arg10[%swap3A_885, %swap3A_886], %swap3A_889 {strides = array<i32>} : memref<128x128xf32, #tpu.memory_space<vmem>>, vector<1x16xf32>,
      %swap3A_890 = arith.constant 5 : i32
      %swap3A_891 = arith.index_cast %swap3A_890 : i32 to index
      %swap3A_892 = arith.constant 64 : index
      %swap3A_893 = tpu.vector_load %arg10[%swap3A_891, %swap3A_892] {strides = array<i32>} : memref<128x128xf32, #tpu.memory_space<vmem>>, vector<1x16xf32>,
      %swap3A_894 = vector.shape_cast %swap3A_893 : vector<1x16xf32> to vector<16xf32>
      %swap3A_895 = vector.shape_cast %select_n3A : vector<16xf32> to vector<1x16xf32>
      tpu.vector_store %arg10[%swap3A_891, %swap3A_892], %swap3A_895 {strides = array<i32>} : memref<128x128xf32, #tpu.memory_space<vmem>>, vector<1x16xf32>,
      %swap3A_896 = arith.constant 6 : i32
      %swap3A_897 = arith.index_cast %swap3A_896 : i32 to index
      %swap3A_898 = arith.constant 64 : index
      %swap3A_899 = tpu.vector_load %arg10[%swap3A_897, %swap3A_898] {strides = array<i32>} : memref<128x128xf32, #tpu.memory_space<vmem>>, vector<1x16xf32>,
      %swap3A_900 = vector.shape_cast %swap3A_899 : vector<1x16xf32> to vector<16xf32>
      %swap3A_901 = vector.shape_cast %select_n3A : vector<16xf32> to vector<1x16xf32>
      tpu.vector_store %arg10[%swap3A_897, %swap3A_898], %swap3A_901 {strides = array<i32>} : memref<128x128xf32, #tpu.memory_space<vmem>>, vector<1x16xf32>,
      %swap3A_902 = arith.constant 7 : i32
      %swap3A_903 = arith.index_cast %swap3A_902 : i32 to index
      %swap3A_904 = arith.constant 64 : index
      %swap3A_905 = tpu.vector_load %arg10[%swap3A_903, %swap3A_904] {strides = array<i32>} : memref<128x128xf32, #tpu.memory_space<vmem>>, vector<1x16xf32>,
      %swap3A_906 = vector.shape_cast %swap3A_905 : vector<1x16xf32> to vector<16xf32>
      %swap3A_907 = vector.shape_cast %select_n3A : vector<16xf32> to vector<1x16xf32>
      tpu.vector_store %arg10[%swap3A_903, %swap3A_904], %swap3A_907 {strides = array<i32>} : memref<128x128xf32, #tpu.memory_space<vmem>>, vector<1x16xf32>,
      %swap3A_908 = arith.constant 8 : i32
      %swap3A_909 = arith.index_cast %swap3A_908 : i32 to index
      %swap3A_910 = arith.constant 64 : index
      %swap3A_911 = tpu.vector_load %arg10[%swap3A_909, %swap3A_910] {strides = array<i32>} : memref<128x128xf32, #tpu.memory_space<vmem>>, vector<1x16xf32>,
      %swap3A_912 = vector.shape_cast %swap3A_911 : vector<1x16xf32> to vector<16xf32>
      %swap3A_913 = vector.shape_cast %select_n3A : vector<16xf32> to vector<1x16xf32>
      tpu.vector_store %arg10[%swap3A_909, %swap3A_910], %swap3A_913 {strides = array<i32>} : memref<128x128xf32, #tpu.memory_space<vmem>>, vector<1x16xf32>,
      %swap3A_914 = arith.constant 9 : i32
      %swap3A_915 = arith.index_cast %swap3A_914 : i32 to index
      %swap3A_916 = arith.constant 64 : index
      %swap3A_917 = tpu.vector_load %arg10[%swap3A_915, %swap3A_916] {strides = array<i32>} : memref<128x128xf32, #tpu.memory_space<vmem>>, vector<1x16xf32>,
      %swap3A_918 = vector.shape_cast %swap3A_917 : vector<1x16xf32> to vector<16xf32>
      %swap3A_919 = vector.shape_cast %select_n3A : vector<16xf32> to vector<1x16xf32>
      tpu.vector_store %arg10[%swap3A_915, %swap3A_916], %swap3A_919 {strides = array<i32>} : memref<128x128xf32, #tpu.memory_space<vmem>>, vector<1x16xf32>,
      %swap3A_920 = arith.constant 10 : i32
      %swap3A_921 = arith.index_cast %swap3A_920 : i32 to index
      %swap3A_922 = arith.constant 64 : index
      %swap3A_923 = tpu.vector_load %arg10[%swap3A_921, %swap3A_922] {strides = array<i32>} : memref<128x128xf32, #tpu.memory_space<vmem>>, vector<1x16xf32>,
      %swap3A_924 = vector.shape_cast %swap3A_923 : vector<1x16xf32> to vector<16xf32>
      %swap3A_925 = vector.shape_cast %select_n3A : vector<16xf32> to vector<1x16xf32>
      tpu.vector_store %arg10[%swap3A_921, %swap3A_922], %swap3A_925 {strides = array<i32>} : memref<128x128xf32, #tpu.memory_space<vmem>>, vector<1x16xf32>,
      %swap3A_926 = arith.constant 11 : i32
      %swap3A_927 = arith.index_cast %swap3A_926 : i32 to index
      %swap3A_928 = arith.constant 64 : index
      %swap3A_929 = tpu.vector_load %arg10[%swap3A_927, %swap3A_928] {strides = array<i32>} : memref<128x128xf32, #tpu.memory_space<vmem>>, vector<1x16xf32>,
      %swap3A_930 = vector.shape_cast %swap3A_929 : vector<1x16xf32> to vector<16xf32>
      %swap3A_931 = vector.shape_cast %select_n3A : vector<16xf32> to vector<1x16xf32>
      tpu.vector_store %arg10[%swap3A_927, %swap3A_928], %swap3A_931 {strides = array<i32>} : memref<128x128xf32, #tpu.memory_space<vmem>>, vector<1x16xf32>,
      %swap3A_932 = arith.constant 12 : i32
      %swap3A_933 = arith.index_cast %swap3A_932 : i32 to index
      %swap3A_934 = arith.constant 64 : index
      %swap3A_935 = tpu.vector_load %arg10[%swap3A_933, %swap3A_934] {strides = array<i32>} : memref<128x128xf32, #tpu.memory_space<vmem>>, vector<1x16xf32>,
      %swap3A_936 = vector.shape_cast %swap3A_935 : vector<1x16xf32> to vector<16xf32>
      %swap3A_937 = vector.shape_cast %select_n3A : vector<16xf32> to vector<1x16xf32>
      tpu.vector_store %arg10[%swap3A_933, %swap3A_934], %swap3A_937 {strides = array<i32>} : memref<128x128xf32, #tpu.memory_space<vmem>>, vector<1x16xf32>,
      %swap3A_938 = arith.constant 13 : i32
      %swap3A_939 = arith.index_cast %swap3A_938 : i32 to index
      %swap3A_940 = arith.constant 64 : index
      %swap3A_941 = tpu.vector_load %arg10[%swap3A_939, %swap3A_940] {strides = array<i32>} : memref<128x128xf32, #tpu.memory_space<vmem>>, vector<1x16xf32>,
      %swap3A_942 = vector.shape_cast %swap3A_941 : vector<1x16xf32> to vector<16xf32>
      %swap3A_943 = vector.shape_cast %select_n3A : vector<16xf32> to vector<1x16xf32>
      tpu.vector_store %arg10[%swap3A_939, %swap3A_940], %swap3A_943 {strides = array<i32>} : memref<128x128xf32, #tpu.memory_space<vmem>>, vector<1x16xf32>,
      %swap3A_944 = arith.constant 14 : i32
      %swap3A_945 = arith.index_cast %swap3A_944 : i32 to index
      %swap3A_946 = arith.constant 64 : index
      %swap3A_947 = tpu.vector_load %arg10[%swap3A_945, %swap3A_946] {strides = array<i32>} : memref<128x128xf32, #tpu.memory_space<vmem>>, vector<1x16xf32>,
      %swap3A_948 = vector.shape_cast %swap3A_947 : vector<1x16xf32> to vector<16xf32>
      %swap3A_949 = vector.shape_cast %select_n3A : vector<16xf32> to vector<1x16xf32>
      tpu.vector_store %arg10[%swap3A_945, %swap3A_946], %swap3A_949 {strides = array<i32>} : memref<128x128xf32, #tpu.memory_space<vmem>>, vector<1x16xf32>,
      %swap3A_950 = arith.constant 15 : i32
      %swap3A_951 = arith.index_cast %swap3A_950 : i32 to index
      %swap3A_952 = arith.constant 64 : index
      %swap3A_953 = tpu.vector_load %arg10[%swap3A_951, %swap3A_952] {strides = array<i32>} : memref<128x128xf32, #tpu.memory_space<vmem>>, vector<1x16xf32>,
      %swap3A_954 = vector.shape_cast %swap3A_953 : vector<1x16xf32> to vector<16xf32>
      %swap3A_955 = vector.shape_cast %select_n3A : vector<16xf32> to vector<1x16xf32>
      tpu.vector_store %arg10[%swap3A_951, %swap3A_952], %swap3A_955 {strides = array<i32>} : memref<128x128xf32, #tpu.memory_space<vmem>>, vector<1x16xf32>,
      %swap3A_956 = arith.constant 16 : i32
      %swap3A_957 = arith.index_cast %swap3A_956 : i32 to index
      %swap3A_958 = arith.constant 64 : index
      %swap3A_959 = tpu.vector_load %arg10[%swap3A_957, %swap3A_958] {strides = array<i32>} : memref<128x128xf32, #tpu.memory_space<vmem>>, vector<1x16xf32>,
      %swap3A_960 = vector.shape_cast %swap3A_959 : vector<1x16xf32> to vector<16xf32>
      %swap3A_961 = vector.shape_cast %select_n3A : vector<16xf32> to vector<1x16xf32>
      tpu.vector_store %arg10[%swap3A_957, %swap3A_958], %swap3A_961 {strides = array<i32>} : memref<128x128xf32, #tpu.memory_space<vmem>>, vector<1x16xf32>,
      %swap3A_962 = arith.constant 17 : i32
      %swap3A_963 = arith.index_cast %swap3A_962 : i32 to index
      %swap3A_964 = arith.constant 64 : index
      %swap3A_965 = tpu.vector_load %arg10[%swap3A_963, %swap3A_964] {strides = array<i32>} : memref<128x128xf32, #tpu.memory_space<vmem>>, vector<1x16xf32>,
      %swap3A_966 = vector.shape_cast %swap3A_965 : vector<1x16xf32> to vector<16xf32>
      %swap3A_967 = vector.shape_cast %select_n3A : vector<16xf32> to vector<1x16xf32>
      tpu.vector_store %arg10[%swap3A_963, %swap3A_964], %swap3A_967 {strides = array<i32>} : memref<128x128xf32, #tpu.memory_space<vmem>>, vector<1x16xf32>,
      %swap3A_968 = arith.constant 18 : i32
      %swap3A_969 = arith.index_cast %swap3A_968 : i32 to index
      %swap3A_970 = arith.constant 64 : index
      %swap3A_971 = tpu.vector_load %arg10[%swap3A_969, %swap3A_970] {strides = array<i32>} : memref<128x128xf32, #tpu.memory_space<vmem>>, vector<1x16xf32>,
      %swap3A_972 = vector.shape_cast %swap3A_971 : vector<1x16xf32> to vector<16xf32>
      %swap3A_973 = vector.shape_cast %select_n3A : vector<16xf32> to vector<1x16xf32>
      tpu.vector_store %arg10[%swap3A_969, %swap3A_970], %swap3A_973 {strides = array<i32>} : memref<128x128xf32, #tpu.memory_space<vmem>>, vector<1x16xf32>,
      %swap3A_974 = arith.constant 19 : i32
      %swap3A_975 = arith.index_cast %swap3A_974 : i32 to index
      %swap3A_976 = arith.constant 64 : index
      %swap3A_977 = tpu.vector_load %arg10[%swap3A_975, %swap3A_976] {strides = array<i32>} : memref<128x128xf32, #tpu.memory_space<vmem>>, vector<1x16xf32>,
      %swap3A_978 = vector.shape_cast %swap3A_977 : vector<1x16xf32> to vector<16xf32>
      %swap3A_979 = vector.shape_cast %select_n3A : vector<16xf32> to vector<1x16xf32>
      tpu.vector_store %arg10[%swap3A_975, %swap3A_976], %swap3A_979 {strides = array<i32>} : memref<128x128xf32, #tpu.memory_space<vmem>>, vector<1x16xf32>,
      %swap3A_980 = arith.constant 20 : i32
      %swap3A_981 = arith.index_cast %swap3A_980 : i32 to index
      %swap3A_982 = arith.constant 64 : index
      %swap3A_983 = tpu.vector_load %arg10[%swap3A_981, %swap3A_982] {strides = array<i32>} : memref<128x128xf32, #tpu.memory_space<vmem>>, vector<1x16xf32>,
      %swap3A_984 = vector.shape_cast %swap3A_983 : vector<1x16xf32> to vector<16xf32>
      %swap3A_985 = vector.shape_cast %select_n3A : vector<16xf32> to vector<1x16xf32>
      tpu.vector_store %arg10[%swap3A_981, %swap3A_982], %swap3A_985 {strides = array<i32>} : memref<128x128xf32, #tpu.memory_space<vmem>>, vector<1x16xf32>,
      %swap3A_986 = arith.constant 21 : i32
      %swap3A_987 = arith.index_cast %swap3A_986 : i32 to index
      %swap3A_988 = arith.constant 64 : index
      %swap3A_989 = tpu.vector_load %arg10[%swap3A_987, %swap3A_988] {strides = array<i32>} : memref<128x128xf32, #tpu.memory_space<vmem>>, vector<1x16xf32>,
      %swap3A_990 = vector.shape_cast %swap3A_989 : vector<1x16xf32> to vector<16xf32>
      %swap3A_991 = vector.shape_cast %select_n3A : vector<16xf32> to vector<1x16xf32>
      tpu.vector_store %arg10[%swap3A_987, %swap3A_988], %swap3A_991 {strides = array<i32>} : memref<128x128xf32, #tpu.memory_space<vmem>>, vector<1x16xf32>,
      %swap3A_992 = arith.constant 22 : i32
      %swap3A_993 = arith.index_cast %swap3A_992 : i32 to index
      %swap3A_994 = arith.constant 64 : index
      %swap3A_995 = tpu.vector_load %arg10[%swap3A_993, %swap3A_994] {strides = array<i32>} : memref<128x128xf32, #tpu.memory_space<vmem>>, vector<1x16xf32>,
      %swap3A_996 = vector.shape_cast %swap3A_995 : vector<1x16xf32> to vector<16xf32>
      %swap3A_997 = vector.shape_cast %select_n3A : vector<16xf32> to vector<1x16xf32>
      tpu.vector_store %arg10[%swap3A_993, %swap3A_994], %swap3A_997 {strides = array<i32>} : memref<128x128xf32, #tpu.memory_space<vmem>>, vector<1x16xf32>,
      %swap3A_998 = arith.constant 23 : i32
      %swap3A_999 = arith.index_cast %swap3A_998 : i32 to index
      %swap3A_1000 = arith.constant 64 : index
      %swap3A_1001 = tpu.vector_load %arg10[%swap3A_999, %swap3A_1000] {strides = array<i32>} : memref<128x128xf32, #tpu.memory_space<vmem>>, vector<1x16xf32>,
      %swap3A_1002 = vector.shape_cast %swap3A_1001 : vector<1x16xf32> to vector<16xf32>
      %swap3A_1003 = vector.shape_cast %select_n3A : vector<16xf32> to vector<1x16xf32>
      tpu.vector_store %arg10[%swap3A_999, %swap3A_1000], %swap3A_1003 {strides = array<i32>} : memref<128x128xf32, #tpu.memory_space<vmem>>, vector<1x16xf32>,
      %swap3A_1004 = arith.constant 24 : i32
      %swap3A_1005 = arith.index_cast %swap3A_1004 : i32 to index
      %swap3A_1006 = arith.constant 64 : index
      %swap3A_1007 = tpu.vector_load %arg10[%swap3A_1005, %swap3A_1006] {strides = array<i32>} : memref<128x128xf32, #tpu.memory_space<vmem>>, vector<1x16xf32>,
      %swap3A_1008 = vector.shape_cast %swap3A_1007 : vector<1x16xf32> to vector<16xf32>
      %swap3A_1009 = vector.shape_cast %select_n3A : vector<16xf32> to vector<1x16xf32>
      tpu.vector_store %arg10[%swap3A_1005, %swap3A_1006], %swap3A_1009 {strides = array<i32>} : memref<128x128xf32, #tpu.memory_space<vmem>>, vector<1x16xf32>,
      %swap3A_1010 = arith.constant 25 : i32
      %swap3A_1011 = arith.index_cast %swap3A_1010 : i32 to index
      %swap3A_1012 = arith.constant 64 : index
      %swap3A_1013 = tpu.vector_load %arg10[%swap3A_1011, %swap3A_1012] {strides = array<i32>} : memref<128x128xf32, #tpu.memory_space<vmem>>, vector<1x16xf32>,
      %swap3A_1014 = vector.shape_cast %swap3A_1013 : vector<1x16xf32> to vector<16xf32>
      %swap3A_1015 = vector.shape_cast %select_n3A : vector<16xf32> to vector<1x16xf32>
      tpu.vector_store %arg10[%swap3A_1011, %swap3A_1012], %swap3A_1015 {strides = array<i32>} : memref<128x128xf32, #tpu.memory_space<vmem>>, vector<1x16xf32>,
      %swap3A_1016 = arith.constant 26 : i32
      %swap3A_1017 = arith.index_cast %swap3A_1016 : i32 to index
      %swap3A_1018 = arith.constant 64 : index
      %swap3A_1019 = tpu.vector_load %arg10[%swap3A_1017, %swap3A_1018] {strides = array<i32>} : memref<128x128xf32, #tpu.memory_space<vmem>>, vector<1x16xf32>,
      %swap3A_1020 = vector.shape_cast %swap3A_1019 : vector<1x16xf32> to vector<16xf32>
      %swap3A_1021 = vector.shape_cast %select_n3A : vector<16xf32> to vector<1x16xf32>
      tpu.vector_store %arg10[%swap3A_1017, %swap3A_1018], %swap3A_1021 {strides = array<i32>} : memref<128x128xf32, #tpu.memory_space<vmem>>, vector<1x16xf32>,
      %swap3A_1022 = arith.constant 27 : i32
      %swap3A_1023 = arith.index_cast %swap3A_1022 : i32 to index
      %swap3A_1024 = arith.constant 64 : index
      %swap3A_1025 = tpu.vector_load %arg10[%swap3A_1023, %swap3A_1024] {strides = array<i32>} : memref<128x128xf32, #tpu.memory_space<vmem>>, vector<1x16xf32>,
      %swap3A_1026 = vector.shape_cast %swap3A_1025 : vector<1x16xf32> to vector<16xf32>
      %swap3A_1027 = vector.shape_cast %select_n3A : vector<16xf32> to vector<1x16xf32>
      tpu.vector_store %arg10[%swap3A_1023, %swap3A_1024], %swap3A_1027 {strides = array<i32>} : memref<128x128xf32, #tpu.memory_space<vmem>>, vector<1x16xf32>,
      %swap3A_1028 = arith.constant 28 : i32
      %swap3A_1029 = arith.index_cast %swap3A_1028 : i32 to index
      %swap3A_1030 = arith.constant 64 : index
      %swap3A_1031 = tpu.vector_load %arg10[%swap3A_1029, %swap3A_1030] {strides = array<i32>} : memref<128x128xf32, #tpu.memory_space<vmem>>, vector<1x16xf32>,
      %swap3A_1032 = vector.shape_cast %swap3A_1031 : vector<1x16xf32> to vector<16xf32>
      %swap3A_1033 = vector.shape_cast %select_n3A : vector<16xf32> to vector<1x16xf32>
      tpu.vector_store %arg10[%swap3A_1029, %swap3A_1030], %swap3A_1033 {strides = array<i32>} : memref<128x128xf32, #tpu.memory_space<vmem>>, vector<1x16xf32>,
      %swap3A_1034 = arith.constant 29 : i32
      %swap3A_1035 = arith.index_cast %swap3A_1034 : i32 to index
      %swap3A_1036 = arith.constant 64 : index
      %swap3A_1037 = tpu.vector_load %arg10[%swap3A_1035, %swap3A_1036] {strides = array<i32>} : memref<128x128xf32, #tpu.memory_space<vmem>>, vector<1x16xf32>,
      %swap3A_1038 = vector.shape_cast %swap3A_1037 : vector<1x16xf32> to vector<16xf32>
      %swap3A_1039 = vector.shape_cast %select_n3A : vector<16xf32> to vector<1x16xf32>
      tpu.vector_store %arg10[%swap3A_1035, %swap3A_1036], %swap3A_1039 {strides = array<i32>} : memref<128x128xf32, #tpu.memory_space<vmem>>, vector<1x16xf32>,
      %swap3A_1040 = arith.constant 30 : i32
      %swap3A_1041 = arith.index_cast %swap3A_1040 : i32 to index
      %swap3A_1042 = arith.constant 64 : index
      %swap3A_1043 = tpu.vector_load %arg10[%swap3A_1041, %swap3A_1042] {strides = array<i32>} : memref<128x128xf32, #tpu.memory_space<vmem>>, vector<1x16xf32>,
      %swap3A_1044 = vector.shape_cast %swap3A_1043 : vector<1x16xf32> to vector<16xf32>
      %swap3A_1045 = vector.shape_cast %select_n3A : vector<16xf32> to vector<1x16xf32>
      tpu.vector_store %arg10[%swap3A_1041, %swap3A_1042], %swap3A_1045 {strides = array<i32>} : memref<128x128xf32, #tpu.memory_space<vmem>>, vector<1x16xf32>,
      %swap3A_1046 = arith.constant 31 : i32
      %swap3A_1047 = arith.index_cast %swap3A_1046 : i32 to index
      %swap3A_1048 = arith.constant 64 : index
      %swap3A_1049 = tpu.vector_load %arg10[%swap3A_1047, %swap3A_1048] {strides = array<i32>} : memref<128x128xf32, #tpu.memory_space<vmem>>, vector<1x16xf32>,
      %swap3A_1050 = vector.shape_cast %swap3A_1049 : vector<1x16xf32> to vector<16xf32>
      %swap3A_1051 = vector.shape_cast %select_n3A : vector<16xf32> to vector<1x16xf32>
      tpu.vector_store %arg10[%swap3A_1047, %swap3A_1048], %swap3A_1051 {strides = array<i32>} : memref<128x128xf32, #tpu.memory_space<vmem>>, vector<1x16xf32>,
      %swap3A_1052 = arith.constant 32 : i32
      %swap3A_1053 = arith.index_cast %swap3A_1052 : i32 to index
      %swap3A_1054 = arith.constant 64 : index
      %swap3A_1055 = tpu.vector_load %arg10[%swap3A_1053, %swap3A_1054] {strides = array<i32>} : memref<128x128xf32, #tpu.memory_space<vmem>>, vector<1x16xf32>,
      %swap3A_1056 = vector.shape_cast %swap3A_1055 : vector<1x16xf32> to vector<16xf32>
      %swap3A_1057 = vector.shape_cast %select_n3A : vector<16xf32> to vector<1x16xf32>
      tpu.vector_store %arg10[%swap3A_1053, %swap3A_1054], %swap3A_1057 {strides = array<i32>} : memref<128x128xf32, #tpu.memory_space<vmem>>, vector<1x16xf32>,
      %swap3A_1058 = arith.constant 33 : i32
      %swap3A_1059 = arith.index_cast %swap3A_1058 : i32 to index
      %swap3A_1060 = arith.constant 64 : index
      %swap3A_1061 = tpu.vector_load %arg10[%swap3A_1059, %swap3A_1060] {strides = array<i32>} : memref<128x128xf32, #tpu.memory_space<vmem>>, vector<1x16xf32>,
      %swap3A_1062 = vector.shape_cast %swap3A_1061 : vector<1x16xf32> to vector<16xf32>
      %swap3A_1063 = vector.shape_cast %select_n3A : vector<16xf32> to vector<1x16xf32>
      tpu.vector_store %arg10[%swap3A_1059, %swap3A_1060], %swap3A_1063 {strides = array<i32>} : memref<128x128xf32, #tpu.memory_space<vmem>>, vector<1x16xf32>,
      %swap3A_1064 = arith.constant 34 : i32
      %swap3A_1065 = arith.index_cast %swap3A_1064 : i32 to index
      %swap3A_1066 = arith.constant 64 : index
      %swap3A_1067 = tpu.vector_load %arg10[%swap3A_1065, %swap3A_1066] {strides = array<i32>} : memref<128x128xf32, #tpu.memory_space<vmem>>, vector<1x16xf32>,
      %swap3A_1068 = vector.shape_cast %swap3A_1067 : vector<1x16xf32> to vector<16xf32>
      %swap3A_1069 = vector.shape_cast %select_n3A : vector<16xf32> to vector<1x16xf32>
      tpu.vector_store %arg10[%swap3A_1065, %swap3A_1066], %swap3A_1069 {strides = array<i32>} : memref<128x128xf32, #tpu.memory_space<vmem>>, vector<1x16xf32>,
      %swap3A_1070 = arith.constant 35 : i32
      %swap3A_1071 = arith.index_cast %swap3A_1070 : i32 to index
      %swap3A_1072 = arith.constant 64 : index
      %swap3A_1073 = tpu.vector_load %arg10[%swap3A_1071, %swap3A_1072] {strides = array<i32>} : memref<128x128xf32, #tpu.memory_space<vmem>>, vector<1x16xf32>,
      %swap3A_1074 = vector.shape_cast %swap3A_1073 : vector<1x16xf32> to vector<16xf32>
      %swap3A_1075 = vector.shape_cast %select_n3A : vector<16xf32> to vector<1x16xf32>
      tpu.vector_store %arg10[%swap3A_1071, %swap3A_1072], %swap3A_1075 {strides = array<i32>} : memref<128x128xf32, #tpu.memory_space<vmem>>, vector<1x16xf32>,
      %swap3A_1076 = arith.constant 36 : i32
      %swap3A_1077 = arith.index_cast %swap3A_1076 : i32 to index
      %swap3A_1078 = arith.constant 64 : index
      %swap3A_1079 = tpu.vector_load %arg10[%swap3A_1077, %swap3A_1078] {strides = array<i32>} : memref<128x128xf32, #tpu.memory_space<vmem>>, vector<1x16xf32>,
      %swap3A_1080 = vector.shape_cast %swap3A_1079 : vector<1x16xf32> to vector<16xf32>
      %swap3A_1081 = vector.shape_cast %select_n3A : vector<16xf32> to vector<1x16xf32>
      tpu.vector_store %arg10[%swap3A_1077, %swap3A_1078], %swap3A_1081 {strides = array<i32>} : memref<128x128xf32, #tpu.memory_space<vmem>>, vector<1x16xf32>,
      %swap3A_1082 = arith.constant 37 : i32
      %swap3A_1083 = arith.index_cast %swap3A_1082 : i32 to index
      %swap3A_1084 = arith.constant 64 : index
      %swap3A_1085 = tpu.vector_load %arg10[%swap3A_1083, %swap3A_1084] {strides = array<i32>} : memref<128x128xf32, #tpu.memory_space<vmem>>, vector<1x16xf32>,
      %swap3A_1086 = vector.shape_cast %swap3A_1085 : vector<1x16xf32> to vector<16xf32>
      %swap3A_1087 = vector.shape_cast %select_n3A : vector<16xf32> to vector<1x16xf32>
      tpu.vector_store %arg10[%swap3A_1083, %swap3A_1084], %swap3A_1087 {strides = array<i32>} : memref<128x128xf32, #tpu.memory_space<vmem>>, vector<1x16xf32>,
      %swap3A_1088 = arith.constant 38 : i32
      %swap3A_1089 = arith.index_cast %swap3A_1088 : i32 to index
      %swap3A_1090 = arith.constant 64 : index
      %swap3A_1091 = tpu.vector_load %arg10[%swap3A_1089, %swap3A_1090] {strides = array<i32>} : memref<128x128xf32, #tpu.memory_space<vmem>>, vector<1x16xf32>,
      %swap3A_1092 = vector.shape_cast %swap3A_1091 : vector<1x16xf32> to vector<16xf32>
      %swap3A_1093 = vector.shape_cast %select_n3A : vector<16xf32> to vector<1x16xf32>
      tpu.vector_store %arg10[%swap3A_1089, %swap3A_1090], %swap3A_1093 {strides = array<i32>} : memref<128x128xf32, #tpu.memory_space<vmem>>, vector<1x16xf32>,
      %swap3A_1094 = arith.constant 39 : i32
      %swap3A_1095 = arith.index_cast %swap3A_1094 : i32 to index
      %swap3A_1096 = arith.constant 64 : index
      %swap3A_1097 = tpu.vector_load %arg10[%swap3A_1095, %swap3A_1096] {strides = array<i32>} : memref<128x128xf32, #tpu.memory_space<vmem>>, vector<1x16xf32>,
      %swap3A_1098 = vector.shape_cast %swap3A_1097 : vector<1x16xf32> to vector<16xf32>
      %swap3A_1099 = vector.shape_cast %select_n3A : vector<16xf32> to vector<1x16xf32>
      tpu.vector_store %arg10[%swap3A_1095, %swap3A_1096], %swap3A_1099 {strides = array<i32>} : memref<128x128xf32, #tpu.memory_space<vmem>>, vector<1x16xf32>,
      %swap3A_1100 = arith.constant 40 : i32
      %swap3A_1101 = arith.index_cast %swap3A_1100 : i32 to index
      %swap3A_1102 = arith.constant 64 : index
      %swap3A_1103 = tpu.vector_load %arg10[%swap3A_1101, %swap3A_1102] {strides = array<i32>} : memref<128x128xf32, #tpu.memory_space<vmem>>, vector<1x16xf32>,
      %swap3A_1104 = vector.shape_cast %swap3A_1103 : vector<1x16xf32> to vector<16xf32>
      %swap3A_1105 = vector.shape_cast %select_n3A : vector<16xf32> to vector<1x16xf32>
      tpu.vector_store %arg10[%swap3A_1101, %swap3A_1102], %swap3A_1105 {strides = array<i32>} : memref<128x128xf32, #tpu.memory_space<vmem>>, vector<1x16xf32>,
      %swap3A_1106 = arith.constant 41 : i32
      %swap3A_1107 = arith.index_cast %swap3A_1106 : i32 to index
      %swap3A_1108 = arith.constant 64 : index
      %swap3A_1109 = tpu.vector_load %arg10[%swap3A_1107, %swap3A_1108] {strides = array<i32>} : memref<128x128xf32, #tpu.memory_space<vmem>>, vector<1x16xf32>,
      %swap3A_1110 = vector.shape_cast %swap3A_1109 : vector<1x16xf32> to vector<16xf32>
      %swap3A_1111 = vector.shape_cast %select_n3A : vector<16xf32> to vector<1x16xf32>
      tpu.vector_store %arg10[%swap3A_1107, %swap3A_1108], %swap3A_1111 {strides = array<i32>} : memref<128x128xf32, #tpu.memory_space<vmem>>, vector<1x16xf32>,
      %swap3A_1112 = arith.constant 42 : i32
      %swap3A_1113 = arith.index_cast %swap3A_1112 : i32 to index
      %swap3A_1114 = arith.constant 64 : index
      %swap3A_1115 = tpu.vector_load %arg10[%swap3A_1113, %swap3A_1114] {strides = array<i32>} : memref<128x128xf32, #tpu.memory_space<vmem>>, vector<1x16xf32>,
      %swap3A_1116 = vector.shape_cast %swap3A_1115 : vector<1x16xf32> to vector<16xf32>
      %swap3A_1117 = vector.shape_cast %select_n3A : vector<16xf32> to vector<1x16xf32>
      tpu.vector_store %arg10[%swap3A_1113, %swap3A_1114], %swap3A_1117 {strides = array<i32>} : memref<128x128xf32, #tpu.memory_space<vmem>>, vector<1x16xf32>,
      %swap3A_1118 = arith.constant 43 : i32
      %swap3A_1119 = arith.index_cast %swap3A_1118 : i32 to index
      %swap3A_1120 = arith.constant 64 : index
      %swap3A_1121 = tpu.vector_load %arg10[%swap3A_1119, %swap3A_1120] {strides = array<i32>} : memref<128x128xf32, #tpu.memory_space<vmem>>, vector<1x16xf32>,
      %swap3A_1122 = vector.shape_cast %swap3A_1121 : vector<1x16xf32> to vector<16xf32>
      %swap3A_1123 = vector.shape_cast %select_n3A : vector<16xf32> to vector<1x16xf32>
      tpu.vector_store %arg10[%swap3A_1119, %swap3A_1120], %swap3A_1123 {strides = array<i32>} : memref<128x128xf32, #tpu.memory_space<vmem>>, vector<1x16xf32>,
      %swap3A_1124 = arith.constant 44 : i32
      %swap3A_1125 = arith.index_cast %swap3A_1124 : i32 to index
      %swap3A_1126 = arith.constant 64 : index
      %swap3A_1127 = tpu.vector_load %arg10[%swap3A_1125, %swap3A_1126] {strides = array<i32>} : memref<128x128xf32, #tpu.memory_space<vmem>>, vector<1x16xf32>,
      %swap3A_1128 = vector.shape_cast %swap3A_1127 : vector<1x16xf32> to vector<16xf32>
      %swap3A_1129 = vector.shape_cast %select_n3A : vector<16xf32> to vector<1x16xf32>
      tpu.vector_store %arg10[%swap3A_1125, %swap3A_1126], %swap3A_1129 {strides = array<i32>} : memref<128x128xf32, #tpu.memory_space<vmem>>, vector<1x16xf32>,
      %swap3A_1130 = arith.constant 45 : i32
      %swap3A_1131 = arith.index_cast %swap3A_1130 : i32 to index
      %swap3A_1132 = arith.constant 64 : index
      %swap3A_1133 = tpu.vector_load %arg10[%swap3A_1131, %swap3A_1132] {strides = array<i32>} : memref<128x128xf32, #tpu.memory_space<vmem>>, vector<1x16xf32>,
      %swap3A_1134 = vector.shape_cast %swap3A_1133 : vector<1x16xf32> to vector<16xf32>
      %swap3A_1135 = vector.shape_cast %select_n3A : vector<16xf32> to vector<1x16xf32>
      tpu.vector_store %arg10[%swap3A_1131, %swap3A_1132], %swap3A_1135 {strides = array<i32>} : memref<128x128xf32, #tpu.memory_space<vmem>>, vector<1x16xf32>,
      %swap3A_1136 = arith.constant 46 : i32
      %swap3A_1137 = arith.index_cast %swap3A_1136 : i32 to index
      %swap3A_1138 = arith.constant 64 : index
      %swap3A_1139 = tpu.vector_load %arg10[%swap3A_1137, %swap3A_1138] {strides = array<i32>} : memref<128x128xf32, #tpu.memory_space<vmem>>, vector<1x16xf32>,
      %swap3A_1140 = vector.shape_cast %swap3A_1139 : vector<1x16xf32> to vector<16xf32>
      %swap3A_1141 = vector.shape_cast %select_n3A : vector<16xf32> to vector<1x16xf32>
      tpu.vector_store %arg10[%swap3A_1137, %swap3A_1138], %swap3A_1141 {strides = array<i32>} : memref<128x128xf32, #tpu.memory_space<vmem>>, vector<1x16xf32>,
      %swap3A_1142 = arith.constant 47 : i32
      %swap3A_1143 = arith.index_cast %swap3A_1142 : i32 to index
      %swap3A_1144 = arith.constant 64 : index
      %swap3A_1145 = tpu.vector_load %arg10[%swap3A_1143, %swap3A_1144] {strides = array<i32>} : memref<128x128xf32, #tpu.memory_space<vmem>>, vector<1x16xf32>,
      %swap3A_1146 = vector.shape_cast %swap3A_1145 : vector<1x16xf32> to vector<16xf32>
      %swap3A_1147 = vector.shape_cast %select_n3A : vector<16xf32> to vector<1x16xf32>
      tpu.vector_store %arg10[%swap3A_1143, %swap3A_1144], %swap3A_1147 {strides = array<i32>} : memref<128x128xf32, #tpu.memory_space<vmem>>, vector<1x16xf32>,
      %swap3A_1148 = arith.constant 48 : i32
      %swap3A_1149 = arith.index_cast %swap3A_1148 : i32 to index
      %swap3A_1150 = arith.constant 64 : index
      %swap3A_1151 = tpu.vector_load %arg10[%swap3A_1149, %swap3A_1150] {strides = array<i32>} : memref<128x128xf32, #tpu.memory_space<vmem>>, vector<1x16xf32>,
      %swap3A_1152 = vector.shape_cast %swap3A_1151 : vector<1x16xf32> to vector<16xf32>
      %swap3A_1153 = vector.shape_cast %select_n3A : vector<16xf32> to vector<1x16xf32>
      tpu.vector_store %arg10[%swap3A_1149, %swap3A_1150], %swap3A_1153 {strides = array<i32>} : memref<128x128xf32, #tpu.memory_space<vmem>>, vector<1x16xf32>,
      %swap3A_1154 = arith.constant 49 : i32
      %swap3A_1155 = arith.index_cast %swap3A_1154 : i32 to index
      %swap3A_1156 = arith.constant 64 : index
      %swap3A_1157 = tpu.vector_load %arg10[%swap3A_1155, %swap3A_1156] {strides = array<i32>} : memref<128x128xf32, #tpu.memory_space<vmem>>, vector<1x16xf32>,
      %swap3A_1158 = vector.shape_cast %swap3A_1157 : vector<1x16xf32> to vector<16xf32>
      %swap3A_1159 = vector.shape_cast %select_n3A : vector<16xf32> to vector<1x16xf32>
      tpu.vector_store %arg10[%swap3A_1155, %swap3A_1156], %swap3A_1159 {strides = array<i32>} : memref<128x128xf32, #tpu.memory_space<vmem>>, vector<1x16xf32>,
      %swap3A_1160 = arith.constant 50 : i32
      %swap3A_1161 = arith.index_cast %swap3A_1160 : i32 to index
      %swap3A_1162 = arith.constant 64 : index
      %swap3A_1163 = tpu.vector_load %arg10[%swap3A_1161, %swap3A_1162] {strides = array<i32>} : memref<128x128xf32, #tpu.memory_space<vmem>>, vector<1x16xf32>,
      %swap3A_1164 = vector.shape_cast %swap3A_1163 : vector<1x16xf32> to vector<16xf32>
      %swap3A_1165 = vector.shape_cast %select_n3A : vector<16xf32> to vector<1x16xf32>
      tpu.vector_store %arg10[%swap3A_1161, %swap3A_1162], %swap3A_1165 {strides = array<i32>} : memref<128x128xf32, #tpu.memory_space<vmem>>, vector<1x16xf32>,
      %swap3A_1166 = arith.constant 51 : i32
      %swap3A_1167 = arith.index_cast %swap3A_1166 : i32 to index
      %swap3A_1168 = arith.constant 64 : index
      %swap3A_1169 = tpu.vector_load %arg10[%swap3A_1167, %swap3A_1168] {strides = array<i32>} : memref<128x128xf32, #tpu.memory_space<vmem>>, vector<1x16xf32>,
      %swap3A_1170 = vector.shape_cast %swap3A_1169 : vector<1x16xf32> to vector<16xf32>
      %swap3A_1171 = vector.shape_cast %select_n3A : vector<16xf32> to vector<1x16xf32>
      tpu.vector_store %arg10[%swap3A_1167, %swap3A_1168], %swap3A_1171 {strides = array<i32>} : memref<128x128xf32, #tpu.memory_space<vmem>>, vector<1x16xf32>,
      %swap3A_1172 = arith.constant 52 : i32
      %swap3A_1173 = arith.index_cast %swap3A_1172 : i32 to index
      %swap3A_1174 = arith.constant 64 : index
      %swap3A_1175 = tpu.vector_load %arg10[%swap3A_1173, %swap3A_1174] {strides = array<i32>} : memref<128x128xf32, #tpu.memory_space<vmem>>, vector<1x16xf32>,
      %swap3A_1176 = vector.shape_cast %swap3A_1175 : vector<1x16xf32> to vector<16xf32>
      %swap3A_1177 = vector.shape_cast %select_n3A : vector<16xf32> to vector<1x16xf32>
      tpu.vector_store %arg10[%swap3A_1173, %swap3A_1174], %swap3A_1177 {strides = array<i32>} : memref<128x128xf32, #tpu.memory_space<vmem>>, vector<1x16xf32>,
      %swap3A_1178 = arith.constant 53 : i32
      %swap3A_1179 = arith.index_cast %swap3A_1178 : i32 to index
      %swap3A_1180 = arith.constant 64 : index
      %swap3A_1181 = tpu.vector_load %arg10[%swap3A_1179, %swap3A_1180] {strides = array<i32>} : memref<128x128xf32, #tpu.memory_space<vmem>>, vector<1x16xf32>,
      %swap3A_1182 = vector.shape_cast %swap3A_1181 : vector<1x16xf32> to vector<16xf32>
      %swap3A_1183 = vector.shape_cast %select_n3A : vector<16xf32> to vector<1x16xf32>
      tpu.vector_store %arg10[%swap3A_1179, %swap3A_1180], %swap3A_1183 {strides = array<i32>} : memref<128x128xf32, #tpu.memory_space<vmem>>, vector<1x16xf32>,
      %swap3A_1184 = arith.constant 54 : i32
      %swap3A_1185 = arith.index_cast %swap3A_1184 : i32 to index
      %swap3A_1186 = arith.constant 64 : index
      %swap3A_1187 = tpu.vector_load %arg10[%swap3A_1185, %swap3A_1186] {strides = array<i32>} : memref<128x128xf32, #tpu.memory_space<vmem>>, vector<1x16xf32>,
      %swap3A_1188 = vector.shape_cast %swap3A_1187 : vector<1x16xf32> to vector<16xf32>
      %swap3A_1189 = vector.shape_cast %select_n3A : vector<16xf32> to vector<1x16xf32>
      tpu.vector_store %arg10[%swap3A_1185, %swap3A_1186], %swap3A_1189 {strides = array<i32>} : memref<128x128xf32, #tpu.memory_space<vmem>>, vector<1x16xf32>,
      %swap3A_1190 = arith.constant 55 : i32
      %swap3A_1191 = arith.index_cast %swap3A_1190 : i32 to index
      %swap3A_1192 = arith.constant 64 : index
      %swap3A_1193 = tpu.vector_load %arg10[%swap3A_1191, %swap3A_1192] {strides = array<i32>} : memref<128x128xf32, #tpu.memory_space<vmem>>, vector<1x16xf32>,
      %swap3A_1194 = vector.shape_cast %swap3A_1193 : vector<1x16xf32> to vector<16xf32>
      %swap3A_1195 = vector.shape_cast %select_n3A : vector<16xf32> to vector<1x16xf32>
      tpu.vector_store %arg10[%swap3A_1191, %swap3A_1192], %swap3A_1195 {strides = array<i32>} : memref<128x128xf32, #tpu.memory_space<vmem>>, vector<1x16xf32>,
      %swap3A_1196 = arith.constant 56 : i32
      %swap3A_1197 = arith.index_cast %swap3A_1196 : i32 to index
      %swap3A_1198 = arith.constant 64 : index
      %swap3A_1199 = tpu.vector_load %arg10[%swap3A_1197, %swap3A_1198] {strides = array<i32>} : memref<128x128xf32, #tpu.memory_space<vmem>>, vector<1x16xf32>,
      %swap3A_1200 = vector.shape_cast %swap3A_1199 : vector<1x16xf32> to vector<16xf32>
      %swap3A_1201 = vector.shape_cast %select_n3A : vector<16xf32> to vector<1x16xf32>
      tpu.vector_store %arg10[%swap3A_1197, %swap3A_1198], %swap3A_1201 {strides = array<i32>} : memref<128x128xf32, #tpu.memory_space<vmem>>, vector<1x16xf32>,
      %swap3A_1202 = arith.constant 57 : i32
      %swap3A_1203 = arith.index_cast %swap3A_1202 : i32 to index
      %swap3A_1204 = arith.constant 64 : index
      %swap3A_1205 = tpu.vector_load %arg10[%swap3A_1203, %swap3A_1204] {strides = array<i32>} : memref<128x128xf32, #tpu.memory_space<vmem>>, vector<1x16xf32>,
      %swap3A_1206 = vector.shape_cast %swap3A_1205 : vector<1x16xf32> to vector<16xf32>
      %swap3A_1207 = vector.shape_cast %select_n3A : vector<16xf32> to vector<1x16xf32>
      tpu.vector_store %arg10[%swap3A_1203, %swap3A_1204], %swap3A_1207 {strides = array<i32>} : memref<128x128xf32, #tpu.memory_space<vmem>>, vector<1x16xf32>,
      %swap3A_1208 = arith.constant 58 : i32
      %swap3A_1209 = arith.index_cast %swap3A_1208 : i32 to index
      %swap3A_1210 = arith.constant 64 : index
      %swap3A_1211 = tpu.vector_load %arg10[%swap3A_1209, %swap3A_1210] {strides = array<i32>} : memref<128x128xf32, #tpu.memory_space<vmem>>, vector<1x16xf32>,
      %swap3A_1212 = vector.shape_cast %swap3A_1211 : vector<1x16xf32> to vector<16xf32>
      %swap3A_1213 = vector.shape_cast %select_n3A : vector<16xf32> to vector<1x16xf32>
      tpu.vector_store %arg10[%swap3A_1209, %swap3A_1210], %swap3A_1213 {strides = array<i32>} : memref<128x128xf32, #tpu.memory_space<vmem>>, vector<1x16xf32>,
      %swap3A_1214 = arith.constant 59 : i32
      %swap3A_1215 = arith.index_cast %swap3A_1214 : i32 to index
      %swap3A_1216 = arith.constant 64 : index
      %swap3A_1217 = tpu.vector_load %arg10[%swap3A_1215, %swap3A_1216] {strides = array<i32>} : memref<128x128xf32, #tpu.memory_space<vmem>>, vector<1x16xf32>,
      %swap3A_1218 = vector.shape_cast %swap3A_1217 : vector<1x16xf32> to vector<16xf32>
      %swap3A_1219 = vector.shape_cast %select_n3A : vector<16xf32> to vector<1x16xf32>
      tpu.vector_store %arg10[%swap3A_1215, %swap3A_1216], %swap3A_1219 {strides = array<i32>} : memref<128x128xf32, #tpu.memory_space<vmem>>, vector<1x16xf32>,
      %swap3A_1220 = arith.constant 60 : i32
      %swap3A_1221 = arith.index_cast %swap3A_1220 : i32 to index
      %swap3A_1222 = arith.constant 64 : index
      %swap3A_1223 = tpu.vector_load %arg10[%swap3A_1221, %swap3A_1222] {strides = array<i32>} : memref<128x128xf32, #tpu.memory_space<vmem>>, vector<1x16xf32>,
      %swap3A_1224 = vector.shape_cast %swap3A_1223 : vector<1x16xf32> to vector<16xf32>
      %swap3A_1225 = vector.shape_cast %select_n3A : vector<16xf32> to vector<1x16xf32>
      tpu.vector_store %arg10[%swap3A_1221, %swap3A_1222], %swap3A_1225 {strides = array<i32>} : memref<128x128xf32, #tpu.memory_space<vmem>>, vector<1x16xf32>,
      %swap3A_1226 = arith.constant 61 : i32
      %swap3A_1227 = arith.index_cast %swap3A_1226 : i32 to index
      %swap3A_1228 = arith.constant 64 : index
      %swap3A_1229 = tpu.vector_load %arg10[%swap3A_1227, %swap3A_1228] {strides = array<i32>} : memref<128x128xf32, #tpu.memory_space<vmem>>, vector<1x16xf32>,
      %swap3A_1230 = vector.shape_cast %swap3A_1229 : vector<1x16xf32> to vector<16xf32>
      %swap3A_1231 = vector.shape_cast %select_n3A : vector<16xf32> to vector<1x16xf32>
      tpu.vector_store %arg10[%swap3A_1227, %swap3A_1228], %swap3A_1231 {strides = array<i32>} : memref<128x128xf32, #tpu.memory_space<vmem>>, vector<1x16xf32>,
      %swap3A_1232 = arith.constant 62 : i32
      %swap3A_1233 = arith.index_cast %swap3A_1232 : i32 to index
      %swap3A_1234 = arith.constant 64 : index
      %swap3A_1235 = tpu.vector_load %arg10[%swap3A_1233, %swap3A_1234] {strides = array<i32>} : memref<128x128xf32, #tpu.memory_space<vmem>>, vector<1x16xf32>,
      %swap3A_1236 = vector.shape_cast %swap3A_1235 : vector<1x16xf32> to vector<16xf32>
      %swap3A_1237 = vector.shape_cast %select_n3A : vector<16xf32> to vector<1x16xf32>
      tpu.vector_store %arg10[%swap3A_1233, %swap3A_1234], %swap3A_1237 {strides = array<i32>} : memref<128x128xf32, #tpu.memory_space<vmem>>, vector<1x16xf32>,
      %swap3A_1238 = arith.constant 63 : i32
      %swap3A_1239 = arith.index_cast %swap3A_1238 : i32 to index
      %swap3A_1240 = arith.constant 64 : index
      %swap3A_1241 = tpu.vector_load %arg10[%swap3A_1239, %swap3A_1240] {strides = array<i32>} : memref<128x128xf32, #tpu.memory_space<vmem>>, vector<1x16xf32>,
      %swap3A_1242 = vector.shape_cast %swap3A_1241 : vector<1x16xf32> to vector<16xf32>
      %swap3A_1243 = vector.shape_cast %select_n3A : vector<16xf32> to vector<1x16xf32>
      tpu.vector_store %arg10[%swap3A_1239, %swap3A_1240], %swap3A_1243 {strides = array<i32>} : memref<128x128xf32, #tpu.memory_space<vmem>>, vector<1x16xf32>,
      %swap3A_1244 = arith.constant 64 : i32
      %swap3A_1245 = arith.index_cast %swap3A_1244 : i32 to index
      %swap3A_1246 = arith.constant 64 : index
      %swap3A_1247 = tpu.vector_load %arg10[%swap3A_1245, %swap3A_1246] {strides = array<i32>} : memref<128x128xf32, #tpu.memory_space<vmem>>, vector<1x16xf32>,
      %swap3A_1248 = vector.shape_cast %swap3A_1247 : vector<1x16xf32> to vector<16xf32>
      %swap3A_1249 = vector.shape_cast %select_n3A : vector<16xf32> to vector<1x16xf32>
      tpu.vector_store %arg10[%swap3A_1245, %swap3A_1246], %swap3A_1249 {strides = array<i32>} : memref<128x128xf32, #tpu.memory_space<vmem>>, vector<1x16xf32>,
      %swap3A_1250 = arith.constant 65 : i32
      %swap3A_1251 = arith.index_cast %swap3A_1250 : i32 to index
      %swap3A_1252 = arith.constant 64 : index
      %swap3A_1253 = tpu.vector_load %arg10[%swap3A_1251, %swap3A_1252] {strides = array<i32>} : memref<128x128xf32, #tpu.memory_space<vmem>>, vector<1x16xf32>,
      %swap3A_1254 = vector.shape_cast %swap3A_1253 : vector<1x16xf32> to vector<16xf32>
      %swap3A_1255 = vector.shape_cast %select_n3A : vector<16xf32> to vector<1x16xf32>
      tpu.vector_store %arg10[%swap3A_1251, %swap3A_1252], %swap3A_1255 {strides = array<i32>} : memref<128x128xf32, #tpu.memory_space<vmem>>, vector<1x16xf32>,
      %swap3A_1256 = arith.constant 66 : i32
      %swap3A_1257 = arith.index_cast %swap3A_1256 : i32 to index
      %swap3A_1258 = arith.constant 64 : index
      %swap3A_1259 = tpu.vector_load %arg10[%swap3A_1257, %swap3A_1258] {strides = array<i32>} : memref<128x128xf32, #tpu.memory_space<vmem>>, vector<1x16xf32>,
      %swap3A_1260 = vector.shape_cast %swap3A_1259 : vector<1x16xf32> to vector<16xf32>
      %swap3A_1261 = vector.shape_cast %select_n3A : vector<16xf32> to vector<1x16xf32>
      tpu.vector_store %arg10[%swap3A_1257, %swap3A_1258], %swap3A_1261 {strides = array<i32>} : memref<128x128xf32, #tpu.memory_space<vmem>>, vector<1x16xf32>,
      %swap3A_1262 = arith.constant 67 : i32
      %swap3A_1263 = arith.index_cast %swap3A_1262 : i32 to index
      %swap3A_1264 = arith.constant 64 : index
      %swap3A_1265 = tpu.vector_load %arg10[%swap3A_1263, %swap3A_1264] {strides = array<i32>} : memref<128x128xf32, #tpu.memory_space<vmem>>, vector<1x16xf32>,
      %swap3A_1266 = vector.shape_cast %swap3A_1265 : vector<1x16xf32> to vector<16xf32>
      %swap3A_1267 = vector.shape_cast %select_n3A : vector<16xf32> to vector<1x16xf32>
      tpu.vector_store %arg10[%swap3A_1263, %swap3A_1264], %swap3A_1267 {strides = array<i32>} : memref<128x128xf32, #tpu.memory_space<vmem>>, vector<1x16xf32>,
      %swap3A_1268 = arith.constant 68 : i32
      %swap3A_1269 = arith.index_cast %swap3A_1268 : i32 to index
      %swap3A_1270 = arith.constant 64 : index
      %swap3A_1271 = tpu.vector_load %arg10[%swap3A_1269, %swap3A_1270] {strides = array<i32>} : memref<128x128xf32, #tpu.memory_space<vmem>>, vector<1x16xf32>,
      %swap3A_1272 = vector.shape_cast %swap3A_1271 : vector<1x16xf32> to vector<16xf32>
      %swap3A_1273 = vector.shape_cast %select_n3A : vector<16xf32> to vector<1x16xf32>
      tpu.vector_store %arg10[%swap3A_1269, %swap3A_1270], %swap3A_1273 {strides = array<i32>} : memref<128x128xf32, #tpu.memory_space<vmem>>, vector<1x16xf32>,
      %swap3A_1274 = arith.constant 69 : i32
      %swap3A_1275 = arith.index_cast %swap3A_1274 : i32 to index
      %swap3A_1276 = arith.constant 64 : index
      %swap3A_1277 = tpu.vector_load %arg10[%swap3A_1275, %swap3A_1276] {strides = array<i32>} : memref<128x128xf32, #tpu.memory_space<vmem>>, vector<1x16xf32>,
      %swap3A_1278 = vector.shape_cast %swap3A_1277 : vector<1x16xf32> to vector<16xf32>
      %swap3A_1279 = vector.shape_cast %select_n3A : vector<16xf32> to vector<1x16xf32>
      tpu.vector_store %arg10[%swap3A_1275, %swap3A_1276], %swap3A_1279 {strides = array<i32>} : memref<128x128xf32, #tpu.memory_space<vmem>>, vector<1x16xf32>,
      %swap3A_1280 = arith.constant 70 : i32
      %swap3A_1281 = arith.index_cast %swap3A_1280 : i32 to index
      %swap3A_1282 = arith.constant 64 : index
      %swap3A_1283 = tpu.vector_load %arg10[%swap3A_1281, %swap3A_1282] {strides = array<i32>} : memref<128x128xf32, #tpu.memory_space<vmem>>, vector<1x16xf32>,
      %swap3A_1284 = vector.shape_cast %swap3A_1283 : vector<1x16xf32> to vector<16xf32>
      %swap3A_1285 = vector.shape_cast %select_n3A : vector<16xf32> to vector<1x16xf32>
      tpu.vector_store %arg10[%swap3A_1281, %swap3A_1282], %swap3A_1285 {strides = array<i32>} : memref<128x128xf32, #tpu.memory_space<vmem>>, vector<1x16xf32>,
      %swap3A_1286 = arith.constant 71 : i32
      %swap3A_1287 = arith.index_cast %swap3A_1286 : i32 to index
      %swap3A_1288 = arith.constant 64 : index
      %swap3A_1289 = tpu.vector_load %arg10[%swap3A_1287, %swap3A_1288] {strides = array<i32>} : memref<128x128xf32, #tpu.memory_space<vmem>>, vector<1x16xf32>,
      %swap3A_1290 = vector.shape_cast %swap3A_1289 : vector<1x16xf32> to vector<16xf32>
      %swap3A_1291 = vector.shape_cast %select_n3A : vector<16xf32> to vector<1x16xf32>
      tpu.vector_store %arg10[%swap3A_1287, %swap3A_1288], %swap3A_1291 {strides = array<i32>} : memref<128x128xf32, #tpu.memory_space<vmem>>, vector<1x16xf32>,
      %swap3A_1292 = arith.constant 72 : i32
      %swap3A_1293 = arith.index_cast %swap3A_1292 : i32 to index
      %swap3A_1294 = arith.constant 64 : index
      %swap3A_1295 = tpu.vector_load %arg10[%swap3A_1293, %swap3A_1294] {strides = array<i32>} : memref<128x128xf32, #tpu.memory_space<vmem>>, vector<1x16xf32>,
      %swap3A_1296 = vector.shape_cast %swap3A_1295 : vector<1x16xf32> to vector<16xf32>
      %swap3A_1297 = vector.shape_cast %select_n3A : vector<16xf32> to vector<1x16xf32>
      tpu.vector_store %arg10[%swap3A_1293, %swap3A_1294], %swap3A_1297 {strides = array<i32>} : memref<128x128xf32, #tpu.memory_space<vmem>>, vector<1x16xf32>,
      %swap3A_1298 = arith.constant 73 : i32
      %swap3A_1299 = arith.index_cast %swap3A_1298 : i32 to index
      %swap3A_1300 = arith.constant 64 : index
      %swap3A_1301 = tpu.vector_load %arg10[%swap3A_1299, %swap3A_1300] {strides = array<i32>} : memref<128x128xf32, #tpu.memory_space<vmem>>, vector<1x16xf32>,
      %swap3A_1302 = vector.shape_cast %swap3A_1301 : vector<1x16xf32> to vector<16xf32>
      %swap3A_1303 = vector.shape_cast %select_n3A : vector<16xf32> to vector<1x16xf32>
      tpu.vector_store %arg10[%swap3A_1299, %swap3A_1300], %swap3A_1303 {strides = array<i32>} : memref<128x128xf32, #tpu.memory_space<vmem>>, vector<1x16xf32>,
      %swap3A_1304 = arith.constant 74 : i32
      %swap3A_1305 = arith.index_cast %swap3A_1304 : i32 to index
      %swap3A_1306 = arith.constant 64 : index
      %swap3A_1307 = tpu.vector_load %arg10[%swap3A_1305, %swap3A_1306] {strides = array<i32>} : memref<128x128xf32, #tpu.memory_space<vmem>>, vector<1x16xf32>,
      %swap3A_1308 = vector.shape_cast %swap3A_1307 : vector<1x16xf32> to vector<16xf32>
      %swap3A_1309 = vector.shape_cast %select_n3A : vector<16xf32> to vector<1x16xf32>
      tpu.vector_store %arg10[%swap3A_1305, %swap3A_1306], %swap3A_1309 {strides = array<i32>} : memref<128x128xf32, #tpu.memory_space<vmem>>, vector<1x16xf32>,
      %swap3A_1310 = arith.constant 75 : i32
      %swap3A_1311 = arith.index_cast %swap3A_1310 : i32 to index
      %swap3A_1312 = arith.constant 64 : index
      %swap3A_1313 = tpu.vector_load %arg10[%swap3A_1311, %swap3A_1312] {strides = array<i32>} : memref<128x128xf32, #tpu.memory_space<vmem>>, vector<1x16xf32>,
      %swap3A_1314 = vector.shape_cast %swap3A_1313 : vector<1x16xf32> to vector<16xf32>
      %swap3A_1315 = vector.shape_cast %select_n3A : vector<16xf32> to vector<1x16xf32>
      tpu.vector_store %arg10[%swap3A_1311, %swap3A_1312], %swap3A_1315 {strides = array<i32>} : memref<128x128xf32, #tpu.memory_space<vmem>>, vector<1x16xf32>,
      %swap3A_1316 = arith.constant 76 : i32
      %swap3A_1317 = arith.index_cast %swap3A_1316 : i32 to index
      %swap3A_1318 = arith.constant 64 : index
      %swap3A_1319 = tpu.vector_load %arg10[%swap3A_1317, %swap3A_1318] {strides = array<i32>} : memref<128x128xf32, #tpu.memory_space<vmem>>, vector<1x16xf32>,
      %swap3A_1320 = vector.shape_cast %swap3A_1319 : vector<1x16xf32> to vector<16xf32>
      %swap3A_1321 = vector.shape_cast %select_n3A : vector<16xf32> to vector<1x16xf32>
      tpu.vector_store %arg10[%swap3A_1317, %swap3A_1318], %swap3A_1321 {strides = array<i32>} : memref<128x128xf32, #tpu.memory_space<vmem>>, vector<1x16xf32>,
      %swap3A_1322 = arith.constant 77 : i32
      %swap3A_1323 = arith.index_cast %swap3A_1322 : i32 to index
      %swap3A_1324 = arith.constant 64 : index
      %swap3A_1325 = tpu.vector_load %arg10[%swap3A_1323, %swap3A_1324] {strides = array<i32>} : memref<128x128xf32, #tpu.memory_space<vmem>>, vector<1x16xf32>,
      %swap3A_1326 = vector.shape_cast %swap3A_1325 : vector<1x16xf32> to vector<16xf32>
      %swap3A_1327 = vector.shape_cast %select_n3A : vector<16xf32> to vector<1x16xf32>
      tpu.vector_store %arg10[%swap3A_1323, %swap3A_1324], %swap3A_1327 {strides = array<i32>} : memref<128x128xf32, #tpu.memory_space<vmem>>, vector<1x16xf32>,
      %swap3A_1328 = arith.constant 78 : i32
      %swap3A_1329 = arith.index_cast %swap3A_1328 : i32 to index
      %swap3A_1330 = arith.constant 64 : index
      %swap3A_1331 = tpu.vector_load %arg10[%swap3A_1329, %swap3A_1330] {strides = array<i32>} : memref<128x128xf32, #tpu.memory_space<vmem>>, vector<1x16xf32>,
      %swap3A_1332 = vector.shape_cast %swap3A_1331 : vector<1x16xf32> to vector<16xf32>
      %swap3A_1333 = vector.shape_cast %select_n3A : vector<16xf32> to vector<1x16xf32>
      tpu.vector_store %arg10[%swap3A_1329, %swap3A_1330], %swap3A_1333 {strides = array<i32>} : memref<128x128xf32, #tpu.memory_space<vmem>>, vector<1x16xf32>,
      %swap3A_1334 = arith.constant 79 : i32
      %swap3A_1335 = arith.index_cast %swap3A_1334 : i32 to index
      %swap3A_1336 = arith.constant 64 : index
      %swap3A_1337 = tpu.vector_load %arg10[%swap3A_1335, %swap3A_1336] {strides = array<i32>} : memref<128x128xf32, #tpu.memory_space<vmem>>, vector<1x16xf32>,
      %swap3A_1338 = vector.shape_cast %swap3A_1337 : vector<1x16xf32> to vector<16xf32>
      %swap3A_1339 = vector.shape_cast %select_n3A : vector<16xf32> to vector<1x16xf32>
      tpu.vector_store %arg10[%swap3A_1335, %swap3A_1336], %swap3A_1339 {strides = array<i32>} : memref<128x128xf32, #tpu.memory_space<vmem>>, vector<1x16xf32>,
      %swap3A_1340 = arith.constant 80 : i32
      %swap3A_1341 = arith.index_cast %swap3A_1340 : i32 to index
      %swap3A_1342 = arith.constant 64 : index
      %swap3A_1343 = tpu.vector_load %arg10[%swap3A_1341, %swap3A_1342] {strides = array<i32>} : memref<128x128xf32, #tpu.memory_space<vmem>>, vector<1x16xf32>,
      %swap3A_1344 = vector.shape_cast %swap3A_1343 : vector<1x16xf32> to vector<16xf32>
      %swap3A_1345 = vector.shape_cast %select_n3A : vector<16xf32> to vector<1x16xf32>
      tpu.vector_store %arg10[%swap3A_1341, %swap3A_1342], %swap3A_1345 {strides = array<i32>} : memref<128x128xf32, #tpu.memory_space<vmem>>, vector<1x16xf32>,
      %swap3A_1346 = arith.constant 81 : i32
      %swap3A_1347 = arith.index_cast %swap3A_1346 : i32 to index
      %swap3A_1348 = arith.constant 64 : index
      %swap3A_1349 = tpu.vector_load %arg10[%swap3A_1347, %swap3A_1348] {strides = array<i32>} : memref<128x128xf32, #tpu.memory_space<vmem>>, vector<1x16xf32>,
      %swap3A_1350 = vector.shape_cast %swap3A_1349 : vector<1x16xf32> to vector<16xf32>
      %swap3A_1351 = vector.shape_cast %select_n3A : vector<16xf32> to vector<1x16xf32>
      tpu.vector_store %arg10[%swap3A_1347, %swap3A_1348], %swap3A_1351 {strides = array<i32>} : memref<128x128xf32, #tpu.memory_space<vmem>>, vector<1x16xf32>,
      %swap3A_1352 = arith.constant 82 : i32
      %swap3A_1353 = arith.index_cast %swap3A_1352 : i32 to index
      %swap3A_1354 = arith.constant 64 : index
      %swap3A_1355 = tpu.vector_load %arg10[%swap3A_1353, %swap3A_1354] {strides = array<i32>} : memref<128x128xf32, #tpu.memory_space<vmem>>, vector<1x16xf32>,
      %swap3A_1356 = vector.shape_cast %swap3A_1355 : vector<1x16xf32> to vector<16xf32>
      %swap3A_1357 = vector.shape_cast %select_n3A : vector<16xf32> to vector<1x16xf32>
      tpu.vector_store %arg10[%swap3A_1353, %swap3A_1354], %swap3A_1357 {strides = array<i32>} : memref<128x128xf32, #tpu.memory_space<vmem>>, vector<1x16xf32>,
      %swap3A_1358 = arith.constant 83 : i32
      %swap3A_1359 = arith.index_cast %swap3A_1358 : i32 to index
      %swap3A_1360 = arith.constant 64 : index
      %swap3A_1361 = tpu.vector_load %arg10[%swap3A_1359, %swap3A_1360] {strides = array<i32>} : memref<128x128xf32, #tpu.memory_space<vmem>>, vector<1x16xf32>,
      %swap3A_1362 = vector.shape_cast %swap3A_1361 : vector<1x16xf32> to vector<16xf32>
      %swap3A_1363 = vector.shape_cast %select_n3A : vector<16xf32> to vector<1x16xf32>
      tpu.vector_store %arg10[%swap3A_1359, %swap3A_1360], %swap3A_1363 {strides = array<i32>} : memref<128x128xf32, #tpu.memory_space<vmem>>, vector<1x16xf32>,
      %swap3A_1364 = arith.constant 84 : i32
      %swap3A_1365 = arith.index_cast %swap3A_1364 : i32 to index
      %swap3A_1366 = arith.constant 64 : index
      %swap3A_1367 = tpu.vector_load %arg10[%swap3A_1365, %swap3A_1366] {strides = array<i32>} : memref<128x128xf32, #tpu.memory_space<vmem>>, vector<1x16xf32>,
      %swap3A_1368 = vector.shape_cast %swap3A_1367 : vector<1x16xf32> to vector<16xf32>
      %swap3A_1369 = vector.shape_cast %select_n3A : vector<16xf32> to vector<1x16xf32>
      tpu.vector_store %arg10[%swap3A_1365, %swap3A_1366], %swap3A_1369 {strides = array<i32>} : memref<128x128xf32, #tpu.memory_space<vmem>>, vector<1x16xf32>,
      %swap3A_1370 = arith.constant 85 : i32
      %swap3A_1371 = arith.index_cast %swap3A_1370 : i32 to index
      %swap3A_1372 = arith.constant 64 : index
      %swap3A_1373 = tpu.vector_load %arg10[%swap3A_1371, %swap3A_1372] {strides = array<i32>} : memref<128x128xf32, #tpu.memory_space<vmem>>, vector<1x16xf32>,
      %swap3A_1374 = vector.shape_cast %swap3A_1373 : vector<1x16xf32> to vector<16xf32>
      %swap3A_1375 = vector.shape_cast %select_n3A : vector<16xf32> to vector<1x16xf32>
      tpu.vector_store %arg10[%swap3A_1371, %swap3A_1372], %swap3A_1375 {strides = array<i32>} : memref<128x128xf32, #tpu.memory_space<vmem>>, vector<1x16xf32>,
      %swap3A_1376 = arith.constant 86 : i32
      %swap3A_1377 = arith.index_cast %swap3A_1376 : i32 to index
      %swap3A_1378 = arith.constant 64 : index
      %swap3A_1379 = tpu.vector_load %arg10[%swap3A_1377, %swap3A_1378] {strides = array<i32>} : memref<128x128xf32, #tpu.memory_space<vmem>>, vector<1x16xf32>,
      %swap3A_1380 = vector.shape_cast %swap3A_1379 : vector<1x16xf32> to vector<16xf32>
      %swap3A_1381 = vector.shape_cast %select_n3A : vector<16xf32> to vector<1x16xf32>
      tpu.vector_store %arg10[%swap3A_1377, %swap3A_1378], %swap3A_1381 {strides = array<i32>} : memref<128x128xf32, #tpu.memory_space<vmem>>, vector<1x16xf32>,
      %swap3A_1382 = arith.constant 87 : i32
      %swap3A_1383 = arith.index_cast %swap3A_1382 : i32 to index
      %swap3A_1384 = arith.constant 64 : index
      %swap3A_1385 = tpu.vector_load %arg10[%swap3A_1383, %swap3A_1384] {strides = array<i32>} : memref<128x128xf32, #tpu.memory_space<vmem>>, vector<1x16xf32>,
      %swap3A_1386 = vector.shape_cast %swap3A_1385 : vector<1x16xf32> to vector<16xf32>
      %swap3A_1387 = vector.shape_cast %select_n3A : vector<16xf32> to vector<1x16xf32>
      tpu.vector_store %arg10[%swap3A_1383, %swap3A_1384], %swap3A_1387 {strides = array<i32>} : memref<128x128xf32, #tpu.memory_space<vmem>>, vector<1x16xf32>,
      %swap3A_1388 = arith.constant 88 : i32
      %swap3A_1389 = arith.index_cast %swap3A_1388 : i32 to index
      %swap3A_1390 = arith.constant 64 : index
      %swap3A_1391 = tpu.vector_load %arg10[%swap3A_1389, %swap3A_1390] {strides = array<i32>} : memref<128x128xf32, #tpu.memory_space<vmem>>, vector<1x16xf32>,
      %swap3A_1392 = vector.shape_cast %swap3A_1391 : vector<1x16xf32> to vector<16xf32>
      %swap3A_1393 = vector.shape_cast %select_n3A : vector<16xf32> to vector<1x16xf32>
      tpu.vector_store %arg10[%swap3A_1389, %swap3A_1390], %swap3A_1393 {strides = array<i32>} : memref<128x128xf32, #tpu.memory_space<vmem>>, vector<1x16xf32>,
      %swap3A_1394 = arith.constant 89 : i32
      %swap3A_1395 = arith.index_cast %swap3A_1394 : i32 to index
      %swap3A_1396 = arith.constant 64 : index
      %swap3A_1397 = tpu.vector_load %arg10[%swap3A_1395, %swap3A_1396] {strides = array<i32>} : memref<128x128xf32, #tpu.memory_space<vmem>>, vector<1x16xf32>,
      %swap3A_1398 = vector.shape_cast %swap3A_1397 : vector<1x16xf32> to vector<16xf32>
      %swap3A_1399 = vector.shape_cast %select_n3A : vector<16xf32> to vector<1x16xf32>
      tpu.vector_store %arg10[%swap3A_1395, %swap3A_1396], %swap3A_1399 {strides = array<i32>} : memref<128x128xf32, #tpu.memory_space<vmem>>, vector<1x16xf32>,
      %swap3A_1400 = arith.constant 90 : i32
      %swap3A_1401 = arith.index_cast %swap3A_1400 : i32 to index
      %swap3A_1402 = arith.constant 64 : index
      %swap3A_1403 = tpu.vector_load %arg10[%swap3A_1401, %swap3A_1402] {strides = array<i32>} : memref<128x128xf32, #tpu.memory_space<vmem>>, vector<1x16xf32>,
      %swap3A_1404 = vector.shape_cast %swap3A_1403 : vector<1x16xf32> to vector<16xf32>
      %swap3A_1405 = vector.shape_cast %select_n3A : vector<16xf32> to vector<1x16xf32>
      tpu.vector_store %arg10[%swap3A_1401, %swap3A_1402], %swap3A_1405 {strides = array<i32>} : memref<128x128xf32, #tpu.memory_space<vmem>>, vector<1x16xf32>,
      %swap3A_1406 = arith.constant 91 : i32
      %swap3A_1407 = arith.index_cast %swap3A_1406 : i32 to index
      %swap3A_1408 = arith.constant 64 : index
      %swap3A_1409 = tpu.vector_load %arg10[%swap3A_1407, %swap3A_1408] {strides = array<i32>} : memref<128x128xf32, #tpu.memory_space<vmem>>, vector<1x16xf32>,
      %swap3A_1410 = vector.shape_cast %swap3A_1409 : vector<1x16xf32> to vector<16xf32>
      %swap3A_1411 = vector.shape_cast %select_n3A : vector<16xf32> to vector<1x16xf32>
      tpu.vector_store %arg10[%swap3A_1407, %swap3A_1408], %swap3A_1411 {strides = array<i32>} : memref<128x128xf32, #tpu.memory_space<vmem>>, vector<1x16xf32>,
      %swap3A_1412 = arith.constant 92 : i32
      %swap3A_1413 = arith.index_cast %swap3A_1412 : i32 to index
      %swap3A_1414 = arith.constant 64 : index
      %swap3A_1415 = tpu.vector_load %arg10[%swap3A_1413, %swap3A_1414] {strides = array<i32>} : memref<128x128xf32, #tpu.memory_space<vmem>>, vector<1x16xf32>,
      %swap3A_1416 = vector.shape_cast %swap3A_1415 : vector<1x16xf32> to vector<16xf32>
      %swap3A_1417 = vector.shape_cast %select_n3A : vector<16xf32> to vector<1x16xf32>
      tpu.vector_store %arg10[%swap3A_1413, %swap3A_1414], %swap3A_1417 {strides = array<i32>} : memref<128x128xf32, #tpu.memory_space<vmem>>, vector<1x16xf32>,
      %swap3A_1418 = arith.constant 93 : i32
      %swap3A_1419 = arith.index_cast %swap3A_1418 : i32 to index
      %swap3A_1420 = arith.constant 64 : index
      %swap3A_1421 = tpu.vector_load %arg10[%swap3A_1419, %swap3A_1420] {strides = array<i32>} : memref<128x128xf32, #tpu.memory_space<vmem>>, vector<1x16xf32>,
      %swap3A_1422 = vector.shape_cast %swap3A_1421 : vector<1x16xf32> to vector<16xf32>
      %swap3A_1423 = vector.shape_cast %select_n3A : vector<16xf32> to vector<1x16xf32>
      tpu.vector_store %arg10[%swap3A_1419, %swap3A_1420], %swap3A_1423 {strides = array<i32>} : memref<128x128xf32, #tpu.memory_space<vmem>>, vector<1x16xf32>,
      %swap3A_1424 = arith.constant 94 : i32
      %swap3A_1425 = arith.index_cast %swap3A_1424 : i32 to index
      %swap3A_1426 = arith.constant 64 : index
      %swap3A_1427 = tpu.vector_load %arg10[%swap3A_1425, %swap3A_1426] {strides = array<i32>} : memref<128x128xf32, #tpu.memory_space<vmem>>, vector<1x16xf32>,
      %swap3A_1428 = vector.shape_cast %swap3A_1427 : vector<1x16xf32> to vector<16xf32>
      %swap3A_1429 = vector.shape_cast %select_n3A : vector<16xf32> to vector<1x16xf32>
      tpu.vector_store %arg10[%swap3A_1425, %swap3A_1426], %swap3A_1429 {strides = array<i32>} : memref<128x128xf32, #tpu.memory_space<vmem>>, vector<1x16xf32>,
      %swap3A_1430 = arith.constant 95 : i32
      %swap3A_1431 = arith.index_cast %swap3A_1430 : i32 to index
      %swap3A_1432 = arith.constant 64 : index
      %swap3A_1433 = tpu.vector_load %arg10[%swap3A_1431, %swap3A_1432] {strides = array<i32>} : memref<128x128xf32, #tpu.memory_space<vmem>>, vector<1x16xf32>,
      %swap3A_1434 = vector.shape_cast %swap3A_1433 : vector<1x16xf32> to vector<16xf32>
      %swap3A_1435 = vector.shape_cast %select_n3A : vector<16xf32> to vector<1x16xf32>
      tpu.vector_store %arg10[%swap3A_1431, %swap3A_1432], %swap3A_1435 {strides = array<i32>} : memref<128x128xf32, #tpu.memory_space<vmem>>, vector<1x16xf32>,
      %swap3A_1436 = arith.constant 96 : i32
      %swap3A_1437 = arith.index_cast %swap3A_1436 : i32 to index
      %swap3A_1438 = arith.constant 64 : index
      %swap3A_1439 = tpu.vector_load %arg10[%swap3A_1437, %swap3A_1438] {strides = array<i32>} : memref<128x128xf32, #tpu.memory_space<vmem>>, vector<1x16xf32>,
      %swap3A_1440 = vector.shape_cast %swap3A_1439 : vector<1x16xf32> to vector<16xf32>
      %swap3A_1441 = vector.shape_cast %select_n3A : vector<16xf32> to vector<1x16xf32>
      tpu.vector_store %arg10[%swap3A_1437, %swap3A_1438], %swap3A_1441 {strides = array<i32>} : memref<128x128xf32, #tpu.memory_space<vmem>>, vector<1x16xf32>,
      %swap3A_1442 = arith.constant 97 : i32
      %swap3A_1443 = arith.index_cast %swap3A_1442 : i32 to index
      %swap3A_1444 = arith.constant 64 : index
      %swap3A_1445 = tpu.vector_load %arg10[%swap3A_1443, %swap3A_1444] {strides = array<i32>} : memref<128x128xf32, #tpu.memory_space<vmem>>, vector<1x16xf32>,
      %swap3A_1446 = vector.shape_cast %swap3A_1445 : vector<1x16xf32> to vector<16xf32>
      %swap3A_1447 = vector.shape_cast %select_n3A : vector<16xf32> to vector<1x16xf32>
      tpu.vector_store %arg10[%swap3A_1443, %swap3A_1444], %swap3A_1447 {strides = array<i32>} : memref<128x128xf32, #tpu.memory_space<vmem>>, vector<1x16xf32>,
      %swap3A_1448 = arith.constant 98 : i32
      %swap3A_1449 = arith.index_cast %swap3A_1448 : i32 to index
      %swap3A_1450 = arith.constant 64 : index
      %swap3A_1451 = tpu.vector_load %arg10[%swap3A_1449, %swap3A_1450] {strides = array<i32>} : memref<128x128xf32, #tpu.memory_space<vmem>>, vector<1x16xf32>,
      %swap3A_1452 = vector.shape_cast %swap3A_1451 : vector<1x16xf32> to vector<16xf32>
      %swap3A_1453 = vector.shape_cast %select_n3A : vector<16xf32> to vector<1x16xf32>
      tpu.vector_store %arg10[%swap3A_1449, %swap3A_1450], %swap3A_1453 {strides = array<i32>} : memref<128x128xf32, #tpu.memory_space<vmem>>, vector<1x16xf32>,
      %swap3A_1454 = arith.constant 99 : i32
      %swap3A_1455 = arith.index_cast %swap3A_1454 : i32 to index
      %swap3A_1456 = arith.constant 64 : index
      %swap3A_1457 = tpu.vector_load %arg10[%swap3A_1455, %swap3A_1456] {strides = array<i32>} : memref<128x128xf32, #tpu.memory_space<vmem>>, vector<1x16xf32>,
      %swap3A_1458 = vector.shape_cast %swap3A_1457 : vector<1x16xf32> to vector<16xf32>
      %swap3A_1459 = vector.shape_cast %select_n3A : vector<16xf32> to vector<1x16xf32>
      tpu.vector_store %arg10[%swap3A_1455, %swap3A_1456], %swap3A_1459 {strides = array<i32>} : memref<128x128xf32, #tpu.memory_space<vmem>>, vector<1x16xf32>,
      %swap3A_1460 = arith.constant 100 : i32
      %swap3A_1461 = arith.index_cast %swap3A_1460 : i32 to index
      %swap3A_1462 = arith.constant 64 : index
      %swap3A_1463 = tpu.vector_load %arg10[%swap3A_1461, %swap3A_1462] {strides = array<i32>} : memref<128x128xf32, #tpu.memory_space<vmem>>, vector<1x16xf32>,
      %swap3A_1464 = vector.shape_cast %swap3A_1463 : vector<1x16xf32> to vector<16xf32>
      %swap3A_1465 = vector.shape_cast %select_n3A : vector<16xf32> to vector<1x16xf32>
      tpu.vector_store %arg10[%swap3A_1461, %swap3A_1462], %swap3A_1465 {strides = array<i32>} : memref<128x128xf32, #tpu.memory_space<vmem>>, vector<1x16xf32>,
      %swap3A_1466 = arith.constant 101 : i32
      %swap3A_1467 = arith.index_cast %swap3A_1466 : i32 to index
      %swap3A_1468 = arith.constant 64 : index
      %swap3A_1469 = tpu.vector_load %arg10[%swap3A_1467, %swap3A_1468] {strides = array<i32>} : memref<128x128xf32, #tpu.memory_space<vmem>>, vector<1x16xf32>,
      %swap3A_1470 = vector.shape_cast %swap3A_1469 : vector<1x16xf32> to vector<16xf32>
      %swap3A_1471 = vector.shape_cast %select_n3A : vector<16xf32> to vector<1x16xf32>
      tpu.vector_store %arg10[%swap3A_1467, %swap3A_1468], %swap3A_1471 {strides = array<i32>} : memref<128x128xf32, #tpu.memory_space<vmem>>, vector<1x16xf32>,
      %swap3A_1472 = arith.constant 102 : i32
      %swap3A_1473 = arith.index_cast %swap3A_1472 : i32 to index
      %swap3A_1474 = arith.constant 64 : index
      %swap3A_1475 = tpu.vector_load %arg10[%swap3A_1473, %swap3A_1474] {strides = array<i32>} : memref<128x128xf32, #tpu.memory_space<vmem>>, vector<1x16xf32>,
      %swap3A_1476 = vector.shape_cast %swap3A_1475 : vector<1x16xf32> to vector<16xf32>
      %swap3A_1477 = vector.shape_cast %select_n3A : vector<16xf32> to vector<1x16xf32>
      tpu.vector_store %arg10[%swap3A_1473, %swap3A_1474], %swap3A_1477 {strides = array<i32>} : memref<128x128xf32, #tpu.memory_space<vmem>>, vector<1x16xf32>,
      %swap3A_1478 = arith.constant 103 : i32
      %swap3A_1479 = arith.index_cast %swap3A_1478 : i32 to index
      %swap3A_1480 = arith.constant 64 : index
      %swap3A_1481 = tpu.vector_load %arg10[%swap3A_1479, %swap3A_1480] {strides = array<i32>} : memref<128x128xf32, #tpu.memory_space<vmem>>, vector<1x16xf32>,
      %swap3A_1482 = vector.shape_cast %swap3A_1481 : vector<1x16xf32> to vector<16xf32>
      %swap3A_1483 = vector.shape_cast %select_n3A : vector<16xf32> to vector<1x16xf32>
      tpu.vector_store %arg10[%swap3A_1479, %swap3A_1480], %swap3A_1483 {strides = array<i32>} : memref<128x128xf32, #tpu.memory_space<vmem>>, vector<1x16xf32>,
      %swap3A_1484 = arith.constant 104 : i32
      %swap3A_1485 = arith.index_cast %swap3A_1484 : i32 to index
      %swap3A_1486 = arith.constant 64 : index
      %swap3A_1487 = tpu.vector_load %arg10[%swap3A_1485, %swap3A_1486] {strides = array<i32>} : memref<128x128xf32, #tpu.memory_space<vmem>>, vector<1x16xf32>,
      %swap3A_1488 = vector.shape_cast %swap3A_1487 : vector<1x16xf32> to vector<16xf32>
      %swap3A_1489 = vector.shape_cast %select_n3A : vector<16xf32> to vector<1x16xf32>
      tpu.vector_store %arg10[%swap3A_1485, %swap3A_1486], %swap3A_1489 {strides = array<i32>} : memref<128x128xf32, #tpu.memory_space<vmem>>, vector<1x16xf32>,
      %swap3A_1490 = arith.constant 105 : i32
      %swap3A_1491 = arith.index_cast %swap3A_1490 : i32 to index
      %swap3A_1492 = arith.constant 64 : index
      %swap3A_1493 = tpu.vector_load %arg10[%swap3A_1491, %swap3A_1492] {strides = array<i32>} : memref<128x128xf32, #tpu.memory_space<vmem>>, vector<1x16xf32>,
      %swap3A_1494 = vector.shape_cast %swap3A_1493 : vector<1x16xf32> to vector<16xf32>
      %swap3A_1495 = vector.shape_cast %select_n3A : vector<16xf32> to vector<1x16xf32>
      tpu.vector_store %arg10[%swap3A_1491, %swap3A_1492], %swap3A_1495 {strides = array<i32>} : memref<128x128xf32, #tpu.memory_space<vmem>>, vector<1x16xf32>,
      %swap3A_1496 = arith.constant 106 : i32
      %swap3A_1497 = arith.index_cast %swap3A_1496 : i32 to index
      %swap3A_1498 = arith.constant 64 : index
      %swap3A_1499 = tpu.vector_load %arg10[%swap3A_1497, %swap3A_1498] {strides = array<i32>} : memref<128x128xf32, #tpu.memory_space<vmem>>, vector<1x16xf32>,
      %swap3A_1500 = vector.shape_cast %swap3A_1499 : vector<1x16xf32> to vector<16xf32>
      %swap3A_1501 = vector.shape_cast %select_n3A : vector<16xf32> to vector<1x16xf32>
      tpu.vector_store %arg10[%swap3A_1497, %swap3A_1498], %swap3A_1501 {strides = array<i32>} : memref<128x128xf32, #tpu.memory_space<vmem>>, vector<1x16xf32>,
      %swap3A_1502 = arith.constant 107 : i32
      %swap3A_1503 = arith.index_cast %swap3A_1502 : i32 to index
      %swap3A_1504 = arith.constant 64 : index
      %swap3A_1505 = tpu.vector_load %arg10[%swap3A_1503, %swap3A_1504] {strides = array<i32>} : memref<128x128xf32, #tpu.memory_space<vmem>>, vector<1x16xf32>,
      %swap3A_1506 = vector.shape_cast %swap3A_1505 : vector<1x16xf32> to vector<16xf32>
      %swap3A_1507 = vector.shape_cast %select_n3A : vector<16xf32> to vector<1x16xf32>
      tpu.vector_store %arg10[%swap3A_1503, %swap3A_1504], %swap3A_1507 {strides = array<i32>} : memref<128x128xf32, #tpu.memory_space<vmem>>, vector<1x16xf32>,
      %swap3A_1508 = arith.constant 108 : i32
      %swap3A_1509 = arith.index_cast %swap3A_1508 : i32 to index
      %swap3A_1510 = arith.constant 64 : index
      %swap3A_1511 = tpu.vector_load %arg10[%swap3A_1509, %swap3A_1510] {strides = array<i32>} : memref<128x128xf32, #tpu.memory_space<vmem>>, vector<1x16xf32>,
      %swap3A_1512 = vector.shape_cast %swap3A_1511 : vector<1x16xf32> to vector<16xf32>
      %swap3A_1513 = vector.shape_cast %select_n3A : vector<16xf32> to vector<1x16xf32>
      tpu.vector_store %arg10[%swap3A_1509, %swap3A_1510], %swap3A_1513 {strides = array<i32>} : memref<128x128xf32, #tpu.memory_space<vmem>>, vector<1x16xf32>,
      %swap3A_1514 = arith.constant 109 : i32
      %swap3A_1515 = arith.index_cast %swap3A_1514 : i32 to index
      %swap3A_1516 = arith.constant 64 : index
      %swap3A_1517 = tpu.vector_load %arg10[%swap3A_1515, %swap3A_1516] {strides = array<i32>} : memref<128x128xf32, #tpu.memory_space<vmem>>, vector<1x16xf32>,
      %swap3A_1518 = vector.shape_cast %swap3A_1517 : vector<1x16xf32> to vector<16xf32>
      %swap3A_1519 = vector.shape_cast %select_n3A : vector<16xf32> to vector<1x16xf32>
      tpu.vector_store %arg10[%swap3A_1515, %swap3A_1516], %swap3A_1519 {strides = array<i32>} : memref<128x128xf32, #tpu.memory_space<vmem>>, vector<1x16xf32>,
      %swap3A_1520 = arith.constant 110 : i32
      %swap3A_1521 = arith.index_cast %swap3A_1520 : i32 to index
      %swap3A_1522 = arith.constant 64 : index
      %swap3A_1523 = tpu.vector_load %arg10[%swap3A_1521, %swap3A_1522] {strides = array<i32>} : memref<128x128xf32, #tpu.memory_space<vmem>>, vector<1x16xf32>,
      %swap3A_1524 = vector.shape_cast %swap3A_1523 : vector<1x16xf32> to vector<16xf32>
      %swap3A_1525 = vector.shape_cast %select_n3A : vector<16xf32> to vector<1x16xf32>
      tpu.vector_store %arg10[%swap3A_1521, %swap3A_1522], %swap3A_1525 {strides = array<i32>} : memref<128x128xf32, #tpu.memory_space<vmem>>, vector<1x16xf32>,
      %swap3A_1526 = arith.constant 111 : i32
      %swap3A_1527 = arith.index_cast %swap3A_1526 : i32 to index
      %swap3A_1528 = arith.constant 64 : index
      %swap3A_1529 = tpu.vector_load %arg10[%swap3A_1527, %swap3A_1528] {strides = array<i32>} : memref<128x128xf32, #tpu.memory_space<vmem>>, vector<1x16xf32>,
      %swap3A_1530 = vector.shape_cast %swap3A_1529 : vector<1x16xf32> to vector<16xf32>
      %swap3A_1531 = vector.shape_cast %select_n3A : vector<16xf32> to vector<1x16xf32>
      tpu.vector_store %arg10[%swap3A_1527, %swap3A_1528], %swap3A_1531 {strides = array<i32>} : memref<128x128xf32, #tpu.memory_space<vmem>>, vector<1x16xf32>,
      %swap3A_1532 = arith.constant 112 : i32
      %swap3A_1533 = arith.index_cast %swap3A_1532 : i32 to index
      %swap3A_1534 = arith.constant 64 : index
      %swap3A_1535 = tpu.vector_load %arg10[%swap3A_1533, %swap3A_1534] {strides = array<i32>} : memref<128x128xf32, #tpu.memory_space<vmem>>, vector<1x16xf32>,
      %swap3A_1536 = vector.shape_cast %swap3A_1535 : vector<1x16xf32> to vector<16xf32>
      %swap3A_1537 = vector.shape_cast %select_n3A : vector<16xf32> to vector<1x16xf32>
      tpu.vector_store %arg10[%swap3A_1533, %swap3A_1534], %swap3A_1537 {strides = array<i32>} : memref<128x128xf32, #tpu.memory_space<vmem>>, vector<1x16xf32>,
      %swap3A_1538 = arith.constant 113 : i32
      %swap3A_1539 = arith.index_cast %swap3A_1538 : i32 to index
      %swap3A_1540 = arith.constant 64 : index
      %swap3A_1541 = tpu.vector_load %arg10[%swap3A_1539, %swap3A_1540] {strides = array<i32>} : memref<128x128xf32, #tpu.memory_space<vmem>>, vector<1x16xf32>,
      %swap3A_1542 = vector.shape_cast %swap3A_1541 : vector<1x16xf32> to vector<16xf32>
      %swap3A_1543 = vector.shape_cast %select_n3A : vector<16xf32> to vector<1x16xf32>
      tpu.vector_store %arg10[%swap3A_1539, %swap3A_1540], %swap3A_1543 {strides = array<i32>} : memref<128x128xf32, #tpu.memory_space<vmem>>, vector<1x16xf32>,
      %swap3A_1544 = arith.constant 114 : i32
      %swap3A_1545 = arith.index_cast %swap3A_1544 : i32 to index
      %swap3A_1546 = arith.constant 64 : index
      %swap3A_1547 = tpu.vector_load %arg10[%swap3A_1545, %swap3A_1546] {strides = array<i32>} : memref<128x128xf32, #tpu.memory_space<vmem>>, vector<1x16xf32>,
      %swap3A_1548 = vector.shape_cast %swap3A_1547 : vector<1x16xf32> to vector<16xf32>
      %swap3A_1549 = vector.shape_cast %select_n3A : vector<16xf32> to vector<1x16xf32>
      tpu.vector_store %arg10[%swap3A_1545, %swap3A_1546], %swap3A_1549 {strides = array<i32>} : memref<128x128xf32, #tpu.memory_space<vmem>>, vector<1x16xf32>,
      %swap3A_1550 = arith.constant 115 : i32
      %swap3A_1551 = arith.index_cast %swap3A_1550 : i32 to index
      %swap3A_1552 = arith.constant 64 : index
      %swap3A_1553 = tpu.vector_load %arg10[%swap3A_1551, %swap3A_1552] {strides = array<i32>} : memref<128x128xf32, #tpu.memory_space<vmem>>, vector<1x16xf32>,
      %swap3A_1554 = vector.shape_cast %swap3A_1553 : vector<1x16xf32> to vector<16xf32>
      %swap3A_1555 = vector.shape_cast %select_n3A : vector<16xf32> to vector<1x16xf32>
      tpu.vector_store %arg10[%swap3A_1551, %swap3A_1552], %swap3A_1555 {strides = array<i32>} : memref<128x128xf32, #tpu.memory_space<vmem>>, vector<1x16xf32>,
      %swap3A_1556 = arith.constant 116 : i32
      %swap3A_1557 = arith.index_cast %swap3A_1556 : i32 to index
      %swap3A_1558 = arith.constant 64 : index
      %swap3A_1559 = tpu.vector_load %arg10[%swap3A_1557, %swap3A_1558] {strides = array<i32>} : memref<128x128xf32, #tpu.memory_space<vmem>>, vector<1x16xf32>,
      %swap3A_1560 = vector.shape_cast %swap3A_1559 : vector<1x16xf32> to vector<16xf32>
      %swap3A_1561 = vector.shape_cast %select_n3A : vector<16xf32> to vector<1x16xf32>
      tpu.vector_store %arg10[%swap3A_1557, %swap3A_1558], %swap3A_1561 {strides = array<i32>} : memref<128x128xf32, #tpu.memory_space<vmem>>, vector<1x16xf32>,
      %swap3A_1562 = arith.constant 117 : i32
      %swap3A_1563 = arith.index_cast %swap3A_1562 : i32 to index
      %swap3A_1564 = arith.constant 64 : index
      %swap3A_1565 = tpu.vector_load %arg10[%swap3A_1563, %swap3A_1564] {strides = array<i32>} : memref<128x128xf32, #tpu.memory_space<vmem>>, vector<1x16xf32>,
      %swap3A_1566 = vector.shape_cast %swap3A_1565 : vector<1x16xf32> to vector<16xf32>
      %swap3A_1567 = vector.shape_cast %select_n3A : vector<16xf32> to vector<1x16xf32>
      tpu.vector_store %arg10[%swap3A_1563, %swap3A_1564], %swap3A_1567 {strides = array<i32>} : memref<128x128xf32, #tpu.memory_space<vmem>>, vector<1x16xf32>,
      %swap3A_1568 = arith.constant 118 : i32
      %swap3A_1569 = arith.index_cast %swap3A_1568 : i32 to index
      %swap3A_1570 = arith.constant 64 : index
      %swap3A_1571 = tpu.vector_load %arg10[%swap3A_1569, %swap3A_1570] {strides = array<i32>} : memref<128x128xf32, #tpu.memory_space<vmem>>, vector<1x16xf32>,
      %swap3A_1572 = vector.shape_cast %swap3A_1571 : vector<1x16xf32> to vector<16xf32>
      %swap3A_1573 = vector.shape_cast %select_n3A : vector<16xf32> to vector<1x16xf32>
      tpu.vector_store %arg10[%swap3A_1569, %swap3A_1570], %swap3A_1573 {strides = array<i32>} : memref<128x128xf32, #tpu.memory_space<vmem>>, vector<1x16xf32>,
      %swap3A_1574 = arith.constant 119 : i32
      %swap3A_1575 = arith.index_cast %swap3A_1574 : i32 to index
      %swap3A_1576 = arith.constant 64 : index
      %swap3A_1577 = tpu.vector_load %arg10[%swap3A_1575, %swap3A_1576] {strides = array<i32>} : memref<128x128xf32, #tpu.memory_space<vmem>>, vector<1x16xf32>,
      %swap3A_1578 = vector.shape_cast %swap3A_1577 : vector<1x16xf32> to vector<16xf32>
      %swap3A_1579 = vector.shape_cast %select_n3A : vector<16xf32> to vector<1x16xf32>
      tpu.vector_store %arg10[%swap3A_1575, %swap3A_1576], %swap3A_1579 {strides = array<i32>} : memref<128x128xf32, #tpu.memory_space<vmem>>, vector<1x16xf32>,
      %swap3A_1580 = arith.constant 120 : i32
      %swap3A_1581 = arith.index_cast %swap3A_1580 : i32 to index
      %swap3A_1582 = arith.constant 64 : index
      %swap3A_1583 = tpu.vector_load %arg10[%swap3A_1581, %swap3A_1582] {strides = array<i32>} : memref<128x128xf32, #tpu.memory_space<vmem>>, vector<1x16xf32>,
      %swap3A_1584 = vector.shape_cast %swap3A_1583 : vector<1x16xf32> to vector<16xf32>
      %swap3A_1585 = vector.shape_cast %select_n3A : vector<16xf32> to vector<1x16xf32>
      tpu.vector_store %arg10[%swap3A_1581, %swap3A_1582], %swap3A_1585 {strides = array<i32>} : memref<128x128xf32, #tpu.memory_space<vmem>>, vector<1x16xf32>,
      %swap3A_1586 = arith.constant 121 : i32
      %swap3A_1587 = arith.index_cast %swap3A_1586 : i32 to index
      %swap3A_1588 = arith.constant 64 : index
      %swap3A_1589 = tpu.vector_load %arg10[%swap3A_1587, %swap3A_1588] {strides = array<i32>} : memref<128x128xf32, #tpu.memory_space<vmem>>, vector<1x16xf32>,
      %swap3A_1590 = vector.shape_cast %swap3A_1589 : vector<1x16xf32> to vector<16xf32>
      %swap3A_1591 = vector.shape_cast %select_n3A : vector<16xf32> to vector<1x16xf32>
      tpu.vector_store %arg10[%swap3A_1587, %swap3A_1588], %swap3A_1591 {strides = array<i32>} : memref<128x128xf32, #tpu.memory_space<vmem>>, vector<1x16xf32>,
      %swap3A_1592 = arith.constant 122 : i32
      %swap3A_1593 = arith.index_cast %swap3A_1592 : i32 to index
      %swap3A_1594 = arith.constant 64 : index
      %swap3A_1595 = tpu.vector_load %arg10[%swap3A_1593, %swap3A_1594] {strides = array<i32>} : memref<128x128xf32, #tpu.memory_space<vmem>>, vector<1x16xf32>,
      %swap3A_1596 = vector.shape_cast %swap3A_1595 : vector<1x16xf32> to vector<16xf32>
      %swap3A_1597 = vector.shape_cast %select_n3A : vector<16xf32> to vector<1x16xf32>
      tpu.vector_store %arg10[%swap3A_1593, %swap3A_1594], %swap3A_1597 {strides = array<i32>} : memref<128x128xf32, #tpu.memory_space<vmem>>, vector<1x16xf32>,
      %swap3A_1598 = arith.constant 123 : i32
      %swap3A_1599 = arith.index_cast %swap3A_1598 : i32 to index
      %swap3A_1600 = arith.constant 64 : index
      %swap3A_1601 = tpu.vector_load %arg10[%swap3A_1599, %swap3A_1600] {strides = array<i32>} : memref<128x128xf32, #tpu.memory_space<vmem>>, vector<1x16xf32>,
      %swap3A_1602 = vector.shape_cast %swap3A_1601 : vector<1x16xf32> to vector<16xf32>
      %swap3A_1603 = vector.shape_cast %select_n3A : vector<16xf32> to vector<1x16xf32>
      tpu.vector_store %arg10[%swap3A_1599, %swap3A_1600], %swap3A_1603 {strides = array<i32>} : memref<128x128xf32, #tpu.memory_space<vmem>>, vector<1x16xf32>,
      %swap3A_1604 = arith.constant 124 : i32
      %swap3A_1605 = arith.index_cast %swap3A_1604 : i32 to index
      %swap3A_1606 = arith.constant 64 : index
      %swap3A_1607 = tpu.vector_load %arg10[%swap3A_1605, %swap3A_1606] {strides = array<i32>} : memref<128x128xf32, #tpu.memory_space<vmem>>, vector<1x16xf32>,
      %swap3A_1608 = vector.shape_cast %swap3A_1607 : vector<1x16xf32> to vector<16xf32>
      %swap3A_1609 = vector.shape_cast %select_n3A : vector<16xf32> to vector<1x16xf32>
      tpu.vector_store %arg10[%swap3A_1605, %swap3A_1606], %swap3A_1609 {strides = array<i32>} : memref<128x128xf32, #tpu.memory_space<vmem>>, vector<1x16xf32>,
      %swap3A_1610 = arith.constant 125 : i32
      %swap3A_1611 = arith.index_cast %swap3A_1610 : i32 to index
      %swap3A_1612 = arith.constant 64 : index
      %swap3A_1613 = tpu.vector_load %arg10[%swap3A_1611, %swap3A_1612] {strides = array<i32>} : memref<128x128xf32, #tpu.memory_space<vmem>>, vector<1x16xf32>,
      %swap3A_1614 = vector.shape_cast %swap3A_1613 : vector<1x16xf32> to vector<16xf32>
      %swap3A_1615 = vector.shape_cast %select_n3A : vector<16xf32> to vector<1x16xf32>
      tpu.vector_store %arg10[%swap3A_1611, %swap3A_1612], %swap3A_1615 {strides = array<i32>} : memref<128x128xf32, #tpu.memory_space<vmem>>, vector<1x16xf32>,
      %swap3A_1616 = arith.constant 126 : i32
      %swap3A_1617 = arith.index_cast %swap3A_1616 : i32 to index
      %swap3A_1618 = arith.constant 64 : index
      %swap3A_1619 = tpu.vector_load %arg10[%swap3A_1617, %swap3A_1618] {strides = array<i32>} : memref<128x128xf32, #tpu.memory_space<vmem>>, vector<1x16xf32>,
      %swap3A_1620 = vector.shape_cast %swap3A_1619 : vector<1x16xf32> to vector<16xf32>
      %swap3A_1621 = vector.shape_cast %select_n3A : vector<16xf32> to vector<1x16xf32>
      tpu.vector_store %arg10[%swap3A_1617, %swap3A_1618], %swap3A_1621 {strides = array<i32>} : memref<128x128xf32, #tpu.memory_space<vmem>>, vector<1x16xf32>,
      %swap3A_1622 = arith.constant 127 : i32
      %swap3A_1623 = arith.index_cast %swap3A_1622 : i32 to index
      %swap3A_1624 = arith.constant 64 : index
      %swap3A_1625 = tpu.vector_load %arg10[%swap3A_1623, %swap3A_1624] {strides = array<i32>} : memref<128x128xf32, #tpu.memory_space<vmem>>, vector<1x16xf32>,
      %swap3A_1626 = vector.shape_cast %swap3A_1625 : vector<1x16xf32> to vector<16xf32>
      %swap3A_1627 = vector.shape_cast %select_n3A : vector<16xf32> to vector<1x16xf32>
      tpu.vector_store %arg10[%swap3A_1623, %swap3A_1624], %swap3A_1627 {strides = array<i32>} : memref<128x128xf32, #tpu.memory_space<vmem>>, vector<1x16xf32>,
      %add3A_1628 = arith.constant 1 : i32
      %add3A_1629 = arith.addi %mul3A_76, %add3A_1628 : i32
      "tpu.region"() ({
        %run_scoped3A = tpu.sem_alloc : memref<!tpu.dma_semaphore, #tpu.memory_space<semaphore_mem>>
        %dma_start3A_1635 = arith.constant 0 : i32
        %dma_start3A_1636 = tpu.memref_slice %arg8[%add3A_1629, %dma_start3A_1635] : memref<40x128xi32, #tpu.memory_space<vmem>> -> memref<1x128xi32, #tpu.memory_space<vmem>>
        %dma_start3A_1637 = tpu.memref_squeeze %dma_start3A_1636 : memref<1x128xi32, #tpu.memory_space<vmem>> -> memref<128xi32, #tpu.memory_space<vmem>>
        %dma_start3A_1638 = arith.constant 0 : i32
        %dma_start3A_1639 = arith.constant 0 : i32
        %dma_start3A_1640 = tpu.memref_slice %arg6[%dma_start3A_1638, %dma_start3A_1639] : memref<10240x128xf32, #tpu.memory_space<vmem_shared>> -> memref<10240x128xf32, #tpu.memory_space<vmem_shared>>
        tpu.enqueue_indirect_dma source(%arg10 : memref<128x128xf32, #tpu.memory_space<vmem>>) target(%dma_start3A_1640 : memref<10240x128xf32, #tpu.memory_space<vmem_shared>>) offsets(%dma_start3A_1637 : memref<128xi32, #tpu.memory_space<vmem>>) semaphore(%run_scoped3A : memref<!tpu.dma_semaphore, #tpu.memory_space<semaphore_mem>>) {add = true}
        %dma_wait3A_1641 = arith.constant 0 : i32
        %dma_wait3A_1642 = tpu.memref_slice %arg8[%add3A_1629, %dma_wait3A_1641] : memref<40x128xi32, #tpu.memory_space<vmem>> -> memref<1x128xi32, #tpu.memory_space<vmem>>
        %dma_wait3A_1643 = tpu.memref_squeeze %dma_wait3A_1642 : memref<1x128xi32, #tpu.memory_space<vmem>> -> memref<128xi32, #tpu.memory_space<vmem>>
        %dma_wait3A_1644 = arith.constant 0 : i32
        %dma_wait3A_1645 = arith.constant 0 : i32
        %dma_wait3A_1646 = tpu.memref_slice %arg6[%dma_wait3A_1644, %dma_wait3A_1645] : memref<10240x128xf32, #tpu.memory_space<vmem_shared>> -> memref<10240x128xf32, #tpu.memory_space<vmem_shared>>
        tpu.wait_indirect_dma semaphore(%run_scoped3A : memref<!tpu.dma_semaphore, #tpu.memory_space<semaphore_mem>>) src(%arg10 : memref<128x128xf32, #tpu.memory_space<vmem>>) dst(%dma_wait3A_1646 : memref<10240x128xf32, #tpu.memory_space<vmem_shared>>)
        tpu.yield
      }) : () -> ()
      %not3A_1630 = arith.constant true
      %not3A_1631 = arith.xori %ge3A_77, %not3A_1630 : i1
      %convert_element_type3A_1632 = arith.extui %not3A_1631 : i1 to i32
      %cond3A_1633 = arith.constant 0 : i32
      %cond3A_1634 = arith.cmpi ne, %convert_element_type3A_1632, %cond3A_1633 : i32
      scf.if %cond3A_1634 {
        %add3A_1635 = arith.constant 3 : i32
        %add3A_1636 = arith.addi %mul3A_76, %add3A_1635 : i32
        %dma_start3A_1637 = arith.constant 0 : i32
        %dma_start3A_1638 = tpu.memref_slice %arg7[%add3A_1636, %dma_start3A_1637] : memref<40x128xi32, #tpu.memory_space<vmem>> -> memref<1x128xi32, #tpu.memory_space<vmem>>
        %dma_start3A_1639 = tpu.memref_squeeze %dma_start3A_1638 : memref<1x128xi32, #tpu.memory_space<vmem>> -> memref<128xi32, #tpu.memory_space<vmem>>
        %dma_start3A_1640 = arith.constant 0 : i32
        %dma_start3A_1641 = arith.constant 0 : i32
        %dma_start3A_1642 = tpu.memref_slice %arg2[%dma_start3A_1640, %dma_start3A_1641] : memref<10240x128xf32, #tpu.memory_space<hbm>> -> memref<10240x128xf32, #tpu.memory_space<hbm>>
        tpu.enqueue_indirect_dma source(%dma_start3A_1642 : memref<10240x128xf32, #tpu.memory_space<hbm>>) target(%arg10 : memref<128x128xf32, #tpu.memory_space<vmem>>) offsets(%dma_start3A_1639 : memref<128xi32, #tpu.memory_space<vmem>>) semaphore(%arg12 : memref<!tpu.dma_semaphore, #tpu.memory_space<semaphore_mem>>)
      } else {
      }
    }
    %scan3A_45 = arith.constant 20 : i32
    %add3A_46 = arith.constant 40 : i32
    %add3A_47 = arith.addi %multiple_of3A, %add3A_46 : i32
    %multiple_of3A_48 = tpu.assume_multiple %add3A_47, 8 : i32
    "tpu.region"() ({
      %run_scoped3A = tpu.sem_alloc : memref<!tpu.dma_semaphore, #tpu.memory_space<semaphore_mem>>
      %dma_start3A_74 = arith.constant 0 : i32
      %dma_start3A_75 = tpu.memref_slice %arg3[%multiple_of3A_48, %dma_start3A_74] : memref<2560x128xi32, #tpu.memory_space<hbm>> -> memref<40x128xi32, #tpu.memory_space<hbm>>
      %dma_start3A_76 = arith.constant 0 : i32
      %dma_start3A_77 = tpu.memref_slice %arg3[%multiple_of3A_48, %dma_start3A_76] : memref<2560x128xi32, #tpu.memory_space<hbm>> -> memref<40x128xi32, #tpu.memory_space<hbm>>
      tpu.enqueue_dma source(%dma_start3A_77 : memref<40x128xi32, #tpu.memory_space<hbm>>) target(%arg7 : memref<40x128xi32, #tpu.memory_space<vmem>>) target_semaphore(%run_scoped3A : memref<!tpu.dma_semaphore, #tpu.memory_space<semaphore_mem>>)
      %dma_wait3A = arith.constant 0 : i32
      %dma_wait3A_78 = tpu.memref_slice %arg3[%multiple_of3A_48, %dma_wait3A] : memref<2560x128xi32, #tpu.memory_space<hbm>> -> memref<40x128xi32, #tpu.memory_space<hbm>>
      %dma_wait3A_79 = arith.constant 0 : i32
      %dma_wait3A_80 = tpu.memref_slice %arg3[%multiple_of3A_48, %dma_wait3A_79] : memref<2560x128xi32, #tpu.memory_space<hbm>> -> memref<40x128xi32, #tpu.memory_space<hbm>>
      tpu.wait_dma2 semaphore(%run_scoped3A : memref<!tpu.dma_semaphore, #tpu.memory_space<semaphore_mem>>) src(%dma_wait3A_80 : memref<40x128xi32, #tpu.memory_space<hbm>>) dst(%arg7 : memref<40x128xi32, #tpu.memory_space<vmem>>)
      tpu.yield
    }) : () -> ()
    "tpu.region"() ({
      %run_scoped3A = tpu.sem_alloc : memref<!tpu.dma_semaphore, #tpu.memory_space<semaphore_mem>>
      %dma_start3A_74 = arith.constant 0 : i32
      %dma_start3A_75 = tpu.memref_slice %arg4[%multiple_of3A_48, %dma_start3A_74] : memref<2560x128xi32, #tpu.memory_space<hbm>> -> memref<40x128xi32, #tpu.memory_space<hbm>>
      %dma_start3A_76 = arith.constant 0 : i32
      %dma_start3A_77 = tpu.memref_slice %arg4[%multiple_of3A_48, %dma_start3A_76] : memref<2560x128xi32, #tpu.memory_space<hbm>> -> memref<40x128xi32, #tpu.memory_space<hbm>>
      tpu.enqueue_dma source(%dma_start3A_77 : memref<40x128xi32, #tpu.memory_space<hbm>>) target(%arg8 : memref<40x128xi32, #tpu.memory_space<vmem>>) target_semaphore(%run_scoped3A : memref<!tpu.dma_semaphore, #tpu.memory_space<semaphore_mem>>)
      %dma_wait3A = arith.constant 0 : i32
      %dma_wait3A_78 = tpu.memref_slice %arg4[%multiple_of3A_48, %dma_wait3A] : memref<2560x128xi32, #tpu.memory_space<hbm>> -> memref<40x128xi32, #tpu.memory_space<hbm>>
      %dma_wait3A_79 = arith.constant 0 : i32
      %dma_wait3A_80 = tpu.memref_slice %arg4[%multiple_of3A_48, %dma_wait3A_79] : memref<2560x128xi32, #tpu.memory_space<hbm>> -> memref<40x128xi32, #tpu.memory_space<hbm>>
      tpu.wait_dma2 semaphore(%run_scoped3A : memref<!tpu.dma_semaphore, #tpu.memory_space<semaphore_mem>>) src(%dma_wait3A_80 : memref<40x128xi32, #tpu.memory_space<hbm>>) dst(%arg8 : memref<40x128xi32, #tpu.memory_space<vmem>>)
      tpu.yield
    }) : () -> ()
    %dma_start3A_49 = arith.constant 0 : i32
    %dma_start3A_50 = arith.constant 0 : i32
    %dma_start3A_51 = tpu.memref_slice %arg7[%dma_start3A_49, %dma_start3A_50] : memref<40x128xi32, #tpu.memory_space<vmem>> -> memref<1x128xi32, #tpu.memory_space<vmem>>
    %dma_start3A_52 = tpu.memref_squeeze %dma_start3A_51 : memref<1x128xi32, #tpu.memory_space<vmem>> -> memref<128xi32, #tpu.memory_space<vmem>>
    %dma_start3A_53 = arith.constant 0 : i32
    %dma_start3A_54 = arith.constant 0 : i32
    %dma_start3A_55 = tpu.memref_slice %arg2[%dma_start3A_53, %dma_start3A_54] : memref<10240x128xf32, #tpu.memory_space<hbm>> -> memref<10240x128xf32, #tpu.memory_space<hbm>>
    tpu.enqueue_indirect_dma source(%dma_start3A_55 : memref<10240x128xf32, #tpu.memory_space<hbm>>) target(%arg9 : memref<128x128xf32, #tpu.memory_space<vmem>>) offsets(%dma_start3A_52 : memref<128xi32, #tpu.memory_space<vmem>>) semaphore(%arg11 : memref<!tpu.dma_semaphore, #tpu.memory_space<semaphore_mem>>)
    %dma_start3A_56 = arith.constant 1 : i32
    %dma_start3A_57 = arith.constant 0 : i32
    %dma_start3A_58 = tpu.memref_slice %arg7[%dma_start3A_56, %dma_start3A_57] : memref<40x128xi32, #tpu.memory_space<vmem>> -> memref<1x128xi32, #tpu.memory_space<vmem>>
    %dma_start3A_59 = tpu.memref_squeeze %dma_start3A_58 : memref<1x128xi32, #tpu.memory_space<vmem>> -> memref<128xi32, #tpu.memory_space<vmem>>
    %dma_start3A_60 = arith.constant 0 : i32
    %dma_start3A_61 = arith.constant 0 : i32
    %dma_start3A_62 = tpu.memref_slice %arg2[%dma_start3A_60, %dma_start3A_61] : memref<10240x128xf32, #tpu.memory_space<hbm>> -> memref<10240x128xf32, #tpu.memory_space<hbm>>
    tpu.enqueue_indirect_dma source(%dma_start3A_62 : memref<10240x128xf32, #tpu.memory_space<hbm>>) target(%arg10 : memref<128x128xf32, #tpu.memory_space<vmem>>) offsets(%dma_start3A_59 : memref<128xi32, #tpu.memory_space<vmem>>) semaphore(%arg12 : memref<!tpu.dma_semaphore, #tpu.memory_space<semaphore_mem>>)
    %scan3A_63 = arith.constant 0 : i32
    %scan3A_64 = arith.constant 0 : i32
    %scan3A_65 = arith.constant 20 : i32
    %scan3A_66 = arith.addi %scan3A_64, %scan3A_65 : i32
    %scan3A_67 = arith.constant 1 : i32
    scf.for %scan3A_74 = %scan3A_64 to %scan3A_66 step %scan3A_67  : i32 {
      %mul3A_75 = arith.constant 2 : i32
      %mul3A_76 = arith.muli %mul3A_75, %scan3A_74 : i32
      %ge3A = arith.constant 19 : i32
      %ge3A_77 = arith.cmpi sge, %scan3A_74, %ge3A : i32
      %dma_wait3A = arith.constant 0 : i32
      %dma_wait3A_78 = tpu.memref_slice %arg7[%mul3A_76, %dma_wait3A] : memref<40x128xi32, #tpu.memory_space<vmem>> -> memref<1x128xi32, #tpu.memory_space<vmem>>
      %dma_wait3A_79 = tpu.memref_squeeze %dma_wait3A_78 : memref<1x128xi32, #tpu.memory_space<vmem>> -> memref<128xi32, #tpu.memory_space<vmem>>
      %dma_wait3A_80 = arith.constant 0 : i32
      %dma_wait3A_81 = arith.constant 0 : i32
      %dma_wait3A_82 = tpu.memref_slice %arg2[%dma_wait3A_80, %dma_wait3A_81] : memref<10240x128xf32, #tpu.memory_space<hbm>> -> memref<10240x128xf32, #tpu.memory_space<hbm>>
      tpu.wait_indirect_dma semaphore(%arg11 : memref<!tpu.dma_semaphore, #tpu.memory_space<semaphore_mem>>) src(%dma_wait3A_82 : memref<10240x128xf32, #tpu.memory_space<hbm>>) dst(%arg9 : memref<128x128xf32, #tpu.memory_space<vmem>>)
      %swap3A = arith.constant 0 : i32
      %swap3A_83 = arith.index_cast %swap3A : i32 to index
      %swap3A_84 = arith.constant 64 : index
      %swap3A_85 = tpu.vector_load %arg9[%swap3A_83, %swap3A_84] {strides = array<i32>} : memref<128x128xf32, #tpu.memory_space<vmem>>, vector<1x16xf32>,
      %swap3A_86 = vector.shape_cast %swap3A_85 : vector<1x16xf32> to vector<16xf32>
      %swap3A_87 = vector.shape_cast %select_n3A : vector<16xf32> to vector<1x16xf32>
      tpu.vector_store %arg9[%swap3A_83, %swap3A_84], %swap3A_87 {strides = array<i32>} : memref<128x128xf32, #tpu.memory_space<vmem>>, vector<1x16xf32>,
      %swap3A_88 = arith.constant 1 : i32
      %swap3A_89 = arith.index_cast %swap3A_88 : i32 to index
      %swap3A_90 = arith.constant 64 : index
      %swap3A_91 = tpu.vector_load %arg9[%swap3A_89, %swap3A_90] {strides = array<i32>} : memref<128x128xf32, #tpu.memory_space<vmem>>, vector<1x16xf32>,
      %swap3A_92 = vector.shape_cast %swap3A_91 : vector<1x16xf32> to vector<16xf32>
      %swap3A_93 = vector.shape_cast %select_n3A : vector<16xf32> to vector<1x16xf32>
      tpu.vector_store %arg9[%swap3A_89, %swap3A_90], %swap3A_93 {strides = array<i32>} : memref<128x128xf32, #tpu.memory_space<vmem>>, vector<1x16xf32>,
      %swap3A_94 = arith.constant 2 : i32
      %swap3A_95 = arith.index_cast %swap3A_94 : i32 to index
      %swap3A_96 = arith.constant 64 : index
      %swap3A_97 = tpu.vector_load %arg9[%swap3A_95, %swap3A_96] {strides = array<i32>} : memref<128x128xf32, #tpu.memory_space<vmem>>, vector<1x16xf32>,
      %swap3A_98 = vector.shape_cast %swap3A_97 : vector<1x16xf32> to vector<16xf32>
      %swap3A_99 = vector.shape_cast %select_n3A : vector<16xf32> to vector<1x16xf32>
      tpu.vector_store %arg9[%swap3A_95, %swap3A_96], %swap3A_99 {strides = array<i32>} : memref<128x128xf32, #tpu.memory_space<vmem>>, vector<1x16xf32>,
      %swap3A_100 = arith.constant 3 : i32
      %swap3A_101 = arith.index_cast %swap3A_100 : i32 to index
      %swap3A_102 = arith.constant 64 : index
      %swap3A_103 = tpu.vector_load %arg9[%swap3A_101, %swap3A_102] {strides = array<i32>} : memref<128x128xf32, #tpu.memory_space<vmem>>, vector<1x16xf32>,
      %swap3A_104 = vector.shape_cast %swap3A_103 : vector<1x16xf32> to vector<16xf32>
      %swap3A_105 = vector.shape_cast %select_n3A : vector<16xf32> to vector<1x16xf32>
      tpu.vector_store %arg9[%swap3A_101, %swap3A_102], %swap3A_105 {strides = array<i32>} : memref<128x128xf32, #tpu.memory_space<vmem>>, vector<1x16xf32>,
      %swap3A_106 = arith.constant 4 : i32
      %swap3A_107 = arith.index_cast %swap3A_106 : i32 to index
      %swap3A_108 = arith.constant 64 : index
      %swap3A_109 = tpu.vector_load %arg9[%swap3A_107, %swap3A_108] {strides = array<i32>} : memref<128x128xf32, #tpu.memory_space<vmem>>, vector<1x16xf32>,
      %swap3A_110 = vector.shape_cast %swap3A_109 : vector<1x16xf32> to vector<16xf32>
      %swap3A_111 = vector.shape_cast %select_n3A : vector<16xf32> to vector<1x16xf32>
      tpu.vector_store %arg9[%swap3A_107, %swap3A_108], %swap3A_111 {strides = array<i32>} : memref<128x128xf32, #tpu.memory_space<vmem>>, vector<1x16xf32>,
      %swap3A_112 = arith.constant 5 : i32
      %swap3A_113 = arith.index_cast %swap3A_112 : i32 to index
      %swap3A_114 = arith.constant 64 : index
      %swap3A_115 = tpu.vector_load %arg9[%swap3A_113, %swap3A_114] {strides = array<i32>} : memref<128x128xf32, #tpu.memory_space<vmem>>, vector<1x16xf32>,
      %swap3A_116 = vector.shape_cast %swap3A_115 : vector<1x16xf32> to vector<16xf32>
      %swap3A_117 = vector.shape_cast %select_n3A : vector<16xf32> to vector<1x16xf32>
      tpu.vector_store %arg9[%swap3A_113, %swap3A_114], %swap3A_117 {strides = array<i32>} : memref<128x128xf32, #tpu.memory_space<vmem>>, vector<1x16xf32>,
      %swap3A_118 = arith.constant 6 : i32
      %swap3A_119 = arith.index_cast %swap3A_118 : i32 to index
      %swap3A_120 = arith.constant 64 : index
      %swap3A_121 = tpu.vector_load %arg9[%swap3A_119, %swap3A_120] {strides = array<i32>} : memref<128x128xf32, #tpu.memory_space<vmem>>, vector<1x16xf32>,
      %swap3A_122 = vector.shape_cast %swap3A_121 : vector<1x16xf32> to vector<16xf32>
      %swap3A_123 = vector.shape_cast %select_n3A : vector<16xf32> to vector<1x16xf32>
      tpu.vector_store %arg9[%swap3A_119, %swap3A_120], %swap3A_123 {strides = array<i32>} : memref<128x128xf32, #tpu.memory_space<vmem>>, vector<1x16xf32>,
      %swap3A_124 = arith.constant 7 : i32
      %swap3A_125 = arith.index_cast %swap3A_124 : i32 to index
      %swap3A_126 = arith.constant 64 : index
      %swap3A_127 = tpu.vector_load %arg9[%swap3A_125, %swap3A_126] {strides = array<i32>} : memref<128x128xf32, #tpu.memory_space<vmem>>, vector<1x16xf32>,
      %swap3A_128 = vector.shape_cast %swap3A_127 : vector<1x16xf32> to vector<16xf32>
      %swap3A_129 = vector.shape_cast %select_n3A : vector<16xf32> to vector<1x16xf32>
      tpu.vector_store %arg9[%swap3A_125, %swap3A_126], %swap3A_129 {strides = array<i32>} : memref<128x128xf32, #tpu.memory_space<vmem>>, vector<1x16xf32>,
      %swap3A_130 = arith.constant 8 : i32
      %swap3A_131 = arith.index_cast %swap3A_130 : i32 to index
      %swap3A_132 = arith.constant 64 : index
      %swap3A_133 = tpu.vector_load %arg9[%swap3A_131, %swap3A_132] {strides = array<i32>} : memref<128x128xf32, #tpu.memory_space<vmem>>, vector<1x16xf32>,
      %swap3A_134 = vector.shape_cast %swap3A_133 : vector<1x16xf32> to vector<16xf32>
      %swap3A_135 = vector.shape_cast %select_n3A : vector<16xf32> to vector<1x16xf32>
      tpu.vector_store %arg9[%swap3A_131, %swap3A_132], %swap3A_135 {strides = array<i32>} : memref<128x128xf32, #tpu.memory_space<vmem>>, vector<1x16xf32>,
      %swap3A_136 = arith.constant 9 : i32
      %swap3A_137 = arith.index_cast %swap3A_136 : i32 to index
      %swap3A_138 = arith.constant 64 : index
      %swap3A_139 = tpu.vector_load %arg9[%swap3A_137, %swap3A_138] {strides = array<i32>} : memref<128x128xf32, #tpu.memory_space<vmem>>, vector<1x16xf32>,
      %swap3A_140 = vector.shape_cast %swap3A_139 : vector<1x16xf32> to vector<16xf32>
      %swap3A_141 = vector.shape_cast %select_n3A : vector<16xf32> to vector<1x16xf32>
      tpu.vector_store %arg9[%swap3A_137, %swap3A_138], %swap3A_141 {strides = array<i32>} : memref<128x128xf32, #tpu.memory_space<vmem>>, vector<1x16xf32>,
      %swap3A_142 = arith.constant 10 : i32
      %swap3A_143 = arith.index_cast %swap3A_142 : i32 to index
      %swap3A_144 = arith.constant 64 : index
      %swap3A_145 = tpu.vector_load %arg9[%swap3A_143, %swap3A_144] {strides = array<i32>} : memref<128x128xf32, #tpu.memory_space<vmem>>, vector<1x16xf32>,
      %swap3A_146 = vector.shape_cast %swap3A_145 : vector<1x16xf32> to vector<16xf32>
      %swap3A_147 = vector.shape_cast %select_n3A : vector<16xf32> to vector<1x16xf32>
      tpu.vector_store %arg9[%swap3A_143, %swap3A_144], %swap3A_147 {strides = array<i32>} : memref<128x128xf32, #tpu.memory_space<vmem>>, vector<1x16xf32>,
      %swap3A_148 = arith.constant 11 : i32
      %swap3A_149 = arith.index_cast %swap3A_148 : i32 to index
      %swap3A_150 = arith.constant 64 : index
      %swap3A_151 = tpu.vector_load %arg9[%swap3A_149, %swap3A_150] {strides = array<i32>} : memref<128x128xf32, #tpu.memory_space<vmem>>, vector<1x16xf32>,
      %swap3A_152 = vector.shape_cast %swap3A_151 : vector<1x16xf32> to vector<16xf32>
      %swap3A_153 = vector.shape_cast %select_n3A : vector<16xf32> to vector<1x16xf32>
      tpu.vector_store %arg9[%swap3A_149, %swap3A_150], %swap3A_153 {strides = array<i32>} : memref<128x128xf32, #tpu.memory_space<vmem>>, vector<1x16xf32>,
      %swap3A_154 = arith.constant 12 : i32
      %swap3A_155 = arith.index_cast %swap3A_154 : i32 to index
      %swap3A_156 = arith.constant 64 : index
      %swap3A_157 = tpu.vector_load %arg9[%swap3A_155, %swap3A_156] {strides = array<i32>} : memref<128x128xf32, #tpu.memory_space<vmem>>, vector<1x16xf32>,
      %swap3A_158 = vector.shape_cast %swap3A_157 : vector<1x16xf32> to vector<16xf32>
      %swap3A_159 = vector.shape_cast %select_n3A : vector<16xf32> to vector<1x16xf32>
      tpu.vector_store %arg9[%swap3A_155, %swap3A_156], %swap3A_159 {strides = array<i32>} : memref<128x128xf32, #tpu.memory_space<vmem>>, vector<1x16xf32>,
      %swap3A_160 = arith.constant 13 : i32
      %swap3A_161 = arith.index_cast %swap3A_160 : i32 to index
      %swap3A_162 = arith.constant 64 : index
      %swap3A_163 = tpu.vector_load %arg9[%swap3A_161, %swap3A_162] {strides = array<i32>} : memref<128x128xf32, #tpu.memory_space<vmem>>, vector<1x16xf32>,
      %swap3A_164 = vector.shape_cast %swap3A_163 : vector<1x16xf32> to vector<16xf32>
      %swap3A_165 = vector.shape_cast %select_n3A : vector<16xf32> to vector<1x16xf32>
      tpu.vector_store %arg9[%swap3A_161, %swap3A_162], %swap3A_165 {strides = array<i32>} : memref<128x128xf32, #tpu.memory_space<vmem>>, vector<1x16xf32>,
      %swap3A_166 = arith.constant 14 : i32
      %swap3A_167 = arith.index_cast %swap3A_166 : i32 to index
      %swap3A_168 = arith.constant 64 : index
      %swap3A_169 = tpu.vector_load %arg9[%swap3A_167, %swap3A_168] {strides = array<i32>} : memref<128x128xf32, #tpu.memory_space<vmem>>, vector<1x16xf32>,
      %swap3A_170 = vector.shape_cast %swap3A_169 : vector<1x16xf32> to vector<16xf32>
      %swap3A_171 = vector.shape_cast %select_n3A : vector<16xf32> to vector<1x16xf32>
      tpu.vector_store %arg9[%swap3A_167, %swap3A_168], %swap3A_171 {strides = array<i32>} : memref<128x128xf32, #tpu.memory_space<vmem>>, vector<1x16xf32>,
      %swap3A_172 = arith.constant 15 : i32
      %swap3A_173 = arith.index_cast %swap3A_172 : i32 to index
      %swap3A_174 = arith.constant 64 : index
      %swap3A_175 = tpu.vector_load %arg9[%swap3A_173, %swap3A_174] {strides = array<i32>} : memref<128x128xf32, #tpu.memory_space<vmem>>, vector<1x16xf32>,
      %swap3A_176 = vector.shape_cast %swap3A_175 : vector<1x16xf32> to vector<16xf32>
      %swap3A_177 = vector.shape_cast %select_n3A : vector<16xf32> to vector<1x16xf32>
      tpu.vector_store %arg9[%swap3A_173, %swap3A_174], %swap3A_177 {strides = array<i32>} : memref<128x128xf32, #tpu.memory_space<vmem>>, vector<1x16xf32>,
      %swap3A_178 = arith.constant 16 : i32
      %swap3A_179 = arith.index_cast %swap3A_178 : i32 to index
      %swap3A_180 = arith.constant 64 : index
      %swap3A_181 = tpu.vector_load %arg9[%swap3A_179, %swap3A_180] {strides = array<i32>} : memref<128x128xf32, #tpu.memory_space<vmem>>, vector<1x16xf32>,
      %swap3A_182 = vector.shape_cast %swap3A_181 : vector<1x16xf32> to vector<16xf32>
      %swap3A_183 = vector.shape_cast %select_n3A : vector<16xf32> to vector<1x16xf32>
      tpu.vector_store %arg9[%swap3A_179, %swap3A_180], %swap3A_183 {strides = array<i32>} : memref<128x128xf32, #tpu.memory_space<vmem>>, vector<1x16xf32>,
      %swap3A_184 = arith.constant 17 : i32
      %swap3A_185 = arith.index_cast %swap3A_184 : i32 to index
      %swap3A_186 = arith.constant 64 : index
      %swap3A_187 = tpu.vector_load %arg9[%swap3A_185, %swap3A_186] {strides = array<i32>} : memref<128x128xf32, #tpu.memory_space<vmem>>, vector<1x16xf32>,
      %swap3A_188 = vector.shape_cast %swap3A_187 : vector<1x16xf32> to vector<16xf32>
      %swap3A_189 = vector.shape_cast %select_n3A : vector<16xf32> to vector<1x16xf32>
      tpu.vector_store %arg9[%swap3A_185, %swap3A_186], %swap3A_189 {strides = array<i32>} : memref<128x128xf32, #tpu.memory_space<vmem>>, vector<1x16xf32>,
      %swap3A_190 = arith.constant 18 : i32
      %swap3A_191 = arith.index_cast %swap3A_190 : i32 to index
      %swap3A_192 = arith.constant 64 : index
      %swap3A_193 = tpu.vector_load %arg9[%swap3A_191, %swap3A_192] {strides = array<i32>} : memref<128x128xf32, #tpu.memory_space<vmem>>, vector<1x16xf32>,
      %swap3A_194 = vector.shape_cast %swap3A_193 : vector<1x16xf32> to vector<16xf32>
      %swap3A_195 = vector.shape_cast %select_n3A : vector<16xf32> to vector<1x16xf32>
      tpu.vector_store %arg9[%swap3A_191, %swap3A_192], %swap3A_195 {strides = array<i32>} : memref<128x128xf32, #tpu.memory_space<vmem>>, vector<1x16xf32>,
      %swap3A_196 = arith.constant 19 : i32
      %swap3A_197 = arith.index_cast %swap3A_196 : i32 to index
      %swap3A_198 = arith.constant 64 : index
      %swap3A_199 = tpu.vector_load %arg9[%swap3A_197, %swap3A_198] {strides = array<i32>} : memref<128x128xf32, #tpu.memory_space<vmem>>, vector<1x16xf32>,
      %swap3A_200 = vector.shape_cast %swap3A_199 : vector<1x16xf32> to vector<16xf32>
      %swap3A_201 = vector.shape_cast %select_n3A : vector<16xf32> to vector<1x16xf32>
      tpu.vector_store %arg9[%swap3A_197, %swap3A_198], %swap3A_201 {strides = array<i32>} : memref<128x128xf32, #tpu.memory_space<vmem>>, vector<1x16xf32>,
      %swap3A_202 = arith.constant 20 : i32
      %swap3A_203 = arith.index_cast %swap3A_202 : i32 to index
      %swap3A_204 = arith.constant 64 : index
      %swap3A_205 = tpu.vector_load %arg9[%swap3A_203, %swap3A_204] {strides = array<i32>} : memref<128x128xf32, #tpu.memory_space<vmem>>, vector<1x16xf32>,
      %swap3A_206 = vector.shape_cast %swap3A_205 : vector<1x16xf32> to vector<16xf32>
      %swap3A_207 = vector.shape_cast %select_n3A : vector<16xf32> to vector<1x16xf32>
      tpu.vector_store %arg9[%swap3A_203, %swap3A_204], %swap3A_207 {strides = array<i32>} : memref<128x128xf32, #tpu.memory_space<vmem>>, vector<1x16xf32>,
      %swap3A_208 = arith.constant 21 : i32
      %swap3A_209 = arith.index_cast %swap3A_208 : i32 to index
      %swap3A_210 = arith.constant 64 : index
      %swap3A_211 = tpu.vector_load %arg9[%swap3A_209, %swap3A_210] {strides = array<i32>} : memref<128x128xf32, #tpu.memory_space<vmem>>, vector<1x16xf32>,
      %swap3A_212 = vector.shape_cast %swap3A_211 : vector<1x16xf32> to vector<16xf32>
      %swap3A_213 = vector.shape_cast %select_n3A : vector<16xf32> to vector<1x16xf32>
      tpu.vector_store %arg9[%swap3A_209, %swap3A_210], %swap3A_213 {strides = array<i32>} : memref<128x128xf32, #tpu.memory_space<vmem>>, vector<1x16xf32>,
      %swap3A_214 = arith.constant 22 : i32
      %swap3A_215 = arith.index_cast %swap3A_214 : i32 to index
      %swap3A_216 = arith.constant 64 : index
      %swap3A_217 = tpu.vector_load %arg9[%swap3A_215, %swap3A_216] {strides = array<i32>} : memref<128x128xf32, #tpu.memory_space<vmem>>, vector<1x16xf32>,
      %swap3A_218 = vector.shape_cast %swap3A_217 : vector<1x16xf32> to vector<16xf32>
      %swap3A_219 = vector.shape_cast %select_n3A : vector<16xf32> to vector<1x16xf32>
      tpu.vector_store %arg9[%swap3A_215, %swap3A_216], %swap3A_219 {strides = array<i32>} : memref<128x128xf32, #tpu.memory_space<vmem>>, vector<1x16xf32>,
      %swap3A_220 = arith.constant 23 : i32
      %swap3A_221 = arith.index_cast %swap3A_220 : i32 to index
      %swap3A_222 = arith.constant 64 : index
      %swap3A_223 = tpu.vector_load %arg9[%swap3A_221, %swap3A_222] {strides = array<i32>} : memref<128x128xf32, #tpu.memory_space<vmem>>, vector<1x16xf32>,
      %swap3A_224 = vector.shape_cast %swap3A_223 : vector<1x16xf32> to vector<16xf32>
      %swap3A_225 = vector.shape_cast %select_n3A : vector<16xf32> to vector<1x16xf32>
      tpu.vector_store %arg9[%swap3A_221, %swap3A_222], %swap3A_225 {strides = array<i32>} : memref<128x128xf32, #tpu.memory_space<vmem>>, vector<1x16xf32>,
      %swap3A_226 = arith.constant 24 : i32
      %swap3A_227 = arith.index_cast %swap3A_226 : i32 to index
      %swap3A_228 = arith.constant 64 : index
      %swap3A_229 = tpu.vector_load %arg9[%swap3A_227, %swap3A_228] {strides = array<i32>} : memref<128x128xf32, #tpu.memory_space<vmem>>, vector<1x16xf32>,
      %swap3A_230 = vector.shape_cast %swap3A_229 : vector<1x16xf32> to vector<16xf32>
      %swap3A_231 = vector.shape_cast %select_n3A : vector<16xf32> to vector<1x16xf32>
      tpu.vector_store %arg9[%swap3A_227, %swap3A_228], %swap3A_231 {strides = array<i32>} : memref<128x128xf32, #tpu.memory_space<vmem>>, vector<1x16xf32>,
      %swap3A_232 = arith.constant 25 : i32
      %swap3A_233 = arith.index_cast %swap3A_232 : i32 to index
      %swap3A_234 = arith.constant 64 : index
      %swap3A_235 = tpu.vector_load %arg9[%swap3A_233, %swap3A_234] {strides = array<i32>} : memref<128x128xf32, #tpu.memory_space<vmem>>, vector<1x16xf32>,
      %swap3A_236 = vector.shape_cast %swap3A_235 : vector<1x16xf32> to vector<16xf32>
      %swap3A_237 = vector.shape_cast %select_n3A : vector<16xf32> to vector<1x16xf32>
      tpu.vector_store %arg9[%swap3A_233, %swap3A_234], %swap3A_237 {strides = array<i32>} : memref<128x128xf32, #tpu.memory_space<vmem>>, vector<1x16xf32>,
      %swap3A_238 = arith.constant 26 : i32
      %swap3A_239 = arith.index_cast %swap3A_238 : i32 to index
      %swap3A_240 = arith.constant 64 : index
      %swap3A_241 = tpu.vector_load %arg9[%swap3A_239, %swap3A_240] {strides = array<i32>} : memref<128x128xf32, #tpu.memory_space<vmem>>, vector<1x16xf32>,
      %swap3A_242 = vector.shape_cast %swap3A_241 : vector<1x16xf32> to vector<16xf32>
      %swap3A_243 = vector.shape_cast %select_n3A : vector<16xf32> to vector<1x16xf32>
      tpu.vector_store %arg9[%swap3A_239, %swap3A_240], %swap3A_243 {strides = array<i32>} : memref<128x128xf32, #tpu.memory_space<vmem>>, vector<1x16xf32>,
      %swap3A_244 = arith.constant 27 : i32
      %swap3A_245 = arith.index_cast %swap3A_244 : i32 to index
      %swap3A_246 = arith.constant 64 : index
      %swap3A_247 = tpu.vector_load %arg9[%swap3A_245, %swap3A_246] {strides = array<i32>} : memref<128x128xf32, #tpu.memory_space<vmem>>, vector<1x16xf32>,
      %swap3A_248 = vector.shape_cast %swap3A_247 : vector<1x16xf32> to vector<16xf32>
      %swap3A_249 = vector.shape_cast %select_n3A : vector<16xf32> to vector<1x16xf32>
      tpu.vector_store %arg9[%swap3A_245, %swap3A_246], %swap3A_249 {strides = array<i32>} : memref<128x128xf32, #tpu.memory_space<vmem>>, vector<1x16xf32>,
      %swap3A_250 = arith.constant 28 : i32
      %swap3A_251 = arith.index_cast %swap3A_250 : i32 to index
      %swap3A_252 = arith.constant 64 : index
      %swap3A_253 = tpu.vector_load %arg9[%swap3A_251, %swap3A_252] {strides = array<i32>} : memref<128x128xf32, #tpu.memory_space<vmem>>, vector<1x16xf32>,
      %swap3A_254 = vector.shape_cast %swap3A_253 : vector<1x16xf32> to vector<16xf32>
      %swap3A_255 = vector.shape_cast %select_n3A : vector<16xf32> to vector<1x16xf32>
      tpu.vector_store %arg9[%swap3A_251, %swap3A_252], %swap3A_255 {strides = array<i32>} : memref<128x128xf32, #tpu.memory_space<vmem>>, vector<1x16xf32>,
      %swap3A_256 = arith.constant 29 : i32
      %swap3A_257 = arith.index_cast %swap3A_256 : i32 to index
      %swap3A_258 = arith.constant 64 : index
      %swap3A_259 = tpu.vector_load %arg9[%swap3A_257, %swap3A_258] {strides = array<i32>} : memref<128x128xf32, #tpu.memory_space<vmem>>, vector<1x16xf32>,
      %swap3A_260 = vector.shape_cast %swap3A_259 : vector<1x16xf32> to vector<16xf32>
      %swap3A_261 = vector.shape_cast %select_n3A : vector<16xf32> to vector<1x16xf32>
      tpu.vector_store %arg9[%swap3A_257, %swap3A_258], %swap3A_261 {strides = array<i32>} : memref<128x128xf32, #tpu.memory_space<vmem>>, vector<1x16xf32>,
      %swap3A_262 = arith.constant 30 : i32
      %swap3A_263 = arith.index_cast %swap3A_262 : i32 to index
      %swap3A_264 = arith.constant 64 : index
      %swap3A_265 = tpu.vector_load %arg9[%swap3A_263, %swap3A_264] {strides = array<i32>} : memref<128x128xf32, #tpu.memory_space<vmem>>, vector<1x16xf32>,
      %swap3A_266 = vector.shape_cast %swap3A_265 : vector<1x16xf32> to vector<16xf32>
      %swap3A_267 = vector.shape_cast %select_n3A : vector<16xf32> to vector<1x16xf32>
      tpu.vector_store %arg9[%swap3A_263, %swap3A_264], %swap3A_267 {strides = array<i32>} : memref<128x128xf32, #tpu.memory_space<vmem>>, vector<1x16xf32>,
      %swap3A_268 = arith.constant 31 : i32
      %swap3A_269 = arith.index_cast %swap3A_268 : i32 to index
      %swap3A_270 = arith.constant 64 : index
      %swap3A_271 = tpu.vector_load %arg9[%swap3A_269, %swap3A_270] {strides = array<i32>} : memref<128x128xf32, #tpu.memory_space<vmem>>, vector<1x16xf32>,
      %swap3A_272 = vector.shape_cast %swap3A_271 : vector<1x16xf32> to vector<16xf32>
      %swap3A_273 = vector.shape_cast %select_n3A : vector<16xf32> to vector<1x16xf32>
      tpu.vector_store %arg9[%swap3A_269, %swap3A_270], %swap3A_273 {strides = array<i32>} : memref<128x128xf32, #tpu.memory_space<vmem>>, vector<1x16xf32>,
      %swap3A_274 = arith.constant 32 : i32
      %swap3A_275 = arith.index_cast %swap3A_274 : i32 to index
      %swap3A_276 = arith.constant 64 : index
      %swap3A_277 = tpu.vector_load %arg9[%swap3A_275, %swap3A_276] {strides = array<i32>} : memref<128x128xf32, #tpu.memory_space<vmem>>, vector<1x16xf32>,
      %swap3A_278 = vector.shape_cast %swap3A_277 : vector<1x16xf32> to vector<16xf32>
      %swap3A_279 = vector.shape_cast %select_n3A : vector<16xf32> to vector<1x16xf32>
      tpu.vector_store %arg9[%swap3A_275, %swap3A_276], %swap3A_279 {strides = array<i32>} : memref<128x128xf32, #tpu.memory_space<vmem>>, vector<1x16xf32>,
      %swap3A_280 = arith.constant 33 : i32
      %swap3A_281 = arith.index_cast %swap3A_280 : i32 to index
      %swap3A_282 = arith.constant 64 : index
      %swap3A_283 = tpu.vector_load %arg9[%swap3A_281, %swap3A_282] {strides = array<i32>} : memref<128x128xf32, #tpu.memory_space<vmem>>, vector<1x16xf32>,
      %swap3A_284 = vector.shape_cast %swap3A_283 : vector<1x16xf32> to vector<16xf32>
      %swap3A_285 = vector.shape_cast %select_n3A : vector<16xf32> to vector<1x16xf32>
      tpu.vector_store %arg9[%swap3A_281, %swap3A_282], %swap3A_285 {strides = array<i32>} : memref<128x128xf32, #tpu.memory_space<vmem>>, vector<1x16xf32>,
      %swap3A_286 = arith.constant 34 : i32
      %swap3A_287 = arith.index_cast %swap3A_286 : i32 to index
      %swap3A_288 = arith.constant 64 : index
      %swap3A_289 = tpu.vector_load %arg9[%swap3A_287, %swap3A_288] {strides = array<i32>} : memref<128x128xf32, #tpu.memory_space<vmem>>, vector<1x16xf32>,
      %swap3A_290 = vector.shape_cast %swap3A_289 : vector<1x16xf32> to vector<16xf32>
      %swap3A_291 = vector.shape_cast %select_n3A : vector<16xf32> to vector<1x16xf32>
      tpu.vector_store %arg9[%swap3A_287, %swap3A_288], %swap3A_291 {strides = array<i32>} : memref<128x128xf32, #tpu.memory_space<vmem>>, vector<1x16xf32>,
      %swap3A_292 = arith.constant 35 : i32
      %swap3A_293 = arith.index_cast %swap3A_292 : i32 to index
      %swap3A_294 = arith.constant 64 : index
      %swap3A_295 = tpu.vector_load %arg9[%swap3A_293, %swap3A_294] {strides = array<i32>} : memref<128x128xf32, #tpu.memory_space<vmem>>, vector<1x16xf32>,
      %swap3A_296 = vector.shape_cast %swap3A_295 : vector<1x16xf32> to vector<16xf32>
      %swap3A_297 = vector.shape_cast %select_n3A : vector<16xf32> to vector<1x16xf32>
      tpu.vector_store %arg9[%swap3A_293, %swap3A_294], %swap3A_297 {strides = array<i32>} : memref<128x128xf32, #tpu.memory_space<vmem>>, vector<1x16xf32>,
      %swap3A_298 = arith.constant 36 : i32
      %swap3A_299 = arith.index_cast %swap3A_298 : i32 to index
      %swap3A_300 = arith.constant 64 : index
      %swap3A_301 = tpu.vector_load %arg9[%swap3A_299, %swap3A_300] {strides = array<i32>} : memref<128x128xf32, #tpu.memory_space<vmem>>, vector<1x16xf32>,
      %swap3A_302 = vector.shape_cast %swap3A_301 : vector<1x16xf32> to vector<16xf32>
      %swap3A_303 = vector.shape_cast %select_n3A : vector<16xf32> to vector<1x16xf32>
      tpu.vector_store %arg9[%swap3A_299, %swap3A_300], %swap3A_303 {strides = array<i32>} : memref<128x128xf32, #tpu.memory_space<vmem>>, vector<1x16xf32>,
      %swap3A_304 = arith.constant 37 : i32
      %swap3A_305 = arith.index_cast %swap3A_304 : i32 to index
      %swap3A_306 = arith.constant 64 : index
      %swap3A_307 = tpu.vector_load %arg9[%swap3A_305, %swap3A_306] {strides = array<i32>} : memref<128x128xf32, #tpu.memory_space<vmem>>, vector<1x16xf32>,
      %swap3A_308 = vector.shape_cast %swap3A_307 : vector<1x16xf32> to vector<16xf32>
      %swap3A_309 = vector.shape_cast %select_n3A : vector<16xf32> to vector<1x16xf32>
      tpu.vector_store %arg9[%swap3A_305, %swap3A_306], %swap3A_309 {strides = array<i32>} : memref<128x128xf32, #tpu.memory_space<vmem>>, vector<1x16xf32>,
      %swap3A_310 = arith.constant 38 : i32
      %swap3A_311 = arith.index_cast %swap3A_310 : i32 to index
      %swap3A_312 = arith.constant 64 : index
      %swap3A_313 = tpu.vector_load %arg9[%swap3A_311, %swap3A_312] {strides = array<i32>} : memref<128x128xf32, #tpu.memory_space<vmem>>, vector<1x16xf32>,
      %swap3A_314 = vector.shape_cast %swap3A_313 : vector<1x16xf32> to vector<16xf32>
      %swap3A_315 = vector.shape_cast %select_n3A : vector<16xf32> to vector<1x16xf32>
      tpu.vector_store %arg9[%swap3A_311, %swap3A_312], %swap3A_315 {strides = array<i32>} : memref<128x128xf32, #tpu.memory_space<vmem>>, vector<1x16xf32>,
      %swap3A_316 = arith.constant 39 : i32
      %swap3A_317 = arith.index_cast %swap3A_316 : i32 to index
      %swap3A_318 = arith.constant 64 : index
      %swap3A_319 = tpu.vector_load %arg9[%swap3A_317, %swap3A_318] {strides = array<i32>} : memref<128x128xf32, #tpu.memory_space<vmem>>, vector<1x16xf32>,
      %swap3A_320 = vector.shape_cast %swap3A_319 : vector<1x16xf32> to vector<16xf32>
      %swap3A_321 = vector.shape_cast %select_n3A : vector<16xf32> to vector<1x16xf32>
      tpu.vector_store %arg9[%swap3A_317, %swap3A_318], %swap3A_321 {strides = array<i32>} : memref<128x128xf32, #tpu.memory_space<vmem>>, vector<1x16xf32>,
      %swap3A_322 = arith.constant 40 : i32
      %swap3A_323 = arith.index_cast %swap3A_322 : i32 to index
      %swap3A_324 = arith.constant 64 : index
      %swap3A_325 = tpu.vector_load %arg9[%swap3A_323, %swap3A_324] {strides = array<i32>} : memref<128x128xf32, #tpu.memory_space<vmem>>, vector<1x16xf32>,
      %swap3A_326 = vector.shape_cast %swap3A_325 : vector<1x16xf32> to vector<16xf32>
      %swap3A_327 = vector.shape_cast %select_n3A : vector<16xf32> to vector<1x16xf32>
      tpu.vector_store %arg9[%swap3A_323, %swap3A_324], %swap3A_327 {strides = array<i32>} : memref<128x128xf32, #tpu.memory_space<vmem>>, vector<1x16xf32>,
      %swap3A_328 = arith.constant 41 : i32
      %swap3A_329 = arith.index_cast %swap3A_328 : i32 to index
      %swap3A_330 = arith.constant 64 : index
      %swap3A_331 = tpu.vector_load %arg9[%swap3A_329, %swap3A_330] {strides = array<i32>} : memref<128x128xf32, #tpu.memory_space<vmem>>, vector<1x16xf32>,
      %swap3A_332 = vector.shape_cast %swap3A_331 : vector<1x16xf32> to vector<16xf32>
      %swap3A_333 = vector.shape_cast %select_n3A : vector<16xf32> to vector<1x16xf32>
      tpu.vector_store %arg9[%swap3A_329, %swap3A_330], %swap3A_333 {strides = array<i32>} : memref<128x128xf32, #tpu.memory_space<vmem>>, vector<1x16xf32>,
      %swap3A_334 = arith.constant 42 : i32
      %swap3A_335 = arith.index_cast %swap3A_334 : i32 to index
      %swap3A_336 = arith.constant 64 : index
      %swap3A_337 = tpu.vector_load %arg9[%swap3A_335, %swap3A_336] {strides = array<i32>} : memref<128x128xf32, #tpu.memory_space<vmem>>, vector<1x16xf32>,
      %swap3A_338 = vector.shape_cast %swap3A_337 : vector<1x16xf32> to vector<16xf32>
      %swap3A_339 = vector.shape_cast %select_n3A : vector<16xf32> to vector<1x16xf32>
      tpu.vector_store %arg9[%swap3A_335, %swap3A_336], %swap3A_339 {strides = array<i32>} : memref<128x128xf32, #tpu.memory_space<vmem>>, vector<1x16xf32>,
      %swap3A_340 = arith.constant 43 : i32
      %swap3A_341 = arith.index_cast %swap3A_340 : i32 to index
      %swap3A_342 = arith.constant 64 : index
      %swap3A_343 = tpu.vector_load %arg9[%swap3A_341, %swap3A_342] {strides = array<i32>} : memref<128x128xf32, #tpu.memory_space<vmem>>, vector<1x16xf32>,
      %swap3A_344 = vector.shape_cast %swap3A_343 : vector<1x16xf32> to vector<16xf32>
      %swap3A_345 = vector.shape_cast %select_n3A : vector<16xf32> to vector<1x16xf32>
      tpu.vector_store %arg9[%swap3A_341, %swap3A_342], %swap3A_345 {strides = array<i32>} : memref<128x128xf32, #tpu.memory_space<vmem>>, vector<1x16xf32>,
      %swap3A_346 = arith.constant 44 : i32
      %swap3A_347 = arith.index_cast %swap3A_346 : i32 to index
      %swap3A_348 = arith.constant 64 : index
      %swap3A_349 = tpu.vector_load %arg9[%swap3A_347, %swap3A_348] {strides = array<i32>} : memref<128x128xf32, #tpu.memory_space<vmem>>, vector<1x16xf32>,
      %swap3A_350 = vector.shape_cast %swap3A_349 : vector<1x16xf32> to vector<16xf32>
      %swap3A_351 = vector.shape_cast %select_n3A : vector<16xf32> to vector<1x16xf32>
      tpu.vector_store %arg9[%swap3A_347, %swap3A_348], %swap3A_351 {strides = array<i32>} : memref<128x128xf32, #tpu.memory_space<vmem>>, vector<1x16xf32>,
      %swap3A_352 = arith.constant 45 : i32
      %swap3A_353 = arith.index_cast %swap3A_352 : i32 to index
      %swap3A_354 = arith.constant 64 : index
      %swap3A_355 = tpu.vector_load %arg9[%swap3A_353, %swap3A_354] {strides = array<i32>} : memref<128x128xf32, #tpu.memory_space<vmem>>, vector<1x16xf32>,
      %swap3A_356 = vector.shape_cast %swap3A_355 : vector<1x16xf32> to vector<16xf32>
      %swap3A_357 = vector.shape_cast %select_n3A : vector<16xf32> to vector<1x16xf32>
      tpu.vector_store %arg9[%swap3A_353, %swap3A_354], %swap3A_357 {strides = array<i32>} : memref<128x128xf32, #tpu.memory_space<vmem>>, vector<1x16xf32>,
      %swap3A_358 = arith.constant 46 : i32
      %swap3A_359 = arith.index_cast %swap3A_358 : i32 to index
      %swap3A_360 = arith.constant 64 : index
      %swap3A_361 = tpu.vector_load %arg9[%swap3A_359, %swap3A_360] {strides = array<i32>} : memref<128x128xf32, #tpu.memory_space<vmem>>, vector<1x16xf32>,
      %swap3A_362 = vector.shape_cast %swap3A_361 : vector<1x16xf32> to vector<16xf32>
      %swap3A_363 = vector.shape_cast %select_n3A : vector<16xf32> to vector<1x16xf32>
      tpu.vector_store %arg9[%swap3A_359, %swap3A_360], %swap3A_363 {strides = array<i32>} : memref<128x128xf32, #tpu.memory_space<vmem>>, vector<1x16xf32>,
      %swap3A_364 = arith.constant 47 : i32
      %swap3A_365 = arith.index_cast %swap3A_364 : i32 to index
      %swap3A_366 = arith.constant 64 : index
      %swap3A_367 = tpu.vector_load %arg9[%swap3A_365, %swap3A_366] {strides = array<i32>} : memref<128x128xf32, #tpu.memory_space<vmem>>, vector<1x16xf32>,
      %swap3A_368 = vector.shape_cast %swap3A_367 : vector<1x16xf32> to vector<16xf32>
      %swap3A_369 = vector.shape_cast %select_n3A : vector<16xf32> to vector<1x16xf32>
      tpu.vector_store %arg9[%swap3A_365, %swap3A_366], %swap3A_369 {strides = array<i32>} : memref<128x128xf32, #tpu.memory_space<vmem>>, vector<1x16xf32>,
      %swap3A_370 = arith.constant 48 : i32
      %swap3A_371 = arith.index_cast %swap3A_370 : i32 to index
      %swap3A_372 = arith.constant 64 : index
      %swap3A_373 = tpu.vector_load %arg9[%swap3A_371, %swap3A_372] {strides = array<i32>} : memref<128x128xf32, #tpu.memory_space<vmem>>, vector<1x16xf32>,
      %swap3A_374 = vector.shape_cast %swap3A_373 : vector<1x16xf32> to vector<16xf32>
      %swap3A_375 = vector.shape_cast %select_n3A : vector<16xf32> to vector<1x16xf32>
      tpu.vector_store %arg9[%swap3A_371, %swap3A_372], %swap3A_375 {strides = array<i32>} : memref<128x128xf32, #tpu.memory_space<vmem>>, vector<1x16xf32>,
      %swap3A_376 = arith.constant 49 : i32
      %swap3A_377 = arith.index_cast %swap3A_376 : i32 to index
      %swap3A_378 = arith.constant 64 : index
      %swap3A_379 = tpu.vector_load %arg9[%swap3A_377, %swap3A_378] {strides = array<i32>} : memref<128x128xf32, #tpu.memory_space<vmem>>, vector<1x16xf32>,
      %swap3A_380 = vector.shape_cast %swap3A_379 : vector<1x16xf32> to vector<16xf32>
      %swap3A_381 = vector.shape_cast %select_n3A : vector<16xf32> to vector<1x16xf32>
      tpu.vector_store %arg9[%swap3A_377, %swap3A_378], %swap3A_381 {strides = array<i32>} : memref<128x128xf32, #tpu.memory_space<vmem>>, vector<1x16xf32>,
      %swap3A_382 = arith.constant 50 : i32
      %swap3A_383 = arith.index_cast %swap3A_382 : i32 to index
      %swap3A_384 = arith.constant 64 : index
      %swap3A_385 = tpu.vector_load %arg9[%swap3A_383, %swap3A_384] {strides = array<i32>} : memref<128x128xf32, #tpu.memory_space<vmem>>, vector<1x16xf32>,
      %swap3A_386 = vector.shape_cast %swap3A_385 : vector<1x16xf32> to vector<16xf32>
      %swap3A_387 = vector.shape_cast %select_n3A : vector<16xf32> to vector<1x16xf32>
      tpu.vector_store %arg9[%swap3A_383, %swap3A_384], %swap3A_387 {strides = array<i32>} : memref<128x128xf32, #tpu.memory_space<vmem>>, vector<1x16xf32>,
      %swap3A_388 = arith.constant 51 : i32
      %swap3A_389 = arith.index_cast %swap3A_388 : i32 to index
      %swap3A_390 = arith.constant 64 : index
      %swap3A_391 = tpu.vector_load %arg9[%swap3A_389, %swap3A_390] {strides = array<i32>} : memref<128x128xf32, #tpu.memory_space<vmem>>, vector<1x16xf32>,
      %swap3A_392 = vector.shape_cast %swap3A_391 : vector<1x16xf32> to vector<16xf32>
      %swap3A_393 = vector.shape_cast %select_n3A : vector<16xf32> to vector<1x16xf32>
      tpu.vector_store %arg9[%swap3A_389, %swap3A_390], %swap3A_393 {strides = array<i32>} : memref<128x128xf32, #tpu.memory_space<vmem>>, vector<1x16xf32>,
      %swap3A_394 = arith.constant 52 : i32
      %swap3A_395 = arith.index_cast %swap3A_394 : i32 to index
      %swap3A_396 = arith.constant 64 : index
      %swap3A_397 = tpu.vector_load %arg9[%swap3A_395, %swap3A_396] {strides = array<i32>} : memref<128x128xf32, #tpu.memory_space<vmem>>, vector<1x16xf32>,
      %swap3A_398 = vector.shape_cast %swap3A_397 : vector<1x16xf32> to vector<16xf32>
      %swap3A_399 = vector.shape_cast %select_n3A : vector<16xf32> to vector<1x16xf32>
      tpu.vector_store %arg9[%swap3A_395, %swap3A_396], %swap3A_399 {strides = array<i32>} : memref<128x128xf32, #tpu.memory_space<vmem>>, vector<1x16xf32>,
      %swap3A_400 = arith.constant 53 : i32
      %swap3A_401 = arith.index_cast %swap3A_400 : i32 to index
      %swap3A_402 = arith.constant 64 : index
      %swap3A_403 = tpu.vector_load %arg9[%swap3A_401, %swap3A_402] {strides = array<i32>} : memref<128x128xf32, #tpu.memory_space<vmem>>, vector<1x16xf32>,
      %swap3A_404 = vector.shape_cast %swap3A_403 : vector<1x16xf32> to vector<16xf32>
      %swap3A_405 = vector.shape_cast %select_n3A : vector<16xf32> to vector<1x16xf32>
      tpu.vector_store %arg9[%swap3A_401, %swap3A_402], %swap3A_405 {strides = array<i32>} : memref<128x128xf32, #tpu.memory_space<vmem>>, vector<1x16xf32>,
      %swap3A_406 = arith.constant 54 : i32
      %swap3A_407 = arith.index_cast %swap3A_406 : i32 to index
      %swap3A_408 = arith.constant 64 : index
      %swap3A_409 = tpu.vector_load %arg9[%swap3A_407, %swap3A_408] {strides = array<i32>} : memref<128x128xf32, #tpu.memory_space<vmem>>, vector<1x16xf32>,
      %swap3A_410 = vector.shape_cast %swap3A_409 : vector<1x16xf32> to vector<16xf32>
      %swap3A_411 = vector.shape_cast %select_n3A : vector<16xf32> to vector<1x16xf32>
      tpu.vector_store %arg9[%swap3A_407, %swap3A_408], %swap3A_411 {strides = array<i32>} : memref<128x128xf32, #tpu.memory_space<vmem>>, vector<1x16xf32>,
      %swap3A_412 = arith.constant 55 : i32
      %swap3A_413 = arith.index_cast %swap3A_412 : i32 to index
      %swap3A_414 = arith.constant 64 : index
      %swap3A_415 = tpu.vector_load %arg9[%swap3A_413, %swap3A_414] {strides = array<i32>} : memref<128x128xf32, #tpu.memory_space<vmem>>, vector<1x16xf32>,
      %swap3A_416 = vector.shape_cast %swap3A_415 : vector<1x16xf32> to vector<16xf32>
      %swap3A_417 = vector.shape_cast %select_n3A : vector<16xf32> to vector<1x16xf32>
      tpu.vector_store %arg9[%swap3A_413, %swap3A_414], %swap3A_417 {strides = array<i32>} : memref<128x128xf32, #tpu.memory_space<vmem>>, vector<1x16xf32>,
      %swap3A_418 = arith.constant 56 : i32
      %swap3A_419 = arith.index_cast %swap3A_418 : i32 to index
      %swap3A_420 = arith.constant 64 : index
      %swap3A_421 = tpu.vector_load %arg9[%swap3A_419, %swap3A_420] {strides = array<i32>} : memref<128x128xf32, #tpu.memory_space<vmem>>, vector<1x16xf32>,
      %swap3A_422 = vector.shape_cast %swap3A_421 : vector<1x16xf32> to vector<16xf32>
      %swap3A_423 = vector.shape_cast %select_n3A : vector<16xf32> to vector<1x16xf32>
      tpu.vector_store %arg9[%swap3A_419, %swap3A_420], %swap3A_423 {strides = array<i32>} : memref<128x128xf32, #tpu.memory_space<vmem>>, vector<1x16xf32>,
      %swap3A_424 = arith.constant 57 : i32
      %swap3A_425 = arith.index_cast %swap3A_424 : i32 to index
      %swap3A_426 = arith.constant 64 : index
      %swap3A_427 = tpu.vector_load %arg9[%swap3A_425, %swap3A_426] {strides = array<i32>} : memref<128x128xf32, #tpu.memory_space<vmem>>, vector<1x16xf32>,
      %swap3A_428 = vector.shape_cast %swap3A_427 : vector<1x16xf32> to vector<16xf32>
      %swap3A_429 = vector.shape_cast %select_n3A : vector<16xf32> to vector<1x16xf32>
      tpu.vector_store %arg9[%swap3A_425, %swap3A_426], %swap3A_429 {strides = array<i32>} : memref<128x128xf32, #tpu.memory_space<vmem>>, vector<1x16xf32>,
      %swap3A_430 = arith.constant 58 : i32
      %swap3A_431 = arith.index_cast %swap3A_430 : i32 to index
      %swap3A_432 = arith.constant 64 : index
      %swap3A_433 = tpu.vector_load %arg9[%swap3A_431, %swap3A_432] {strides = array<i32>} : memref<128x128xf32, #tpu.memory_space<vmem>>, vector<1x16xf32>,
      %swap3A_434 = vector.shape_cast %swap3A_433 : vector<1x16xf32> to vector<16xf32>
      %swap3A_435 = vector.shape_cast %select_n3A : vector<16xf32> to vector<1x16xf32>
      tpu.vector_store %arg9[%swap3A_431, %swap3A_432], %swap3A_435 {strides = array<i32>} : memref<128x128xf32, #tpu.memory_space<vmem>>, vector<1x16xf32>,
      %swap3A_436 = arith.constant 59 : i32
      %swap3A_437 = arith.index_cast %swap3A_436 : i32 to index
      %swap3A_438 = arith.constant 64 : index
      %swap3A_439 = tpu.vector_load %arg9[%swap3A_437, %swap3A_438] {strides = array<i32>} : memref<128x128xf32, #tpu.memory_space<vmem>>, vector<1x16xf32>,
      %swap3A_440 = vector.shape_cast %swap3A_439 : vector<1x16xf32> to vector<16xf32>
      %swap3A_441 = vector.shape_cast %select_n3A : vector<16xf32> to vector<1x16xf32>
      tpu.vector_store %arg9[%swap3A_437, %swap3A_438], %swap3A_441 {strides = array<i32>} : memref<128x128xf32, #tpu.memory_space<vmem>>, vector<1x16xf32>,
      %swap3A_442 = arith.constant 60 : i32
      %swap3A_443 = arith.index_cast %swap3A_442 : i32 to index
      %swap3A_444 = arith.constant 64 : index
      %swap3A_445 = tpu.vector_load %arg9[%swap3A_443, %swap3A_444] {strides = array<i32>} : memref<128x128xf32, #tpu.memory_space<vmem>>, vector<1x16xf32>,
      %swap3A_446 = vector.shape_cast %swap3A_445 : vector<1x16xf32> to vector<16xf32>
      %swap3A_447 = vector.shape_cast %select_n3A : vector<16xf32> to vector<1x16xf32>
      tpu.vector_store %arg9[%swap3A_443, %swap3A_444], %swap3A_447 {strides = array<i32>} : memref<128x128xf32, #tpu.memory_space<vmem>>, vector<1x16xf32>,
      %swap3A_448 = arith.constant 61 : i32
      %swap3A_449 = arith.index_cast %swap3A_448 : i32 to index
      %swap3A_450 = arith.constant 64 : index
      %swap3A_451 = tpu.vector_load %arg9[%swap3A_449, %swap3A_450] {strides = array<i32>} : memref<128x128xf32, #tpu.memory_space<vmem>>, vector<1x16xf32>,
      %swap3A_452 = vector.shape_cast %swap3A_451 : vector<1x16xf32> to vector<16xf32>
      %swap3A_453 = vector.shape_cast %select_n3A : vector<16xf32> to vector<1x16xf32>
      tpu.vector_store %arg9[%swap3A_449, %swap3A_450], %swap3A_453 {strides = array<i32>} : memref<128x128xf32, #tpu.memory_space<vmem>>, vector<1x16xf32>,
      %swap3A_454 = arith.constant 62 : i32
      %swap3A_455 = arith.index_cast %swap3A_454 : i32 to index
      %swap3A_456 = arith.constant 64 : index
      %swap3A_457 = tpu.vector_load %arg9[%swap3A_455, %swap3A_456] {strides = array<i32>} : memref<128x128xf32, #tpu.memory_space<vmem>>, vector<1x16xf32>,
      %swap3A_458 = vector.shape_cast %swap3A_457 : vector<1x16xf32> to vector<16xf32>
      %swap3A_459 = vector.shape_cast %select_n3A : vector<16xf32> to vector<1x16xf32>
      tpu.vector_store %arg9[%swap3A_455, %swap3A_456], %swap3A_459 {strides = array<i32>} : memref<128x128xf32, #tpu.memory_space<vmem>>, vector<1x16xf32>,
      %swap3A_460 = arith.constant 63 : i32
      %swap3A_461 = arith.index_cast %swap3A_460 : i32 to index
      %swap3A_462 = arith.constant 64 : index
      %swap3A_463 = tpu.vector_load %arg9[%swap3A_461, %swap3A_462] {strides = array<i32>} : memref<128x128xf32, #tpu.memory_space<vmem>>, vector<1x16xf32>,
      %swap3A_464 = vector.shape_cast %swap3A_463 : vector<1x16xf32> to vector<16xf32>
      %swap3A_465 = vector.shape_cast %select_n3A : vector<16xf32> to vector<1x16xf32>
      tpu.vector_store %arg9[%swap3A_461, %swap3A_462], %swap3A_465 {strides = array<i32>} : memref<128x128xf32, #tpu.memory_space<vmem>>, vector<1x16xf32>,
      %swap3A_466 = arith.constant 64 : i32
      %swap3A_467 = arith.index_cast %swap3A_466 : i32 to index
      %swap3A_468 = arith.constant 64 : index
      %swap3A_469 = tpu.vector_load %arg9[%swap3A_467, %swap3A_468] {strides = array<i32>} : memref<128x128xf32, #tpu.memory_space<vmem>>, vector<1x16xf32>,
      %swap3A_470 = vector.shape_cast %swap3A_469 : vector<1x16xf32> to vector<16xf32>
      %swap3A_471 = vector.shape_cast %select_n3A : vector<16xf32> to vector<1x16xf32>
      tpu.vector_store %arg9[%swap3A_467, %swap3A_468], %swap3A_471 {strides = array<i32>} : memref<128x128xf32, #tpu.memory_space<vmem>>, vector<1x16xf32>,
      %swap3A_472 = arith.constant 65 : i32
      %swap3A_473 = arith.index_cast %swap3A_472 : i32 to index
      %swap3A_474 = arith.constant 64 : index
      %swap3A_475 = tpu.vector_load %arg9[%swap3A_473, %swap3A_474] {strides = array<i32>} : memref<128x128xf32, #tpu.memory_space<vmem>>, vector<1x16xf32>,
      %swap3A_476 = vector.shape_cast %swap3A_475 : vector<1x16xf32> to vector<16xf32>
      %swap3A_477 = vector.shape_cast %select_n3A : vector<16xf32> to vector<1x16xf32>
      tpu.vector_store %arg9[%swap3A_473, %swap3A_474], %swap3A_477 {strides = array<i32>} : memref<128x128xf32, #tpu.memory_space<vmem>>, vector<1x16xf32>,
      %swap3A_478 = arith.constant 66 : i32
      %swap3A_479 = arith.index_cast %swap3A_478 : i32 to index
      %swap3A_480 = arith.constant 64 : index
      %swap3A_481 = tpu.vector_load %arg9[%swap3A_479, %swap3A_480] {strides = array<i32>} : memref<128x128xf32, #tpu.memory_space<vmem>>, vector<1x16xf32>,
      %swap3A_482 = vector.shape_cast %swap3A_481 : vector<1x16xf32> to vector<16xf32>
      %swap3A_483 = vector.shape_cast %select_n3A : vector<16xf32> to vector<1x16xf32>
      tpu.vector_store %arg9[%swap3A_479, %swap3A_480], %swap3A_483 {strides = array<i32>} : memref<128x128xf32, #tpu.memory_space<vmem>>, vector<1x16xf32>,
      %swap3A_484 = arith.constant 67 : i32
      %swap3A_485 = arith.index_cast %swap3A_484 : i32 to index
      %swap3A_486 = arith.constant 64 : index
      %swap3A_487 = tpu.vector_load %arg9[%swap3A_485, %swap3A_486] {strides = array<i32>} : memref<128x128xf32, #tpu.memory_space<vmem>>, vector<1x16xf32>,
      %swap3A_488 = vector.shape_cast %swap3A_487 : vector<1x16xf32> to vector<16xf32>
      %swap3A_489 = vector.shape_cast %select_n3A : vector<16xf32> to vector<1x16xf32>
      tpu.vector_store %arg9[%swap3A_485, %swap3A_486], %swap3A_489 {strides = array<i32>} : memref<128x128xf32, #tpu.memory_space<vmem>>, vector<1x16xf32>,
      %swap3A_490 = arith.constant 68 : i32
      %swap3A_491 = arith.index_cast %swap3A_490 : i32 to index
      %swap3A_492 = arith.constant 64 : index
      %swap3A_493 = tpu.vector_load %arg9[%swap3A_491, %swap3A_492] {strides = array<i32>} : memref<128x128xf32, #tpu.memory_space<vmem>>, vector<1x16xf32>,
      %swap3A_494 = vector.shape_cast %swap3A_493 : vector<1x16xf32> to vector<16xf32>
      %swap3A_495 = vector.shape_cast %select_n3A : vector<16xf32> to vector<1x16xf32>
      tpu.vector_store %arg9[%swap3A_491, %swap3A_492], %swap3A_495 {strides = array<i32>} : memref<128x128xf32, #tpu.memory_space<vmem>>, vector<1x16xf32>,
      %swap3A_496 = arith.constant 69 : i32
      %swap3A_497 = arith.index_cast %swap3A_496 : i32 to index
      %swap3A_498 = arith.constant 64 : index
      %swap3A_499 = tpu.vector_load %arg9[%swap3A_497, %swap3A_498] {strides = array<i32>} : memref<128x128xf32, #tpu.memory_space<vmem>>, vector<1x16xf32>,
      %swap3A_500 = vector.shape_cast %swap3A_499 : vector<1x16xf32> to vector<16xf32>
      %swap3A_501 = vector.shape_cast %select_n3A : vector<16xf32> to vector<1x16xf32>
      tpu.vector_store %arg9[%swap3A_497, %swap3A_498], %swap3A_501 {strides = array<i32>} : memref<128x128xf32, #tpu.memory_space<vmem>>, vector<1x16xf32>,
      %swap3A_502 = arith.constant 70 : i32
      %swap3A_503 = arith.index_cast %swap3A_502 : i32 to index
      %swap3A_504 = arith.constant 64 : index
      %swap3A_505 = tpu.vector_load %arg9[%swap3A_503, %swap3A_504] {strides = array<i32>} : memref<128x128xf32, #tpu.memory_space<vmem>>, vector<1x16xf32>,
      %swap3A_506 = vector.shape_cast %swap3A_505 : vector<1x16xf32> to vector<16xf32>
      %swap3A_507 = vector.shape_cast %select_n3A : vector<16xf32> to vector<1x16xf32>
      tpu.vector_store %arg9[%swap3A_503, %swap3A_504], %swap3A_507 {strides = array<i32>} : memref<128x128xf32, #tpu.memory_space<vmem>>, vector<1x16xf32>,
      %swap3A_508 = arith.constant 71 : i32
      %swap3A_509 = arith.index_cast %swap3A_508 : i32 to index
      %swap3A_510 = arith.constant 64 : index
      %swap3A_511 = tpu.vector_load %arg9[%swap3A_509, %swap3A_510] {strides = array<i32>} : memref<128x128xf32, #tpu.memory_space<vmem>>, vector<1x16xf32>,
      %swap3A_512 = vector.shape_cast %swap3A_511 : vector<1x16xf32> to vector<16xf32>
      %swap3A_513 = vector.shape_cast %select_n3A : vector<16xf32> to vector<1x16xf32>
      tpu.vector_store %arg9[%swap3A_509, %swap3A_510], %swap3A_513 {strides = array<i32>} : memref<128x128xf32, #tpu.memory_space<vmem>>, vector<1x16xf32>,
      %swap3A_514 = arith.constant 72 : i32
      %swap3A_515 = arith.index_cast %swap3A_514 : i32 to index
      %swap3A_516 = arith.constant 64 : index
      %swap3A_517 = tpu.vector_load %arg9[%swap3A_515, %swap3A_516] {strides = array<i32>} : memref<128x128xf32, #tpu.memory_space<vmem>>, vector<1x16xf32>,
      %swap3A_518 = vector.shape_cast %swap3A_517 : vector<1x16xf32> to vector<16xf32>
      %swap3A_519 = vector.shape_cast %select_n3A : vector<16xf32> to vector<1x16xf32>
      tpu.vector_store %arg9[%swap3A_515, %swap3A_516], %swap3A_519 {strides = array<i32>} : memref<128x128xf32, #tpu.memory_space<vmem>>, vector<1x16xf32>,
      %swap3A_520 = arith.constant 73 : i32
      %swap3A_521 = arith.index_cast %swap3A_520 : i32 to index
      %swap3A_522 = arith.constant 64 : index
      %swap3A_523 = tpu.vector_load %arg9[%swap3A_521, %swap3A_522] {strides = array<i32>} : memref<128x128xf32, #tpu.memory_space<vmem>>, vector<1x16xf32>,
      %swap3A_524 = vector.shape_cast %swap3A_523 : vector<1x16xf32> to vector<16xf32>
      %swap3A_525 = vector.shape_cast %select_n3A : vector<16xf32> to vector<1x16xf32>
      tpu.vector_store %arg9[%swap3A_521, %swap3A_522], %swap3A_525 {strides = array<i32>} : memref<128x128xf32, #tpu.memory_space<vmem>>, vector<1x16xf32>,
      %swap3A_526 = arith.constant 74 : i32
      %swap3A_527 = arith.index_cast %swap3A_526 : i32 to index
      %swap3A_528 = arith.constant 64 : index
      %swap3A_529 = tpu.vector_load %arg9[%swap3A_527, %swap3A_528] {strides = array<i32>} : memref<128x128xf32, #tpu.memory_space<vmem>>, vector<1x16xf32>,
      %swap3A_530 = vector.shape_cast %swap3A_529 : vector<1x16xf32> to vector<16xf32>
      %swap3A_531 = vector.shape_cast %select_n3A : vector<16xf32> to vector<1x16xf32>
      tpu.vector_store %arg9[%swap3A_527, %swap3A_528], %swap3A_531 {strides = array<i32>} : memref<128x128xf32, #tpu.memory_space<vmem>>, vector<1x16xf32>,
      %swap3A_532 = arith.constant 75 : i32
      %swap3A_533 = arith.index_cast %swap3A_532 : i32 to index
      %swap3A_534 = arith.constant 64 : index
      %swap3A_535 = tpu.vector_load %arg9[%swap3A_533, %swap3A_534] {strides = array<i32>} : memref<128x128xf32, #tpu.memory_space<vmem>>, vector<1x16xf32>,
      %swap3A_536 = vector.shape_cast %swap3A_535 : vector<1x16xf32> to vector<16xf32>
      %swap3A_537 = vector.shape_cast %select_n3A : vector<16xf32> to vector<1x16xf32>
      tpu.vector_store %arg9[%swap3A_533, %swap3A_534], %swap3A_537 {strides = array<i32>} : memref<128x128xf32, #tpu.memory_space<vmem>>, vector<1x16xf32>,
      %swap3A_538 = arith.constant 76 : i32
      %swap3A_539 = arith.index_cast %swap3A_538 : i32 to index
      %swap3A_540 = arith.constant 64 : index
      %swap3A_541 = tpu.vector_load %arg9[%swap3A_539, %swap3A_540] {strides = array<i32>} : memref<128x128xf32, #tpu.memory_space<vmem>>, vector<1x16xf32>,
      %swap3A_542 = vector.shape_cast %swap3A_541 : vector<1x16xf32> to vector<16xf32>
      %swap3A_543 = vector.shape_cast %select_n3A : vector<16xf32> to vector<1x16xf32>
      tpu.vector_store %arg9[%swap3A_539, %swap3A_540], %swap3A_543 {strides = array<i32>} : memref<128x128xf32, #tpu.memory_space<vmem>>, vector<1x16xf32>,
      %swap3A_544 = arith.constant 77 : i32
      %swap3A_545 = arith.index_cast %swap3A_544 : i32 to index
      %swap3A_546 = arith.constant 64 : index
      %swap3A_547 = tpu.vector_load %arg9[%swap3A_545, %swap3A_546] {strides = array<i32>} : memref<128x128xf32, #tpu.memory_space<vmem>>, vector<1x16xf32>,
      %swap3A_548 = vector.shape_cast %swap3A_547 : vector<1x16xf32> to vector<16xf32>
      %swap3A_549 = vector.shape_cast %select_n3A : vector<16xf32> to vector<1x16xf32>
      tpu.vector_store %arg9[%swap3A_545, %swap3A_546], %swap3A_549 {strides = array<i32>} : memref<128x128xf32, #tpu.memory_space<vmem>>, vector<1x16xf32>,
      %swap3A_550 = arith.constant 78 : i32
      %swap3A_551 = arith.index_cast %swap3A_550 : i32 to index
      %swap3A_552 = arith.constant 64 : index
      %swap3A_553 = tpu.vector_load %arg9[%swap3A_551, %swap3A_552] {strides = array<i32>} : memref<128x128xf32, #tpu.memory_space<vmem>>, vector<1x16xf32>,
      %swap3A_554 = vector.shape_cast %swap3A_553 : vector<1x16xf32> to vector<16xf32>
      %swap3A_555 = vector.shape_cast %select_n3A : vector<16xf32> to vector<1x16xf32>
      tpu.vector_store %arg9[%swap3A_551, %swap3A_552], %swap3A_555 {strides = array<i32>} : memref<128x128xf32, #tpu.memory_space<vmem>>, vector<1x16xf32>,
      %swap3A_556 = arith.constant 79 : i32
      %swap3A_557 = arith.index_cast %swap3A_556 : i32 to index
      %swap3A_558 = arith.constant 64 : index
      %swap3A_559 = tpu.vector_load %arg9[%swap3A_557, %swap3A_558] {strides = array<i32>} : memref<128x128xf32, #tpu.memory_space<vmem>>, vector<1x16xf32>,
      %swap3A_560 = vector.shape_cast %swap3A_559 : vector<1x16xf32> to vector<16xf32>
      %swap3A_561 = vector.shape_cast %select_n3A : vector<16xf32> to vector<1x16xf32>
      tpu.vector_store %arg9[%swap3A_557, %swap3A_558], %swap3A_561 {strides = array<i32>} : memref<128x128xf32, #tpu.memory_space<vmem>>, vector<1x16xf32>,
      %swap3A_562 = arith.constant 80 : i32
      %swap3A_563 = arith.index_cast %swap3A_562 : i32 to index
      %swap3A_564 = arith.constant 64 : index
      %swap3A_565 = tpu.vector_load %arg9[%swap3A_563, %swap3A_564] {strides = array<i32>} : memref<128x128xf32, #tpu.memory_space<vmem>>, vector<1x16xf32>,
      %swap3A_566 = vector.shape_cast %swap3A_565 : vector<1x16xf32> to vector<16xf32>
      %swap3A_567 = vector.shape_cast %select_n3A : vector<16xf32> to vector<1x16xf32>
      tpu.vector_store %arg9[%swap3A_563, %swap3A_564], %swap3A_567 {strides = array<i32>} : memref<128x128xf32, #tpu.memory_space<vmem>>, vector<1x16xf32>,
      %swap3A_568 = arith.constant 81 : i32
      %swap3A_569 = arith.index_cast %swap3A_568 : i32 to index
      %swap3A_570 = arith.constant 64 : index
      %swap3A_571 = tpu.vector_load %arg9[%swap3A_569, %swap3A_570] {strides = array<i32>} : memref<128x128xf32, #tpu.memory_space<vmem>>, vector<1x16xf32>,
      %swap3A_572 = vector.shape_cast %swap3A_571 : vector<1x16xf32> to vector<16xf32>
      %swap3A_573 = vector.shape_cast %select_n3A : vector<16xf32> to vector<1x16xf32>
      tpu.vector_store %arg9[%swap3A_569, %swap3A_570], %swap3A_573 {strides = array<i32>} : memref<128x128xf32, #tpu.memory_space<vmem>>, vector<1x16xf32>,
      %swap3A_574 = arith.constant 82 : i32
      %swap3A_575 = arith.index_cast %swap3A_574 : i32 to index
      %swap3A_576 = arith.constant 64 : index
      %swap3A_577 = tpu.vector_load %arg9[%swap3A_575, %swap3A_576] {strides = array<i32>} : memref<128x128xf32, #tpu.memory_space<vmem>>, vector<1x16xf32>,
      %swap3A_578 = vector.shape_cast %swap3A_577 : vector<1x16xf32> to vector<16xf32>
      %swap3A_579 = vector.shape_cast %select_n3A : vector<16xf32> to vector<1x16xf32>
      tpu.vector_store %arg9[%swap3A_575, %swap3A_576], %swap3A_579 {strides = array<i32>} : memref<128x128xf32, #tpu.memory_space<vmem>>, vector<1x16xf32>,
      %swap3A_580 = arith.constant 83 : i32
      %swap3A_581 = arith.index_cast %swap3A_580 : i32 to index
      %swap3A_582 = arith.constant 64 : index
      %swap3A_583 = tpu.vector_load %arg9[%swap3A_581, %swap3A_582] {strides = array<i32>} : memref<128x128xf32, #tpu.memory_space<vmem>>, vector<1x16xf32>,
      %swap3A_584 = vector.shape_cast %swap3A_583 : vector<1x16xf32> to vector<16xf32>
      %swap3A_585 = vector.shape_cast %select_n3A : vector<16xf32> to vector<1x16xf32>
      tpu.vector_store %arg9[%swap3A_581, %swap3A_582], %swap3A_585 {strides = array<i32>} : memref<128x128xf32, #tpu.memory_space<vmem>>, vector<1x16xf32>,
      %swap3A_586 = arith.constant 84 : i32
      %swap3A_587 = arith.index_cast %swap3A_586 : i32 to index
      %swap3A_588 = arith.constant 64 : index
      %swap3A_589 = tpu.vector_load %arg9[%swap3A_587, %swap3A_588] {strides = array<i32>} : memref<128x128xf32, #tpu.memory_space<vmem>>, vector<1x16xf32>,
      %swap3A_590 = vector.shape_cast %swap3A_589 : vector<1x16xf32> to vector<16xf32>
      %swap3A_591 = vector.shape_cast %select_n3A : vector<16xf32> to vector<1x16xf32>
      tpu.vector_store %arg9[%swap3A_587, %swap3A_588], %swap3A_591 {strides = array<i32>} : memref<128x128xf32, #tpu.memory_space<vmem>>, vector<1x16xf32>,
      %swap3A_592 = arith.constant 85 : i32
      %swap3A_593 = arith.index_cast %swap3A_592 : i32 to index
      %swap3A_594 = arith.constant 64 : index
      %swap3A_595 = tpu.vector_load %arg9[%swap3A_593, %swap3A_594] {strides = array<i32>} : memref<128x128xf32, #tpu.memory_space<vmem>>, vector<1x16xf32>,
      %swap3A_596 = vector.shape_cast %swap3A_595 : vector<1x16xf32> to vector<16xf32>
      %swap3A_597 = vector.shape_cast %select_n3A : vector<16xf32> to vector<1x16xf32>
      tpu.vector_store %arg9[%swap3A_593, %swap3A_594], %swap3A_597 {strides = array<i32>} : memref<128x128xf32, #tpu.memory_space<vmem>>, vector<1x16xf32>,
      %swap3A_598 = arith.constant 86 : i32
      %swap3A_599 = arith.index_cast %swap3A_598 : i32 to index
      %swap3A_600 = arith.constant 64 : index
      %swap3A_601 = tpu.vector_load %arg9[%swap3A_599, %swap3A_600] {strides = array<i32>} : memref<128x128xf32, #tpu.memory_space<vmem>>, vector<1x16xf32>,
      %swap3A_602 = vector.shape_cast %swap3A_601 : vector<1x16xf32> to vector<16xf32>
      %swap3A_603 = vector.shape_cast %select_n3A : vector<16xf32> to vector<1x16xf32>
      tpu.vector_store %arg9[%swap3A_599, %swap3A_600], %swap3A_603 {strides = array<i32>} : memref<128x128xf32, #tpu.memory_space<vmem>>, vector<1x16xf32>,
      %swap3A_604 = arith.constant 87 : i32
      %swap3A_605 = arith.index_cast %swap3A_604 : i32 to index
      %swap3A_606 = arith.constant 64 : index
      %swap3A_607 = tpu.vector_load %arg9[%swap3A_605, %swap3A_606] {strides = array<i32>} : memref<128x128xf32, #tpu.memory_space<vmem>>, vector<1x16xf32>,
      %swap3A_608 = vector.shape_cast %swap3A_607 : vector<1x16xf32> to vector<16xf32>
      %swap3A_609 = vector.shape_cast %select_n3A : vector<16xf32> to vector<1x16xf32>
      tpu.vector_store %arg9[%swap3A_605, %swap3A_606], %swap3A_609 {strides = array<i32>} : memref<128x128xf32, #tpu.memory_space<vmem>>, vector<1x16xf32>,
      %swap3A_610 = arith.constant 88 : i32
      %swap3A_611 = arith.index_cast %swap3A_610 : i32 to index
      %swap3A_612 = arith.constant 64 : index
      %swap3A_613 = tpu.vector_load %arg9[%swap3A_611, %swap3A_612] {strides = array<i32>} : memref<128x128xf32, #tpu.memory_space<vmem>>, vector<1x16xf32>,
      %swap3A_614 = vector.shape_cast %swap3A_613 : vector<1x16xf32> to vector<16xf32>
      %swap3A_615 = vector.shape_cast %select_n3A : vector<16xf32> to vector<1x16xf32>
      tpu.vector_store %arg9[%swap3A_611, %swap3A_612], %swap3A_615 {strides = array<i32>} : memref<128x128xf32, #tpu.memory_space<vmem>>, vector<1x16xf32>,
      %swap3A_616 = arith.constant 89 : i32
      %swap3A_617 = arith.index_cast %swap3A_616 : i32 to index
      %swap3A_618 = arith.constant 64 : index
      %swap3A_619 = tpu.vector_load %arg9[%swap3A_617, %swap3A_618] {strides = array<i32>} : memref<128x128xf32, #tpu.memory_space<vmem>>, vector<1x16xf32>,
      %swap3A_620 = vector.shape_cast %swap3A_619 : vector<1x16xf32> to vector<16xf32>
      %swap3A_621 = vector.shape_cast %select_n3A : vector<16xf32> to vector<1x16xf32>
      tpu.vector_store %arg9[%swap3A_617, %swap3A_618], %swap3A_621 {strides = array<i32>} : memref<128x128xf32, #tpu.memory_space<vmem>>, vector<1x16xf32>,
      %swap3A_622 = arith.constant 90 : i32
      %swap3A_623 = arith.index_cast %swap3A_622 : i32 to index
      %swap3A_624 = arith.constant 64 : index
      %swap3A_625 = tpu.vector_load %arg9[%swap3A_623, %swap3A_624] {strides = array<i32>} : memref<128x128xf32, #tpu.memory_space<vmem>>, vector<1x16xf32>,
      %swap3A_626 = vector.shape_cast %swap3A_625 : vector<1x16xf32> to vector<16xf32>
      %swap3A_627 = vector.shape_cast %select_n3A : vector<16xf32> to vector<1x16xf32>
      tpu.vector_store %arg9[%swap3A_623, %swap3A_624], %swap3A_627 {strides = array<i32>} : memref<128x128xf32, #tpu.memory_space<vmem>>, vector<1x16xf32>,
      %swap3A_628 = arith.constant 91 : i32
      %swap3A_629 = arith.index_cast %swap3A_628 : i32 to index
      %swap3A_630 = arith.constant 64 : index
      %swap3A_631 = tpu.vector_load %arg9[%swap3A_629, %swap3A_630] {strides = array<i32>} : memref<128x128xf32, #tpu.memory_space<vmem>>, vector<1x16xf32>,
      %swap3A_632 = vector.shape_cast %swap3A_631 : vector<1x16xf32> to vector<16xf32>
      %swap3A_633 = vector.shape_cast %select_n3A : vector<16xf32> to vector<1x16xf32>
      tpu.vector_store %arg9[%swap3A_629, %swap3A_630], %swap3A_633 {strides = array<i32>} : memref<128x128xf32, #tpu.memory_space<vmem>>, vector<1x16xf32>,
      %swap3A_634 = arith.constant 92 : i32
      %swap3A_635 = arith.index_cast %swap3A_634 : i32 to index
      %swap3A_636 = arith.constant 64 : index
      %swap3A_637 = tpu.vector_load %arg9[%swap3A_635, %swap3A_636] {strides = array<i32>} : memref<128x128xf32, #tpu.memory_space<vmem>>, vector<1x16xf32>,
      %swap3A_638 = vector.shape_cast %swap3A_637 : vector<1x16xf32> to vector<16xf32>
      %swap3A_639 = vector.shape_cast %select_n3A : vector<16xf32> to vector<1x16xf32>
      tpu.vector_store %arg9[%swap3A_635, %swap3A_636], %swap3A_639 {strides = array<i32>} : memref<128x128xf32, #tpu.memory_space<vmem>>, vector<1x16xf32>,
      %swap3A_640 = arith.constant 93 : i32
      %swap3A_641 = arith.index_cast %swap3A_640 : i32 to index
      %swap3A_642 = arith.constant 64 : index
      %swap3A_643 = tpu.vector_load %arg9[%swap3A_641, %swap3A_642] {strides = array<i32>} : memref<128x128xf32, #tpu.memory_space<vmem>>, vector<1x16xf32>,
      %swap3A_644 = vector.shape_cast %swap3A_643 : vector<1x16xf32> to vector<16xf32>
      %swap3A_645 = vector.shape_cast %select_n3A : vector<16xf32> to vector<1x16xf32>
      tpu.vector_store %arg9[%swap3A_641, %swap3A_642], %swap3A_645 {strides = array<i32>} : memref<128x128xf32, #tpu.memory_space<vmem>>, vector<1x16xf32>,
      %swap3A_646 = arith.constant 94 : i32
      %swap3A_647 = arith.index_cast %swap3A_646 : i32 to index
      %swap3A_648 = arith.constant 64 : index
      %swap3A_649 = tpu.vector_load %arg9[%swap3A_647, %swap3A_648] {strides = array<i32>} : memref<128x128xf32, #tpu.memory_space<vmem>>, vector<1x16xf32>,
      %swap3A_650 = vector.shape_cast %swap3A_649 : vector<1x16xf32> to vector<16xf32>
      %swap3A_651 = vector.shape_cast %select_n3A : vector<16xf32> to vector<1x16xf32>
      tpu.vector_store %arg9[%swap3A_647, %swap3A_648], %swap3A_651 {strides = array<i32>} : memref<128x128xf32, #tpu.memory_space<vmem>>, vector<1x16xf32>,
      %swap3A_652 = arith.constant 95 : i32
      %swap3A_653 = arith.index_cast %swap3A_652 : i32 to index
      %swap3A_654 = arith.constant 64 : index
      %swap3A_655 = tpu.vector_load %arg9[%swap3A_653, %swap3A_654] {strides = array<i32>} : memref<128x128xf32, #tpu.memory_space<vmem>>, vector<1x16xf32>,
      %swap3A_656 = vector.shape_cast %swap3A_655 : vector<1x16xf32> to vector<16xf32>
      %swap3A_657 = vector.shape_cast %select_n3A : vector<16xf32> to vector<1x16xf32>
      tpu.vector_store %arg9[%swap3A_653, %swap3A_654], %swap3A_657 {strides = array<i32>} : memref<128x128xf32, #tpu.memory_space<vmem>>, vector<1x16xf32>,
      %swap3A_658 = arith.constant 96 : i32
      %swap3A_659 = arith.index_cast %swap3A_658 : i32 to index
      %swap3A_660 = arith.constant 64 : index
      %swap3A_661 = tpu.vector_load %arg9[%swap3A_659, %swap3A_660] {strides = array<i32>} : memref<128x128xf32, #tpu.memory_space<vmem>>, vector<1x16xf32>,
      %swap3A_662 = vector.shape_cast %swap3A_661 : vector<1x16xf32> to vector<16xf32>
      %swap3A_663 = vector.shape_cast %select_n3A : vector<16xf32> to vector<1x16xf32>
      tpu.vector_store %arg9[%swap3A_659, %swap3A_660], %swap3A_663 {strides = array<i32>} : memref<128x128xf32, #tpu.memory_space<vmem>>, vector<1x16xf32>,
      %swap3A_664 = arith.constant 97 : i32
      %swap3A_665 = arith.index_cast %swap3A_664 : i32 to index
      %swap3A_666 = arith.constant 64 : index
      %swap3A_667 = tpu.vector_load %arg9[%swap3A_665, %swap3A_666] {strides = array<i32>} : memref<128x128xf32, #tpu.memory_space<vmem>>, vector<1x16xf32>,
      %swap3A_668 = vector.shape_cast %swap3A_667 : vector<1x16xf32> to vector<16xf32>
      %swap3A_669 = vector.shape_cast %select_n3A : vector<16xf32> to vector<1x16xf32>
      tpu.vector_store %arg9[%swap3A_665, %swap3A_666], %swap3A_669 {strides = array<i32>} : memref<128x128xf32, #tpu.memory_space<vmem>>, vector<1x16xf32>,
      %swap3A_670 = arith.constant 98 : i32
      %swap3A_671 = arith.index_cast %swap3A_670 : i32 to index
      %swap3A_672 = arith.constant 64 : index
      %swap3A_673 = tpu.vector_load %arg9[%swap3A_671, %swap3A_672] {strides = array<i32>} : memref<128x128xf32, #tpu.memory_space<vmem>>, vector<1x16xf32>,
      %swap3A_674 = vector.shape_cast %swap3A_673 : vector<1x16xf32> to vector<16xf32>
      %swap3A_675 = vector.shape_cast %select_n3A : vector<16xf32> to vector<1x16xf32>
      tpu.vector_store %arg9[%swap3A_671, %swap3A_672], %swap3A_675 {strides = array<i32>} : memref<128x128xf32, #tpu.memory_space<vmem>>, vector<1x16xf32>,
      %swap3A_676 = arith.constant 99 : i32
      %swap3A_677 = arith.index_cast %swap3A_676 : i32 to index
      %swap3A_678 = arith.constant 64 : index
      %swap3A_679 = tpu.vector_load %arg9[%swap3A_677, %swap3A_678] {strides = array<i32>} : memref<128x128xf32, #tpu.memory_space<vmem>>, vector<1x16xf32>,
      %swap3A_680 = vector.shape_cast %swap3A_679 : vector<1x16xf32> to vector<16xf32>
      %swap3A_681 = vector.shape_cast %select_n3A : vector<16xf32> to vector<1x16xf32>
      tpu.vector_store %arg9[%swap3A_677, %swap3A_678], %swap3A_681 {strides = array<i32>} : memref<128x128xf32, #tpu.memory_space<vmem>>, vector<1x16xf32>,
      %swap3A_682 = arith.constant 100 : i32
      %swap3A_683 = arith.index_cast %swap3A_682 : i32 to index
      %swap3A_684 = arith.constant 64 : index
      %swap3A_685 = tpu.vector_load %arg9[%swap3A_683, %swap3A_684] {strides = array<i32>} : memref<128x128xf32, #tpu.memory_space<vmem>>, vector<1x16xf32>,
      %swap3A_686 = vector.shape_cast %swap3A_685 : vector<1x16xf32> to vector<16xf32>
      %swap3A_687 = vector.shape_cast %select_n3A : vector<16xf32> to vector<1x16xf32>
      tpu.vector_store %arg9[%swap3A_683, %swap3A_684], %swap3A_687 {strides = array<i32>} : memref<128x128xf32, #tpu.memory_space<vmem>>, vector<1x16xf32>,
      %swap3A_688 = arith.constant 101 : i32
      %swap3A_689 = arith.index_cast %swap3A_688 : i32 to index
      %swap3A_690 = arith.constant 64 : index
      %swap3A_691 = tpu.vector_load %arg9[%swap3A_689, %swap3A_690] {strides = array<i32>} : memref<128x128xf32, #tpu.memory_space<vmem>>, vector<1x16xf32>,
      %swap3A_692 = vector.shape_cast %swap3A_691 : vector<1x16xf32> to vector<16xf32>
      %swap3A_693 = vector.shape_cast %select_n3A : vector<16xf32> to vector<1x16xf32>
      tpu.vector_store %arg9[%swap3A_689, %swap3A_690], %swap3A_693 {strides = array<i32>} : memref<128x128xf32, #tpu.memory_space<vmem>>, vector<1x16xf32>,
      %swap3A_694 = arith.constant 102 : i32
      %swap3A_695 = arith.index_cast %swap3A_694 : i32 to index
      %swap3A_696 = arith.constant 64 : index
      %swap3A_697 = tpu.vector_load %arg9[%swap3A_695, %swap3A_696] {strides = array<i32>} : memref<128x128xf32, #tpu.memory_space<vmem>>, vector<1x16xf32>,
      %swap3A_698 = vector.shape_cast %swap3A_697 : vector<1x16xf32> to vector<16xf32>
      %swap3A_699 = vector.shape_cast %select_n3A : vector<16xf32> to vector<1x16xf32>
      tpu.vector_store %arg9[%swap3A_695, %swap3A_696], %swap3A_699 {strides = array<i32>} : memref<128x128xf32, #tpu.memory_space<vmem>>, vector<1x16xf32>,
      %swap3A_700 = arith.constant 103 : i32
      %swap3A_701 = arith.index_cast %swap3A_700 : i32 to index
      %swap3A_702 = arith.constant 64 : index
      %swap3A_703 = tpu.vector_load %arg9[%swap3A_701, %swap3A_702] {strides = array<i32>} : memref<128x128xf32, #tpu.memory_space<vmem>>, vector<1x16xf32>,
      %swap3A_704 = vector.shape_cast %swap3A_703 : vector<1x16xf32> to vector<16xf32>
      %swap3A_705 = vector.shape_cast %select_n3A : vector<16xf32> to vector<1x16xf32>
      tpu.vector_store %arg9[%swap3A_701, %swap3A_702], %swap3A_705 {strides = array<i32>} : memref<128x128xf32, #tpu.memory_space<vmem>>, vector<1x16xf32>,
      %swap3A_706 = arith.constant 104 : i32
      %swap3A_707 = arith.index_cast %swap3A_706 : i32 to index
      %swap3A_708 = arith.constant 64 : index
      %swap3A_709 = tpu.vector_load %arg9[%swap3A_707, %swap3A_708] {strides = array<i32>} : memref<128x128xf32, #tpu.memory_space<vmem>>, vector<1x16xf32>,
      %swap3A_710 = vector.shape_cast %swap3A_709 : vector<1x16xf32> to vector<16xf32>
      %swap3A_711 = vector.shape_cast %select_n3A : vector<16xf32> to vector<1x16xf32>
      tpu.vector_store %arg9[%swap3A_707, %swap3A_708], %swap3A_711 {strides = array<i32>} : memref<128x128xf32, #tpu.memory_space<vmem>>, vector<1x16xf32>,
      %swap3A_712 = arith.constant 105 : i32
      %swap3A_713 = arith.index_cast %swap3A_712 : i32 to index
      %swap3A_714 = arith.constant 64 : index
      %swap3A_715 = tpu.vector_load %arg9[%swap3A_713, %swap3A_714] {strides = array<i32>} : memref<128x128xf32, #tpu.memory_space<vmem>>, vector<1x16xf32>,
      %swap3A_716 = vector.shape_cast %swap3A_715 : vector<1x16xf32> to vector<16xf32>
      %swap3A_717 = vector.shape_cast %select_n3A : vector<16xf32> to vector<1x16xf32>
      tpu.vector_store %arg9[%swap3A_713, %swap3A_714], %swap3A_717 {strides = array<i32>} : memref<128x128xf32, #tpu.memory_space<vmem>>, vector<1x16xf32>,
      %swap3A_718 = arith.constant 106 : i32
      %swap3A_719 = arith.index_cast %swap3A_718 : i32 to index
      %swap3A_720 = arith.constant 64 : index
      %swap3A_721 = tpu.vector_load %arg9[%swap3A_719, %swap3A_720] {strides = array<i32>} : memref<128x128xf32, #tpu.memory_space<vmem>>, vector<1x16xf32>,
      %swap3A_722 = vector.shape_cast %swap3A_721 : vector<1x16xf32> to vector<16xf32>
      %swap3A_723 = vector.shape_cast %select_n3A : vector<16xf32> to vector<1x16xf32>
      tpu.vector_store %arg9[%swap3A_719, %swap3A_720], %swap3A_723 {strides = array<i32>} : memref<128x128xf32, #tpu.memory_space<vmem>>, vector<1x16xf32>,
      %swap3A_724 = arith.constant 107 : i32
      %swap3A_725 = arith.index_cast %swap3A_724 : i32 to index
      %swap3A_726 = arith.constant 64 : index
      %swap3A_727 = tpu.vector_load %arg9[%swap3A_725, %swap3A_726] {strides = array<i32>} : memref<128x128xf32, #tpu.memory_space<vmem>>, vector<1x16xf32>,
      %swap3A_728 = vector.shape_cast %swap3A_727 : vector<1x16xf32> to vector<16xf32>
      %swap3A_729 = vector.shape_cast %select_n3A : vector<16xf32> to vector<1x16xf32>
      tpu.vector_store %arg9[%swap3A_725, %swap3A_726], %swap3A_729 {strides = array<i32>} : memref<128x128xf32, #tpu.memory_space<vmem>>, vector<1x16xf32>,
      %swap3A_730 = arith.constant 108 : i32
      %swap3A_731 = arith.index_cast %swap3A_730 : i32 to index
      %swap3A_732 = arith.constant 64 : index
      %swap3A_733 = tpu.vector_load %arg9[%swap3A_731, %swap3A_732] {strides = array<i32>} : memref<128x128xf32, #tpu.memory_space<vmem>>, vector<1x16xf32>,
      %swap3A_734 = vector.shape_cast %swap3A_733 : vector<1x16xf32> to vector<16xf32>
      %swap3A_735 = vector.shape_cast %select_n3A : vector<16xf32> to vector<1x16xf32>
      tpu.vector_store %arg9[%swap3A_731, %swap3A_732], %swap3A_735 {strides = array<i32>} : memref<128x128xf32, #tpu.memory_space<vmem>>, vector<1x16xf32>,
      %swap3A_736 = arith.constant 109 : i32
      %swap3A_737 = arith.index_cast %swap3A_736 : i32 to index
      %swap3A_738 = arith.constant 64 : index
      %swap3A_739 = tpu.vector_load %arg9[%swap3A_737, %swap3A_738] {strides = array<i32>} : memref<128x128xf32, #tpu.memory_space<vmem>>, vector<1x16xf32>,
      %swap3A_740 = vector.shape_cast %swap3A_739 : vector<1x16xf32> to vector<16xf32>
      %swap3A_741 = vector.shape_cast %select_n3A : vector<16xf32> to vector<1x16xf32>
      tpu.vector_store %arg9[%swap3A_737, %swap3A_738], %swap3A_741 {strides = array<i32>} : memref<128x128xf32, #tpu.memory_space<vmem>>, vector<1x16xf32>,
      %swap3A_742 = arith.constant 110 : i32
      %swap3A_743 = arith.index_cast %swap3A_742 : i32 to index
      %swap3A_744 = arith.constant 64 : index
      %swap3A_745 = tpu.vector_load %arg9[%swap3A_743, %swap3A_744] {strides = array<i32>} : memref<128x128xf32, #tpu.memory_space<vmem>>, vector<1x16xf32>,
      %swap3A_746 = vector.shape_cast %swap3A_745 : vector<1x16xf32> to vector<16xf32>
      %swap3A_747 = vector.shape_cast %select_n3A : vector<16xf32> to vector<1x16xf32>
      tpu.vector_store %arg9[%swap3A_743, %swap3A_744], %swap3A_747 {strides = array<i32>} : memref<128x128xf32, #tpu.memory_space<vmem>>, vector<1x16xf32>,
      %swap3A_748 = arith.constant 111 : i32
      %swap3A_749 = arith.index_cast %swap3A_748 : i32 to index
      %swap3A_750 = arith.constant 64 : index
      %swap3A_751 = tpu.vector_load %arg9[%swap3A_749, %swap3A_750] {strides = array<i32>} : memref<128x128xf32, #tpu.memory_space<vmem>>, vector<1x16xf32>,
      %swap3A_752 = vector.shape_cast %swap3A_751 : vector<1x16xf32> to vector<16xf32>
      %swap3A_753 = vector.shape_cast %select_n3A : vector<16xf32> to vector<1x16xf32>
      tpu.vector_store %arg9[%swap3A_749, %swap3A_750], %swap3A_753 {strides = array<i32>} : memref<128x128xf32, #tpu.memory_space<vmem>>, vector<1x16xf32>,
      %swap3A_754 = arith.constant 112 : i32
      %swap3A_755 = arith.index_cast %swap3A_754 : i32 to index
      %swap3A_756 = arith.constant 64 : index
      %swap3A_757 = tpu.vector_load %arg9[%swap3A_755, %swap3A_756] {strides = array<i32>} : memref<128x128xf32, #tpu.memory_space<vmem>>, vector<1x16xf32>,
      %swap3A_758 = vector.shape_cast %swap3A_757 : vector<1x16xf32> to vector<16xf32>
      %swap3A_759 = vector.shape_cast %select_n3A : vector<16xf32> to vector<1x16xf32>
      tpu.vector_store %arg9[%swap3A_755, %swap3A_756], %swap3A_759 {strides = array<i32>} : memref<128x128xf32, #tpu.memory_space<vmem>>, vector<1x16xf32>,
      %swap3A_760 = arith.constant 113 : i32
      %swap3A_761 = arith.index_cast %swap3A_760 : i32 to index
      %swap3A_762 = arith.constant 64 : index
      %swap3A_763 = tpu.vector_load %arg9[%swap3A_761, %swap3A_762] {strides = array<i32>} : memref<128x128xf32, #tpu.memory_space<vmem>>, vector<1x16xf32>,
      %swap3A_764 = vector.shape_cast %swap3A_763 : vector<1x16xf32> to vector<16xf32>
      %swap3A_765 = vector.shape_cast %select_n3A : vector<16xf32> to vector<1x16xf32>
      tpu.vector_store %arg9[%swap3A_761, %swap3A_762], %swap3A_765 {strides = array<i32>} : memref<128x128xf32, #tpu.memory_space<vmem>>, vector<1x16xf32>,
      %swap3A_766 = arith.constant 114 : i32
      %swap3A_767 = arith.index_cast %swap3A_766 : i32 to index
      %swap3A_768 = arith.constant 64 : index
      %swap3A_769 = tpu.vector_load %arg9[%swap3A_767, %swap3A_768] {strides = array<i32>} : memref<128x128xf32, #tpu.memory_space<vmem>>, vector<1x16xf32>,
      %swap3A_770 = vector.shape_cast %swap3A_769 : vector<1x16xf32> to vector<16xf32>
      %swap3A_771 = vector.shape_cast %select_n3A : vector<16xf32> to vector<1x16xf32>
      tpu.vector_store %arg9[%swap3A_767, %swap3A_768], %swap3A_771 {strides = array<i32>} : memref<128x128xf32, #tpu.memory_space<vmem>>, vector<1x16xf32>,
      %swap3A_772 = arith.constant 115 : i32
      %swap3A_773 = arith.index_cast %swap3A_772 : i32 to index
      %swap3A_774 = arith.constant 64 : index
      %swap3A_775 = tpu.vector_load %arg9[%swap3A_773, %swap3A_774] {strides = array<i32>} : memref<128x128xf32, #tpu.memory_space<vmem>>, vector<1x16xf32>,
      %swap3A_776 = vector.shape_cast %swap3A_775 : vector<1x16xf32> to vector<16xf32>
      %swap3A_777 = vector.shape_cast %select_n3A : vector<16xf32> to vector<1x16xf32>
      tpu.vector_store %arg9[%swap3A_773, %swap3A_774], %swap3A_777 {strides = array<i32>} : memref<128x128xf32, #tpu.memory_space<vmem>>, vector<1x16xf32>,
      %swap3A_778 = arith.constant 116 : i32
      %swap3A_779 = arith.index_cast %swap3A_778 : i32 to index
      %swap3A_780 = arith.constant 64 : index
      %swap3A_781 = tpu.vector_load %arg9[%swap3A_779, %swap3A_780] {strides = array<i32>} : memref<128x128xf32, #tpu.memory_space<vmem>>, vector<1x16xf32>,
      %swap3A_782 = vector.shape_cast %swap3A_781 : vector<1x16xf32> to vector<16xf32>
      %swap3A_783 = vector.shape_cast %select_n3A : vector<16xf32> to vector<1x16xf32>
      tpu.vector_store %arg9[%swap3A_779, %swap3A_780], %swap3A_783 {strides = array<i32>} : memref<128x128xf32, #tpu.memory_space<vmem>>, vector<1x16xf32>,
      %swap3A_784 = arith.constant 117 : i32
      %swap3A_785 = arith.index_cast %swap3A_784 : i32 to index
      %swap3A_786 = arith.constant 64 : index
      %swap3A_787 = tpu.vector_load %arg9[%swap3A_785, %swap3A_786] {strides = array<i32>} : memref<128x128xf32, #tpu.memory_space<vmem>>, vector<1x16xf32>,
      %swap3A_788 = vector.shape_cast %swap3A_787 : vector<1x16xf32> to vector<16xf32>
      %swap3A_789 = vector.shape_cast %select_n3A : vector<16xf32> to vector<1x16xf32>
      tpu.vector_store %arg9[%swap3A_785, %swap3A_786], %swap3A_789 {strides = array<i32>} : memref<128x128xf32, #tpu.memory_space<vmem>>, vector<1x16xf32>,
      %swap3A_790 = arith.constant 118 : i32
      %swap3A_791 = arith.index_cast %swap3A_790 : i32 to index
      %swap3A_792 = arith.constant 64 : index
      %swap3A_793 = tpu.vector_load %arg9[%swap3A_791, %swap3A_792] {strides = array<i32>} : memref<128x128xf32, #tpu.memory_space<vmem>>, vector<1x16xf32>,
      %swap3A_794 = vector.shape_cast %swap3A_793 : vector<1x16xf32> to vector<16xf32>
      %swap3A_795 = vector.shape_cast %select_n3A : vector<16xf32> to vector<1x16xf32>
      tpu.vector_store %arg9[%swap3A_791, %swap3A_792], %swap3A_795 {strides = array<i32>} : memref<128x128xf32, #tpu.memory_space<vmem>>, vector<1x16xf32>,
      %swap3A_796 = arith.constant 119 : i32
      %swap3A_797 = arith.index_cast %swap3A_796 : i32 to index
      %swap3A_798 = arith.constant 64 : index
      %swap3A_799 = tpu.vector_load %arg9[%swap3A_797, %swap3A_798] {strides = array<i32>} : memref<128x128xf32, #tpu.memory_space<vmem>>, vector<1x16xf32>,
      %swap3A_800 = vector.shape_cast %swap3A_799 : vector<1x16xf32> to vector<16xf32>
      %swap3A_801 = vector.shape_cast %select_n3A : vector<16xf32> to vector<1x16xf32>
      tpu.vector_store %arg9[%swap3A_797, %swap3A_798], %swap3A_801 {strides = array<i32>} : memref<128x128xf32, #tpu.memory_space<vmem>>, vector<1x16xf32>,
      %swap3A_802 = arith.constant 120 : i32
      %swap3A_803 = arith.index_cast %swap3A_802 : i32 to index
      %swap3A_804 = arith.constant 64 : index
      %swap3A_805 = tpu.vector_load %arg9[%swap3A_803, %swap3A_804] {strides = array<i32>} : memref<128x128xf32, #tpu.memory_space<vmem>>, vector<1x16xf32>,
      %swap3A_806 = vector.shape_cast %swap3A_805 : vector<1x16xf32> to vector<16xf32>
      %swap3A_807 = vector.shape_cast %select_n3A : vector<16xf32> to vector<1x16xf32>
      tpu.vector_store %arg9[%swap3A_803, %swap3A_804], %swap3A_807 {strides = array<i32>} : memref<128x128xf32, #tpu.memory_space<vmem>>, vector<1x16xf32>,
      %swap3A_808 = arith.constant 121 : i32
      %swap3A_809 = arith.index_cast %swap3A_808 : i32 to index
      %swap3A_810 = arith.constant 64 : index
      %swap3A_811 = tpu.vector_load %arg9[%swap3A_809, %swap3A_810] {strides = array<i32>} : memref<128x128xf32, #tpu.memory_space<vmem>>, vector<1x16xf32>,
      %swap3A_812 = vector.shape_cast %swap3A_811 : vector<1x16xf32> to vector<16xf32>
      %swap3A_813 = vector.shape_cast %select_n3A : vector<16xf32> to vector<1x16xf32>
      tpu.vector_store %arg9[%swap3A_809, %swap3A_810], %swap3A_813 {strides = array<i32>} : memref<128x128xf32, #tpu.memory_space<vmem>>, vector<1x16xf32>,
      %swap3A_814 = arith.constant 122 : i32
      %swap3A_815 = arith.index_cast %swap3A_814 : i32 to index
      %swap3A_816 = arith.constant 64 : index
      %swap3A_817 = tpu.vector_load %arg9[%swap3A_815, %swap3A_816] {strides = array<i32>} : memref<128x128xf32, #tpu.memory_space<vmem>>, vector<1x16xf32>,
      %swap3A_818 = vector.shape_cast %swap3A_817 : vector<1x16xf32> to vector<16xf32>
      %swap3A_819 = vector.shape_cast %select_n3A : vector<16xf32> to vector<1x16xf32>
      tpu.vector_store %arg9[%swap3A_815, %swap3A_816], %swap3A_819 {strides = array<i32>} : memref<128x128xf32, #tpu.memory_space<vmem>>, vector<1x16xf32>,
      %swap3A_820 = arith.constant 123 : i32
      %swap3A_821 = arith.index_cast %swap3A_820 : i32 to index
      %swap3A_822 = arith.constant 64 : index
      %swap3A_823 = tpu.vector_load %arg9[%swap3A_821, %swap3A_822] {strides = array<i32>} : memref<128x128xf32, #tpu.memory_space<vmem>>, vector<1x16xf32>,
      %swap3A_824 = vector.shape_cast %swap3A_823 : vector<1x16xf32> to vector<16xf32>
      %swap3A_825 = vector.shape_cast %select_n3A : vector<16xf32> to vector<1x16xf32>
      tpu.vector_store %arg9[%swap3A_821, %swap3A_822], %swap3A_825 {strides = array<i32>} : memref<128x128xf32, #tpu.memory_space<vmem>>, vector<1x16xf32>,
      %swap3A_826 = arith.constant 124 : i32
      %swap3A_827 = arith.index_cast %swap3A_826 : i32 to index
      %swap3A_828 = arith.constant 64 : index
      %swap3A_829 = tpu.vector_load %arg9[%swap3A_827, %swap3A_828] {strides = array<i32>} : memref<128x128xf32, #tpu.memory_space<vmem>>, vector<1x16xf32>,
      %swap3A_830 = vector.shape_cast %swap3A_829 : vector<1x16xf32> to vector<16xf32>
      %swap3A_831 = vector.shape_cast %select_n3A : vector<16xf32> to vector<1x16xf32>
      tpu.vector_store %arg9[%swap3A_827, %swap3A_828], %swap3A_831 {strides = array<i32>} : memref<128x128xf32, #tpu.memory_space<vmem>>, vector<1x16xf32>,
      %swap3A_832 = arith.constant 125 : i32
      %swap3A_833 = arith.index_cast %swap3A_832 : i32 to index
      %swap3A_834 = arith.constant 64 : index
      %swap3A_835 = tpu.vector_load %arg9[%swap3A_833, %swap3A_834] {strides = array<i32>} : memref<128x128xf32, #tpu.memory_space<vmem>>, vector<1x16xf32>,
      %swap3A_836 = vector.shape_cast %swap3A_835 : vector<1x16xf32> to vector<16xf32>
      %swap3A_837 = vector.shape_cast %select_n3A : vector<16xf32> to vector<1x16xf32>
      tpu.vector_store %arg9[%swap3A_833, %swap3A_834], %swap3A_837 {strides = array<i32>} : memref<128x128xf32, #tpu.memory_space<vmem>>, vector<1x16xf32>,
      %swap3A_838 = arith.constant 126 : i32
      %swap3A_839 = arith.index_cast %swap3A_838 : i32 to index
      %swap3A_840 = arith.constant 64 : index
      %swap3A_841 = tpu.vector_load %arg9[%swap3A_839, %swap3A_840] {strides = array<i32>} : memref<128x128xf32, #tpu.memory_space<vmem>>, vector<1x16xf32>,
      %swap3A_842 = vector.shape_cast %swap3A_841 : vector<1x16xf32> to vector<16xf32>
      %swap3A_843 = vector.shape_cast %select_n3A : vector<16xf32> to vector<1x16xf32>
      tpu.vector_store %arg9[%swap3A_839, %swap3A_840], %swap3A_843 {strides = array<i32>} : memref<128x128xf32, #tpu.memory_space<vmem>>, vector<1x16xf32>,
      %swap3A_844 = arith.constant 127 : i32
      %swap3A_845 = arith.index_cast %swap3A_844 : i32 to index
      %swap3A_846 = arith.constant 64 : index
      %swap3A_847 = tpu.vector_load %arg9[%swap3A_845, %swap3A_846] {strides = array<i32>} : memref<128x128xf32, #tpu.memory_space<vmem>>, vector<1x16xf32>,
      %swap3A_848 = vector.shape_cast %swap3A_847 : vector<1x16xf32> to vector<16xf32>
      %swap3A_849 = vector.shape_cast %select_n3A : vector<16xf32> to vector<1x16xf32>
      tpu.vector_store %arg9[%swap3A_845, %swap3A_846], %swap3A_849 {strides = array<i32>} : memref<128x128xf32, #tpu.memory_space<vmem>>, vector<1x16xf32>,
      "tpu.region"() ({
        %run_scoped3A = tpu.sem_alloc : memref<!tpu.dma_semaphore, #tpu.memory_space<semaphore_mem>>
        %dma_start3A_1635 = arith.constant 0 : i32
        %dma_start3A_1636 = tpu.memref_slice %arg8[%mul3A_76, %dma_start3A_1635] : memref<40x128xi32, #tpu.memory_space<vmem>> -> memref<1x128xi32, #tpu.memory_space<vmem>>
        %dma_start3A_1637 = tpu.memref_squeeze %dma_start3A_1636 : memref<1x128xi32, #tpu.memory_space<vmem>> -> memref<128xi32, #tpu.memory_space<vmem>>
        %dma_start3A_1638 = arith.constant 0 : i32
        %dma_start3A_1639 = arith.constant 0 : i32
        %dma_start3A_1640 = tpu.memref_slice %arg6[%dma_start3A_1638, %dma_start3A_1639] : memref<10240x128xf32, #tpu.memory_space<vmem_shared>> -> memref<10240x128xf32, #tpu.memory_space<vmem_shared>>
        tpu.enqueue_indirect_dma source(%arg9 : memref<128x128xf32, #tpu.memory_space<vmem>>) target(%dma_start3A_1640 : memref<10240x128xf32, #tpu.memory_space<vmem_shared>>) offsets(%dma_start3A_1637 : memref<128xi32, #tpu.memory_space<vmem>>) semaphore(%run_scoped3A : memref<!tpu.dma_semaphore, #tpu.memory_space<semaphore_mem>>) {add = true}
        %dma_wait3A_1641 = arith.constant 0 : i32
        %dma_wait3A_1642 = tpu.memref_slice %arg8[%mul3A_76, %dma_wait3A_1641] : memref<40x128xi32, #tpu.memory_space<vmem>> -> memref<1x128xi32, #tpu.memory_space<vmem>>
        %dma_wait3A_1643 = tpu.memref_squeeze %dma_wait3A_1642 : memref<1x128xi32, #tpu.memory_space<vmem>> -> memref<128xi32, #tpu.memory_space<vmem>>
        %dma_wait3A_1644 = arith.constant 0 : i32
        %dma_wait3A_1645 = arith.constant 0 : i32
        %dma_wait3A_1646 = tpu.memref_slice %arg6[%dma_wait3A_1644, %dma_wait3A_1645] : memref<10240x128xf32, #tpu.memory_space<vmem_shared>> -> memref<10240x128xf32, #tpu.memory_space<vmem_shared>>
        tpu.wait_indirect_dma semaphore(%run_scoped3A : memref<!tpu.dma_semaphore, #tpu.memory_space<semaphore_mem>>) src(%arg9 : memref<128x128xf32, #tpu.memory_space<vmem>>) dst(%dma_wait3A_1646 : memref<10240x128xf32, #tpu.memory_space<vmem_shared>>)
        tpu.yield
      }) : () -> ()
      %not3A = arith.constant true
      %not3A_850 = arith.xori %ge3A_77, %not3A : i1
      %convert_element_type3A = arith.extui %not3A_850 : i1 to i32
      %cond3A = arith.constant 0 : i32
      %cond3A_851 = arith.cmpi ne, %convert_element_type3A, %cond3A : i32
      scf.if %cond3A_851 {
        %add3A_1635 = arith.constant 2 : i32
        %add3A_1636 = arith.addi %mul3A_76, %add3A_1635 : i32
        %dma_start3A_1637 = arith.constant 0 : i32
        %dma_start3A_1638 = tpu.memref_slice %arg7[%add3A_1636, %dma_start3A_1637] : memref<40x128xi32, #tpu.memory_space<vmem>> -> memref<1x128xi32, #tpu.memory_space<vmem>>
        %dma_start3A_1639 = tpu.memref_squeeze %dma_start3A_1638 : memref<1x128xi32, #tpu.memory_space<vmem>> -> memref<128xi32, #tpu.memory_space<vmem>>
        %dma_start3A_1640 = arith.constant 0 : i32
        %dma_start3A_1641 = arith.constant 0 : i32
        %dma_start3A_1642 = tpu.memref_slice %arg2[%dma_start3A_1640, %dma_start3A_1641] : memref<10240x128xf32, #tpu.memory_space<hbm>> -> memref<10240x128xf32, #tpu.memory_space<hbm>>
        tpu.enqueue_indirect_dma source(%dma_start3A_1642 : memref<10240x128xf32, #tpu.memory_space<hbm>>) target(%arg9 : memref<128x128xf32, #tpu.memory_space<vmem>>) offsets(%dma_start3A_1639 : memref<128xi32, #tpu.memory_space<vmem>>) semaphore(%arg11 : memref<!tpu.dma_semaphore, #tpu.memory_space<semaphore_mem>>)
      } else {
      }
      %add3A_852 = arith.constant 1 : i32
      %add3A_853 = arith.addi %mul3A_76, %add3A_852 : i32
      %dma_wait3A_854 = arith.constant 0 : i32
      %dma_wait3A_855 = tpu.memref_slice %arg7[%add3A_853, %dma_wait3A_854] : memref<40x128xi32, #tpu.memory_space<vmem>> -> memref<1x128xi32, #tpu.memory_space<vmem>>
      %dma_wait3A_856 = tpu.memref_squeeze %dma_wait3A_855 : memref<1x128xi32, #tpu.memory_space<vmem>> -> memref<128xi32, #tpu.memory_space<vmem>>
      %dma_wait3A_857 = arith.constant 0 : i32
      %dma_wait3A_858 = arith.constant 0 : i32
      %dma_wait3A_859 = tpu.memref_slice %arg2[%dma_wait3A_857, %dma_wait3A_858] : memref<10240x128xf32, #tpu.memory_space<hbm>> -> memref<10240x128xf32, #tpu.memory_space<hbm>>
      tpu.wait_indirect_dma semaphore(%arg12 : memref<!tpu.dma_semaphore, #tpu.memory_space<semaphore_mem>>) src(%dma_wait3A_859 : memref<10240x128xf32, #tpu.memory_space<hbm>>) dst(%arg10 : memref<128x128xf32, #tpu.memory_space<vmem>>)
      %swap3A_860 = arith.constant 0 : i32
      %swap3A_861 = arith.index_cast %swap3A_860 : i32 to index
      %swap3A_862 = arith.constant 64 : index
      %swap3A_863 = tpu.vector_load %arg10[%swap3A_861, %swap3A_862] {strides = array<i32>} : memref<128x128xf32, #tpu.memory_space<vmem>>, vector<1x16xf32>,
      %swap3A_864 = vector.shape_cast %swap3A_863 : vector<1x16xf32> to vector<16xf32>
      %swap3A_865 = vector.shape_cast %select_n3A : vector<16xf32> to vector<1x16xf32>
      tpu.vector_store %arg10[%swap3A_861, %swap3A_862], %swap3A_865 {strides = array<i32>} : memref<128x128xf32, #tpu.memory_space<vmem>>, vector<1x16xf32>,
      %swap3A_866 = arith.constant 1 : i32
      %swap3A_867 = arith.index_cast %swap3A_866 : i32 to index
      %swap3A_868 = arith.constant 64 : index
      %swap3A_869 = tpu.vector_load %arg10[%swap3A_867, %swap3A_868] {strides = array<i32>} : memref<128x128xf32, #tpu.memory_space<vmem>>, vector<1x16xf32>,
      %swap3A_870 = vector.shape_cast %swap3A_869 : vector<1x16xf32> to vector<16xf32>
      %swap3A_871 = vector.shape_cast %select_n3A : vector<16xf32> to vector<1x16xf32>
      tpu.vector_store %arg10[%swap3A_867, %swap3A_868], %swap3A_871 {strides = array<i32>} : memref<128x128xf32, #tpu.memory_space<vmem>>, vector<1x16xf32>,
      %swap3A_872 = arith.constant 2 : i32
      %swap3A_873 = arith.index_cast %swap3A_872 : i32 to index
      %swap3A_874 = arith.constant 64 : index
      %swap3A_875 = tpu.vector_load %arg10[%swap3A_873, %swap3A_874] {strides = array<i32>} : memref<128x128xf32, #tpu.memory_space<vmem>>, vector<1x16xf32>,
      %swap3A_876 = vector.shape_cast %swap3A_875 : vector<1x16xf32> to vector<16xf32>
      %swap3A_877 = vector.shape_cast %select_n3A : vector<16xf32> to vector<1x16xf32>
      tpu.vector_store %arg10[%swap3A_873, %swap3A_874], %swap3A_877 {strides = array<i32>} : memref<128x128xf32, #tpu.memory_space<vmem>>, vector<1x16xf32>,
      %swap3A_878 = arith.constant 3 : i32
      %swap3A_879 = arith.index_cast %swap3A_878 : i32 to index
      %swap3A_880 = arith.constant 64 : index
      %swap3A_881 = tpu.vector_load %arg10[%swap3A_879, %swap3A_880] {strides = array<i32>} : memref<128x128xf32, #tpu.memory_space<vmem>>, vector<1x16xf32>,
      %swap3A_882 = vector.shape_cast %swap3A_881 : vector<1x16xf32> to vector<16xf32>
      %swap3A_883 = vector.shape_cast %select_n3A : vector<16xf32> to vector<1x16xf32>
      tpu.vector_store %arg10[%swap3A_879, %swap3A_880], %swap3A_883 {strides = array<i32>} : memref<128x128xf32, #tpu.memory_space<vmem>>, vector<1x16xf32>,
      %swap3A_884 = arith.constant 4 : i32
      %swap3A_885 = arith.index_cast %swap3A_884 : i32 to index
      %swap3A_886 = arith.constant 64 : index
      %swap3A_887 = tpu.vector_load %arg10[%swap3A_885, %swap3A_886] {strides = array<i32>} : memref<128x128xf32, #tpu.memory_space<vmem>>, vector<1x16xf32>,
      %swap3A_888 = vector.shape_cast %swap3A_887 : vector<1x16xf32> to vector<16xf32>
      %swap3A_889 = vector.shape_cast %select_n3A : vector<16xf32> to vector<1x16xf32>
      tpu.vector_store %arg10[%swap3A_885, %swap3A_886], %swap3A_889 {strides = array<i32>} : memref<128x128xf32, #tpu.memory_space<vmem>>, vector<1x16xf32>,
      %swap3A_890 = arith.constant 5 : i32
      %swap3A_891 = arith.index_cast %swap3A_890 : i32 to index
      %swap3A_892 = arith.constant 64 : index
      %swap3A_893 = tpu.vector_load %arg10[%swap3A_891, %swap3A_892] {strides = array<i32>} : memref<128x128xf32, #tpu.memory_space<vmem>>, vector<1x16xf32>,
      %swap3A_894 = vector.shape_cast %swap3A_893 : vector<1x16xf32> to vector<16xf32>
      %swap3A_895 = vector.shape_cast %select_n3A : vector<16xf32> to vector<1x16xf32>
      tpu.vector_store %arg10[%swap3A_891, %swap3A_892], %swap3A_895 {strides = array<i32>} : memref<128x128xf32, #tpu.memory_space<vmem>>, vector<1x16xf32>,
      %swap3A_896 = arith.constant 6 : i32
      %swap3A_897 = arith.index_cast %swap3A_896 : i32 to index
      %swap3A_898 = arith.constant 64 : index
      %swap3A_899 = tpu.vector_load %arg10[%swap3A_897, %swap3A_898] {strides = array<i32>} : memref<128x128xf32, #tpu.memory_space<vmem>>, vector<1x16xf32>,
      %swap3A_900 = vector.shape_cast %swap3A_899 : vector<1x16xf32> to vector<16xf32>
      %swap3A_901 = vector.shape_cast %select_n3A : vector<16xf32> to vector<1x16xf32>
      tpu.vector_store %arg10[%swap3A_897, %swap3A_898], %swap3A_901 {strides = array<i32>} : memref<128x128xf32, #tpu.memory_space<vmem>>, vector<1x16xf32>,
      %swap3A_902 = arith.constant 7 : i32
      %swap3A_903 = arith.index_cast %swap3A_902 : i32 to index
      %swap3A_904 = arith.constant 64 : index
      %swap3A_905 = tpu.vector_load %arg10[%swap3A_903, %swap3A_904] {strides = array<i32>} : memref<128x128xf32, #tpu.memory_space<vmem>>, vector<1x16xf32>,
      %swap3A_906 = vector.shape_cast %swap3A_905 : vector<1x16xf32> to vector<16xf32>
      %swap3A_907 = vector.shape_cast %select_n3A : vector<16xf32> to vector<1x16xf32>
      tpu.vector_store %arg10[%swap3A_903, %swap3A_904], %swap3A_907 {strides = array<i32>} : memref<128x128xf32, #tpu.memory_space<vmem>>, vector<1x16xf32>,
      %swap3A_908 = arith.constant 8 : i32
      %swap3A_909 = arith.index_cast %swap3A_908 : i32 to index
      %swap3A_910 = arith.constant 64 : index
      %swap3A_911 = tpu.vector_load %arg10[%swap3A_909, %swap3A_910] {strides = array<i32>} : memref<128x128xf32, #tpu.memory_space<vmem>>, vector<1x16xf32>,
      %swap3A_912 = vector.shape_cast %swap3A_911 : vector<1x16xf32> to vector<16xf32>
      %swap3A_913 = vector.shape_cast %select_n3A : vector<16xf32> to vector<1x16xf32>
      tpu.vector_store %arg10[%swap3A_909, %swap3A_910], %swap3A_913 {strides = array<i32>} : memref<128x128xf32, #tpu.memory_space<vmem>>, vector<1x16xf32>,
      %swap3A_914 = arith.constant 9 : i32
      %swap3A_915 = arith.index_cast %swap3A_914 : i32 to index
      %swap3A_916 = arith.constant 64 : index
      %swap3A_917 = tpu.vector_load %arg10[%swap3A_915, %swap3A_916] {strides = array<i32>} : memref<128x128xf32, #tpu.memory_space<vmem>>, vector<1x16xf32>,
      %swap3A_918 = vector.shape_cast %swap3A_917 : vector<1x16xf32> to vector<16xf32>
      %swap3A_919 = vector.shape_cast %select_n3A : vector<16xf32> to vector<1x16xf32>
      tpu.vector_store %arg10[%swap3A_915, %swap3A_916], %swap3A_919 {strides = array<i32>} : memref<128x128xf32, #tpu.memory_space<vmem>>, vector<1x16xf32>,
      %swap3A_920 = arith.constant 10 : i32
      %swap3A_921 = arith.index_cast %swap3A_920 : i32 to index
      %swap3A_922 = arith.constant 64 : index
      %swap3A_923 = tpu.vector_load %arg10[%swap3A_921, %swap3A_922] {strides = array<i32>} : memref<128x128xf32, #tpu.memory_space<vmem>>, vector<1x16xf32>,
      %swap3A_924 = vector.shape_cast %swap3A_923 : vector<1x16xf32> to vector<16xf32>
      %swap3A_925 = vector.shape_cast %select_n3A : vector<16xf32> to vector<1x16xf32>
      tpu.vector_store %arg10[%swap3A_921, %swap3A_922], %swap3A_925 {strides = array<i32>} : memref<128x128xf32, #tpu.memory_space<vmem>>, vector<1x16xf32>,
      %swap3A_926 = arith.constant 11 : i32
      %swap3A_927 = arith.index_cast %swap3A_926 : i32 to index
      %swap3A_928 = arith.constant 64 : index
      %swap3A_929 = tpu.vector_load %arg10[%swap3A_927, %swap3A_928] {strides = array<i32>} : memref<128x128xf32, #tpu.memory_space<vmem>>, vector<1x16xf32>,
      %swap3A_930 = vector.shape_cast %swap3A_929 : vector<1x16xf32> to vector<16xf32>
      %swap3A_931 = vector.shape_cast %select_n3A : vector<16xf32> to vector<1x16xf32>
      tpu.vector_store %arg10[%swap3A_927, %swap3A_928], %swap3A_931 {strides = array<i32>} : memref<128x128xf32, #tpu.memory_space<vmem>>, vector<1x16xf32>,
      %swap3A_932 = arith.constant 12 : i32
      %swap3A_933 = arith.index_cast %swap3A_932 : i32 to index
      %swap3A_934 = arith.constant 64 : index
      %swap3A_935 = tpu.vector_load %arg10[%swap3A_933, %swap3A_934] {strides = array<i32>} : memref<128x128xf32, #tpu.memory_space<vmem>>, vector<1x16xf32>,
      %swap3A_936 = vector.shape_cast %swap3A_935 : vector<1x16xf32> to vector<16xf32>
      %swap3A_937 = vector.shape_cast %select_n3A : vector<16xf32> to vector<1x16xf32>
      tpu.vector_store %arg10[%swap3A_933, %swap3A_934], %swap3A_937 {strides = array<i32>} : memref<128x128xf32, #tpu.memory_space<vmem>>, vector<1x16xf32>,
      %swap3A_938 = arith.constant 13 : i32
      %swap3A_939 = arith.index_cast %swap3A_938 : i32 to index
      %swap3A_940 = arith.constant 64 : index
      %swap3A_941 = tpu.vector_load %arg10[%swap3A_939, %swap3A_940] {strides = array<i32>} : memref<128x128xf32, #tpu.memory_space<vmem>>, vector<1x16xf32>,
      %swap3A_942 = vector.shape_cast %swap3A_941 : vector<1x16xf32> to vector<16xf32>
      %swap3A_943 = vector.shape_cast %select_n3A : vector<16xf32> to vector<1x16xf32>
      tpu.vector_store %arg10[%swap3A_939, %swap3A_940], %swap3A_943 {strides = array<i32>} : memref<128x128xf32, #tpu.memory_space<vmem>>, vector<1x16xf32>,
      %swap3A_944 = arith.constant 14 : i32
      %swap3A_945 = arith.index_cast %swap3A_944 : i32 to index
      %swap3A_946 = arith.constant 64 : index
      %swap3A_947 = tpu.vector_load %arg10[%swap3A_945, %swap3A_946] {strides = array<i32>} : memref<128x128xf32, #tpu.memory_space<vmem>>, vector<1x16xf32>,
      %swap3A_948 = vector.shape_cast %swap3A_947 : vector<1x16xf32> to vector<16xf32>
      %swap3A_949 = vector.shape_cast %select_n3A : vector<16xf32> to vector<1x16xf32>
      tpu.vector_store %arg10[%swap3A_945, %swap3A_946], %swap3A_949 {strides = array<i32>} : memref<128x128xf32, #tpu.memory_space<vmem>>, vector<1x16xf32>,
      %swap3A_950 = arith.constant 15 : i32
      %swap3A_951 = arith.index_cast %swap3A_950 : i32 to index
      %swap3A_952 = arith.constant 64 : index
      %swap3A_953 = tpu.vector_load %arg10[%swap3A_951, %swap3A_952] {strides = array<i32>} : memref<128x128xf32, #tpu.memory_space<vmem>>, vector<1x16xf32>,
      %swap3A_954 = vector.shape_cast %swap3A_953 : vector<1x16xf32> to vector<16xf32>
      %swap3A_955 = vector.shape_cast %select_n3A : vector<16xf32> to vector<1x16xf32>
      tpu.vector_store %arg10[%swap3A_951, %swap3A_952], %swap3A_955 {strides = array<i32>} : memref<128x128xf32, #tpu.memory_space<vmem>>, vector<1x16xf32>,
      %swap3A_956 = arith.constant 16 : i32
      %swap3A_957 = arith.index_cast %swap3A_956 : i32 to index
      %swap3A_958 = arith.constant 64 : index
      %swap3A_959 = tpu.vector_load %arg10[%swap3A_957, %swap3A_958] {strides = array<i32>} : memref<128x128xf32, #tpu.memory_space<vmem>>, vector<1x16xf32>,
      %swap3A_960 = vector.shape_cast %swap3A_959 : vector<1x16xf32> to vector<16xf32>
      %swap3A_961 = vector.shape_cast %select_n3A : vector<16xf32> to vector<1x16xf32>
      tpu.vector_store %arg10[%swap3A_957, %swap3A_958], %swap3A_961 {strides = array<i32>} : memref<128x128xf32, #tpu.memory_space<vmem>>, vector<1x16xf32>,
      %swap3A_962 = arith.constant 17 : i32
      %swap3A_963 = arith.index_cast %swap3A_962 : i32 to index
      %swap3A_964 = arith.constant 64 : index
      %swap3A_965 = tpu.vector_load %arg10[%swap3A_963, %swap3A_964] {strides = array<i32>} : memref<128x128xf32, #tpu.memory_space<vmem>>, vector<1x16xf32>,
      %swap3A_966 = vector.shape_cast %swap3A_965 : vector<1x16xf32> to vector<16xf32>
      %swap3A_967 = vector.shape_cast %select_n3A : vector<16xf32> to vector<1x16xf32>
      tpu.vector_store %arg10[%swap3A_963, %swap3A_964], %swap3A_967 {strides = array<i32>} : memref<128x128xf32, #tpu.memory_space<vmem>>, vector<1x16xf32>,
      %swap3A_968 = arith.constant 18 : i32
      %swap3A_969 = arith.index_cast %swap3A_968 : i32 to index
      %swap3A_970 = arith.constant 64 : index
      %swap3A_971 = tpu.vector_load %arg10[%swap3A_969, %swap3A_970] {strides = array<i32>} : memref<128x128xf32, #tpu.memory_space<vmem>>, vector<1x16xf32>,
      %swap3A_972 = vector.shape_cast %swap3A_971 : vector<1x16xf32> to vector<16xf32>
      %swap3A_973 = vector.shape_cast %select_n3A : vector<16xf32> to vector<1x16xf32>
      tpu.vector_store %arg10[%swap3A_969, %swap3A_970], %swap3A_973 {strides = array<i32>} : memref<128x128xf32, #tpu.memory_space<vmem>>, vector<1x16xf32>,
      %swap3A_974 = arith.constant 19 : i32
      %swap3A_975 = arith.index_cast %swap3A_974 : i32 to index
      %swap3A_976 = arith.constant 64 : index
      %swap3A_977 = tpu.vector_load %arg10[%swap3A_975, %swap3A_976] {strides = array<i32>} : memref<128x128xf32, #tpu.memory_space<vmem>>, vector<1x16xf32>,
      %swap3A_978 = vector.shape_cast %swap3A_977 : vector<1x16xf32> to vector<16xf32>
      %swap3A_979 = vector.shape_cast %select_n3A : vector<16xf32> to vector<1x16xf32>
      tpu.vector_store %arg10[%swap3A_975, %swap3A_976], %swap3A_979 {strides = array<i32>} : memref<128x128xf32, #tpu.memory_space<vmem>>, vector<1x16xf32>,
      %swap3A_980 = arith.constant 20 : i32
      %swap3A_981 = arith.index_cast %swap3A_980 : i32 to index
      %swap3A_982 = arith.constant 64 : index
      %swap3A_983 = tpu.vector_load %arg10[%swap3A_981, %swap3A_982] {strides = array<i32>} : memref<128x128xf32, #tpu.memory_space<vmem>>, vector<1x16xf32>,
      %swap3A_984 = vector.shape_cast %swap3A_983 : vector<1x16xf32> to vector<16xf32>
      %swap3A_985 = vector.shape_cast %select_n3A : vector<16xf32> to vector<1x16xf32>
      tpu.vector_store %arg10[%swap3A_981, %swap3A_982], %swap3A_985 {strides = array<i32>} : memref<128x128xf32, #tpu.memory_space<vmem>>, vector<1x16xf32>,
      %swap3A_986 = arith.constant 21 : i32
      %swap3A_987 = arith.index_cast %swap3A_986 : i32 to index
      %swap3A_988 = arith.constant 64 : index
      %swap3A_989 = tpu.vector_load %arg10[%swap3A_987, %swap3A_988] {strides = array<i32>} : memref<128x128xf32, #tpu.memory_space<vmem>>, vector<1x16xf32>,
      %swap3A_990 = vector.shape_cast %swap3A_989 : vector<1x16xf32> to vector<16xf32>
      %swap3A_991 = vector.shape_cast %select_n3A : vector<16xf32> to vector<1x16xf32>
      tpu.vector_store %arg10[%swap3A_987, %swap3A_988], %swap3A_991 {strides = array<i32>} : memref<128x128xf32, #tpu.memory_space<vmem>>, vector<1x16xf32>,
      %swap3A_992 = arith.constant 22 : i32
      %swap3A_993 = arith.index_cast %swap3A_992 : i32 to index
      %swap3A_994 = arith.constant 64 : index
      %swap3A_995 = tpu.vector_load %arg10[%swap3A_993, %swap3A_994] {strides = array<i32>} : memref<128x128xf32, #tpu.memory_space<vmem>>, vector<1x16xf32>,
      %swap3A_996 = vector.shape_cast %swap3A_995 : vector<1x16xf32> to vector<16xf32>
      %swap3A_997 = vector.shape_cast %select_n3A : vector<16xf32> to vector<1x16xf32>
      tpu.vector_store %arg10[%swap3A_993, %swap3A_994], %swap3A_997 {strides = array<i32>} : memref<128x128xf32, #tpu.memory_space<vmem>>, vector<1x16xf32>,
      %swap3A_998 = arith.constant 23 : i32
      %swap3A_999 = arith.index_cast %swap3A_998 : i32 to index
      %swap3A_1000 = arith.constant 64 : index
      %swap3A_1001 = tpu.vector_load %arg10[%swap3A_999, %swap3A_1000] {strides = array<i32>} : memref<128x128xf32, #tpu.memory_space<vmem>>, vector<1x16xf32>,
      %swap3A_1002 = vector.shape_cast %swap3A_1001 : vector<1x16xf32> to vector<16xf32>
      %swap3A_1003 = vector.shape_cast %select_n3A : vector<16xf32> to vector<1x16xf32>
      tpu.vector_store %arg10[%swap3A_999, %swap3A_1000], %swap3A_1003 {strides = array<i32>} : memref<128x128xf32, #tpu.memory_space<vmem>>, vector<1x16xf32>,
      %swap3A_1004 = arith.constant 24 : i32
      %swap3A_1005 = arith.index_cast %swap3A_1004 : i32 to index
      %swap3A_1006 = arith.constant 64 : index
      %swap3A_1007 = tpu.vector_load %arg10[%swap3A_1005, %swap3A_1006] {strides = array<i32>} : memref<128x128xf32, #tpu.memory_space<vmem>>, vector<1x16xf32>,
      %swap3A_1008 = vector.shape_cast %swap3A_1007 : vector<1x16xf32> to vector<16xf32>
      %swap3A_1009 = vector.shape_cast %select_n3A : vector<16xf32> to vector<1x16xf32>
      tpu.vector_store %arg10[%swap3A_1005, %swap3A_1006], %swap3A_1009 {strides = array<i32>} : memref<128x128xf32, #tpu.memory_space<vmem>>, vector<1x16xf32>,
      %swap3A_1010 = arith.constant 25 : i32
      %swap3A_1011 = arith.index_cast %swap3A_1010 : i32 to index
      %swap3A_1012 = arith.constant 64 : index
      %swap3A_1013 = tpu.vector_load %arg10[%swap3A_1011, %swap3A_1012] {strides = array<i32>} : memref<128x128xf32, #tpu.memory_space<vmem>>, vector<1x16xf32>,
      %swap3A_1014 = vector.shape_cast %swap3A_1013 : vector<1x16xf32> to vector<16xf32>
      %swap3A_1015 = vector.shape_cast %select_n3A : vector<16xf32> to vector<1x16xf32>
      tpu.vector_store %arg10[%swap3A_1011, %swap3A_1012], %swap3A_1015 {strides = array<i32>} : memref<128x128xf32, #tpu.memory_space<vmem>>, vector<1x16xf32>,
      %swap3A_1016 = arith.constant 26 : i32
      %swap3A_1017 = arith.index_cast %swap3A_1016 : i32 to index
      %swap3A_1018 = arith.constant 64 : index
      %swap3A_1019 = tpu.vector_load %arg10[%swap3A_1017, %swap3A_1018] {strides = array<i32>} : memref<128x128xf32, #tpu.memory_space<vmem>>, vector<1x16xf32>,
      %swap3A_1020 = vector.shape_cast %swap3A_1019 : vector<1x16xf32> to vector<16xf32>
      %swap3A_1021 = vector.shape_cast %select_n3A : vector<16xf32> to vector<1x16xf32>
      tpu.vector_store %arg10[%swap3A_1017, %swap3A_1018], %swap3A_1021 {strides = array<i32>} : memref<128x128xf32, #tpu.memory_space<vmem>>, vector<1x16xf32>,
      %swap3A_1022 = arith.constant 27 : i32
      %swap3A_1023 = arith.index_cast %swap3A_1022 : i32 to index
      %swap3A_1024 = arith.constant 64 : index
      %swap3A_1025 = tpu.vector_load %arg10[%swap3A_1023, %swap3A_1024] {strides = array<i32>} : memref<128x128xf32, #tpu.memory_space<vmem>>, vector<1x16xf32>,
      %swap3A_1026 = vector.shape_cast %swap3A_1025 : vector<1x16xf32> to vector<16xf32>
      %swap3A_1027 = vector.shape_cast %select_n3A : vector<16xf32> to vector<1x16xf32>
      tpu.vector_store %arg10[%swap3A_1023, %swap3A_1024], %swap3A_1027 {strides = array<i32>} : memref<128x128xf32, #tpu.memory_space<vmem>>, vector<1x16xf32>,
      %swap3A_1028 = arith.constant 28 : i32
      %swap3A_1029 = arith.index_cast %swap3A_1028 : i32 to index
      %swap3A_1030 = arith.constant 64 : index
      %swap3A_1031 = tpu.vector_load %arg10[%swap3A_1029, %swap3A_1030] {strides = array<i32>} : memref<128x128xf32, #tpu.memory_space<vmem>>, vector<1x16xf32>,
      %swap3A_1032 = vector.shape_cast %swap3A_1031 : vector<1x16xf32> to vector<16xf32>
      %swap3A_1033 = vector.shape_cast %select_n3A : vector<16xf32> to vector<1x16xf32>
      tpu.vector_store %arg10[%swap3A_1029, %swap3A_1030], %swap3A_1033 {strides = array<i32>} : memref<128x128xf32, #tpu.memory_space<vmem>>, vector<1x16xf32>,
      %swap3A_1034 = arith.constant 29 : i32
      %swap3A_1035 = arith.index_cast %swap3A_1034 : i32 to index
      %swap3A_1036 = arith.constant 64 : index
      %swap3A_1037 = tpu.vector_load %arg10[%swap3A_1035, %swap3A_1036] {strides = array<i32>} : memref<128x128xf32, #tpu.memory_space<vmem>>, vector<1x16xf32>,
      %swap3A_1038 = vector.shape_cast %swap3A_1037 : vector<1x16xf32> to vector<16xf32>
      %swap3A_1039 = vector.shape_cast %select_n3A : vector<16xf32> to vector<1x16xf32>
      tpu.vector_store %arg10[%swap3A_1035, %swap3A_1036], %swap3A_1039 {strides = array<i32>} : memref<128x128xf32, #tpu.memory_space<vmem>>, vector<1x16xf32>,
      %swap3A_1040 = arith.constant 30 : i32
      %swap3A_1041 = arith.index_cast %swap3A_1040 : i32 to index
      %swap3A_1042 = arith.constant 64 : index
      %swap3A_1043 = tpu.vector_load %arg10[%swap3A_1041, %swap3A_1042] {strides = array<i32>} : memref<128x128xf32, #tpu.memory_space<vmem>>, vector<1x16xf32>,
      %swap3A_1044 = vector.shape_cast %swap3A_1043 : vector<1x16xf32> to vector<16xf32>
      %swap3A_1045 = vector.shape_cast %select_n3A : vector<16xf32> to vector<1x16xf32>
      tpu.vector_store %arg10[%swap3A_1041, %swap3A_1042], %swap3A_1045 {strides = array<i32>} : memref<128x128xf32, #tpu.memory_space<vmem>>, vector<1x16xf32>,
      %swap3A_1046 = arith.constant 31 : i32
      %swap3A_1047 = arith.index_cast %swap3A_1046 : i32 to index
      %swap3A_1048 = arith.constant 64 : index
      %swap3A_1049 = tpu.vector_load %arg10[%swap3A_1047, %swap3A_1048] {strides = array<i32>} : memref<128x128xf32, #tpu.memory_space<vmem>>, vector<1x16xf32>,
      %swap3A_1050 = vector.shape_cast %swap3A_1049 : vector<1x16xf32> to vector<16xf32>
      %swap3A_1051 = vector.shape_cast %select_n3A : vector<16xf32> to vector<1x16xf32>
      tpu.vector_store %arg10[%swap3A_1047, %swap3A_1048], %swap3A_1051 {strides = array<i32>} : memref<128x128xf32, #tpu.memory_space<vmem>>, vector<1x16xf32>,
      %swap3A_1052 = arith.constant 32 : i32
      %swap3A_1053 = arith.index_cast %swap3A_1052 : i32 to index
      %swap3A_1054 = arith.constant 64 : index
      %swap3A_1055 = tpu.vector_load %arg10[%swap3A_1053, %swap3A_1054] {strides = array<i32>} : memref<128x128xf32, #tpu.memory_space<vmem>>, vector<1x16xf32>,
      %swap3A_1056 = vector.shape_cast %swap3A_1055 : vector<1x16xf32> to vector<16xf32>
      %swap3A_1057 = vector.shape_cast %select_n3A : vector<16xf32> to vector<1x16xf32>
      tpu.vector_store %arg10[%swap3A_1053, %swap3A_1054], %swap3A_1057 {strides = array<i32>} : memref<128x128xf32, #tpu.memory_space<vmem>>, vector<1x16xf32>,
      %swap3A_1058 = arith.constant 33 : i32
      %swap3A_1059 = arith.index_cast %swap3A_1058 : i32 to index
      %swap3A_1060 = arith.constant 64 : index
      %swap3A_1061 = tpu.vector_load %arg10[%swap3A_1059, %swap3A_1060] {strides = array<i32>} : memref<128x128xf32, #tpu.memory_space<vmem>>, vector<1x16xf32>,
      %swap3A_1062 = vector.shape_cast %swap3A_1061 : vector<1x16xf32> to vector<16xf32>
      %swap3A_1063 = vector.shape_cast %select_n3A : vector<16xf32> to vector<1x16xf32>
      tpu.vector_store %arg10[%swap3A_1059, %swap3A_1060], %swap3A_1063 {strides = array<i32>} : memref<128x128xf32, #tpu.memory_space<vmem>>, vector<1x16xf32>,
      %swap3A_1064 = arith.constant 34 : i32
      %swap3A_1065 = arith.index_cast %swap3A_1064 : i32 to index
      %swap3A_1066 = arith.constant 64 : index
      %swap3A_1067 = tpu.vector_load %arg10[%swap3A_1065, %swap3A_1066] {strides = array<i32>} : memref<128x128xf32, #tpu.memory_space<vmem>>, vector<1x16xf32>,
      %swap3A_1068 = vector.shape_cast %swap3A_1067 : vector<1x16xf32> to vector<16xf32>
      %swap3A_1069 = vector.shape_cast %select_n3A : vector<16xf32> to vector<1x16xf32>
      tpu.vector_store %arg10[%swap3A_1065, %swap3A_1066], %swap3A_1069 {strides = array<i32>} : memref<128x128xf32, #tpu.memory_space<vmem>>, vector<1x16xf32>,
      %swap3A_1070 = arith.constant 35 : i32
      %swap3A_1071 = arith.index_cast %swap3A_1070 : i32 to index
      %swap3A_1072 = arith.constant 64 : index
      %swap3A_1073 = tpu.vector_load %arg10[%swap3A_1071, %swap3A_1072] {strides = array<i32>} : memref<128x128xf32, #tpu.memory_space<vmem>>, vector<1x16xf32>,
      %swap3A_1074 = vector.shape_cast %swap3A_1073 : vector<1x16xf32> to vector<16xf32>
      %swap3A_1075 = vector.shape_cast %select_n3A : vector<16xf32> to vector<1x16xf32>
      tpu.vector_store %arg10[%swap3A_1071, %swap3A_1072], %swap3A_1075 {strides = array<i32>} : memref<128x128xf32, #tpu.memory_space<vmem>>, vector<1x16xf32>,
      %swap3A_1076 = arith.constant 36 : i32
      %swap3A_1077 = arith.index_cast %swap3A_1076 : i32 to index
      %swap3A_1078 = arith.constant 64 : index
      %swap3A_1079 = tpu.vector_load %arg10[%swap3A_1077, %swap3A_1078] {strides = array<i32>} : memref<128x128xf32, #tpu.memory_space<vmem>>, vector<1x16xf32>,
      %swap3A_1080 = vector.shape_cast %swap3A_1079 : vector<1x16xf32> to vector<16xf32>
      %swap3A_1081 = vector.shape_cast %select_n3A : vector<16xf32> to vector<1x16xf32>
      tpu.vector_store %arg10[%swap3A_1077, %swap3A_1078], %swap3A_1081 {strides = array<i32>} : memref<128x128xf32, #tpu.memory_space<vmem>>, vector<1x16xf32>,
      %swap3A_1082 = arith.constant 37 : i32
      %swap3A_1083 = arith.index_cast %swap3A_1082 : i32 to index
      %swap3A_1084 = arith.constant 64 : index
      %swap3A_1085 = tpu.vector_load %arg10[%swap3A_1083, %swap3A_1084] {strides = array<i32>} : memref<128x128xf32, #tpu.memory_space<vmem>>, vector<1x16xf32>,
      %swap3A_1086 = vector.shape_cast %swap3A_1085 : vector<1x16xf32> to vector<16xf32>
      %swap3A_1087 = vector.shape_cast %select_n3A : vector<16xf32> to vector<1x16xf32>
      tpu.vector_store %arg10[%swap3A_1083, %swap3A_1084], %swap3A_1087 {strides = array<i32>} : memref<128x128xf32, #tpu.memory_space<vmem>>, vector<1x16xf32>,
      %swap3A_1088 = arith.constant 38 : i32
      %swap3A_1089 = arith.index_cast %swap3A_1088 : i32 to index
      %swap3A_1090 = arith.constant 64 : index
      %swap3A_1091 = tpu.vector_load %arg10[%swap3A_1089, %swap3A_1090] {strides = array<i32>} : memref<128x128xf32, #tpu.memory_space<vmem>>, vector<1x16xf32>,
      %swap3A_1092 = vector.shape_cast %swap3A_1091 : vector<1x16xf32> to vector<16xf32>
      %swap3A_1093 = vector.shape_cast %select_n3A : vector<16xf32> to vector<1x16xf32>
      tpu.vector_store %arg10[%swap3A_1089, %swap3A_1090], %swap3A_1093 {strides = array<i32>} : memref<128x128xf32, #tpu.memory_space<vmem>>, vector<1x16xf32>,
      %swap3A_1094 = arith.constant 39 : i32
      %swap3A_1095 = arith.index_cast %swap3A_1094 : i32 to index
      %swap3A_1096 = arith.constant 64 : index
      %swap3A_1097 = tpu.vector_load %arg10[%swap3A_1095, %swap3A_1096] {strides = array<i32>} : memref<128x128xf32, #tpu.memory_space<vmem>>, vector<1x16xf32>,
      %swap3A_1098 = vector.shape_cast %swap3A_1097 : vector<1x16xf32> to vector<16xf32>
      %swap3A_1099 = vector.shape_cast %select_n3A : vector<16xf32> to vector<1x16xf32>
      tpu.vector_store %arg10[%swap3A_1095, %swap3A_1096], %swap3A_1099 {strides = array<i32>} : memref<128x128xf32, #tpu.memory_space<vmem>>, vector<1x16xf32>,
      %swap3A_1100 = arith.constant 40 : i32
      %swap3A_1101 = arith.index_cast %swap3A_1100 : i32 to index
      %swap3A_1102 = arith.constant 64 : index
      %swap3A_1103 = tpu.vector_load %arg10[%swap3A_1101, %swap3A_1102] {strides = array<i32>} : memref<128x128xf32, #tpu.memory_space<vmem>>, vector<1x16xf32>,
      %swap3A_1104 = vector.shape_cast %swap3A_1103 : vector<1x16xf32> to vector<16xf32>
      %swap3A_1105 = vector.shape_cast %select_n3A : vector<16xf32> to vector<1x16xf32>
      tpu.vector_store %arg10[%swap3A_1101, %swap3A_1102], %swap3A_1105 {strides = array<i32>} : memref<128x128xf32, #tpu.memory_space<vmem>>, vector<1x16xf32>,
      %swap3A_1106 = arith.constant 41 : i32
      %swap3A_1107 = arith.index_cast %swap3A_1106 : i32 to index
      %swap3A_1108 = arith.constant 64 : index
      %swap3A_1109 = tpu.vector_load %arg10[%swap3A_1107, %swap3A_1108] {strides = array<i32>} : memref<128x128xf32, #tpu.memory_space<vmem>>, vector<1x16xf32>,
      %swap3A_1110 = vector.shape_cast %swap3A_1109 : vector<1x16xf32> to vector<16xf32>
      %swap3A_1111 = vector.shape_cast %select_n3A : vector<16xf32> to vector<1x16xf32>
      tpu.vector_store %arg10[%swap3A_1107, %swap3A_1108], %swap3A_1111 {strides = array<i32>} : memref<128x128xf32, #tpu.memory_space<vmem>>, vector<1x16xf32>,
      %swap3A_1112 = arith.constant 42 : i32
      %swap3A_1113 = arith.index_cast %swap3A_1112 : i32 to index
      %swap3A_1114 = arith.constant 64 : index
      %swap3A_1115 = tpu.vector_load %arg10[%swap3A_1113, %swap3A_1114] {strides = array<i32>} : memref<128x128xf32, #tpu.memory_space<vmem>>, vector<1x16xf32>,
      %swap3A_1116 = vector.shape_cast %swap3A_1115 : vector<1x16xf32> to vector<16xf32>
      %swap3A_1117 = vector.shape_cast %select_n3A : vector<16xf32> to vector<1x16xf32>
      tpu.vector_store %arg10[%swap3A_1113, %swap3A_1114], %swap3A_1117 {strides = array<i32>} : memref<128x128xf32, #tpu.memory_space<vmem>>, vector<1x16xf32>,
      %swap3A_1118 = arith.constant 43 : i32
      %swap3A_1119 = arith.index_cast %swap3A_1118 : i32 to index
      %swap3A_1120 = arith.constant 64 : index
      %swap3A_1121 = tpu.vector_load %arg10[%swap3A_1119, %swap3A_1120] {strides = array<i32>} : memref<128x128xf32, #tpu.memory_space<vmem>>, vector<1x16xf32>,
      %swap3A_1122 = vector.shape_cast %swap3A_1121 : vector<1x16xf32> to vector<16xf32>
      %swap3A_1123 = vector.shape_cast %select_n3A : vector<16xf32> to vector<1x16xf32>
      tpu.vector_store %arg10[%swap3A_1119, %swap3A_1120], %swap3A_1123 {strides = array<i32>} : memref<128x128xf32, #tpu.memory_space<vmem>>, vector<1x16xf32>,
      %swap3A_1124 = arith.constant 44 : i32
      %swap3A_1125 = arith.index_cast %swap3A_1124 : i32 to index
      %swap3A_1126 = arith.constant 64 : index
      %swap3A_1127 = tpu.vector_load %arg10[%swap3A_1125, %swap3A_1126] {strides = array<i32>} : memref<128x128xf32, #tpu.memory_space<vmem>>, vector<1x16xf32>,
      %swap3A_1128 = vector.shape_cast %swap3A_1127 : vector<1x16xf32> to vector<16xf32>
      %swap3A_1129 = vector.shape_cast %select_n3A : vector<16xf32> to vector<1x16xf32>
      tpu.vector_store %arg10[%swap3A_1125, %swap3A_1126], %swap3A_1129 {strides = array<i32>} : memref<128x128xf32, #tpu.memory_space<vmem>>, vector<1x16xf32>,
      %swap3A_1130 = arith.constant 45 : i32
      %swap3A_1131 = arith.index_cast %swap3A_1130 : i32 to index
      %swap3A_1132 = arith.constant 64 : index
      %swap3A_1133 = tpu.vector_load %arg10[%swap3A_1131, %swap3A_1132] {strides = array<i32>} : memref<128x128xf32, #tpu.memory_space<vmem>>, vector<1x16xf32>,
      %swap3A_1134 = vector.shape_cast %swap3A_1133 : vector<1x16xf32> to vector<16xf32>
      %swap3A_1135 = vector.shape_cast %select_n3A : vector<16xf32> to vector<1x16xf32>
      tpu.vector_store %arg10[%swap3A_1131, %swap3A_1132], %swap3A_1135 {strides = array<i32>} : memref<128x128xf32, #tpu.memory_space<vmem>>, vector<1x16xf32>,
      %swap3A_1136 = arith.constant 46 : i32
      %swap3A_1137 = arith.index_cast %swap3A_1136 : i32 to index
      %swap3A_1138 = arith.constant 64 : index
      %swap3A_1139 = tpu.vector_load %arg10[%swap3A_1137, %swap3A_1138] {strides = array<i32>} : memref<128x128xf32, #tpu.memory_space<vmem>>, vector<1x16xf32>,
      %swap3A_1140 = vector.shape_cast %swap3A_1139 : vector<1x16xf32> to vector<16xf32>
      %swap3A_1141 = vector.shape_cast %select_n3A : vector<16xf32> to vector<1x16xf32>
      tpu.vector_store %arg10[%swap3A_1137, %swap3A_1138], %swap3A_1141 {strides = array<i32>} : memref<128x128xf32, #tpu.memory_space<vmem>>, vector<1x16xf32>,
      %swap3A_1142 = arith.constant 47 : i32
      %swap3A_1143 = arith.index_cast %swap3A_1142 : i32 to index
      %swap3A_1144 = arith.constant 64 : index
      %swap3A_1145 = tpu.vector_load %arg10[%swap3A_1143, %swap3A_1144] {strides = array<i32>} : memref<128x128xf32, #tpu.memory_space<vmem>>, vector<1x16xf32>,
      %swap3A_1146 = vector.shape_cast %swap3A_1145 : vector<1x16xf32> to vector<16xf32>
      %swap3A_1147 = vector.shape_cast %select_n3A : vector<16xf32> to vector<1x16xf32>
      tpu.vector_store %arg10[%swap3A_1143, %swap3A_1144], %swap3A_1147 {strides = array<i32>} : memref<128x128xf32, #tpu.memory_space<vmem>>, vector<1x16xf32>,
      %swap3A_1148 = arith.constant 48 : i32
      %swap3A_1149 = arith.index_cast %swap3A_1148 : i32 to index
      %swap3A_1150 = arith.constant 64 : index
      %swap3A_1151 = tpu.vector_load %arg10[%swap3A_1149, %swap3A_1150] {strides = array<i32>} : memref<128x128xf32, #tpu.memory_space<vmem>>, vector<1x16xf32>,
      %swap3A_1152 = vector.shape_cast %swap3A_1151 : vector<1x16xf32> to vector<16xf32>
      %swap3A_1153 = vector.shape_cast %select_n3A : vector<16xf32> to vector<1x16xf32>
      tpu.vector_store %arg10[%swap3A_1149, %swap3A_1150], %swap3A_1153 {strides = array<i32>} : memref<128x128xf32, #tpu.memory_space<vmem>>, vector<1x16xf32>,
      %swap3A_1154 = arith.constant 49 : i32
      %swap3A_1155 = arith.index_cast %swap3A_1154 : i32 to index
      %swap3A_1156 = arith.constant 64 : index
      %swap3A_1157 = tpu.vector_load %arg10[%swap3A_1155, %swap3A_1156] {strides = array<i32>} : memref<128x128xf32, #tpu.memory_space<vmem>>, vector<1x16xf32>,
      %swap3A_1158 = vector.shape_cast %swap3A_1157 : vector<1x16xf32> to vector<16xf32>
      %swap3A_1159 = vector.shape_cast %select_n3A : vector<16xf32> to vector<1x16xf32>
      tpu.vector_store %arg10[%swap3A_1155, %swap3A_1156], %swap3A_1159 {strides = array<i32>} : memref<128x128xf32, #tpu.memory_space<vmem>>, vector<1x16xf32>,
      %swap3A_1160 = arith.constant 50 : i32
      %swap3A_1161 = arith.index_cast %swap3A_1160 : i32 to index
      %swap3A_1162 = arith.constant 64 : index
      %swap3A_1163 = tpu.vector_load %arg10[%swap3A_1161, %swap3A_1162] {strides = array<i32>} : memref<128x128xf32, #tpu.memory_space<vmem>>, vector<1x16xf32>,
      %swap3A_1164 = vector.shape_cast %swap3A_1163 : vector<1x16xf32> to vector<16xf32>
      %swap3A_1165 = vector.shape_cast %select_n3A : vector<16xf32> to vector<1x16xf32>
      tpu.vector_store %arg10[%swap3A_1161, %swap3A_1162], %swap3A_1165 {strides = array<i32>} : memref<128x128xf32, #tpu.memory_space<vmem>>, vector<1x16xf32>,
      %swap3A_1166 = arith.constant 51 : i32
      %swap3A_1167 = arith.index_cast %swap3A_1166 : i32 to index
      %swap3A_1168 = arith.constant 64 : index
      %swap3A_1169 = tpu.vector_load %arg10[%swap3A_1167, %swap3A_1168] {strides = array<i32>} : memref<128x128xf32, #tpu.memory_space<vmem>>, vector<1x16xf32>,
      %swap3A_1170 = vector.shape_cast %swap3A_1169 : vector<1x16xf32> to vector<16xf32>
      %swap3A_1171 = vector.shape_cast %select_n3A : vector<16xf32> to vector<1x16xf32>
      tpu.vector_store %arg10[%swap3A_1167, %swap3A_1168], %swap3A_1171 {strides = array<i32>} : memref<128x128xf32, #tpu.memory_space<vmem>>, vector<1x16xf32>,
      %swap3A_1172 = arith.constant 52 : i32
      %swap3A_1173 = arith.index_cast %swap3A_1172 : i32 to index
      %swap3A_1174 = arith.constant 64 : index
      %swap3A_1175 = tpu.vector_load %arg10[%swap3A_1173, %swap3A_1174] {strides = array<i32>} : memref<128x128xf32, #tpu.memory_space<vmem>>, vector<1x16xf32>,
      %swap3A_1176 = vector.shape_cast %swap3A_1175 : vector<1x16xf32> to vector<16xf32>
      %swap3A_1177 = vector.shape_cast %select_n3A : vector<16xf32> to vector<1x16xf32>
      tpu.vector_store %arg10[%swap3A_1173, %swap3A_1174], %swap3A_1177 {strides = array<i32>} : memref<128x128xf32, #tpu.memory_space<vmem>>, vector<1x16xf32>,
      %swap3A_1178 = arith.constant 53 : i32
      %swap3A_1179 = arith.index_cast %swap3A_1178 : i32 to index
      %swap3A_1180 = arith.constant 64 : index
      %swap3A_1181 = tpu.vector_load %arg10[%swap3A_1179, %swap3A_1180] {strides = array<i32>} : memref<128x128xf32, #tpu.memory_space<vmem>>, vector<1x16xf32>,
      %swap3A_1182 = vector.shape_cast %swap3A_1181 : vector<1x16xf32> to vector<16xf32>
      %swap3A_1183 = vector.shape_cast %select_n3A : vector<16xf32> to vector<1x16xf32>
      tpu.vector_store %arg10[%swap3A_1179, %swap3A_1180], %swap3A_1183 {strides = array<i32>} : memref<128x128xf32, #tpu.memory_space<vmem>>, vector<1x16xf32>,
      %swap3A_1184 = arith.constant 54 : i32
      %swap3A_1185 = arith.index_cast %swap3A_1184 : i32 to index
      %swap3A_1186 = arith.constant 64 : index
      %swap3A_1187 = tpu.vector_load %arg10[%swap3A_1185, %swap3A_1186] {strides = array<i32>} : memref<128x128xf32, #tpu.memory_space<vmem>>, vector<1x16xf32>,
      %swap3A_1188 = vector.shape_cast %swap3A_1187 : vector<1x16xf32> to vector<16xf32>
      %swap3A_1189 = vector.shape_cast %select_n3A : vector<16xf32> to vector<1x16xf32>
      tpu.vector_store %arg10[%swap3A_1185, %swap3A_1186], %swap3A_1189 {strides = array<i32>} : memref<128x128xf32, #tpu.memory_space<vmem>>, vector<1x16xf32>,
      %swap3A_1190 = arith.constant 55 : i32
      %swap3A_1191 = arith.index_cast %swap3A_1190 : i32 to index
      %swap3A_1192 = arith.constant 64 : index
      %swap3A_1193 = tpu.vector_load %arg10[%swap3A_1191, %swap3A_1192] {strides = array<i32>} : memref<128x128xf32, #tpu.memory_space<vmem>>, vector<1x16xf32>,
      %swap3A_1194 = vector.shape_cast %swap3A_1193 : vector<1x16xf32> to vector<16xf32>
      %swap3A_1195 = vector.shape_cast %select_n3A : vector<16xf32> to vector<1x16xf32>
      tpu.vector_store %arg10[%swap3A_1191, %swap3A_1192], %swap3A_1195 {strides = array<i32>} : memref<128x128xf32, #tpu.memory_space<vmem>>, vector<1x16xf32>,
      %swap3A_1196 = arith.constant 56 : i32
      %swap3A_1197 = arith.index_cast %swap3A_1196 : i32 to index
      %swap3A_1198 = arith.constant 64 : index
      %swap3A_1199 = tpu.vector_load %arg10[%swap3A_1197, %swap3A_1198] {strides = array<i32>} : memref<128x128xf32, #tpu.memory_space<vmem>>, vector<1x16xf32>,
      %swap3A_1200 = vector.shape_cast %swap3A_1199 : vector<1x16xf32> to vector<16xf32>
      %swap3A_1201 = vector.shape_cast %select_n3A : vector<16xf32> to vector<1x16xf32>
      tpu.vector_store %arg10[%swap3A_1197, %swap3A_1198], %swap3A_1201 {strides = array<i32>} : memref<128x128xf32, #tpu.memory_space<vmem>>, vector<1x16xf32>,
      %swap3A_1202 = arith.constant 57 : i32
      %swap3A_1203 = arith.index_cast %swap3A_1202 : i32 to index
      %swap3A_1204 = arith.constant 64 : index
      %swap3A_1205 = tpu.vector_load %arg10[%swap3A_1203, %swap3A_1204] {strides = array<i32>} : memref<128x128xf32, #tpu.memory_space<vmem>>, vector<1x16xf32>,
      %swap3A_1206 = vector.shape_cast %swap3A_1205 : vector<1x16xf32> to vector<16xf32>
      %swap3A_1207 = vector.shape_cast %select_n3A : vector<16xf32> to vector<1x16xf32>
      tpu.vector_store %arg10[%swap3A_1203, %swap3A_1204], %swap3A_1207 {strides = array<i32>} : memref<128x128xf32, #tpu.memory_space<vmem>>, vector<1x16xf32>,
      %swap3A_1208 = arith.constant 58 : i32
      %swap3A_1209 = arith.index_cast %swap3A_1208 : i32 to index
      %swap3A_1210 = arith.constant 64 : index
      %swap3A_1211 = tpu.vector_load %arg10[%swap3A_1209, %swap3A_1210] {strides = array<i32>} : memref<128x128xf32, #tpu.memory_space<vmem>>, vector<1x16xf32>,
      %swap3A_1212 = vector.shape_cast %swap3A_1211 : vector<1x16xf32> to vector<16xf32>
      %swap3A_1213 = vector.shape_cast %select_n3A : vector<16xf32> to vector<1x16xf32>
      tpu.vector_store %arg10[%swap3A_1209, %swap3A_1210], %swap3A_1213 {strides = array<i32>} : memref<128x128xf32, #tpu.memory_space<vmem>>, vector<1x16xf32>,
      %swap3A_1214 = arith.constant 59 : i32
      %swap3A_1215 = arith.index_cast %swap3A_1214 : i32 to index
      %swap3A_1216 = arith.constant 64 : index
      %swap3A_1217 = tpu.vector_load %arg10[%swap3A_1215, %swap3A_1216] {strides = array<i32>} : memref<128x128xf32, #tpu.memory_space<vmem>>, vector<1x16xf32>,
      %swap3A_1218 = vector.shape_cast %swap3A_1217 : vector<1x16xf32> to vector<16xf32>
      %swap3A_1219 = vector.shape_cast %select_n3A : vector<16xf32> to vector<1x16xf32>
      tpu.vector_store %arg10[%swap3A_1215, %swap3A_1216], %swap3A_1219 {strides = array<i32>} : memref<128x128xf32, #tpu.memory_space<vmem>>, vector<1x16xf32>,
      %swap3A_1220 = arith.constant 60 : i32
      %swap3A_1221 = arith.index_cast %swap3A_1220 : i32 to index
      %swap3A_1222 = arith.constant 64 : index
      %swap3A_1223 = tpu.vector_load %arg10[%swap3A_1221, %swap3A_1222] {strides = array<i32>} : memref<128x128xf32, #tpu.memory_space<vmem>>, vector<1x16xf32>,
      %swap3A_1224 = vector.shape_cast %swap3A_1223 : vector<1x16xf32> to vector<16xf32>
      %swap3A_1225 = vector.shape_cast %select_n3A : vector<16xf32> to vector<1x16xf32>
      tpu.vector_store %arg10[%swap3A_1221, %swap3A_1222], %swap3A_1225 {strides = array<i32>} : memref<128x128xf32, #tpu.memory_space<vmem>>, vector<1x16xf32>,
      %swap3A_1226 = arith.constant 61 : i32
      %swap3A_1227 = arith.index_cast %swap3A_1226 : i32 to index
      %swap3A_1228 = arith.constant 64 : index
      %swap3A_1229 = tpu.vector_load %arg10[%swap3A_1227, %swap3A_1228] {strides = array<i32>} : memref<128x128xf32, #tpu.memory_space<vmem>>, vector<1x16xf32>,
      %swap3A_1230 = vector.shape_cast %swap3A_1229 : vector<1x16xf32> to vector<16xf32>
      %swap3A_1231 = vector.shape_cast %select_n3A : vector<16xf32> to vector<1x16xf32>
      tpu.vector_store %arg10[%swap3A_1227, %swap3A_1228], %swap3A_1231 {strides = array<i32>} : memref<128x128xf32, #tpu.memory_space<vmem>>, vector<1x16xf32>,
      %swap3A_1232 = arith.constant 62 : i32
      %swap3A_1233 = arith.index_cast %swap3A_1232 : i32 to index
      %swap3A_1234 = arith.constant 64 : index
      %swap3A_1235 = tpu.vector_load %arg10[%swap3A_1233, %swap3A_1234] {strides = array<i32>} : memref<128x128xf32, #tpu.memory_space<vmem>>, vector<1x16xf32>,
      %swap3A_1236 = vector.shape_cast %swap3A_1235 : vector<1x16xf32> to vector<16xf32>
      %swap3A_1237 = vector.shape_cast %select_n3A : vector<16xf32> to vector<1x16xf32>
      tpu.vector_store %arg10[%swap3A_1233, %swap3A_1234], %swap3A_1237 {strides = array<i32>} : memref<128x128xf32, #tpu.memory_space<vmem>>, vector<1x16xf32>,
      %swap3A_1238 = arith.constant 63 : i32
      %swap3A_1239 = arith.index_cast %swap3A_1238 : i32 to index
      %swap3A_1240 = arith.constant 64 : index
      %swap3A_1241 = tpu.vector_load %arg10[%swap3A_1239, %swap3A_1240] {strides = array<i32>} : memref<128x128xf32, #tpu.memory_space<vmem>>, vector<1x16xf32>,
      %swap3A_1242 = vector.shape_cast %swap3A_1241 : vector<1x16xf32> to vector<16xf32>
      %swap3A_1243 = vector.shape_cast %select_n3A : vector<16xf32> to vector<1x16xf32>
      tpu.vector_store %arg10[%swap3A_1239, %swap3A_1240], %swap3A_1243 {strides = array<i32>} : memref<128x128xf32, #tpu.memory_space<vmem>>, vector<1x16xf32>,
      %swap3A_1244 = arith.constant 64 : i32
      %swap3A_1245 = arith.index_cast %swap3A_1244 : i32 to index
      %swap3A_1246 = arith.constant 64 : index
      %swap3A_1247 = tpu.vector_load %arg10[%swap3A_1245, %swap3A_1246] {strides = array<i32>} : memref<128x128xf32, #tpu.memory_space<vmem>>, vector<1x16xf32>,
      %swap3A_1248 = vector.shape_cast %swap3A_1247 : vector<1x16xf32> to vector<16xf32>
      %swap3A_1249 = vector.shape_cast %select_n3A : vector<16xf32> to vector<1x16xf32>
      tpu.vector_store %arg10[%swap3A_1245, %swap3A_1246], %swap3A_1249 {strides = array<i32>} : memref<128x128xf32, #tpu.memory_space<vmem>>, vector<1x16xf32>,
      %swap3A_1250 = arith.constant 65 : i32
      %swap3A_1251 = arith.index_cast %swap3A_1250 : i32 to index
      %swap3A_1252 = arith.constant 64 : index
      %swap3A_1253 = tpu.vector_load %arg10[%swap3A_1251, %swap3A_1252] {strides = array<i32>} : memref<128x128xf32, #tpu.memory_space<vmem>>, vector<1x16xf32>,
      %swap3A_1254 = vector.shape_cast %swap3A_1253 : vector<1x16xf32> to vector<16xf32>
      %swap3A_1255 = vector.shape_cast %select_n3A : vector<16xf32> to vector<1x16xf32>
      tpu.vector_store %arg10[%swap3A_1251, %swap3A_1252], %swap3A_1255 {strides = array<i32>} : memref<128x128xf32, #tpu.memory_space<vmem>>, vector<1x16xf32>,
      %swap3A_1256 = arith.constant 66 : i32
      %swap3A_1257 = arith.index_cast %swap3A_1256 : i32 to index
      %swap3A_1258 = arith.constant 64 : index
      %swap3A_1259 = tpu.vector_load %arg10[%swap3A_1257, %swap3A_1258] {strides = array<i32>} : memref<128x128xf32, #tpu.memory_space<vmem>>, vector<1x16xf32>,
      %swap3A_1260 = vector.shape_cast %swap3A_1259 : vector<1x16xf32> to vector<16xf32>
      %swap3A_1261 = vector.shape_cast %select_n3A : vector<16xf32> to vector<1x16xf32>
      tpu.vector_store %arg10[%swap3A_1257, %swap3A_1258], %swap3A_1261 {strides = array<i32>} : memref<128x128xf32, #tpu.memory_space<vmem>>, vector<1x16xf32>,
      %swap3A_1262 = arith.constant 67 : i32
      %swap3A_1263 = arith.index_cast %swap3A_1262 : i32 to index
      %swap3A_1264 = arith.constant 64 : index
      %swap3A_1265 = tpu.vector_load %arg10[%swap3A_1263, %swap3A_1264] {strides = array<i32>} : memref<128x128xf32, #tpu.memory_space<vmem>>, vector<1x16xf32>,
      %swap3A_1266 = vector.shape_cast %swap3A_1265 : vector<1x16xf32> to vector<16xf32>
      %swap3A_1267 = vector.shape_cast %select_n3A : vector<16xf32> to vector<1x16xf32>
      tpu.vector_store %arg10[%swap3A_1263, %swap3A_1264], %swap3A_1267 {strides = array<i32>} : memref<128x128xf32, #tpu.memory_space<vmem>>, vector<1x16xf32>,
      %swap3A_1268 = arith.constant 68 : i32
      %swap3A_1269 = arith.index_cast %swap3A_1268 : i32 to index
      %swap3A_1270 = arith.constant 64 : index
      %swap3A_1271 = tpu.vector_load %arg10[%swap3A_1269, %swap3A_1270] {strides = array<i32>} : memref<128x128xf32, #tpu.memory_space<vmem>>, vector<1x16xf32>,
      %swap3A_1272 = vector.shape_cast %swap3A_1271 : vector<1x16xf32> to vector<16xf32>
      %swap3A_1273 = vector.shape_cast %select_n3A : vector<16xf32> to vector<1x16xf32>
      tpu.vector_store %arg10[%swap3A_1269, %swap3A_1270], %swap3A_1273 {strides = array<i32>} : memref<128x128xf32, #tpu.memory_space<vmem>>, vector<1x16xf32>,
      %swap3A_1274 = arith.constant 69 : i32
      %swap3A_1275 = arith.index_cast %swap3A_1274 : i32 to index
      %swap3A_1276 = arith.constant 64 : index
      %swap3A_1277 = tpu.vector_load %arg10[%swap3A_1275, %swap3A_1276] {strides = array<i32>} : memref<128x128xf32, #tpu.memory_space<vmem>>, vector<1x16xf32>,
      %swap3A_1278 = vector.shape_cast %swap3A_1277 : vector<1x16xf32> to vector<16xf32>
      %swap3A_1279 = vector.shape_cast %select_n3A : vector<16xf32> to vector<1x16xf32>
      tpu.vector_store %arg10[%swap3A_1275, %swap3A_1276], %swap3A_1279 {strides = array<i32>} : memref<128x128xf32, #tpu.memory_space<vmem>>, vector<1x16xf32>,
      %swap3A_1280 = arith.constant 70 : i32
      %swap3A_1281 = arith.index_cast %swap3A_1280 : i32 to index
      %swap3A_1282 = arith.constant 64 : index
      %swap3A_1283 = tpu.vector_load %arg10[%swap3A_1281, %swap3A_1282] {strides = array<i32>} : memref<128x128xf32, #tpu.memory_space<vmem>>, vector<1x16xf32>,
      %swap3A_1284 = vector.shape_cast %swap3A_1283 : vector<1x16xf32> to vector<16xf32>
      %swap3A_1285 = vector.shape_cast %select_n3A : vector<16xf32> to vector<1x16xf32>
      tpu.vector_store %arg10[%swap3A_1281, %swap3A_1282], %swap3A_1285 {strides = array<i32>} : memref<128x128xf32, #tpu.memory_space<vmem>>, vector<1x16xf32>,
      %swap3A_1286 = arith.constant 71 : i32
      %swap3A_1287 = arith.index_cast %swap3A_1286 : i32 to index
      %swap3A_1288 = arith.constant 64 : index
      %swap3A_1289 = tpu.vector_load %arg10[%swap3A_1287, %swap3A_1288] {strides = array<i32>} : memref<128x128xf32, #tpu.memory_space<vmem>>, vector<1x16xf32>,
      %swap3A_1290 = vector.shape_cast %swap3A_1289 : vector<1x16xf32> to vector<16xf32>
      %swap3A_1291 = vector.shape_cast %select_n3A : vector<16xf32> to vector<1x16xf32>
      tpu.vector_store %arg10[%swap3A_1287, %swap3A_1288], %swap3A_1291 {strides = array<i32>} : memref<128x128xf32, #tpu.memory_space<vmem>>, vector<1x16xf32>,
      %swap3A_1292 = arith.constant 72 : i32
      %swap3A_1293 = arith.index_cast %swap3A_1292 : i32 to index
      %swap3A_1294 = arith.constant 64 : index
      %swap3A_1295 = tpu.vector_load %arg10[%swap3A_1293, %swap3A_1294] {strides = array<i32>} : memref<128x128xf32, #tpu.memory_space<vmem>>, vector<1x16xf32>,
      %swap3A_1296 = vector.shape_cast %swap3A_1295 : vector<1x16xf32> to vector<16xf32>
      %swap3A_1297 = vector.shape_cast %select_n3A : vector<16xf32> to vector<1x16xf32>
      tpu.vector_store %arg10[%swap3A_1293, %swap3A_1294], %swap3A_1297 {strides = array<i32>} : memref<128x128xf32, #tpu.memory_space<vmem>>, vector<1x16xf32>,
      %swap3A_1298 = arith.constant 73 : i32
      %swap3A_1299 = arith.index_cast %swap3A_1298 : i32 to index
      %swap3A_1300 = arith.constant 64 : index
      %swap3A_1301 = tpu.vector_load %arg10[%swap3A_1299, %swap3A_1300] {strides = array<i32>} : memref<128x128xf32, #tpu.memory_space<vmem>>, vector<1x16xf32>,
      %swap3A_1302 = vector.shape_cast %swap3A_1301 : vector<1x16xf32> to vector<16xf32>
      %swap3A_1303 = vector.shape_cast %select_n3A : vector<16xf32> to vector<1x16xf32>
      tpu.vector_store %arg10[%swap3A_1299, %swap3A_1300], %swap3A_1303 {strides = array<i32>} : memref<128x128xf32, #tpu.memory_space<vmem>>, vector<1x16xf32>,
      %swap3A_1304 = arith.constant 74 : i32
      %swap3A_1305 = arith.index_cast %swap3A_1304 : i32 to index
      %swap3A_1306 = arith.constant 64 : index
      %swap3A_1307 = tpu.vector_load %arg10[%swap3A_1305, %swap3A_1306] {strides = array<i32>} : memref<128x128xf32, #tpu.memory_space<vmem>>, vector<1x16xf32>,
      %swap3A_1308 = vector.shape_cast %swap3A_1307 : vector<1x16xf32> to vector<16xf32>
      %swap3A_1309 = vector.shape_cast %select_n3A : vector<16xf32> to vector<1x16xf32>
      tpu.vector_store %arg10[%swap3A_1305, %swap3A_1306], %swap3A_1309 {strides = array<i32>} : memref<128x128xf32, #tpu.memory_space<vmem>>, vector<1x16xf32>,
      %swap3A_1310 = arith.constant 75 : i32
      %swap3A_1311 = arith.index_cast %swap3A_1310 : i32 to index
      %swap3A_1312 = arith.constant 64 : index
      %swap3A_1313 = tpu.vector_load %arg10[%swap3A_1311, %swap3A_1312] {strides = array<i32>} : memref<128x128xf32, #tpu.memory_space<vmem>>, vector<1x16xf32>,
      %swap3A_1314 = vector.shape_cast %swap3A_1313 : vector<1x16xf32> to vector<16xf32>
      %swap3A_1315 = vector.shape_cast %select_n3A : vector<16xf32> to vector<1x16xf32>
      tpu.vector_store %arg10[%swap3A_1311, %swap3A_1312], %swap3A_1315 {strides = array<i32>} : memref<128x128xf32, #tpu.memory_space<vmem>>, vector<1x16xf32>,
      %swap3A_1316 = arith.constant 76 : i32
      %swap3A_1317 = arith.index_cast %swap3A_1316 : i32 to index
      %swap3A_1318 = arith.constant 64 : index
      %swap3A_1319 = tpu.vector_load %arg10[%swap3A_1317, %swap3A_1318] {strides = array<i32>} : memref<128x128xf32, #tpu.memory_space<vmem>>, vector<1x16xf32>,
      %swap3A_1320 = vector.shape_cast %swap3A_1319 : vector<1x16xf32> to vector<16xf32>
      %swap3A_1321 = vector.shape_cast %select_n3A : vector<16xf32> to vector<1x16xf32>
      tpu.vector_store %arg10[%swap3A_1317, %swap3A_1318], %swap3A_1321 {strides = array<i32>} : memref<128x128xf32, #tpu.memory_space<vmem>>, vector<1x16xf32>,
      %swap3A_1322 = arith.constant 77 : i32
      %swap3A_1323 = arith.index_cast %swap3A_1322 : i32 to index
      %swap3A_1324 = arith.constant 64 : index
      %swap3A_1325 = tpu.vector_load %arg10[%swap3A_1323, %swap3A_1324] {strides = array<i32>} : memref<128x128xf32, #tpu.memory_space<vmem>>, vector<1x16xf32>,
      %swap3A_1326 = vector.shape_cast %swap3A_1325 : vector<1x16xf32> to vector<16xf32>
      %swap3A_1327 = vector.shape_cast %select_n3A : vector<16xf32> to vector<1x16xf32>
      tpu.vector_store %arg10[%swap3A_1323, %swap3A_1324], %swap3A_1327 {strides = array<i32>} : memref<128x128xf32, #tpu.memory_space<vmem>>, vector<1x16xf32>,
      %swap3A_1328 = arith.constant 78 : i32
      %swap3A_1329 = arith.index_cast %swap3A_1328 : i32 to index
      %swap3A_1330 = arith.constant 64 : index
      %swap3A_1331 = tpu.vector_load %arg10[%swap3A_1329, %swap3A_1330] {strides = array<i32>} : memref<128x128xf32, #tpu.memory_space<vmem>>, vector<1x16xf32>,
      %swap3A_1332 = vector.shape_cast %swap3A_1331 : vector<1x16xf32> to vector<16xf32>
      %swap3A_1333 = vector.shape_cast %select_n3A : vector<16xf32> to vector<1x16xf32>
      tpu.vector_store %arg10[%swap3A_1329, %swap3A_1330], %swap3A_1333 {strides = array<i32>} : memref<128x128xf32, #tpu.memory_space<vmem>>, vector<1x16xf32>,
      %swap3A_1334 = arith.constant 79 : i32
      %swap3A_1335 = arith.index_cast %swap3A_1334 : i32 to index
      %swap3A_1336 = arith.constant 64 : index
      %swap3A_1337 = tpu.vector_load %arg10[%swap3A_1335, %swap3A_1336] {strides = array<i32>} : memref<128x128xf32, #tpu.memory_space<vmem>>, vector<1x16xf32>,
      %swap3A_1338 = vector.shape_cast %swap3A_1337 : vector<1x16xf32> to vector<16xf32>
      %swap3A_1339 = vector.shape_cast %select_n3A : vector<16xf32> to vector<1x16xf32>
      tpu.vector_store %arg10[%swap3A_1335, %swap3A_1336], %swap3A_1339 {strides = array<i32>} : memref<128x128xf32, #tpu.memory_space<vmem>>, vector<1x16xf32>,
      %swap3A_1340 = arith.constant 80 : i32
      %swap3A_1341 = arith.index_cast %swap3A_1340 : i32 to index
      %swap3A_1342 = arith.constant 64 : index
      %swap3A_1343 = tpu.vector_load %arg10[%swap3A_1341, %swap3A_1342] {strides = array<i32>} : memref<128x128xf32, #tpu.memory_space<vmem>>, vector<1x16xf32>,
      %swap3A_1344 = vector.shape_cast %swap3A_1343 : vector<1x16xf32> to vector<16xf32>
      %swap3A_1345 = vector.shape_cast %select_n3A : vector<16xf32> to vector<1x16xf32>
      tpu.vector_store %arg10[%swap3A_1341, %swap3A_1342], %swap3A_1345 {strides = array<i32>} : memref<128x128xf32, #tpu.memory_space<vmem>>, vector<1x16xf32>,
      %swap3A_1346 = arith.constant 81 : i32
      %swap3A_1347 = arith.index_cast %swap3A_1346 : i32 to index
      %swap3A_1348 = arith.constant 64 : index
      %swap3A_1349 = tpu.vector_load %arg10[%swap3A_1347, %swap3A_1348] {strides = array<i32>} : memref<128x128xf32, #tpu.memory_space<vmem>>, vector<1x16xf32>,
      %swap3A_1350 = vector.shape_cast %swap3A_1349 : vector<1x16xf32> to vector<16xf32>
      %swap3A_1351 = vector.shape_cast %select_n3A : vector<16xf32> to vector<1x16xf32>
      tpu.vector_store %arg10[%swap3A_1347, %swap3A_1348], %swap3A_1351 {strides = array<i32>} : memref<128x128xf32, #tpu.memory_space<vmem>>, vector<1x16xf32>,
      %swap3A_1352 = arith.constant 82 : i32
      %swap3A_1353 = arith.index_cast %swap3A_1352 : i32 to index
      %swap3A_1354 = arith.constant 64 : index
      %swap3A_1355 = tpu.vector_load %arg10[%swap3A_1353, %swap3A_1354] {strides = array<i32>} : memref<128x128xf32, #tpu.memory_space<vmem>>, vector<1x16xf32>,
      %swap3A_1356 = vector.shape_cast %swap3A_1355 : vector<1x16xf32> to vector<16xf32>
      %swap3A_1357 = vector.shape_cast %select_n3A : vector<16xf32> to vector<1x16xf32>
      tpu.vector_store %arg10[%swap3A_1353, %swap3A_1354], %swap3A_1357 {strides = array<i32>} : memref<128x128xf32, #tpu.memory_space<vmem>>, vector<1x16xf32>,
      %swap3A_1358 = arith.constant 83 : i32
      %swap3A_1359 = arith.index_cast %swap3A_1358 : i32 to index
      %swap3A_1360 = arith.constant 64 : index
      %swap3A_1361 = tpu.vector_load %arg10[%swap3A_1359, %swap3A_1360] {strides = array<i32>} : memref<128x128xf32, #tpu.memory_space<vmem>>, vector<1x16xf32>,
      %swap3A_1362 = vector.shape_cast %swap3A_1361 : vector<1x16xf32> to vector<16xf32>
      %swap3A_1363 = vector.shape_cast %select_n3A : vector<16xf32> to vector<1x16xf32>
      tpu.vector_store %arg10[%swap3A_1359, %swap3A_1360], %swap3A_1363 {strides = array<i32>} : memref<128x128xf32, #tpu.memory_space<vmem>>, vector<1x16xf32>,
      %swap3A_1364 = arith.constant 84 : i32
      %swap3A_1365 = arith.index_cast %swap3A_1364 : i32 to index
      %swap3A_1366 = arith.constant 64 : index
      %swap3A_1367 = tpu.vector_load %arg10[%swap3A_1365, %swap3A_1366] {strides = array<i32>} : memref<128x128xf32, #tpu.memory_space<vmem>>, vector<1x16xf32>,
      %swap3A_1368 = vector.shape_cast %swap3A_1367 : vector<1x16xf32> to vector<16xf32>
      %swap3A_1369 = vector.shape_cast %select_n3A : vector<16xf32> to vector<1x16xf32>
      tpu.vector_store %arg10[%swap3A_1365, %swap3A_1366], %swap3A_1369 {strides = array<i32>} : memref<128x128xf32, #tpu.memory_space<vmem>>, vector<1x16xf32>,
      %swap3A_1370 = arith.constant 85 : i32
      %swap3A_1371 = arith.index_cast %swap3A_1370 : i32 to index
      %swap3A_1372 = arith.constant 64 : index
      %swap3A_1373 = tpu.vector_load %arg10[%swap3A_1371, %swap3A_1372] {strides = array<i32>} : memref<128x128xf32, #tpu.memory_space<vmem>>, vector<1x16xf32>,
      %swap3A_1374 = vector.shape_cast %swap3A_1373 : vector<1x16xf32> to vector<16xf32>
      %swap3A_1375 = vector.shape_cast %select_n3A : vector<16xf32> to vector<1x16xf32>
      tpu.vector_store %arg10[%swap3A_1371, %swap3A_1372], %swap3A_1375 {strides = array<i32>} : memref<128x128xf32, #tpu.memory_space<vmem>>, vector<1x16xf32>,
      %swap3A_1376 = arith.constant 86 : i32
      %swap3A_1377 = arith.index_cast %swap3A_1376 : i32 to index
      %swap3A_1378 = arith.constant 64 : index
      %swap3A_1379 = tpu.vector_load %arg10[%swap3A_1377, %swap3A_1378] {strides = array<i32>} : memref<128x128xf32, #tpu.memory_space<vmem>>, vector<1x16xf32>,
      %swap3A_1380 = vector.shape_cast %swap3A_1379 : vector<1x16xf32> to vector<16xf32>
      %swap3A_1381 = vector.shape_cast %select_n3A : vector<16xf32> to vector<1x16xf32>
      tpu.vector_store %arg10[%swap3A_1377, %swap3A_1378], %swap3A_1381 {strides = array<i32>} : memref<128x128xf32, #tpu.memory_space<vmem>>, vector<1x16xf32>,
      %swap3A_1382 = arith.constant 87 : i32
      %swap3A_1383 = arith.index_cast %swap3A_1382 : i32 to index
      %swap3A_1384 = arith.constant 64 : index
      %swap3A_1385 = tpu.vector_load %arg10[%swap3A_1383, %swap3A_1384] {strides = array<i32>} : memref<128x128xf32, #tpu.memory_space<vmem>>, vector<1x16xf32>,
      %swap3A_1386 = vector.shape_cast %swap3A_1385 : vector<1x16xf32> to vector<16xf32>
      %swap3A_1387 = vector.shape_cast %select_n3A : vector<16xf32> to vector<1x16xf32>
      tpu.vector_store %arg10[%swap3A_1383, %swap3A_1384], %swap3A_1387 {strides = array<i32>} : memref<128x128xf32, #tpu.memory_space<vmem>>, vector<1x16xf32>,
      %swap3A_1388 = arith.constant 88 : i32
      %swap3A_1389 = arith.index_cast %swap3A_1388 : i32 to index
      %swap3A_1390 = arith.constant 64 : index
      %swap3A_1391 = tpu.vector_load %arg10[%swap3A_1389, %swap3A_1390] {strides = array<i32>} : memref<128x128xf32, #tpu.memory_space<vmem>>, vector<1x16xf32>,
      %swap3A_1392 = vector.shape_cast %swap3A_1391 : vector<1x16xf32> to vector<16xf32>
      %swap3A_1393 = vector.shape_cast %select_n3A : vector<16xf32> to vector<1x16xf32>
      tpu.vector_store %arg10[%swap3A_1389, %swap3A_1390], %swap3A_1393 {strides = array<i32>} : memref<128x128xf32, #tpu.memory_space<vmem>>, vector<1x16xf32>,
      %swap3A_1394 = arith.constant 89 : i32
      %swap3A_1395 = arith.index_cast %swap3A_1394 : i32 to index
      %swap3A_1396 = arith.constant 64 : index
      %swap3A_1397 = tpu.vector_load %arg10[%swap3A_1395, %swap3A_1396] {strides = array<i32>} : memref<128x128xf32, #tpu.memory_space<vmem>>, vector<1x16xf32>,
      %swap3A_1398 = vector.shape_cast %swap3A_1397 : vector<1x16xf32> to vector<16xf32>
      %swap3A_1399 = vector.shape_cast %select_n3A : vector<16xf32> to vector<1x16xf32>
      tpu.vector_store %arg10[%swap3A_1395, %swap3A_1396], %swap3A_1399 {strides = array<i32>} : memref<128x128xf32, #tpu.memory_space<vmem>>, vector<1x16xf32>,
      %swap3A_1400 = arith.constant 90 : i32
      %swap3A_1401 = arith.index_cast %swap3A_1400 : i32 to index
      %swap3A_1402 = arith.constant 64 : index
      %swap3A_1403 = tpu.vector_load %arg10[%swap3A_1401, %swap3A_1402] {strides = array<i32>} : memref<128x128xf32, #tpu.memory_space<vmem>>, vector<1x16xf32>,
      %swap3A_1404 = vector.shape_cast %swap3A_1403 : vector<1x16xf32> to vector<16xf32>
      %swap3A_1405 = vector.shape_cast %select_n3A : vector<16xf32> to vector<1x16xf32>
      tpu.vector_store %arg10[%swap3A_1401, %swap3A_1402], %swap3A_1405 {strides = array<i32>} : memref<128x128xf32, #tpu.memory_space<vmem>>, vector<1x16xf32>,
      %swap3A_1406 = arith.constant 91 : i32
      %swap3A_1407 = arith.index_cast %swap3A_1406 : i32 to index
      %swap3A_1408 = arith.constant 64 : index
      %swap3A_1409 = tpu.vector_load %arg10[%swap3A_1407, %swap3A_1408] {strides = array<i32>} : memref<128x128xf32, #tpu.memory_space<vmem>>, vector<1x16xf32>,
      %swap3A_1410 = vector.shape_cast %swap3A_1409 : vector<1x16xf32> to vector<16xf32>
      %swap3A_1411 = vector.shape_cast %select_n3A : vector<16xf32> to vector<1x16xf32>
      tpu.vector_store %arg10[%swap3A_1407, %swap3A_1408], %swap3A_1411 {strides = array<i32>} : memref<128x128xf32, #tpu.memory_space<vmem>>, vector<1x16xf32>,
      %swap3A_1412 = arith.constant 92 : i32
      %swap3A_1413 = arith.index_cast %swap3A_1412 : i32 to index
      %swap3A_1414 = arith.constant 64 : index
      %swap3A_1415 = tpu.vector_load %arg10[%swap3A_1413, %swap3A_1414] {strides = array<i32>} : memref<128x128xf32, #tpu.memory_space<vmem>>, vector<1x16xf32>,
      %swap3A_1416 = vector.shape_cast %swap3A_1415 : vector<1x16xf32> to vector<16xf32>
      %swap3A_1417 = vector.shape_cast %select_n3A : vector<16xf32> to vector<1x16xf32>
      tpu.vector_store %arg10[%swap3A_1413, %swap3A_1414], %swap3A_1417 {strides = array<i32>} : memref<128x128xf32, #tpu.memory_space<vmem>>, vector<1x16xf32>,
      %swap3A_1418 = arith.constant 93 : i32
      %swap3A_1419 = arith.index_cast %swap3A_1418 : i32 to index
      %swap3A_1420 = arith.constant 64 : index
      %swap3A_1421 = tpu.vector_load %arg10[%swap3A_1419, %swap3A_1420] {strides = array<i32>} : memref<128x128xf32, #tpu.memory_space<vmem>>, vector<1x16xf32>,
      %swap3A_1422 = vector.shape_cast %swap3A_1421 : vector<1x16xf32> to vector<16xf32>
      %swap3A_1423 = vector.shape_cast %select_n3A : vector<16xf32> to vector<1x16xf32>
      tpu.vector_store %arg10[%swap3A_1419, %swap3A_1420], %swap3A_1423 {strides = array<i32>} : memref<128x128xf32, #tpu.memory_space<vmem>>, vector<1x16xf32>,
      %swap3A_1424 = arith.constant 94 : i32
      %swap3A_1425 = arith.index_cast %swap3A_1424 : i32 to index
      %swap3A_1426 = arith.constant 64 : index
      %swap3A_1427 = tpu.vector_load %arg10[%swap3A_1425, %swap3A_1426] {strides = array<i32>} : memref<128x128xf32, #tpu.memory_space<vmem>>, vector<1x16xf32>,
      %swap3A_1428 = vector.shape_cast %swap3A_1427 : vector<1x16xf32> to vector<16xf32>
      %swap3A_1429 = vector.shape_cast %select_n3A : vector<16xf32> to vector<1x16xf32>
      tpu.vector_store %arg10[%swap3A_1425, %swap3A_1426], %swap3A_1429 {strides = array<i32>} : memref<128x128xf32, #tpu.memory_space<vmem>>, vector<1x16xf32>,
      %swap3A_1430 = arith.constant 95 : i32
      %swap3A_1431 = arith.index_cast %swap3A_1430 : i32 to index
      %swap3A_1432 = arith.constant 64 : index
      %swap3A_1433 = tpu.vector_load %arg10[%swap3A_1431, %swap3A_1432] {strides = array<i32>} : memref<128x128xf32, #tpu.memory_space<vmem>>, vector<1x16xf32>,
      %swap3A_1434 = vector.shape_cast %swap3A_1433 : vector<1x16xf32> to vector<16xf32>
      %swap3A_1435 = vector.shape_cast %select_n3A : vector<16xf32> to vector<1x16xf32>
      tpu.vector_store %arg10[%swap3A_1431, %swap3A_1432], %swap3A_1435 {strides = array<i32>} : memref<128x128xf32, #tpu.memory_space<vmem>>, vector<1x16xf32>,
      %swap3A_1436 = arith.constant 96 : i32
      %swap3A_1437 = arith.index_cast %swap3A_1436 : i32 to index
      %swap3A_1438 = arith.constant 64 : index
      %swap3A_1439 = tpu.vector_load %arg10[%swap3A_1437, %swap3A_1438] {strides = array<i32>} : memref<128x128xf32, #tpu.memory_space<vmem>>, vector<1x16xf32>,
      %swap3A_1440 = vector.shape_cast %swap3A_1439 : vector<1x16xf32> to vector<16xf32>
      %swap3A_1441 = vector.shape_cast %select_n3A : vector<16xf32> to vector<1x16xf32>
      tpu.vector_store %arg10[%swap3A_1437, %swap3A_1438], %swap3A_1441 {strides = array<i32>} : memref<128x128xf32, #tpu.memory_space<vmem>>, vector<1x16xf32>,
      %swap3A_1442 = arith.constant 97 : i32
      %swap3A_1443 = arith.index_cast %swap3A_1442 : i32 to index
      %swap3A_1444 = arith.constant 64 : index
      %swap3A_1445 = tpu.vector_load %arg10[%swap3A_1443, %swap3A_1444] {strides = array<i32>} : memref<128x128xf32, #tpu.memory_space<vmem>>, vector<1x16xf32>,
      %swap3A_1446 = vector.shape_cast %swap3A_1445 : vector<1x16xf32> to vector<16xf32>
      %swap3A_1447 = vector.shape_cast %select_n3A : vector<16xf32> to vector<1x16xf32>
      tpu.vector_store %arg10[%swap3A_1443, %swap3A_1444], %swap3A_1447 {strides = array<i32>} : memref<128x128xf32, #tpu.memory_space<vmem>>, vector<1x16xf32>,
      %swap3A_1448 = arith.constant 98 : i32
      %swap3A_1449 = arith.index_cast %swap3A_1448 : i32 to index
      %swap3A_1450 = arith.constant 64 : index
      %swap3A_1451 = tpu.vector_load %arg10[%swap3A_1449, %swap3A_1450] {strides = array<i32>} : memref<128x128xf32, #tpu.memory_space<vmem>>, vector<1x16xf32>,
      %swap3A_1452 = vector.shape_cast %swap3A_1451 : vector<1x16xf32> to vector<16xf32>
      %swap3A_1453 = vector.shape_cast %select_n3A : vector<16xf32> to vector<1x16xf32>
      tpu.vector_store %arg10[%swap3A_1449, %swap3A_1450], %swap3A_1453 {strides = array<i32>} : memref<128x128xf32, #tpu.memory_space<vmem>>, vector<1x16xf32>,
      %swap3A_1454 = arith.constant 99 : i32
      %swap3A_1455 = arith.index_cast %swap3A_1454 : i32 to index
      %swap3A_1456 = arith.constant 64 : index
      %swap3A_1457 = tpu.vector_load %arg10[%swap3A_1455, %swap3A_1456] {strides = array<i32>} : memref<128x128xf32, #tpu.memory_space<vmem>>, vector<1x16xf32>,
      %swap3A_1458 = vector.shape_cast %swap3A_1457 : vector<1x16xf32> to vector<16xf32>
      %swap3A_1459 = vector.shape_cast %select_n3A : vector<16xf32> to vector<1x16xf32>
      tpu.vector_store %arg10[%swap3A_1455, %swap3A_1456], %swap3A_1459 {strides = array<i32>} : memref<128x128xf32, #tpu.memory_space<vmem>>, vector<1x16xf32>,
      %swap3A_1460 = arith.constant 100 : i32
      %swap3A_1461 = arith.index_cast %swap3A_1460 : i32 to index
      %swap3A_1462 = arith.constant 64 : index
      %swap3A_1463 = tpu.vector_load %arg10[%swap3A_1461, %swap3A_1462] {strides = array<i32>} : memref<128x128xf32, #tpu.memory_space<vmem>>, vector<1x16xf32>,
      %swap3A_1464 = vector.shape_cast %swap3A_1463 : vector<1x16xf32> to vector<16xf32>
      %swap3A_1465 = vector.shape_cast %select_n3A : vector<16xf32> to vector<1x16xf32>
      tpu.vector_store %arg10[%swap3A_1461, %swap3A_1462], %swap3A_1465 {strides = array<i32>} : memref<128x128xf32, #tpu.memory_space<vmem>>, vector<1x16xf32>,
      %swap3A_1466 = arith.constant 101 : i32
      %swap3A_1467 = arith.index_cast %swap3A_1466 : i32 to index
      %swap3A_1468 = arith.constant 64 : index
      %swap3A_1469 = tpu.vector_load %arg10[%swap3A_1467, %swap3A_1468] {strides = array<i32>} : memref<128x128xf32, #tpu.memory_space<vmem>>, vector<1x16xf32>,
      %swap3A_1470 = vector.shape_cast %swap3A_1469 : vector<1x16xf32> to vector<16xf32>
      %swap3A_1471 = vector.shape_cast %select_n3A : vector<16xf32> to vector<1x16xf32>
      tpu.vector_store %arg10[%swap3A_1467, %swap3A_1468], %swap3A_1471 {strides = array<i32>} : memref<128x128xf32, #tpu.memory_space<vmem>>, vector<1x16xf32>,
      %swap3A_1472 = arith.constant 102 : i32
      %swap3A_1473 = arith.index_cast %swap3A_1472 : i32 to index
      %swap3A_1474 = arith.constant 64 : index
      %swap3A_1475 = tpu.vector_load %arg10[%swap3A_1473, %swap3A_1474] {strides = array<i32>} : memref<128x128xf32, #tpu.memory_space<vmem>>, vector<1x16xf32>,
      %swap3A_1476 = vector.shape_cast %swap3A_1475 : vector<1x16xf32> to vector<16xf32>
      %swap3A_1477 = vector.shape_cast %select_n3A : vector<16xf32> to vector<1x16xf32>
      tpu.vector_store %arg10[%swap3A_1473, %swap3A_1474], %swap3A_1477 {strides = array<i32>} : memref<128x128xf32, #tpu.memory_space<vmem>>, vector<1x16xf32>,
      %swap3A_1478 = arith.constant 103 : i32
      %swap3A_1479 = arith.index_cast %swap3A_1478 : i32 to index
      %swap3A_1480 = arith.constant 64 : index
      %swap3A_1481 = tpu.vector_load %arg10[%swap3A_1479, %swap3A_1480] {strides = array<i32>} : memref<128x128xf32, #tpu.memory_space<vmem>>, vector<1x16xf32>,
      %swap3A_1482 = vector.shape_cast %swap3A_1481 : vector<1x16xf32> to vector<16xf32>
      %swap3A_1483 = vector.shape_cast %select_n3A : vector<16xf32> to vector<1x16xf32>
      tpu.vector_store %arg10[%swap3A_1479, %swap3A_1480], %swap3A_1483 {strides = array<i32>} : memref<128x128xf32, #tpu.memory_space<vmem>>, vector<1x16xf32>,
      %swap3A_1484 = arith.constant 104 : i32
      %swap3A_1485 = arith.index_cast %swap3A_1484 : i32 to index
      %swap3A_1486 = arith.constant 64 : index
      %swap3A_1487 = tpu.vector_load %arg10[%swap3A_1485, %swap3A_1486] {strides = array<i32>} : memref<128x128xf32, #tpu.memory_space<vmem>>, vector<1x16xf32>,
      %swap3A_1488 = vector.shape_cast %swap3A_1487 : vector<1x16xf32> to vector<16xf32>
      %swap3A_1489 = vector.shape_cast %select_n3A : vector<16xf32> to vector<1x16xf32>
      tpu.vector_store %arg10[%swap3A_1485, %swap3A_1486], %swap3A_1489 {strides = array<i32>} : memref<128x128xf32, #tpu.memory_space<vmem>>, vector<1x16xf32>,
      %swap3A_1490 = arith.constant 105 : i32
      %swap3A_1491 = arith.index_cast %swap3A_1490 : i32 to index
      %swap3A_1492 = arith.constant 64 : index
      %swap3A_1493 = tpu.vector_load %arg10[%swap3A_1491, %swap3A_1492] {strides = array<i32>} : memref<128x128xf32, #tpu.memory_space<vmem>>, vector<1x16xf32>,
      %swap3A_1494 = vector.shape_cast %swap3A_1493 : vector<1x16xf32> to vector<16xf32>
      %swap3A_1495 = vector.shape_cast %select_n3A : vector<16xf32> to vector<1x16xf32>
      tpu.vector_store %arg10[%swap3A_1491, %swap3A_1492], %swap3A_1495 {strides = array<i32>} : memref<128x128xf32, #tpu.memory_space<vmem>>, vector<1x16xf32>,
      %swap3A_1496 = arith.constant 106 : i32
      %swap3A_1497 = arith.index_cast %swap3A_1496 : i32 to index
      %swap3A_1498 = arith.constant 64 : index
      %swap3A_1499 = tpu.vector_load %arg10[%swap3A_1497, %swap3A_1498] {strides = array<i32>} : memref<128x128xf32, #tpu.memory_space<vmem>>, vector<1x16xf32>,
      %swap3A_1500 = vector.shape_cast %swap3A_1499 : vector<1x16xf32> to vector<16xf32>
      %swap3A_1501 = vector.shape_cast %select_n3A : vector<16xf32> to vector<1x16xf32>
      tpu.vector_store %arg10[%swap3A_1497, %swap3A_1498], %swap3A_1501 {strides = array<i32>} : memref<128x128xf32, #tpu.memory_space<vmem>>, vector<1x16xf32>,
      %swap3A_1502 = arith.constant 107 : i32
      %swap3A_1503 = arith.index_cast %swap3A_1502 : i32 to index
      %swap3A_1504 = arith.constant 64 : index
      %swap3A_1505 = tpu.vector_load %arg10[%swap3A_1503, %swap3A_1504] {strides = array<i32>} : memref<128x128xf32, #tpu.memory_space<vmem>>, vector<1x16xf32>,
      %swap3A_1506 = vector.shape_cast %swap3A_1505 : vector<1x16xf32> to vector<16xf32>
      %swap3A_1507 = vector.shape_cast %select_n3A : vector<16xf32> to vector<1x16xf32>
      tpu.vector_store %arg10[%swap3A_1503, %swap3A_1504], %swap3A_1507 {strides = array<i32>} : memref<128x128xf32, #tpu.memory_space<vmem>>, vector<1x16xf32>,
      %swap3A_1508 = arith.constant 108 : i32
      %swap3A_1509 = arith.index_cast %swap3A_1508 : i32 to index
      %swap3A_1510 = arith.constant 64 : index
      %swap3A_1511 = tpu.vector_load %arg10[%swap3A_1509, %swap3A_1510] {strides = array<i32>} : memref<128x128xf32, #tpu.memory_space<vmem>>, vector<1x16xf32>,
      %swap3A_1512 = vector.shape_cast %swap3A_1511 : vector<1x16xf32> to vector<16xf32>
      %swap3A_1513 = vector.shape_cast %select_n3A : vector<16xf32> to vector<1x16xf32>
      tpu.vector_store %arg10[%swap3A_1509, %swap3A_1510], %swap3A_1513 {strides = array<i32>} : memref<128x128xf32, #tpu.memory_space<vmem>>, vector<1x16xf32>,
      %swap3A_1514 = arith.constant 109 : i32
      %swap3A_1515 = arith.index_cast %swap3A_1514 : i32 to index
      %swap3A_1516 = arith.constant 64 : index
      %swap3A_1517 = tpu.vector_load %arg10[%swap3A_1515, %swap3A_1516] {strides = array<i32>} : memref<128x128xf32, #tpu.memory_space<vmem>>, vector<1x16xf32>,
      %swap3A_1518 = vector.shape_cast %swap3A_1517 : vector<1x16xf32> to vector<16xf32>
      %swap3A_1519 = vector.shape_cast %select_n3A : vector<16xf32> to vector<1x16xf32>
      tpu.vector_store %arg10[%swap3A_1515, %swap3A_1516], %swap3A_1519 {strides = array<i32>} : memref<128x128xf32, #tpu.memory_space<vmem>>, vector<1x16xf32>,
      %swap3A_1520 = arith.constant 110 : i32
      %swap3A_1521 = arith.index_cast %swap3A_1520 : i32 to index
      %swap3A_1522 = arith.constant 64 : index
      %swap3A_1523 = tpu.vector_load %arg10[%swap3A_1521, %swap3A_1522] {strides = array<i32>} : memref<128x128xf32, #tpu.memory_space<vmem>>, vector<1x16xf32>,
      %swap3A_1524 = vector.shape_cast %swap3A_1523 : vector<1x16xf32> to vector<16xf32>
      %swap3A_1525 = vector.shape_cast %select_n3A : vector<16xf32> to vector<1x16xf32>
      tpu.vector_store %arg10[%swap3A_1521, %swap3A_1522], %swap3A_1525 {strides = array<i32>} : memref<128x128xf32, #tpu.memory_space<vmem>>, vector<1x16xf32>,
      %swap3A_1526 = arith.constant 111 : i32
      %swap3A_1527 = arith.index_cast %swap3A_1526 : i32 to index
      %swap3A_1528 = arith.constant 64 : index
      %swap3A_1529 = tpu.vector_load %arg10[%swap3A_1527, %swap3A_1528] {strides = array<i32>} : memref<128x128xf32, #tpu.memory_space<vmem>>, vector<1x16xf32>,
      %swap3A_1530 = vector.shape_cast %swap3A_1529 : vector<1x16xf32> to vector<16xf32>
      %swap3A_1531 = vector.shape_cast %select_n3A : vector<16xf32> to vector<1x16xf32>
      tpu.vector_store %arg10[%swap3A_1527, %swap3A_1528], %swap3A_1531 {strides = array<i32>} : memref<128x128xf32, #tpu.memory_space<vmem>>, vector<1x16xf32>,
      %swap3A_1532 = arith.constant 112 : i32
      %swap3A_1533 = arith.index_cast %swap3A_1532 : i32 to index
      %swap3A_1534 = arith.constant 64 : index
      %swap3A_1535 = tpu.vector_load %arg10[%swap3A_1533, %swap3A_1534] {strides = array<i32>} : memref<128x128xf32, #tpu.memory_space<vmem>>, vector<1x16xf32>,
      %swap3A_1536 = vector.shape_cast %swap3A_1535 : vector<1x16xf32> to vector<16xf32>
      %swap3A_1537 = vector.shape_cast %select_n3A : vector<16xf32> to vector<1x16xf32>
      tpu.vector_store %arg10[%swap3A_1533, %swap3A_1534], %swap3A_1537 {strides = array<i32>} : memref<128x128xf32, #tpu.memory_space<vmem>>, vector<1x16xf32>,
      %swap3A_1538 = arith.constant 113 : i32
      %swap3A_1539 = arith.index_cast %swap3A_1538 : i32 to index
      %swap3A_1540 = arith.constant 64 : index
      %swap3A_1541 = tpu.vector_load %arg10[%swap3A_1539, %swap3A_1540] {strides = array<i32>} : memref<128x128xf32, #tpu.memory_space<vmem>>, vector<1x16xf32>,
      %swap3A_1542 = vector.shape_cast %swap3A_1541 : vector<1x16xf32> to vector<16xf32>
      %swap3A_1543 = vector.shape_cast %select_n3A : vector<16xf32> to vector<1x16xf32>
      tpu.vector_store %arg10[%swap3A_1539, %swap3A_1540], %swap3A_1543 {strides = array<i32>} : memref<128x128xf32, #tpu.memory_space<vmem>>, vector<1x16xf32>,
      %swap3A_1544 = arith.constant 114 : i32
      %swap3A_1545 = arith.index_cast %swap3A_1544 : i32 to index
      %swap3A_1546 = arith.constant 64 : index
      %swap3A_1547 = tpu.vector_load %arg10[%swap3A_1545, %swap3A_1546] {strides = array<i32>} : memref<128x128xf32, #tpu.memory_space<vmem>>, vector<1x16xf32>,
      %swap3A_1548 = vector.shape_cast %swap3A_1547 : vector<1x16xf32> to vector<16xf32>
      %swap3A_1549 = vector.shape_cast %select_n3A : vector<16xf32> to vector<1x16xf32>
      tpu.vector_store %arg10[%swap3A_1545, %swap3A_1546], %swap3A_1549 {strides = array<i32>} : memref<128x128xf32, #tpu.memory_space<vmem>>, vector<1x16xf32>,
      %swap3A_1550 = arith.constant 115 : i32
      %swap3A_1551 = arith.index_cast %swap3A_1550 : i32 to index
      %swap3A_1552 = arith.constant 64 : index
      %swap3A_1553 = tpu.vector_load %arg10[%swap3A_1551, %swap3A_1552] {strides = array<i32>} : memref<128x128xf32, #tpu.memory_space<vmem>>, vector<1x16xf32>,
      %swap3A_1554 = vector.shape_cast %swap3A_1553 : vector<1x16xf32> to vector<16xf32>
      %swap3A_1555 = vector.shape_cast %select_n3A : vector<16xf32> to vector<1x16xf32>
      tpu.vector_store %arg10[%swap3A_1551, %swap3A_1552], %swap3A_1555 {strides = array<i32>} : memref<128x128xf32, #tpu.memory_space<vmem>>, vector<1x16xf32>,
      %swap3A_1556 = arith.constant 116 : i32
      %swap3A_1557 = arith.index_cast %swap3A_1556 : i32 to index
      %swap3A_1558 = arith.constant 64 : index
      %swap3A_1559 = tpu.vector_load %arg10[%swap3A_1557, %swap3A_1558] {strides = array<i32>} : memref<128x128xf32, #tpu.memory_space<vmem>>, vector<1x16xf32>,
      %swap3A_1560 = vector.shape_cast %swap3A_1559 : vector<1x16xf32> to vector<16xf32>
      %swap3A_1561 = vector.shape_cast %select_n3A : vector<16xf32> to vector<1x16xf32>
      tpu.vector_store %arg10[%swap3A_1557, %swap3A_1558], %swap3A_1561 {strides = array<i32>} : memref<128x128xf32, #tpu.memory_space<vmem>>, vector<1x16xf32>,
      %swap3A_1562 = arith.constant 117 : i32
      %swap3A_1563 = arith.index_cast %swap3A_1562 : i32 to index
      %swap3A_1564 = arith.constant 64 : index
      %swap3A_1565 = tpu.vector_load %arg10[%swap3A_1563, %swap3A_1564] {strides = array<i32>} : memref<128x128xf32, #tpu.memory_space<vmem>>, vector<1x16xf32>,
      %swap3A_1566 = vector.shape_cast %swap3A_1565 : vector<1x16xf32> to vector<16xf32>
      %swap3A_1567 = vector.shape_cast %select_n3A : vector<16xf32> to vector<1x16xf32>
      tpu.vector_store %arg10[%swap3A_1563, %swap3A_1564], %swap3A_1567 {strides = array<i32>} : memref<128x128xf32, #tpu.memory_space<vmem>>, vector<1x16xf32>,
      %swap3A_1568 = arith.constant 118 : i32
      %swap3A_1569 = arith.index_cast %swap3A_1568 : i32 to index
      %swap3A_1570 = arith.constant 64 : index
      %swap3A_1571 = tpu.vector_load %arg10[%swap3A_1569, %swap3A_1570] {strides = array<i32>} : memref<128x128xf32, #tpu.memory_space<vmem>>, vector<1x16xf32>,
      %swap3A_1572 = vector.shape_cast %swap3A_1571 : vector<1x16xf32> to vector<16xf32>
      %swap3A_1573 = vector.shape_cast %select_n3A : vector<16xf32> to vector<1x16xf32>
      tpu.vector_store %arg10[%swap3A_1569, %swap3A_1570], %swap3A_1573 {strides = array<i32>} : memref<128x128xf32, #tpu.memory_space<vmem>>, vector<1x16xf32>,
      %swap3A_1574 = arith.constant 119 : i32
      %swap3A_1575 = arith.index_cast %swap3A_1574 : i32 to index
      %swap3A_1576 = arith.constant 64 : index
      %swap3A_1577 = tpu.vector_load %arg10[%swap3A_1575, %swap3A_1576] {strides = array<i32>} : memref<128x128xf32, #tpu.memory_space<vmem>>, vector<1x16xf32>,
      %swap3A_1578 = vector.shape_cast %swap3A_1577 : vector<1x16xf32> to vector<16xf32>
      %swap3A_1579 = vector.shape_cast %select_n3A : vector<16xf32> to vector<1x16xf32>
      tpu.vector_store %arg10[%swap3A_1575, %swap3A_1576], %swap3A_1579 {strides = array<i32>} : memref<128x128xf32, #tpu.memory_space<vmem>>, vector<1x16xf32>,
      %swap3A_1580 = arith.constant 120 : i32
      %swap3A_1581 = arith.index_cast %swap3A_1580 : i32 to index
      %swap3A_1582 = arith.constant 64 : index
      %swap3A_1583 = tpu.vector_load %arg10[%swap3A_1581, %swap3A_1582] {strides = array<i32>} : memref<128x128xf32, #tpu.memory_space<vmem>>, vector<1x16xf32>,
      %swap3A_1584 = vector.shape_cast %swap3A_1583 : vector<1x16xf32> to vector<16xf32>
      %swap3A_1585 = vector.shape_cast %select_n3A : vector<16xf32> to vector<1x16xf32>
      tpu.vector_store %arg10[%swap3A_1581, %swap3A_1582], %swap3A_1585 {strides = array<i32>} : memref<128x128xf32, #tpu.memory_space<vmem>>, vector<1x16xf32>,
      %swap3A_1586 = arith.constant 121 : i32
      %swap3A_1587 = arith.index_cast %swap3A_1586 : i32 to index
      %swap3A_1588 = arith.constant 64 : index
      %swap3A_1589 = tpu.vector_load %arg10[%swap3A_1587, %swap3A_1588] {strides = array<i32>} : memref<128x128xf32, #tpu.memory_space<vmem>>, vector<1x16xf32>,
      %swap3A_1590 = vector.shape_cast %swap3A_1589 : vector<1x16xf32> to vector<16xf32>
      %swap3A_1591 = vector.shape_cast %select_n3A : vector<16xf32> to vector<1x16xf32>
      tpu.vector_store %arg10[%swap3A_1587, %swap3A_1588], %swap3A_1591 {strides = array<i32>} : memref<128x128xf32, #tpu.memory_space<vmem>>, vector<1x16xf32>,
      %swap3A_1592 = arith.constant 122 : i32
      %swap3A_1593 = arith.index_cast %swap3A_1592 : i32 to index
      %swap3A_1594 = arith.constant 64 : index
      %swap3A_1595 = tpu.vector_load %arg10[%swap3A_1593, %swap3A_1594] {strides = array<i32>} : memref<128x128xf32, #tpu.memory_space<vmem>>, vector<1x16xf32>,
      %swap3A_1596 = vector.shape_cast %swap3A_1595 : vector<1x16xf32> to vector<16xf32>
      %swap3A_1597 = vector.shape_cast %select_n3A : vector<16xf32> to vector<1x16xf32>
      tpu.vector_store %arg10[%swap3A_1593, %swap3A_1594], %swap3A_1597 {strides = array<i32>} : memref<128x128xf32, #tpu.memory_space<vmem>>, vector<1x16xf32>,
      %swap3A_1598 = arith.constant 123 : i32
      %swap3A_1599 = arith.index_cast %swap3A_1598 : i32 to index
      %swap3A_1600 = arith.constant 64 : index
      %swap3A_1601 = tpu.vector_load %arg10[%swap3A_1599, %swap3A_1600] {strides = array<i32>} : memref<128x128xf32, #tpu.memory_space<vmem>>, vector<1x16xf32>,
      %swap3A_1602 = vector.shape_cast %swap3A_1601 : vector<1x16xf32> to vector<16xf32>
      %swap3A_1603 = vector.shape_cast %select_n3A : vector<16xf32> to vector<1x16xf32>
      tpu.vector_store %arg10[%swap3A_1599, %swap3A_1600], %swap3A_1603 {strides = array<i32>} : memref<128x128xf32, #tpu.memory_space<vmem>>, vector<1x16xf32>,
      %swap3A_1604 = arith.constant 124 : i32
      %swap3A_1605 = arith.index_cast %swap3A_1604 : i32 to index
      %swap3A_1606 = arith.constant 64 : index
      %swap3A_1607 = tpu.vector_load %arg10[%swap3A_1605, %swap3A_1606] {strides = array<i32>} : memref<128x128xf32, #tpu.memory_space<vmem>>, vector<1x16xf32>,
      %swap3A_1608 = vector.shape_cast %swap3A_1607 : vector<1x16xf32> to vector<16xf32>
      %swap3A_1609 = vector.shape_cast %select_n3A : vector<16xf32> to vector<1x16xf32>
      tpu.vector_store %arg10[%swap3A_1605, %swap3A_1606], %swap3A_1609 {strides = array<i32>} : memref<128x128xf32, #tpu.memory_space<vmem>>, vector<1x16xf32>,
      %swap3A_1610 = arith.constant 125 : i32
      %swap3A_1611 = arith.index_cast %swap3A_1610 : i32 to index
      %swap3A_1612 = arith.constant 64 : index
      %swap3A_1613 = tpu.vector_load %arg10[%swap3A_1611, %swap3A_1612] {strides = array<i32>} : memref<128x128xf32, #tpu.memory_space<vmem>>, vector<1x16xf32>,
      %swap3A_1614 = vector.shape_cast %swap3A_1613 : vector<1x16xf32> to vector<16xf32>
      %swap3A_1615 = vector.shape_cast %select_n3A : vector<16xf32> to vector<1x16xf32>
      tpu.vector_store %arg10[%swap3A_1611, %swap3A_1612], %swap3A_1615 {strides = array<i32>} : memref<128x128xf32, #tpu.memory_space<vmem>>, vector<1x16xf32>,
      %swap3A_1616 = arith.constant 126 : i32
      %swap3A_1617 = arith.index_cast %swap3A_1616 : i32 to index
      %swap3A_1618 = arith.constant 64 : index
      %swap3A_1619 = tpu.vector_load %arg10[%swap3A_1617, %swap3A_1618] {strides = array<i32>} : memref<128x128xf32, #tpu.memory_space<vmem>>, vector<1x16xf32>,
      %swap3A_1620 = vector.shape_cast %swap3A_1619 : vector<1x16xf32> to vector<16xf32>
      %swap3A_1621 = vector.shape_cast %select_n3A : vector<16xf32> to vector<1x16xf32>
      tpu.vector_store %arg10[%swap3A_1617, %swap3A_1618], %swap3A_1621 {strides = array<i32>} : memref<128x128xf32, #tpu.memory_space<vmem>>, vector<1x16xf32>,
      %swap3A_1622 = arith.constant 127 : i32
      %swap3A_1623 = arith.index_cast %swap3A_1622 : i32 to index
      %swap3A_1624 = arith.constant 64 : index
      %swap3A_1625 = tpu.vector_load %arg10[%swap3A_1623, %swap3A_1624] {strides = array<i32>} : memref<128x128xf32, #tpu.memory_space<vmem>>, vector<1x16xf32>,
      %swap3A_1626 = vector.shape_cast %swap3A_1625 : vector<1x16xf32> to vector<16xf32>
      %swap3A_1627 = vector.shape_cast %select_n3A : vector<16xf32> to vector<1x16xf32>
      tpu.vector_store %arg10[%swap3A_1623, %swap3A_1624], %swap3A_1627 {strides = array<i32>} : memref<128x128xf32, #tpu.memory_space<vmem>>, vector<1x16xf32>,
      %add3A_1628 = arith.constant 1 : i32
      %add3A_1629 = arith.addi %mul3A_76, %add3A_1628 : i32
      "tpu.region"() ({
        %run_scoped3A = tpu.sem_alloc : memref<!tpu.dma_semaphore, #tpu.memory_space<semaphore_mem>>
        %dma_start3A_1635 = arith.constant 0 : i32
        %dma_start3A_1636 = tpu.memref_slice %arg8[%add3A_1629, %dma_start3A_1635] : memref<40x128xi32, #tpu.memory_space<vmem>> -> memref<1x128xi32, #tpu.memory_space<vmem>>
        %dma_start3A_1637 = tpu.memref_squeeze %dma_start3A_1636 : memref<1x128xi32, #tpu.memory_space<vmem>> -> memref<128xi32, #tpu.memory_space<vmem>>
        %dma_start3A_1638 = arith.constant 0 : i32
        %dma_start3A_1639 = arith.constant 0 : i32
        %dma_start3A_1640 = tpu.memref_slice %arg6[%dma_start3A_1638, %dma_start3A_1639] : memref<10240x128xf32, #tpu.memory_space<vmem_shared>> -> memref<10240x128xf32, #tpu.memory_space<vmem_shared>>
        tpu.enqueue_indirect_dma source(%arg10 : memref<128x128xf32, #tpu.memory_space<vmem>>) target(%dma_start3A_1640 : memref<10240x128xf32, #tpu.memory_space<vmem_shared>>) offsets(%dma_start3A_1637 : memref<128xi32, #tpu.memory_space<vmem>>) semaphore(%run_scoped3A : memref<!tpu.dma_semaphore, #tpu.memory_space<semaphore_mem>>) {add = true}
        %dma_wait3A_1641 = arith.constant 0 : i32
        %dma_wait3A_1642 = tpu.memref_slice %arg8[%add3A_1629, %dma_wait3A_1641] : memref<40x128xi32, #tpu.memory_space<vmem>> -> memref<1x128xi32, #tpu.memory_space<vmem>>
        %dma_wait3A_1643 = tpu.memref_squeeze %dma_wait3A_1642 : memref<1x128xi32, #tpu.memory_space<vmem>> -> memref<128xi32, #tpu.memory_space<vmem>>
        %dma_wait3A_1644 = arith.constant 0 : i32
        %dma_wait3A_1645 = arith.constant 0 : i32
        %dma_wait3A_1646 = tpu.memref_slice %arg6[%dma_wait3A_1644, %dma_wait3A_1645] : memref<10240x128xf32, #tpu.memory_space<vmem_shared>> -> memref<10240x128xf32, #tpu.memory_space<vmem_shared>>
        tpu.wait_indirect_dma semaphore(%run_scoped3A : memref<!tpu.dma_semaphore, #tpu.memory_space<semaphore_mem>>) src(%arg10 : memref<128x128xf32, #tpu.memory_space<vmem>>) dst(%dma_wait3A_1646 : memref<10240x128xf32, #tpu.memory_space<vmem_shared>>)
        tpu.yield
      }) : () -> ()
      %not3A_1630 = arith.constant true
      %not3A_1631 = arith.xori %ge3A_77, %not3A_1630 : i1
      %convert_element_type3A_1632 = arith.extui %not3A_1631 : i1 to i32
      %cond3A_1633 = arith.constant 0 : i32
      %cond3A_1634 = arith.cmpi ne, %convert_element_type3A_1632, %cond3A_1633 : i32
      scf.if %cond3A_1634 {
        %add3A_1635 = arith.constant 3 : i32
        %add3A_1636 = arith.addi %mul3A_76, %add3A_1635 : i32
        %dma_start3A_1637 = arith.constant 0 : i32
        %dma_start3A_1638 = tpu.memref_slice %arg7[%add3A_1636, %dma_start3A_1637] : memref<40x128xi32, #tpu.memory_space<vmem>> -> memref<1x128xi32, #tpu.memory_space<vmem>>
        %dma_start3A_1639 = tpu.memref_squeeze %dma_start3A_1638 : memref<1x128xi32, #tpu.memory_space<vmem>> -> memref<128xi32, #tpu.memory_space<vmem>>
        %dma_start3A_1640 = arith.constant 0 : i32
        %dma_start3A_1641 = arith.constant 0 : i32
        %dma_start3A_1642 = tpu.memref_slice %arg2[%dma_start3A_1640, %dma_start3A_1641] : memref<10240x128xf32, #tpu.memory_space<hbm>> -> memref<10240x128xf32, #tpu.memory_space<hbm>>
        tpu.enqueue_indirect_dma source(%dma_start3A_1642 : memref<10240x128xf32, #tpu.memory_space<hbm>>) target(%arg10 : memref<128x128xf32, #tpu.memory_space<vmem>>) offsets(%dma_start3A_1639 : memref<128xi32, #tpu.memory_space<vmem>>) semaphore(%arg12 : memref<!tpu.dma_semaphore, #tpu.memory_space<semaphore_mem>>)
      } else {
      }
    }
    %scan3A_68 = arith.constant 20 : i32
    %barrier3A_69 = arith.constant 0 : index
    tpu.barrier barrier_id(%barrier3A_69)
    %mul3A_70 = arith.constant 10240 : i32
    %mul3A_71 = arith.muli %arg0, %mul3A_70 : i32
    %add3A_72 = arith.addi %mul3A_71, %multiple_of3A_22 : i32
    %multiple_of3A_73 = tpu.assume_multiple %add3A_72, 640 : i32
    "tpu.region"() ({
      %run_scoped3A = tpu.sem_alloc : memref<!tpu.dma_semaphore, #tpu.memory_space<semaphore_mem>>
      %dma_start3A_74 = arith.constant 0 : i32
      %dma_start3A_75 = tpu.memref_slice %arg5[%multiple_of3A_73, %dma_start3A_74] : memref<20480x128xf32, #tpu.memory_space<hbm>> -> memref<640x128xf32, #tpu.memory_space<hbm>>
      %dma_start3A_76 = arith.constant 0 : i32
      %dma_start3A_77 = tpu.memref_slice %arg6[%multiple_of3A_22, %dma_start3A_76] : memref<10240x128xf32, #tpu.memory_space<vmem_shared>> -> memref<640x128xf32, #tpu.memory_space<vmem_shared>>
      tpu.enqueue_dma source(%dma_start3A_77 : memref<640x128xf32, #tpu.memory_space<vmem_shared>>) target(%dma_start3A_75 : memref<640x128xf32, #tpu.memory_space<hbm>>) target_semaphore(%run_scoped3A : memref<!tpu.dma_semaphore, #tpu.memory_space<semaphore_mem>>)
      %dma_wait3A = arith.constant 0 : i32
      %dma_wait3A_78 = tpu.memref_slice %arg5[%multiple_of3A_73, %dma_wait3A] : memref<20480x128xf32, #tpu.memory_space<hbm>> -> memref<640x128xf32, #tpu.memory_space<hbm>>
      %dma_wait3A_79 = arith.constant 0 : i32
      %dma_wait3A_80 = tpu.memref_slice %arg6[%multiple_of3A_22, %dma_wait3A_79] : memref<10240x128xf32, #tpu.memory_space<vmem_shared>> -> memref<640x128xf32, #tpu.memory_space<vmem_shared>>
      tpu.wait_dma2 semaphore(%run_scoped3A : memref<!tpu.dma_semaphore, #tpu.memory_space<semaphore_mem>>) src(%dma_wait3A_80 : memref<640x128xf32, #tpu.memory_space<vmem_shared>>) dst(%dma_wait3A_78 : memref<640x128xf32, #tpu.memory_space<hbm>>)
      tpu.yield
    }) : () -> ()
    return
  }
}

#map = affine_map<(d0, d1) -> (0, 0)>
module attributes {stable_mosaic.version = 14 : i64} {
  func.func @_sc_agg_body(%arg0: i32, %arg1: i32, %arg2: memref<10240x128xf32, #tpu.memory_space<hbm>>, %arg3: memref<2560x128xi32, #tpu.memory_space<hbm>>, %arg4: memref<2560x128xi32, #tpu.memory_space<hbm>>, %arg5: memref<20480x128xf32, #tpu.memory_space<hbm>>, %arg6: memref<10240x128xf32, #tpu.memory_space<vmem_shared>>, %arg7: memref<40x128xi32, #tpu.memory_space<vmem>>, %arg8: memref<40x128xi32, #tpu.memory_space<vmem>>, %arg9: memref<128x128xf32, #tpu.memory_space<vmem>>, %arg10: memref<128x128xf32, #tpu.memory_space<vmem>>, %arg11: memref<!tpu.dma_semaphore, #tpu.memory_space<semaphore_mem>>, %arg12: memref<!tpu.dma_semaphore, #tpu.memory_space<semaphore_mem>>) attributes {dimension_semantics = [#tpu.dimension_semantics<core_parallel>, #tpu.dimension_semantics<subcore_parallel>], iteration_bounds = array<i64: 2, 16>, scalar_prefetch = 0 : i64, scratch_operands = 7 : i64, tpu.core_type = #tpu.core_type<sc_vector_subcore>, window_params = [{transform_indices = #map}, {transform_indices = #map}, {transform_indices = #map}, {transform_indices = #map}]} {
    %broadcast_in_dim3A = arith.constant 0.000000e+00 : f32
    %broadcast_in_dim3A_0 = vector.broadcast %broadcast_in_dim3A : f32 to vector<16xf32>
    %iota3A = tpu.iota {dimensions = array<i32: 0>} : vector<16xi32>
    %eq3A = arith.constant 0 : i32
    %eq3A_1 = vector.broadcast %eq3A : i32 to vector<16xi32>
    %eq3A_2 = arith.cmpi eq, %iota3A, %eq3A_1 : vector<16xi32>
    %jit3A = arith.constant 1.000000e+00 : f32
    %jit3A_3 = arith.constant 0.000000e+00 : f32
    %broadcast_in_dim3A_4 = vector.broadcast %jit3A : f32 to vector<16xf32>
    %broadcast_in_dim3A_5 = vector.broadcast %jit3A_3 : f32 to vector<16xf32>
    %select_n3A = arith.select %eq3A_2, %broadcast_in_dim3A_4, %broadcast_in_dim3A_5 : vector<16xi1>, vector<16xf32>
    %scan3A = arith.constant 0 : i32
    %scan3A_6 = arith.constant 0 : i32
    %scan3A_7 = arith.constant 128 : i32
    %scan3A_8 = arith.addi %scan3A_6, %scan3A_7 : i32
    %scan3A_9 = arith.constant 1 : i32
    scf.for %scan3A_74 = %scan3A_6 to %scan3A_8 step %scan3A_9  : i32 {
      %swap3A = arith.index_cast %scan3A_74 : i32 to index
      %swap3A_75 = arith.constant 0 : index
      %swap3A_76 = tpu.vector_load %arg10[%swap3A, %swap3A_75] {strides = array<i32>} : memref<128x128xf32, #tpu.memory_space<vmem>>, vector<1x16xf32>,
      %swap3A_77 = vector.shape_cast %swap3A_76 : vector<1x16xf32> to vector<16xf32>
      %swap3A_78 = vector.shape_cast %broadcast_in_dim3A_0 : vector<16xf32> to vector<1x16xf32>
      tpu.vector_store %arg10[%swap3A, %swap3A_75], %swap3A_78 {strides = array<i32>} : memref<128x128xf32, #tpu.memory_space<vmem>>, vector<1x16xf32>,
      %swap3A_79 = arith.index_cast %scan3A_74 : i32 to index
      %swap3A_80 = arith.constant 16 : index
      %swap3A_81 = tpu.vector_load %arg10[%swap3A_79, %swap3A_80] {strides = array<i32>} : memref<128x128xf32, #tpu.memory_space<vmem>>, vector<1x16xf32>,
      %swap3A_82 = vector.shape_cast %swap3A_81 : vector<1x16xf32> to vector<16xf32>
      %swap3A_83 = vector.shape_cast %broadcast_in_dim3A_0 : vector<16xf32> to vector<1x16xf32>
      tpu.vector_store %arg10[%swap3A_79, %swap3A_80], %swap3A_83 {strides = array<i32>} : memref<128x128xf32, #tpu.memory_space<vmem>>, vector<1x16xf32>,
      %swap3A_84 = arith.index_cast %scan3A_74 : i32 to index
      %swap3A_85 = arith.constant 32 : index
      %swap3A_86 = tpu.vector_load %arg10[%swap3A_84, %swap3A_85] {strides = array<i32>} : memref<128x128xf32, #tpu.memory_space<vmem>>, vector<1x16xf32>,
      %swap3A_87 = vector.shape_cast %swap3A_86 : vector<1x16xf32> to vector<16xf32>
      %swap3A_88 = vector.shape_cast %broadcast_in_dim3A_0 : vector<16xf32> to vector<1x16xf32>
      tpu.vector_store %arg10[%swap3A_84, %swap3A_85], %swap3A_88 {strides = array<i32>} : memref<128x128xf32, #tpu.memory_space<vmem>>, vector<1x16xf32>,
      %swap3A_89 = arith.index_cast %scan3A_74 : i32 to index
      %swap3A_90 = arith.constant 48 : index
      %swap3A_91 = tpu.vector_load %arg10[%swap3A_89, %swap3A_90] {strides = array<i32>} : memref<128x128xf32, #tpu.memory_space<vmem>>, vector<1x16xf32>,
      %swap3A_92 = vector.shape_cast %swap3A_91 : vector<1x16xf32> to vector<16xf32>
      %swap3A_93 = vector.shape_cast %broadcast_in_dim3A_0 : vector<16xf32> to vector<1x16xf32>
      tpu.vector_store %arg10[%swap3A_89, %swap3A_90], %swap3A_93 {strides = array<i32>} : memref<128x128xf32, #tpu.memory_space<vmem>>, vector<1x16xf32>,
      %swap3A_94 = arith.index_cast %scan3A_74 : i32 to index
      %swap3A_95 = arith.constant 64 : index
      %swap3A_96 = tpu.vector_load %arg10[%swap3A_94, %swap3A_95] {strides = array<i32>} : memref<128x128xf32, #tpu.memory_space<vmem>>, vector<1x16xf32>,
      %swap3A_97 = vector.shape_cast %swap3A_96 : vector<1x16xf32> to vector<16xf32>
      %swap3A_98 = vector.shape_cast %broadcast_in_dim3A_0 : vector<16xf32> to vector<1x16xf32>
      tpu.vector_store %arg10[%swap3A_94, %swap3A_95], %swap3A_98 {strides = array<i32>} : memref<128x128xf32, #tpu.memory_space<vmem>>, vector<1x16xf32>,
      %swap3A_99 = arith.index_cast %scan3A_74 : i32 to index
      %swap3A_100 = arith.constant 80 : index
      %swap3A_101 = tpu.vector_load %arg10[%swap3A_99, %swap3A_100] {strides = array<i32>} : memref<128x128xf32, #tpu.memory_space<vmem>>, vector<1x16xf32>,
      %swap3A_102 = vector.shape_cast %swap3A_101 : vector<1x16xf32> to vector<16xf32>
      %swap3A_103 = vector.shape_cast %broadcast_in_dim3A_0 : vector<16xf32> to vector<1x16xf32>
      tpu.vector_store %arg10[%swap3A_99, %swap3A_100], %swap3A_103 {strides = array<i32>} : memref<128x128xf32, #tpu.memory_space<vmem>>, vector<1x16xf32>,
      %swap3A_104 = arith.index_cast %scan3A_74 : i32 to index
      %swap3A_105 = arith.constant 96 : index
      %swap3A_106 = tpu.vector_load %arg10[%swap3A_104, %swap3A_105] {strides = array<i32>} : memref<128x128xf32, #tpu.memory_space<vmem>>, vector<1x16xf32>,
      %swap3A_107 = vector.shape_cast %swap3A_106 : vector<1x16xf32> to vector<16xf32>
      %swap3A_108 = vector.shape_cast %broadcast_in_dim3A_0 : vector<16xf32> to vector<1x16xf32>
      tpu.vector_store %arg10[%swap3A_104, %swap3A_105], %swap3A_108 {strides = array<i32>} : memref<128x128xf32, #tpu.memory_space<vmem>>, vector<1x16xf32>,
      %swap3A_109 = arith.index_cast %scan3A_74 : i32 to index
      %swap3A_110 = arith.constant 112 : index
      %swap3A_111 = tpu.vector_load %arg10[%swap3A_109, %swap3A_110] {strides = array<i32>} : memref<128x128xf32, #tpu.memory_space<vmem>>, vector<1x16xf32>,
      %swap3A_112 = vector.shape_cast %swap3A_111 : vector<1x16xf32> to vector<16xf32>
      %swap3A_113 = vector.shape_cast %broadcast_in_dim3A_0 : vector<16xf32> to vector<1x16xf32>
      tpu.vector_store %arg10[%swap3A_109, %swap3A_110], %swap3A_113 {strides = array<i32>} : memref<128x128xf32, #tpu.memory_space<vmem>>, vector<1x16xf32>,
    }
    %scan3A_10 = arith.constant 128 : i32
    %mul3A = arith.constant 2 : i32
    %mul3A_11 = arith.muli %arg1, %mul3A : i32
    %add3A = arith.addi %mul3A_11, %arg0 : i32
    %mul3A_12 = arith.constant 80 : i32
    %mul3A_13 = arith.muli %add3A, %mul3A_12 : i32
    %multiple_of3A = tpu.assume_multiple %mul3A_13, 8 : i32
    "tpu.region"() ({
      %run_scoped3A = tpu.sem_alloc : memref<!tpu.dma_semaphore, #tpu.memory_space<semaphore_mem>>
      %dma_start3A_74 = arith.constant 0 : i32
      %dma_start3A_75 = tpu.memref_slice %arg3[%multiple_of3A, %dma_start3A_74] : memref<2560x128xi32, #tpu.memory_space<hbm>> -> memref<40x128xi32, #tpu.memory_space<hbm>>
      %dma_start3A_76 = arith.constant 0 : i32
      %dma_start3A_77 = tpu.memref_slice %arg3[%multiple_of3A, %dma_start3A_76] : memref<2560x128xi32, #tpu.memory_space<hbm>> -> memref<40x128xi32, #tpu.memory_space<hbm>>
      tpu.enqueue_dma source(%dma_start3A_77 : memref<40x128xi32, #tpu.memory_space<hbm>>) target(%arg7 : memref<40x128xi32, #tpu.memory_space<vmem>>) target_semaphore(%run_scoped3A : memref<!tpu.dma_semaphore, #tpu.memory_space<semaphore_mem>>)
      %dma_wait3A = arith.constant 0 : i32
      %dma_wait3A_78 = tpu.memref_slice %arg3[%multiple_of3A, %dma_wait3A] : memref<2560x128xi32, #tpu.memory_space<hbm>> -> memref<40x128xi32, #tpu.memory_space<hbm>>
      %dma_wait3A_79 = arith.constant 0 : i32
      %dma_wait3A_80 = tpu.memref_slice %arg3[%multiple_of3A, %dma_wait3A_79] : memref<2560x128xi32, #tpu.memory_space<hbm>> -> memref<40x128xi32, #tpu.memory_space<hbm>>
      tpu.wait_dma2 semaphore(%run_scoped3A : memref<!tpu.dma_semaphore, #tpu.memory_space<semaphore_mem>>) src(%dma_wait3A_80 : memref<40x128xi32, #tpu.memory_space<hbm>>) dst(%arg7 : memref<40x128xi32, #tpu.memory_space<vmem>>)
      tpu.yield
    }) : () -> ()
    "tpu.region"() ({
      %run_scoped3A = tpu.sem_alloc : memref<!tpu.dma_semaphore, #tpu.memory_space<semaphore_mem>>
      %dma_start3A_74 = arith.constant 0 : i32
      %dma_start3A_75 = tpu.memref_slice %arg4[%multiple_of3A, %dma_start3A_74] : memref<2560x128xi32, #tpu.memory_space<hbm>> -> memref<40x128xi32, #tpu.memory_space<hbm>>
      %dma_start3A_76 = arith.constant 0 : i32
      %dma_start3A_77 = tpu.memref_slice %arg4[%multiple_of3A, %dma_start3A_76] : memref<2560x128xi32, #tpu.memory_space<hbm>> -> memref<40x128xi32, #tpu.memory_space<hbm>>
      tpu.enqueue_dma source(%dma_start3A_77 : memref<40x128xi32, #tpu.memory_space<hbm>>) target(%arg8 : memref<40x128xi32, #tpu.memory_space<vmem>>) target_semaphore(%run_scoped3A : memref<!tpu.dma_semaphore, #tpu.memory_space<semaphore_mem>>)
      %dma_wait3A = arith.constant 0 : i32
      %dma_wait3A_78 = tpu.memref_slice %arg4[%multiple_of3A, %dma_wait3A] : memref<2560x128xi32, #tpu.memory_space<hbm>> -> memref<40x128xi32, #tpu.memory_space<hbm>>
      %dma_wait3A_79 = arith.constant 0 : i32
      %dma_wait3A_80 = tpu.memref_slice %arg4[%multiple_of3A, %dma_wait3A_79] : memref<2560x128xi32, #tpu.memory_space<hbm>> -> memref<40x128xi32, #tpu.memory_space<hbm>>
      tpu.wait_dma2 semaphore(%run_scoped3A : memref<!tpu.dma_semaphore, #tpu.memory_space<semaphore_mem>>) src(%dma_wait3A_80 : memref<40x128xi32, #tpu.memory_space<hbm>>) dst(%arg8 : memref<40x128xi32, #tpu.memory_space<vmem>>)
      tpu.yield
    }) : () -> ()
    %dma_start3A = arith.constant 0 : i32
    %dma_start3A_14 = arith.constant 0 : i32
    %dma_start3A_15 = tpu.memref_slice %arg7[%dma_start3A, %dma_start3A_14] : memref<40x128xi32, #tpu.memory_space<vmem>> -> memref<1x128xi32, #tpu.memory_space<vmem>>
    %dma_start3A_16 = tpu.memref_squeeze %dma_start3A_15 : memref<1x128xi32, #tpu.memory_space<vmem>> -> memref<128xi32, #tpu.memory_space<vmem>>
    %dma_start3A_17 = arith.constant 0 : i32
    %dma_start3A_18 = arith.constant 0 : i32
    %dma_start3A_19 = tpu.memref_slice %arg2[%dma_start3A_17, %dma_start3A_18] : memref<10240x128xf32, #tpu.memory_space<hbm>> -> memref<10240x128xf32, #tpu.memory_space<hbm>>
    tpu.enqueue_indirect_dma source(%dma_start3A_19 : memref<10240x128xf32, #tpu.memory_space<hbm>>) target(%arg9 : memref<128x128xf32, #tpu.memory_space<vmem>>) offsets(%dma_start3A_16 : memref<128xi32, #tpu.memory_space<vmem>>) semaphore(%arg11 : memref<!tpu.dma_semaphore, #tpu.memory_space<semaphore_mem>>)
    %mul3A_20 = arith.constant 640 : i32
    %mul3A_21 = arith.muli %arg1, %mul3A_20 : i32
    %multiple_of3A_22 = tpu.assume_multiple %mul3A_21, 640 : i32
    %add3A_23 = arith.constant 0 : i32
    %add3A_24 = arith.addi %multiple_of3A_22, %add3A_23 : i32
    "tpu.region"() ({
      %run_scoped3A = tpu.sem_alloc : memref<!tpu.dma_semaphore, #tpu.memory_space<semaphore_mem>>
      %dma_start3A_74 = arith.constant 0 : i32
      %dma_start3A_75 = tpu.memref_slice %arg6[%add3A_24, %dma_start3A_74] : memref<10240x128xf32, #tpu.memory_space<vmem_shared>> -> memref<128x128xf32, #tpu.memory_space<vmem_shared>>
      %dma_start3A_76 = arith.constant 0 : i32
      %dma_start3A_77 = tpu.memref_slice %arg6[%add3A_24, %dma_start3A_76] : memref<10240x128xf32, #tpu.memory_space<vmem_shared>> -> memref<128x128xf32, #tpu.memory_space<vmem_shared>>
      tpu.enqueue_dma source(%arg10 : memref<128x128xf32, #tpu.memory_space<vmem>>) target(%dma_start3A_77 : memref<128x128xf32, #tpu.memory_space<vmem_shared>>) target_semaphore(%run_scoped3A : memref<!tpu.dma_semaphore, #tpu.memory_space<semaphore_mem>>)
      %dma_wait3A = arith.constant 0 : i32
      %dma_wait3A_78 = tpu.memref_slice %arg6[%add3A_24, %dma_wait3A] : memref<10240x128xf32, #tpu.memory_space<vmem_shared>> -> memref<128x128xf32, #tpu.memory_space<vmem_shared>>
      %dma_wait3A_79 = arith.constant 0 : i32
      %dma_wait3A_80 = tpu.memref_slice %arg6[%add3A_24, %dma_wait3A_79] : memref<10240x128xf32, #tpu.memory_space<vmem_shared>> -> memref<128x128xf32, #tpu.memory_space<vmem_shared>>
      tpu.wait_dma2 semaphore(%run_scoped3A : memref<!tpu.dma_semaphore, #tpu.memory_space<semaphore_mem>>) src(%arg10 : memref<128x128xf32, #tpu.memory_space<vmem>>) dst(%dma_wait3A_80 : memref<128x128xf32, #tpu.memory_space<vmem_shared>>)
      tpu.yield
    }) : () -> ()
    %add3A_25 = arith.constant 128 : i32
    %add3A_26 = arith.addi %multiple_of3A_22, %add3A_25 : i32
    "tpu.region"() ({
      %run_scoped3A = tpu.sem_alloc : memref<!tpu.dma_semaphore, #tpu.memory_space<semaphore_mem>>
      %dma_start3A_74 = arith.constant 0 : i32
      %dma_start3A_75 = tpu.memref_slice %arg6[%add3A_26, %dma_start3A_74] : memref<10240x128xf32, #tpu.memory_space<vmem_shared>> -> memref<128x128xf32, #tpu.memory_space<vmem_shared>>
      %dma_start3A_76 = arith.constant 0 : i32
      %dma_start3A_77 = tpu.memref_slice %arg6[%add3A_26, %dma_start3A_76] : memref<10240x128xf32, #tpu.memory_space<vmem_shared>> -> memref<128x128xf32, #tpu.memory_space<vmem_shared>>
      tpu.enqueue_dma source(%arg10 : memref<128x128xf32, #tpu.memory_space<vmem>>) target(%dma_start3A_77 : memref<128x128xf32, #tpu.memory_space<vmem_shared>>) target_semaphore(%run_scoped3A : memref<!tpu.dma_semaphore, #tpu.memory_space<semaphore_mem>>)
      %dma_wait3A = arith.constant 0 : i32
      %dma_wait3A_78 = tpu.memref_slice %arg6[%add3A_26, %dma_wait3A] : memref<10240x128xf32, #tpu.memory_space<vmem_shared>> -> memref<128x128xf32, #tpu.memory_space<vmem_shared>>
      %dma_wait3A_79 = arith.constant 0 : i32
      %dma_wait3A_80 = tpu.memref_slice %arg6[%add3A_26, %dma_wait3A_79] : memref<10240x128xf32, #tpu.memory_space<vmem_shared>> -> memref<128x128xf32, #tpu.memory_space<vmem_shared>>
      tpu.wait_dma2 semaphore(%run_scoped3A : memref<!tpu.dma_semaphore, #tpu.memory_space<semaphore_mem>>) src(%arg10 : memref<128x128xf32, #tpu.memory_space<vmem>>) dst(%dma_wait3A_80 : memref<128x128xf32, #tpu.memory_space<vmem_shared>>)
      tpu.yield
    }) : () -> ()
    %add3A_27 = arith.constant 256 : i32
    %add3A_28 = arith.addi %multiple_of3A_22, %add3A_27 : i32
    "tpu.region"() ({
      %run_scoped3A = tpu.sem_alloc : memref<!tpu.dma_semaphore, #tpu.memory_space<semaphore_mem>>
      %dma_start3A_74 = arith.constant 0 : i32
      %dma_start3A_75 = tpu.memref_slice %arg6[%add3A_28, %dma_start3A_74] : memref<10240x128xf32, #tpu.memory_space<vmem_shared>> -> memref<128x128xf32, #tpu.memory_space<vmem_shared>>
      %dma_start3A_76 = arith.constant 0 : i32
      %dma_start3A_77 = tpu.memref_slice %arg6[%add3A_28, %dma_start3A_76] : memref<10240x128xf32, #tpu.memory_space<vmem_shared>> -> memref<128x128xf32, #tpu.memory_space<vmem_shared>>
      tpu.enqueue_dma source(%arg10 : memref<128x128xf32, #tpu.memory_space<vmem>>) target(%dma_start3A_77 : memref<128x128xf32, #tpu.memory_space<vmem_shared>>) target_semaphore(%run_scoped3A : memref<!tpu.dma_semaphore, #tpu.memory_space<semaphore_mem>>)
      %dma_wait3A = arith.constant 0 : i32
      %dma_wait3A_78 = tpu.memref_slice %arg6[%add3A_28, %dma_wait3A] : memref<10240x128xf32, #tpu.memory_space<vmem_shared>> -> memref<128x128xf32, #tpu.memory_space<vmem_shared>>
      %dma_wait3A_79 = arith.constant 0 : i32
      %dma_wait3A_80 = tpu.memref_slice %arg6[%add3A_28, %dma_wait3A_79] : memref<10240x128xf32, #tpu.memory_space<vmem_shared>> -> memref<128x128xf32, #tpu.memory_space<vmem_shared>>
      tpu.wait_dma2 semaphore(%run_scoped3A : memref<!tpu.dma_semaphore, #tpu.memory_space<semaphore_mem>>) src(%arg10 : memref<128x128xf32, #tpu.memory_space<vmem>>) dst(%dma_wait3A_80 : memref<128x128xf32, #tpu.memory_space<vmem_shared>>)
      tpu.yield
    }) : () -> ()
    %add3A_29 = arith.constant 384 : i32
    %add3A_30 = arith.addi %multiple_of3A_22, %add3A_29 : i32
    "tpu.region"() ({
      %run_scoped3A = tpu.sem_alloc : memref<!tpu.dma_semaphore, #tpu.memory_space<semaphore_mem>>
      %dma_start3A_74 = arith.constant 0 : i32
      %dma_start3A_75 = tpu.memref_slice %arg6[%add3A_30, %dma_start3A_74] : memref<10240x128xf32, #tpu.memory_space<vmem_shared>> -> memref<128x128xf32, #tpu.memory_space<vmem_shared>>
      %dma_start3A_76 = arith.constant 0 : i32
      %dma_start3A_77 = tpu.memref_slice %arg6[%add3A_30, %dma_start3A_76] : memref<10240x128xf32, #tpu.memory_space<vmem_shared>> -> memref<128x128xf32, #tpu.memory_space<vmem_shared>>
      tpu.enqueue_dma source(%arg10 : memref<128x128xf32, #tpu.memory_space<vmem>>) target(%dma_start3A_77 : memref<128x128xf32, #tpu.memory_space<vmem_shared>>) target_semaphore(%run_scoped3A : memref<!tpu.dma_semaphore, #tpu.memory_space<semaphore_mem>>)
      %dma_wait3A = arith.constant 0 : i32
      %dma_wait3A_78 = tpu.memref_slice %arg6[%add3A_30, %dma_wait3A] : memref<10240x128xf32, #tpu.memory_space<vmem_shared>> -> memref<128x128xf32, #tpu.memory_space<vmem_shared>>
      %dma_wait3A_79 = arith.constant 0 : i32
      %dma_wait3A_80 = tpu.memref_slice %arg6[%add3A_30, %dma_wait3A_79] : memref<10240x128xf32, #tpu.memory_space<vmem_shared>> -> memref<128x128xf32, #tpu.memory_space<vmem_shared>>
      tpu.wait_dma2 semaphore(%run_scoped3A : memref<!tpu.dma_semaphore, #tpu.memory_space<semaphore_mem>>) src(%arg10 : memref<128x128xf32, #tpu.memory_space<vmem>>) dst(%dma_wait3A_80 : memref<128x128xf32, #tpu.memory_space<vmem_shared>>)
      tpu.yield
    }) : () -> ()
    %add3A_31 = arith.constant 512 : i32
    %add3A_32 = arith.addi %multiple_of3A_22, %add3A_31 : i32
    "tpu.region"() ({
      %run_scoped3A = tpu.sem_alloc : memref<!tpu.dma_semaphore, #tpu.memory_space<semaphore_mem>>
      %dma_start3A_74 = arith.constant 0 : i32
      %dma_start3A_75 = tpu.memref_slice %arg6[%add3A_32, %dma_start3A_74] : memref<10240x128xf32, #tpu.memory_space<vmem_shared>> -> memref<128x128xf32, #tpu.memory_space<vmem_shared>>
      %dma_start3A_76 = arith.constant 0 : i32
      %dma_start3A_77 = tpu.memref_slice %arg6[%add3A_32, %dma_start3A_76] : memref<10240x128xf32, #tpu.memory_space<vmem_shared>> -> memref<128x128xf32, #tpu.memory_space<vmem_shared>>
      tpu.enqueue_dma source(%arg10 : memref<128x128xf32, #tpu.memory_space<vmem>>) target(%dma_start3A_77 : memref<128x128xf32, #tpu.memory_space<vmem_shared>>) target_semaphore(%run_scoped3A : memref<!tpu.dma_semaphore, #tpu.memory_space<semaphore_mem>>)
      %dma_wait3A = arith.constant 0 : i32
      %dma_wait3A_78 = tpu.memref_slice %arg6[%add3A_32, %dma_wait3A] : memref<10240x128xf32, #tpu.memory_space<vmem_shared>> -> memref<128x128xf32, #tpu.memory_space<vmem_shared>>
      %dma_wait3A_79 = arith.constant 0 : i32
      %dma_wait3A_80 = tpu.memref_slice %arg6[%add3A_32, %dma_wait3A_79] : memref<10240x128xf32, #tpu.memory_space<vmem_shared>> -> memref<128x128xf32, #tpu.memory_space<vmem_shared>>
      tpu.wait_dma2 semaphore(%run_scoped3A : memref<!tpu.dma_semaphore, #tpu.memory_space<semaphore_mem>>) src(%arg10 : memref<128x128xf32, #tpu.memory_space<vmem>>) dst(%dma_wait3A_80 : memref<128x128xf32, #tpu.memory_space<vmem_shared>>)
      tpu.yield
    }) : () -> ()
    %barrier3A = arith.constant 0 : index
    tpu.barrier barrier_id(%barrier3A)
    %dma_start3A_33 = arith.constant 1 : i32
    %dma_start3A_34 = arith.constant 0 : i32
    %dma_start3A_35 = tpu.memref_slice %arg7[%dma_start3A_33, %dma_start3A_34] : memref<40x128xi32, #tpu.memory_space<vmem>> -> memref<1x128xi32, #tpu.memory_space<vmem>>
    %dma_start3A_36 = tpu.memref_squeeze %dma_start3A_35 : memref<1x128xi32, #tpu.memory_space<vmem>> -> memref<128xi32, #tpu.memory_space<vmem>>
    %dma_start3A_37 = arith.constant 0 : i32
    %dma_start3A_38 = arith.constant 0 : i32
    %dma_start3A_39 = tpu.memref_slice %arg2[%dma_start3A_37, %dma_start3A_38] : memref<10240x128xf32, #tpu.memory_space<hbm>> -> memref<10240x128xf32, #tpu.memory_space<hbm>>
    tpu.enqueue_indirect_dma source(%dma_start3A_39 : memref<10240x128xf32, #tpu.memory_space<hbm>>) target(%arg10 : memref<128x128xf32, #tpu.memory_space<vmem>>) offsets(%dma_start3A_36 : memref<128xi32, #tpu.memory_space<vmem>>) semaphore(%arg12 : memref<!tpu.dma_semaphore, #tpu.memory_space<semaphore_mem>>)
    %scan3A_40 = arith.constant 0 : i32
    %scan3A_41 = arith.constant 0 : i32
    %scan3A_42 = arith.constant 20 : i32
    %scan3A_43 = arith.addi %scan3A_41, %scan3A_42 : i32
    %scan3A_44 = arith.constant 1 : i32
    scf.for %scan3A_74 = %scan3A_41 to %scan3A_43 step %scan3A_44  : i32 {
      %mul3A_75 = arith.constant 2 : i32
      %mul3A_76 = arith.muli %mul3A_75, %scan3A_74 : i32
      %ge3A = arith.constant 19 : i32
      %ge3A_77 = arith.cmpi sge, %scan3A_74, %ge3A : i32
      %dma_wait3A = arith.constant 0 : i32
      %dma_wait3A_78 = tpu.memref_slice %arg7[%mul3A_76, %dma_wait3A] : memref<40x128xi32, #tpu.memory_space<vmem>> -> memref<1x128xi32, #tpu.memory_space<vmem>>
      %dma_wait3A_79 = tpu.memref_squeeze %dma_wait3A_78 : memref<1x128xi32, #tpu.memory_space<vmem>> -> memref<128xi32, #tpu.memory_space<vmem>>
      %dma_wait3A_80 = arith.constant 0 : i32
      %dma_wait3A_81 = arith.constant 0 : i32
      %dma_wait3A_82 = tpu.memref_slice %arg2[%dma_wait3A_80, %dma_wait3A_81] : memref<10240x128xf32, #tpu.memory_space<hbm>> -> memref<10240x128xf32, #tpu.memory_space<hbm>>
      tpu.wait_indirect_dma semaphore(%arg11 : memref<!tpu.dma_semaphore, #tpu.memory_space<semaphore_mem>>) src(%dma_wait3A_82 : memref<10240x128xf32, #tpu.memory_space<hbm>>) dst(%arg9 : memref<128x128xf32, #tpu.memory_space<vmem>>)
      "tpu.region"() ({
        %run_scoped3A = tpu.sem_alloc : memref<!tpu.dma_semaphore, #tpu.memory_space<semaphore_mem>>
        %dma_start3A_100 = arith.constant 0 : i32
        %dma_start3A_101 = tpu.memref_slice %arg8[%mul3A_76, %dma_start3A_100] : memref<40x128xi32, #tpu.memory_space<vmem>> -> memref<1x128xi32, #tpu.memory_space<vmem>>
        %dma_start3A_102 = tpu.memref_squeeze %dma_start3A_101 : memref<1x128xi32, #tpu.memory_space<vmem>> -> memref<128xi32, #tpu.memory_space<vmem>>
        %dma_start3A_103 = arith.constant 0 : i32
        %dma_start3A_104 = arith.constant 0 : i32
        %dma_start3A_105 = tpu.memref_slice %arg6[%dma_start3A_103, %dma_start3A_104] : memref<10240x128xf32, #tpu.memory_space<vmem_shared>> -> memref<10240x128xf32, #tpu.memory_space<vmem_shared>>
        tpu.enqueue_indirect_dma source(%arg9 : memref<128x128xf32, #tpu.memory_space<vmem>>) target(%dma_start3A_105 : memref<10240x128xf32, #tpu.memory_space<vmem_shared>>) offsets(%dma_start3A_102 : memref<128xi32, #tpu.memory_space<vmem>>) semaphore(%run_scoped3A : memref<!tpu.dma_semaphore, #tpu.memory_space<semaphore_mem>>) {add = true}
        %dma_wait3A_106 = arith.constant 0 : i32
        %dma_wait3A_107 = tpu.memref_slice %arg8[%mul3A_76, %dma_wait3A_106] : memref<40x128xi32, #tpu.memory_space<vmem>> -> memref<1x128xi32, #tpu.memory_space<vmem>>
        %dma_wait3A_108 = tpu.memref_squeeze %dma_wait3A_107 : memref<1x128xi32, #tpu.memory_space<vmem>> -> memref<128xi32, #tpu.memory_space<vmem>>
        %dma_wait3A_109 = arith.constant 0 : i32
        %dma_wait3A_110 = arith.constant 0 : i32
        %dma_wait3A_111 = tpu.memref_slice %arg6[%dma_wait3A_109, %dma_wait3A_110] : memref<10240x128xf32, #tpu.memory_space<vmem_shared>> -> memref<10240x128xf32, #tpu.memory_space<vmem_shared>>
        tpu.wait_indirect_dma semaphore(%run_scoped3A : memref<!tpu.dma_semaphore, #tpu.memory_space<semaphore_mem>>) src(%arg9 : memref<128x128xf32, #tpu.memory_space<vmem>>) dst(%dma_wait3A_111 : memref<10240x128xf32, #tpu.memory_space<vmem_shared>>)
        tpu.yield
      }) : () -> ()
      %not3A = arith.constant true
      %not3A_83 = arith.xori %ge3A_77, %not3A : i1
      %convert_element_type3A = arith.extui %not3A_83 : i1 to i32
      %cond3A = arith.constant 0 : i32
      %cond3A_84 = arith.cmpi ne, %convert_element_type3A, %cond3A : i32
      scf.if %cond3A_84 {
        %add3A_100 = arith.constant 2 : i32
        %add3A_101 = arith.addi %mul3A_76, %add3A_100 : i32
        %dma_start3A_102 = arith.constant 0 : i32
        %dma_start3A_103 = tpu.memref_slice %arg7[%add3A_101, %dma_start3A_102] : memref<40x128xi32, #tpu.memory_space<vmem>> -> memref<1x128xi32, #tpu.memory_space<vmem>>
        %dma_start3A_104 = tpu.memref_squeeze %dma_start3A_103 : memref<1x128xi32, #tpu.memory_space<vmem>> -> memref<128xi32, #tpu.memory_space<vmem>>
        %dma_start3A_105 = arith.constant 0 : i32
        %dma_start3A_106 = arith.constant 0 : i32
        %dma_start3A_107 = tpu.memref_slice %arg2[%dma_start3A_105, %dma_start3A_106] : memref<10240x128xf32, #tpu.memory_space<hbm>> -> memref<10240x128xf32, #tpu.memory_space<hbm>>
        tpu.enqueue_indirect_dma source(%dma_start3A_107 : memref<10240x128xf32, #tpu.memory_space<hbm>>) target(%arg9 : memref<128x128xf32, #tpu.memory_space<vmem>>) offsets(%dma_start3A_104 : memref<128xi32, #tpu.memory_space<vmem>>) semaphore(%arg11 : memref<!tpu.dma_semaphore, #tpu.memory_space<semaphore_mem>>)
      } else {
      }
      %add3A_85 = arith.constant 1 : i32
      %add3A_86 = arith.addi %mul3A_76, %add3A_85 : i32
      %dma_wait3A_87 = arith.constant 0 : i32
      %dma_wait3A_88 = tpu.memref_slice %arg7[%add3A_86, %dma_wait3A_87] : memref<40x128xi32, #tpu.memory_space<vmem>> -> memref<1x128xi32, #tpu.memory_space<vmem>>
      %dma_wait3A_89 = tpu.memref_squeeze %dma_wait3A_88 : memref<1x128xi32, #tpu.memory_space<vmem>> -> memref<128xi32, #tpu.memory_space<vmem>>
      %dma_wait3A_90 = arith.constant 0 : i32
      %dma_wait3A_91 = arith.constant 0 : i32
      %dma_wait3A_92 = tpu.memref_slice %arg2[%dma_wait3A_90, %dma_wait3A_91] : memref<10240x128xf32, #tpu.memory_space<hbm>> -> memref<10240x128xf32, #tpu.memory_space<hbm>>
      tpu.wait_indirect_dma semaphore(%arg12 : memref<!tpu.dma_semaphore, #tpu.memory_space<semaphore_mem>>) src(%dma_wait3A_92 : memref<10240x128xf32, #tpu.memory_space<hbm>>) dst(%arg10 : memref<128x128xf32, #tpu.memory_space<vmem>>)
      %add3A_93 = arith.constant 1 : i32
      %add3A_94 = arith.addi %mul3A_76, %add3A_93 : i32
      "tpu.region"() ({
        %run_scoped3A = tpu.sem_alloc : memref<!tpu.dma_semaphore, #tpu.memory_space<semaphore_mem>>
        %dma_start3A_100 = arith.constant 0 : i32
        %dma_start3A_101 = tpu.memref_slice %arg8[%add3A_94, %dma_start3A_100] : memref<40x128xi32, #tpu.memory_space<vmem>> -> memref<1x128xi32, #tpu.memory_space<vmem>>
        %dma_start3A_102 = tpu.memref_squeeze %dma_start3A_101 : memref<1x128xi32, #tpu.memory_space<vmem>> -> memref<128xi32, #tpu.memory_space<vmem>>
        %dma_start3A_103 = arith.constant 0 : i32
        %dma_start3A_104 = arith.constant 0 : i32
        %dma_start3A_105 = tpu.memref_slice %arg6[%dma_start3A_103, %dma_start3A_104] : memref<10240x128xf32, #tpu.memory_space<vmem_shared>> -> memref<10240x128xf32, #tpu.memory_space<vmem_shared>>
        tpu.enqueue_indirect_dma source(%arg10 : memref<128x128xf32, #tpu.memory_space<vmem>>) target(%dma_start3A_105 : memref<10240x128xf32, #tpu.memory_space<vmem_shared>>) offsets(%dma_start3A_102 : memref<128xi32, #tpu.memory_space<vmem>>) semaphore(%run_scoped3A : memref<!tpu.dma_semaphore, #tpu.memory_space<semaphore_mem>>) {add = true}
        %dma_wait3A_106 = arith.constant 0 : i32
        %dma_wait3A_107 = tpu.memref_slice %arg8[%add3A_94, %dma_wait3A_106] : memref<40x128xi32, #tpu.memory_space<vmem>> -> memref<1x128xi32, #tpu.memory_space<vmem>>
        %dma_wait3A_108 = tpu.memref_squeeze %dma_wait3A_107 : memref<1x128xi32, #tpu.memory_space<vmem>> -> memref<128xi32, #tpu.memory_space<vmem>>
        %dma_wait3A_109 = arith.constant 0 : i32
        %dma_wait3A_110 = arith.constant 0 : i32
        %dma_wait3A_111 = tpu.memref_slice %arg6[%dma_wait3A_109, %dma_wait3A_110] : memref<10240x128xf32, #tpu.memory_space<vmem_shared>> -> memref<10240x128xf32, #tpu.memory_space<vmem_shared>>
        tpu.wait_indirect_dma semaphore(%run_scoped3A : memref<!tpu.dma_semaphore, #tpu.memory_space<semaphore_mem>>) src(%arg10 : memref<128x128xf32, #tpu.memory_space<vmem>>) dst(%dma_wait3A_111 : memref<10240x128xf32, #tpu.memory_space<vmem_shared>>)
        tpu.yield
      }) : () -> ()
      %not3A_95 = arith.constant true
      %not3A_96 = arith.xori %ge3A_77, %not3A_95 : i1
      %convert_element_type3A_97 = arith.extui %not3A_96 : i1 to i32
      %cond3A_98 = arith.constant 0 : i32
      %cond3A_99 = arith.cmpi ne, %convert_element_type3A_97, %cond3A_98 : i32
      scf.if %cond3A_99 {
        %add3A_100 = arith.constant 3 : i32
        %add3A_101 = arith.addi %mul3A_76, %add3A_100 : i32
        %dma_start3A_102 = arith.constant 0 : i32
        %dma_start3A_103 = tpu.memref_slice %arg7[%add3A_101, %dma_start3A_102] : memref<40x128xi32, #tpu.memory_space<vmem>> -> memref<1x128xi32, #tpu.memory_space<vmem>>
        %dma_start3A_104 = tpu.memref_squeeze %dma_start3A_103 : memref<1x128xi32, #tpu.memory_space<vmem>> -> memref<128xi32, #tpu.memory_space<vmem>>
        %dma_start3A_105 = arith.constant 0 : i32
        %dma_start3A_106 = arith.constant 0 : i32
        %dma_start3A_107 = tpu.memref_slice %arg2[%dma_start3A_105, %dma_start3A_106] : memref<10240x128xf32, #tpu.memory_space<hbm>> -> memref<10240x128xf32, #tpu.memory_space<hbm>>
        tpu.enqueue_indirect_dma source(%dma_start3A_107 : memref<10240x128xf32, #tpu.memory_space<hbm>>) target(%arg10 : memref<128x128xf32, #tpu.memory_space<vmem>>) offsets(%dma_start3A_104 : memref<128xi32, #tpu.memory_space<vmem>>) semaphore(%arg12 : memref<!tpu.dma_semaphore, #tpu.memory_space<semaphore_mem>>)
      } else {
      }
    }
    %scan3A_45 = arith.constant 20 : i32
    %add3A_46 = arith.constant 40 : i32
    %add3A_47 = arith.addi %multiple_of3A, %add3A_46 : i32
    %multiple_of3A_48 = tpu.assume_multiple %add3A_47, 8 : i32
    "tpu.region"() ({
      %run_scoped3A = tpu.sem_alloc : memref<!tpu.dma_semaphore, #tpu.memory_space<semaphore_mem>>
      %dma_start3A_74 = arith.constant 0 : i32
      %dma_start3A_75 = tpu.memref_slice %arg3[%multiple_of3A_48, %dma_start3A_74] : memref<2560x128xi32, #tpu.memory_space<hbm>> -> memref<40x128xi32, #tpu.memory_space<hbm>>
      %dma_start3A_76 = arith.constant 0 : i32
      %dma_start3A_77 = tpu.memref_slice %arg3[%multiple_of3A_48, %dma_start3A_76] : memref<2560x128xi32, #tpu.memory_space<hbm>> -> memref<40x128xi32, #tpu.memory_space<hbm>>
      tpu.enqueue_dma source(%dma_start3A_77 : memref<40x128xi32, #tpu.memory_space<hbm>>) target(%arg7 : memref<40x128xi32, #tpu.memory_space<vmem>>) target_semaphore(%run_scoped3A : memref<!tpu.dma_semaphore, #tpu.memory_space<semaphore_mem>>)
      %dma_wait3A = arith.constant 0 : i32
      %dma_wait3A_78 = tpu.memref_slice %arg3[%multiple_of3A_48, %dma_wait3A] : memref<2560x128xi32, #tpu.memory_space<hbm>> -> memref<40x128xi32, #tpu.memory_space<hbm>>
      %dma_wait3A_79 = arith.constant 0 : i32
      %dma_wait3A_80 = tpu.memref_slice %arg3[%multiple_of3A_48, %dma_wait3A_79] : memref<2560x128xi32, #tpu.memory_space<hbm>> -> memref<40x128xi32, #tpu.memory_space<hbm>>
      tpu.wait_dma2 semaphore(%run_scoped3A : memref<!tpu.dma_semaphore, #tpu.memory_space<semaphore_mem>>) src(%dma_wait3A_80 : memref<40x128xi32, #tpu.memory_space<hbm>>) dst(%arg7 : memref<40x128xi32, #tpu.memory_space<vmem>>)
      tpu.yield
    }) : () -> ()
    "tpu.region"() ({
      %run_scoped3A = tpu.sem_alloc : memref<!tpu.dma_semaphore, #tpu.memory_space<semaphore_mem>>
      %dma_start3A_74 = arith.constant 0 : i32
      %dma_start3A_75 = tpu.memref_slice %arg4[%multiple_of3A_48, %dma_start3A_74] : memref<2560x128xi32, #tpu.memory_space<hbm>> -> memref<40x128xi32, #tpu.memory_space<hbm>>
      %dma_start3A_76 = arith.constant 0 : i32
      %dma_start3A_77 = tpu.memref_slice %arg4[%multiple_of3A_48, %dma_start3A_76] : memref<2560x128xi32, #tpu.memory_space<hbm>> -> memref<40x128xi32, #tpu.memory_space<hbm>>
      tpu.enqueue_dma source(%dma_start3A_77 : memref<40x128xi32, #tpu.memory_space<hbm>>) target(%arg8 : memref<40x128xi32, #tpu.memory_space<vmem>>) target_semaphore(%run_scoped3A : memref<!tpu.dma_semaphore, #tpu.memory_space<semaphore_mem>>)
      %dma_wait3A = arith.constant 0 : i32
      %dma_wait3A_78 = tpu.memref_slice %arg4[%multiple_of3A_48, %dma_wait3A] : memref<2560x128xi32, #tpu.memory_space<hbm>> -> memref<40x128xi32, #tpu.memory_space<hbm>>
      %dma_wait3A_79 = arith.constant 0 : i32
      %dma_wait3A_80 = tpu.memref_slice %arg4[%multiple_of3A_48, %dma_wait3A_79] : memref<2560x128xi32, #tpu.memory_space<hbm>> -> memref<40x128xi32, #tpu.memory_space<hbm>>
      tpu.wait_dma2 semaphore(%run_scoped3A : memref<!tpu.dma_semaphore, #tpu.memory_space<semaphore_mem>>) src(%dma_wait3A_80 : memref<40x128xi32, #tpu.memory_space<hbm>>) dst(%arg8 : memref<40x128xi32, #tpu.memory_space<vmem>>)
      tpu.yield
    }) : () -> ()
    %dma_start3A_49 = arith.constant 0 : i32
    %dma_start3A_50 = arith.constant 0 : i32
    %dma_start3A_51 = tpu.memref_slice %arg7[%dma_start3A_49, %dma_start3A_50] : memref<40x128xi32, #tpu.memory_space<vmem>> -> memref<1x128xi32, #tpu.memory_space<vmem>>
    %dma_start3A_52 = tpu.memref_squeeze %dma_start3A_51 : memref<1x128xi32, #tpu.memory_space<vmem>> -> memref<128xi32, #tpu.memory_space<vmem>>
    %dma_start3A_53 = arith.constant 0 : i32
    %dma_start3A_54 = arith.constant 0 : i32
    %dma_start3A_55 = tpu.memref_slice %arg2[%dma_start3A_53, %dma_start3A_54] : memref<10240x128xf32, #tpu.memory_space<hbm>> -> memref<10240x128xf32, #tpu.memory_space<hbm>>
    tpu.enqueue_indirect_dma source(%dma_start3A_55 : memref<10240x128xf32, #tpu.memory_space<hbm>>) target(%arg9 : memref<128x128xf32, #tpu.memory_space<vmem>>) offsets(%dma_start3A_52 : memref<128xi32, #tpu.memory_space<vmem>>) semaphore(%arg11 : memref<!tpu.dma_semaphore, #tpu.memory_space<semaphore_mem>>)
    %dma_start3A_56 = arith.constant 1 : i32
    %dma_start3A_57 = arith.constant 0 : i32
    %dma_start3A_58 = tpu.memref_slice %arg7[%dma_start3A_56, %dma_start3A_57] : memref<40x128xi32, #tpu.memory_space<vmem>> -> memref<1x128xi32, #tpu.memory_space<vmem>>
    %dma_start3A_59 = tpu.memref_squeeze %dma_start3A_58 : memref<1x128xi32, #tpu.memory_space<vmem>> -> memref<128xi32, #tpu.memory_space<vmem>>
    %dma_start3A_60 = arith.constant 0 : i32
    %dma_start3A_61 = arith.constant 0 : i32
    %dma_start3A_62 = tpu.memref_slice %arg2[%dma_start3A_60, %dma_start3A_61] : memref<10240x128xf32, #tpu.memory_space<hbm>> -> memref<10240x128xf32, #tpu.memory_space<hbm>>
    tpu.enqueue_indirect_dma source(%dma_start3A_62 : memref<10240x128xf32, #tpu.memory_space<hbm>>) target(%arg10 : memref<128x128xf32, #tpu.memory_space<vmem>>) offsets(%dma_start3A_59 : memref<128xi32, #tpu.memory_space<vmem>>) semaphore(%arg12 : memref<!tpu.dma_semaphore, #tpu.memory_space<semaphore_mem>>)
    %scan3A_63 = arith.constant 0 : i32
    %scan3A_64 = arith.constant 0 : i32
    %scan3A_65 = arith.constant 20 : i32
    %scan3A_66 = arith.addi %scan3A_64, %scan3A_65 : i32
    %scan3A_67 = arith.constant 1 : i32
    scf.for %scan3A_74 = %scan3A_64 to %scan3A_66 step %scan3A_67  : i32 {
      %mul3A_75 = arith.constant 2 : i32
      %mul3A_76 = arith.muli %mul3A_75, %scan3A_74 : i32
      %ge3A = arith.constant 19 : i32
      %ge3A_77 = arith.cmpi sge, %scan3A_74, %ge3A : i32
      %dma_wait3A = arith.constant 0 : i32
      %dma_wait3A_78 = tpu.memref_slice %arg7[%mul3A_76, %dma_wait3A] : memref<40x128xi32, #tpu.memory_space<vmem>> -> memref<1x128xi32, #tpu.memory_space<vmem>>
      %dma_wait3A_79 = tpu.memref_squeeze %dma_wait3A_78 : memref<1x128xi32, #tpu.memory_space<vmem>> -> memref<128xi32, #tpu.memory_space<vmem>>
      %dma_wait3A_80 = arith.constant 0 : i32
      %dma_wait3A_81 = arith.constant 0 : i32
      %dma_wait3A_82 = tpu.memref_slice %arg2[%dma_wait3A_80, %dma_wait3A_81] : memref<10240x128xf32, #tpu.memory_space<hbm>> -> memref<10240x128xf32, #tpu.memory_space<hbm>>
      tpu.wait_indirect_dma semaphore(%arg11 : memref<!tpu.dma_semaphore, #tpu.memory_space<semaphore_mem>>) src(%dma_wait3A_82 : memref<10240x128xf32, #tpu.memory_space<hbm>>) dst(%arg9 : memref<128x128xf32, #tpu.memory_space<vmem>>)
      "tpu.region"() ({
        %run_scoped3A = tpu.sem_alloc : memref<!tpu.dma_semaphore, #tpu.memory_space<semaphore_mem>>
        %dma_start3A_100 = arith.constant 0 : i32
        %dma_start3A_101 = tpu.memref_slice %arg8[%mul3A_76, %dma_start3A_100] : memref<40x128xi32, #tpu.memory_space<vmem>> -> memref<1x128xi32, #tpu.memory_space<vmem>>
        %dma_start3A_102 = tpu.memref_squeeze %dma_start3A_101 : memref<1x128xi32, #tpu.memory_space<vmem>> -> memref<128xi32, #tpu.memory_space<vmem>>
        %dma_start3A_103 = arith.constant 0 : i32
        %dma_start3A_104 = arith.constant 0 : i32
        %dma_start3A_105 = tpu.memref_slice %arg6[%dma_start3A_103, %dma_start3A_104] : memref<10240x128xf32, #tpu.memory_space<vmem_shared>> -> memref<10240x128xf32, #tpu.memory_space<vmem_shared>>
        tpu.enqueue_indirect_dma source(%arg9 : memref<128x128xf32, #tpu.memory_space<vmem>>) target(%dma_start3A_105 : memref<10240x128xf32, #tpu.memory_space<vmem_shared>>) offsets(%dma_start3A_102 : memref<128xi32, #tpu.memory_space<vmem>>) semaphore(%run_scoped3A : memref<!tpu.dma_semaphore, #tpu.memory_space<semaphore_mem>>) {add = true}
        %dma_wait3A_106 = arith.constant 0 : i32
        %dma_wait3A_107 = tpu.memref_slice %arg8[%mul3A_76, %dma_wait3A_106] : memref<40x128xi32, #tpu.memory_space<vmem>> -> memref<1x128xi32, #tpu.memory_space<vmem>>
        %dma_wait3A_108 = tpu.memref_squeeze %dma_wait3A_107 : memref<1x128xi32, #tpu.memory_space<vmem>> -> memref<128xi32, #tpu.memory_space<vmem>>
        %dma_wait3A_109 = arith.constant 0 : i32
        %dma_wait3A_110 = arith.constant 0 : i32
        %dma_wait3A_111 = tpu.memref_slice %arg6[%dma_wait3A_109, %dma_wait3A_110] : memref<10240x128xf32, #tpu.memory_space<vmem_shared>> -> memref<10240x128xf32, #tpu.memory_space<vmem_shared>>
        tpu.wait_indirect_dma semaphore(%run_scoped3A : memref<!tpu.dma_semaphore, #tpu.memory_space<semaphore_mem>>) src(%arg9 : memref<128x128xf32, #tpu.memory_space<vmem>>) dst(%dma_wait3A_111 : memref<10240x128xf32, #tpu.memory_space<vmem_shared>>)
        tpu.yield
      }) : () -> ()
      %not3A = arith.constant true
      %not3A_83 = arith.xori %ge3A_77, %not3A : i1
      %convert_element_type3A = arith.extui %not3A_83 : i1 to i32
      %cond3A = arith.constant 0 : i32
      %cond3A_84 = arith.cmpi ne, %convert_element_type3A, %cond3A : i32
      scf.if %cond3A_84 {
        %add3A_100 = arith.constant 2 : i32
        %add3A_101 = arith.addi %mul3A_76, %add3A_100 : i32
        %dma_start3A_102 = arith.constant 0 : i32
        %dma_start3A_103 = tpu.memref_slice %arg7[%add3A_101, %dma_start3A_102] : memref<40x128xi32, #tpu.memory_space<vmem>> -> memref<1x128xi32, #tpu.memory_space<vmem>>
        %dma_start3A_104 = tpu.memref_squeeze %dma_start3A_103 : memref<1x128xi32, #tpu.memory_space<vmem>> -> memref<128xi32, #tpu.memory_space<vmem>>
        %dma_start3A_105 = arith.constant 0 : i32
        %dma_start3A_106 = arith.constant 0 : i32
        %dma_start3A_107 = tpu.memref_slice %arg2[%dma_start3A_105, %dma_start3A_106] : memref<10240x128xf32, #tpu.memory_space<hbm>> -> memref<10240x128xf32, #tpu.memory_space<hbm>>
        tpu.enqueue_indirect_dma source(%dma_start3A_107 : memref<10240x128xf32, #tpu.memory_space<hbm>>) target(%arg9 : memref<128x128xf32, #tpu.memory_space<vmem>>) offsets(%dma_start3A_104 : memref<128xi32, #tpu.memory_space<vmem>>) semaphore(%arg11 : memref<!tpu.dma_semaphore, #tpu.memory_space<semaphore_mem>>)
      } else {
      }
      %add3A_85 = arith.constant 1 : i32
      %add3A_86 = arith.addi %mul3A_76, %add3A_85 : i32
      %dma_wait3A_87 = arith.constant 0 : i32
      %dma_wait3A_88 = tpu.memref_slice %arg7[%add3A_86, %dma_wait3A_87] : memref<40x128xi32, #tpu.memory_space<vmem>> -> memref<1x128xi32, #tpu.memory_space<vmem>>
      %dma_wait3A_89 = tpu.memref_squeeze %dma_wait3A_88 : memref<1x128xi32, #tpu.memory_space<vmem>> -> memref<128xi32, #tpu.memory_space<vmem>>
      %dma_wait3A_90 = arith.constant 0 : i32
      %dma_wait3A_91 = arith.constant 0 : i32
      %dma_wait3A_92 = tpu.memref_slice %arg2[%dma_wait3A_90, %dma_wait3A_91] : memref<10240x128xf32, #tpu.memory_space<hbm>> -> memref<10240x128xf32, #tpu.memory_space<hbm>>
      tpu.wait_indirect_dma semaphore(%arg12 : memref<!tpu.dma_semaphore, #tpu.memory_space<semaphore_mem>>) src(%dma_wait3A_92 : memref<10240x128xf32, #tpu.memory_space<hbm>>) dst(%arg10 : memref<128x128xf32, #tpu.memory_space<vmem>>)
      %add3A_93 = arith.constant 1 : i32
      %add3A_94 = arith.addi %mul3A_76, %add3A_93 : i32
      "tpu.region"() ({
        %run_scoped3A = tpu.sem_alloc : memref<!tpu.dma_semaphore, #tpu.memory_space<semaphore_mem>>
        %dma_start3A_100 = arith.constant 0 : i32
        %dma_start3A_101 = tpu.memref_slice %arg8[%add3A_94, %dma_start3A_100] : memref<40x128xi32, #tpu.memory_space<vmem>> -> memref<1x128xi32, #tpu.memory_space<vmem>>
        %dma_start3A_102 = tpu.memref_squeeze %dma_start3A_101 : memref<1x128xi32, #tpu.memory_space<vmem>> -> memref<128xi32, #tpu.memory_space<vmem>>
        %dma_start3A_103 = arith.constant 0 : i32
        %dma_start3A_104 = arith.constant 0 : i32
        %dma_start3A_105 = tpu.memref_slice %arg6[%dma_start3A_103, %dma_start3A_104] : memref<10240x128xf32, #tpu.memory_space<vmem_shared>> -> memref<10240x128xf32, #tpu.memory_space<vmem_shared>>
        tpu.enqueue_indirect_dma source(%arg10 : memref<128x128xf32, #tpu.memory_space<vmem>>) target(%dma_start3A_105 : memref<10240x128xf32, #tpu.memory_space<vmem_shared>>) offsets(%dma_start3A_102 : memref<128xi32, #tpu.memory_space<vmem>>) semaphore(%run_scoped3A : memref<!tpu.dma_semaphore, #tpu.memory_space<semaphore_mem>>) {add = true}
        %dma_wait3A_106 = arith.constant 0 : i32
        %dma_wait3A_107 = tpu.memref_slice %arg8[%add3A_94, %dma_wait3A_106] : memref<40x128xi32, #tpu.memory_space<vmem>> -> memref<1x128xi32, #tpu.memory_space<vmem>>
        %dma_wait3A_108 = tpu.memref_squeeze %dma_wait3A_107 : memref<1x128xi32, #tpu.memory_space<vmem>> -> memref<128xi32, #tpu.memory_space<vmem>>
        %dma_wait3A_109 = arith.constant 0 : i32
        %dma_wait3A_110 = arith.constant 0 : i32
        %dma_wait3A_111 = tpu.memref_slice %arg6[%dma_wait3A_109, %dma_wait3A_110] : memref<10240x128xf32, #tpu.memory_space<vmem_shared>> -> memref<10240x128xf32, #tpu.memory_space<vmem_shared>>
        tpu.wait_indirect_dma semaphore(%run_scoped3A : memref<!tpu.dma_semaphore, #tpu.memory_space<semaphore_mem>>) src(%arg10 : memref<128x128xf32, #tpu.memory_space<vmem>>) dst(%dma_wait3A_111 : memref<10240x128xf32, #tpu.memory_space<vmem_shared>>)
        tpu.yield
      }) : () -> ()
      %not3A_95 = arith.constant true
      %not3A_96 = arith.xori %ge3A_77, %not3A_95 : i1
      %convert_element_type3A_97 = arith.extui %not3A_96 : i1 to i32
      %cond3A_98 = arith.constant 0 : i32
      %cond3A_99 = arith.cmpi ne, %convert_element_type3A_97, %cond3A_98 : i32
      scf.if %cond3A_99 {
        %add3A_100 = arith.constant 3 : i32
        %add3A_101 = arith.addi %mul3A_76, %add3A_100 : i32
        %dma_start3A_102 = arith.constant 0 : i32
        %dma_start3A_103 = tpu.memref_slice %arg7[%add3A_101, %dma_start3A_102] : memref<40x128xi32, #tpu.memory_space<vmem>> -> memref<1x128xi32, #tpu.memory_space<vmem>>
        %dma_start3A_104 = tpu.memref_squeeze %dma_start3A_103 : memref<1x128xi32, #tpu.memory_space<vmem>> -> memref<128xi32, #tpu.memory_space<vmem>>
        %dma_start3A_105 = arith.constant 0 : i32
        %dma_start3A_106 = arith.constant 0 : i32
        %dma_start3A_107 = tpu.memref_slice %arg2[%dma_start3A_105, %dma_start3A_106] : memref<10240x128xf32, #tpu.memory_space<hbm>> -> memref<10240x128xf32, #tpu.memory_space<hbm>>
        tpu.enqueue_indirect_dma source(%dma_start3A_107 : memref<10240x128xf32, #tpu.memory_space<hbm>>) target(%arg10 : memref<128x128xf32, #tpu.memory_space<vmem>>) offsets(%dma_start3A_104 : memref<128xi32, #tpu.memory_space<vmem>>) semaphore(%arg12 : memref<!tpu.dma_semaphore, #tpu.memory_space<semaphore_mem>>)
      } else {
      }
    }
    %scan3A_68 = arith.constant 20 : i32
    %barrier3A_69 = arith.constant 0 : index
    tpu.barrier barrier_id(%barrier3A_69)
    %mul3A_70 = arith.constant 10240 : i32
    %mul3A_71 = arith.muli %arg0, %mul3A_70 : i32
    %add3A_72 = arith.addi %mul3A_71, %multiple_of3A_22 : i32
    %multiple_of3A_73 = tpu.assume_multiple %add3A_72, 640 : i32
    "tpu.region"() ({
      %run_scoped3A = tpu.sem_alloc : memref<!tpu.dma_semaphore, #tpu.memory_space<semaphore_mem>>
      %dma_start3A_74 = arith.constant 0 : i32
      %dma_start3A_75 = tpu.memref_slice %arg5[%multiple_of3A_73, %dma_start3A_74] : memref<20480x128xf32, #tpu.memory_space<hbm>> -> memref<640x128xf32, #tpu.memory_space<hbm>>
      %dma_start3A_76 = arith.constant 0 : i32
      %dma_start3A_77 = tpu.memref_slice %arg6[%multiple_of3A_22, %dma_start3A_76] : memref<10240x128xf32, #tpu.memory_space<vmem_shared>> -> memref<640x128xf32, #tpu.memory_space<vmem_shared>>
      tpu.enqueue_dma source(%dma_start3A_77 : memref<640x128xf32, #tpu.memory_space<vmem_shared>>) target(%dma_start3A_75 : memref<640x128xf32, #tpu.memory_space<hbm>>) target_semaphore(%run_scoped3A : memref<!tpu.dma_semaphore, #tpu.memory_space<semaphore_mem>>)
      %dma_wait3A = arith.constant 0 : i32
      %dma_wait3A_78 = tpu.memref_slice %arg5[%multiple_of3A_73, %dma_wait3A] : memref<20480x128xf32, #tpu.memory_space<hbm>> -> memref<640x128xf32, #tpu.memory_space<hbm>>
      %dma_wait3A_79 = arith.constant 0 : i32
      %dma_wait3A_80 = tpu.memref_slice %arg6[%multiple_of3A_22, %dma_wait3A_79] : memref<10240x128xf32, #tpu.memory_space<vmem_shared>> -> memref<640x128xf32, #tpu.memory_space<vmem_shared>>
      tpu.wait_dma2 semaphore(%run_scoped3A : memref<!tpu.dma_semaphore, #tpu.memory_space<semaphore_mem>>) src(%dma_wait3A_80 : memref<640x128xf32, #tpu.memory_space<vmem_shared>>) dst(%dma_wait3A_78 : memref<640x128xf32, #tpu.memory_space<hbm>>)
      tpu.yield
    }) : () -> ()
    return
  }
}

module attributes {stable_mosaic.version = 14 : i64} {
  func.func @_tc1_body(%arg0: i32, %arg1: memref<512x128xf32, #tpu.memory_space<vmem>>, %arg2: memref<64x128xf32, #tpu.memory_space<vmem>>, %arg3: memref<64x128xf32, #tpu.memory_space<vmem>>, %arg4: memref<512x128xf32, #tpu.memory_space<vmem>>) attributes {dimension_semantics = [#tpu.dimension_semantics<arbitrary>], iteration_bounds = array<i64: 20>, scalar_prefetch = 0 : i64, scratch_operands = 0 : i64, tpu.core_type = #tpu.core_type<tc>, window_params = [{transform_indices = @transform_0, window_bounds = array<i64: 512, 128>}, {pipeline_mode = #tpu.pipeline_mode<synchronous>, transform_indices = @transform_1, window_bounds = array<i64: 64, 128>}, {pipeline_mode = #tpu.pipeline_mode<synchronous>, transform_indices = @transform_2, window_bounds = array<i64: 64, 128>}, {transform_indices = @transform_3, window_bounds = array<i64: 512, 128>}]} {
    %get3A = arith.constant 0 : index
    %get3A_0 = arith.constant 0 : index
    %get3A_1 = vector.load %arg1[%get3A, %get3A_0] : memref<512x128xf32, #tpu.memory_space<vmem>>, vector<512x128xf32>
    %get3A_2 = arith.constant 0 : index
    %get3A_3 = arith.constant 0 : index
    %get3A_4 = vector.load %arg2[%get3A_2, %get3A_3] : memref<64x128xf32, #tpu.memory_space<vmem>>, vector<64x128xf32>
    %dot_general3A = arith.constant dense<0.000000e+00> : vector<512x64xf32>
    %dot_general3A_5 = tpu.matmul %get3A_1, %get3A_4, %dot_general3A {dimension_numbers = #tpu.dot_dimension_numbers<[1], [1], [0], [0], [0, 0, 1, 0], [], []>, transpose_lhs_hint = false} : vector<512x128xf32>, vector<64x128xf32>, vector<512x64xf32> -> vector<512x64xf32>
    %get3A_6 = arith.constant 0 : index
    %get3A_7 = arith.constant 0 : index
    %get3A_8 = vector.load %arg3[%get3A_6, %get3A_7] : memref<64x128xf32, #tpu.memory_space<vmem>>, vector<64x128xf32>
    %dot_general3A_9 = arith.constant dense<0.000000e+00> : vector<512x64xf32>
    %dot_general3A_10 = tpu.matmul %get3A_1, %get3A_8, %dot_general3A_9 {dimension_numbers = #tpu.dot_dimension_numbers<[1], [1], [0], [0], [0, 0, 1, 0], [], []>, transpose_lhs_hint = false} : vector<512x128xf32>, vector<64x128xf32>, vector<512x64xf32> -> vector<512x64xf32>
    %concatenate3A = tpu.concatenate %dot_general3A_5, %dot_general3A_10 in 1 : vector<512x64xf32>, vector<512x64xf32> -> vector<512x128xf32>
    %swap3A = arith.constant 0 : index
    %swap3A_11 = arith.constant 0 : index
    %swap3A_12 = vector.load %arg4[%swap3A, %swap3A_11] : memref<512x128xf32, #tpu.memory_space<vmem>>, vector<512x128xf32>
    tpu.vector_store %arg4[%swap3A, %swap3A_11], %concatenate3A {strides = array<i32>} : memref<512x128xf32, #tpu.memory_space<vmem>>, vector<512x128xf32>,
    return
  }
  func.func @transform_0(%arg0: i32) -> (i32, i32) {
    %c0_i32 = arith.constant 0 : i32
    %c0_i32_0 = arith.constant 0 : i32
    return %arg0, %c0_i32 : i32, i32
  }
  func.func @transform_1(%arg0: i32) -> (i32, i32) {
    %c0_i32 = arith.constant 0 : i32
    %c0_i32_0 = arith.constant 0 : i32
    %c0_i32_1 = arith.constant 0 : i32
    return %c0_i32, %c0_i32_0 : i32, i32
  }
  func.func @transform_2(%arg0: i32) -> (i32, i32) {
    %c0_i32 = arith.constant 0 : i32
    %c0_i32_0 = arith.constant 0 : i32
    %c0_i32_1 = arith.constant 0 : i32
    return %c0_i32, %c0_i32_0 : i32, i32
  }
  func.func @transform_3(%arg0: i32) -> (i32, i32) {
    %c0_i32 = arith.constant 0 : i32
    %c0_i32_0 = arith.constant 0 : i32
    return %arg0, %c0_i32 : i32, i32
  }
}

module attributes {stable_mosaic.version = 14 : i64} {
  func.func @_tc2_body(%arg0: i32, %arg1: memref<2x512x128xf32, #tpu.memory_space<vmem>>, %arg2: memref<1x64xf32, #tpu.memory_space<vmem>>, %arg3: memref<512x128xf32, #tpu.memory_space<vmem>>, %arg4: memref<64x64xf32, #tpu.memory_space<vmem>>, %arg5: memref<64x64xf32, #tpu.memory_space<vmem>>, %arg6: memref<512xf32, #tpu.memory_space<vmem>>, %arg7: memref<512x128xf32, #tpu.memory_space<vmem>>) attributes {dimension_semantics = [#tpu.dimension_semantics<arbitrary>], iteration_bounds = array<i64: 20>, scalar_prefetch = 0 : i64, scratch_operands = 0 : i64, tpu.core_type = #tpu.core_type<tc>, window_params = [{transform_indices = @transform_0, window_bounds = array<i64: 2, 512, 128>}, {pipeline_mode = #tpu.pipeline_mode<synchronous>, transform_indices = @transform_1, window_bounds = array<i64: 1, 64>}, {transform_indices = @transform_2, window_bounds = array<i64: 512, 128>}, {pipeline_mode = #tpu.pipeline_mode<synchronous>, transform_indices = @transform_3, window_bounds = array<i64: 64, 64>}, {pipeline_mode = #tpu.pipeline_mode<synchronous>, transform_indices = @transform_4, window_bounds = array<i64: 64, 64>}, {transform_indices = @transform_5, window_bounds = array<i64: 512>}, {transform_indices = @transform_6, window_bounds = array<i64: 512, 128>}]} {
    %get3A = arith.constant 0 : index
    %get3A_0 = arith.constant 0 : index
    %get3A_1 = arith.constant 0 : index
    %get3A_2 = vector.load %arg1[%get3A, %get3A_0, %get3A_1] : memref<2x512x128xf32, #tpu.memory_space<vmem>>, vector<1x512x64xf32>
    %get3A_3 = vector.shape_cast %get3A_2 : vector<1x512x64xf32> to vector<512x64xf32>
    %get3A_4 = arith.constant 1 : index
    %get3A_5 = arith.constant 0 : index
    %get3A_6 = arith.constant 0 : index
    %get3A_7 = vector.load %arg1[%get3A_4, %get3A_5, %get3A_6] : memref<2x512x128xf32, #tpu.memory_space<vmem>>, vector<1x512x64xf32>
    %get3A_8 = vector.shape_cast %get3A_7 : vector<1x512x64xf32> to vector<512x64xf32>
    %add3A = arith.addf %get3A_3, %get3A_8 : vector<512x64xf32>
    %get3A_9 = arith.constant 0 : index
    %get3A_10 = arith.constant 0 : index
    %get3A_11 = arith.constant 64 : index
    %get3A_12 = vector.load %arg1[%get3A_9, %get3A_10, %get3A_11] : memref<2x512x128xf32, #tpu.memory_space<vmem>>, vector<1x512x1xf32>
    %get3A_13 = vector.shape_cast %get3A_12 : vector<1x512x1xf32> to vector<512xf32>
    %get3A_14 = arith.constant 1 : index
    %get3A_15 = arith.constant 0 : index
    %get3A_16 = arith.constant 64 : index
    %get3A_17 = vector.load %arg1[%get3A_14, %get3A_15, %get3A_16] : memref<2x512x128xf32, #tpu.memory_space<vmem>>, vector<1x512x1xf32>
    %get3A_18 = vector.shape_cast %get3A_17 : vector<1x512x1xf32> to vector<512xf32>
    %add3A_19 = arith.addf %get3A_13, %get3A_18 : vector<512xf32>
    %max3A = arith.constant 1.000000e+00 : f32
    %max3A_20 = vector.broadcast %max3A : f32 to vector<512xf32>
    %max3A_21 = arith.maximumf %add3A_19, %max3A_20 : vector<512xf32>
    %get3A_22 = arith.constant 0 : index
    %get3A_23 = arith.constant 64 : index
    %get3A_24 = vector.load %arg3[%get3A_22, %get3A_23] : memref<512x128xf32, #tpu.memory_space<vmem>>, vector<512x64xf32>
    %broadcast_in_dim3A = vector.shape_cast %max3A_21 : vector<512xf32> to vector<512x1xf32>
    %div3A = vector.broadcast %broadcast_in_dim3A : vector<512x1xf32> to vector<512x64xf32>
    %div3A_25 = arith.divf %add3A, %div3A : vector<512x64xf32>
    %get3A_26 = arith.constant 0 : index
    %get3A_27 = arith.constant 0 : index
    %get3A_28 = vector.load %arg2[%get3A_26, %get3A_27] : memref<1x64xf32, #tpu.memory_space<vmem>>, vector<1x64xf32>
    %add3A_29 = vector.broadcast %get3A_28 : vector<1x64xf32> to vector<512x64xf32>
    %add3A_30 = arith.addf %div3A_25, %add3A_29 : vector<512x64xf32>
    %add3A_31 = arith.addf %add3A_30, %get3A_24 : vector<512x64xf32>
    %max3A_32 = arith.constant 0.000000e+00 : f32
    %max3A_33 = vector.broadcast %max3A_32 : f32 to vector<512x64xf32>
    %max3A_34 = arith.maximumf %add3A_31, %max3A_33 : vector<512x64xf32>
    %swap3A = arith.constant 0 : index
    %swap3A_35 = vector.load %arg6[%swap3A] : memref<512xf32, #tpu.memory_space<vmem>>, vector<512xf32>
    tpu.vector_store %arg6[%swap3A], %max3A_21 {strides = array<i32>} : memref<512xf32, #tpu.memory_space<vmem>>, vector<512xf32>,
    %get3A_36 = arith.constant 0 : index
    %get3A_37 = arith.constant 0 : index
    %get3A_38 = vector.load %arg4[%get3A_36, %get3A_37] : memref<64x64xf32, #tpu.memory_space<vmem>>, vector<64x64xf32>
    %dot_general3A = arith.constant dense<0.000000e+00> : vector<512x64xf32>
    %dot_general3A_39 = tpu.matmul %max3A_34, %get3A_38, %dot_general3A {dimension_numbers = #tpu.dot_dimension_numbers<[1], [1], [0], [0], [0, 0, 1, 0], [], []>, transpose_lhs_hint = false} : vector<512x64xf32>, vector<64x64xf32>, vector<512x64xf32> -> vector<512x64xf32>
    %get3A_40 = arith.constant 0 : index
    %get3A_41 = arith.constant 0 : index
    %get3A_42 = vector.load %arg5[%get3A_40, %get3A_41] : memref<64x64xf32, #tpu.memory_space<vmem>>, vector<64x64xf32>
    %dot_general3A_43 = arith.constant dense<0.000000e+00> : vector<512x64xf32>
    %dot_general3A_44 = tpu.matmul %max3A_34, %get3A_42, %dot_general3A_43 {dimension_numbers = #tpu.dot_dimension_numbers<[1], [1], [0], [0], [0, 0, 1, 0], [], []>, transpose_lhs_hint = false} : vector<512x64xf32>, vector<64x64xf32>, vector<512x64xf32> -> vector<512x64xf32>
    %concatenate3A = tpu.concatenate %dot_general3A_39, %dot_general3A_44 in 1 : vector<512x64xf32>, vector<512x64xf32> -> vector<512x128xf32>
    %swap3A_45 = arith.constant 0 : index
    %swap3A_46 = arith.constant 0 : index
    %swap3A_47 = vector.load %arg7[%swap3A_45, %swap3A_46] : memref<512x128xf32, #tpu.memory_space<vmem>>, vector<512x128xf32>
    tpu.vector_store %arg7[%swap3A_45, %swap3A_46], %concatenate3A {strides = array<i32>} : memref<512x128xf32, #tpu.memory_space<vmem>>, vector<512x128xf32>,
    return
  }
  func.func @transform_0(%arg0: i32) -> (i32, i32, i32) {
    %c0_i32 = arith.constant 0 : i32
    %c0_i32_0 = arith.constant 0 : i32
    %c0_i32_1 = arith.constant 0 : i32
    return %c0_i32, %arg0, %c0_i32_0 : i32, i32, i32
  }
  func.func @transform_1(%arg0: i32) -> (i32, i32) {
    %c0_i32 = arith.constant 0 : i32
    %c0_i32_0 = arith.constant 0 : i32
    %c0_i32_1 = arith.constant 0 : i32
    return %c0_i32, %c0_i32_0 : i32, i32
  }
  func.func @transform_2(%arg0: i32) -> (i32, i32) {
    %c0_i32 = arith.constant 0 : i32
    %c0_i32_0 = arith.constant 0 : i32
    return %arg0, %c0_i32 : i32, i32
  }
  func.func @transform_3(%arg0: i32) -> (i32, i32) {
    %c0_i32 = arith.constant 0 : i32
    %c0_i32_0 = arith.constant 0 : i32
    %c0_i32_1 = arith.constant 0 : i32
    return %c0_i32, %c0_i32_0 : i32, i32
  }
  func.func @transform_4(%arg0: i32) -> (i32, i32) {
    %c0_i32 = arith.constant 0 : i32
    %c0_i32_0 = arith.constant 0 : i32
    %c0_i32_1 = arith.constant 0 : i32
    return %c0_i32, %c0_i32_0 : i32, i32
  }
  func.func @transform_5(%arg0: i32) -> i32 {
    %c0_i32 = arith.constant 0 : i32
    return %arg0 : i32
  }
  func.func @transform_6(%arg0: i32) -> (i32, i32) {
    %c0_i32 = arith.constant 0 : i32
    %c0_i32_0 = arith.constant 0 : i32
    return %arg0, %c0_i32 : i32, i32
  }
}

module attributes {stable_mosaic.version = 14 : i64} {
  func.func @_tc3_body(%arg0: i32, %arg1: memref<2x512x128xf32, #tpu.memory_space<vmem>>, %arg2: memref<512xf32, #tpu.memory_space<vmem>>, %arg3: memref<1x64xf32, #tpu.memory_space<vmem>>, %arg4: memref<512x128xf32, #tpu.memory_space<vmem>>, %arg5: memref<1x64xf32, #tpu.memory_space<vmem>>, %arg6: memref<1x1xf32, #tpu.memory_space<vmem>>, %arg7: memref<512x64xf32, #tpu.memory_space<vmem>>, %arg8: memref<512xf32, #tpu.memory_space<vmem>>) attributes {dimension_semantics = [#tpu.dimension_semantics<arbitrary>], iteration_bounds = array<i64: 20>, scalar_prefetch = 0 : i64, scratch_operands = 0 : i64, tpu.core_type = #tpu.core_type<tc>, window_params = [{transform_indices = @transform_0, window_bounds = array<i64: 2, 512, 128>}, {transform_indices = @transform_1, window_bounds = array<i64: 512>}, {pipeline_mode = #tpu.pipeline_mode<synchronous>, transform_indices = @transform_2, window_bounds = array<i64: 1, 64>}, {transform_indices = @transform_3, window_bounds = array<i64: 512, 128>}, {pipeline_mode = #tpu.pipeline_mode<synchronous>, transform_indices = @transform_4, window_bounds = array<i64: 1, 64>}, {pipeline_mode = #tpu.pipeline_mode<synchronous>, transform_indices = @transform_5, window_bounds = array<i64: 1, 1>}, {transform_indices = @transform_6, window_bounds = array<i64: 512, 64>}, {transform_indices = @transform_7, window_bounds = array<i64: 512>}]} {
    %get3A = arith.constant 0 : index
    %get3A_0 = arith.constant 0 : index
    %get3A_1 = arith.constant 0 : index
    %get3A_2 = vector.load %arg1[%get3A, %get3A_0, %get3A_1] : memref<2x512x128xf32, #tpu.memory_space<vmem>>, vector<1x512x64xf32>
    %get3A_3 = vector.shape_cast %get3A_2 : vector<1x512x64xf32> to vector<512x64xf32>
    %get3A_4 = arith.constant 1 : index
    %get3A_5 = arith.constant 0 : index
    %get3A_6 = arith.constant 0 : index
    %get3A_7 = vector.load %arg1[%get3A_4, %get3A_5, %get3A_6] : memref<2x512x128xf32, #tpu.memory_space<vmem>>, vector<1x512x64xf32>
    %get3A_8 = vector.shape_cast %get3A_7 : vector<1x512x64xf32> to vector<512x64xf32>
    %add3A = arith.addf %get3A_3, %get3A_8 : vector<512x64xf32>
    %get3A_9 = arith.constant 0 : index
    %get3A_10 = vector.load %arg2[%get3A_9] : memref<512xf32, #tpu.memory_space<vmem>>, vector<512xf32>
    %get3A_11 = arith.constant 0 : index
    %get3A_12 = arith.constant 64 : index
    %get3A_13 = vector.load %arg4[%get3A_11, %get3A_12] : memref<512x128xf32, #tpu.memory_space<vmem>>, vector<512x64xf32>
    %broadcast_in_dim3A = vector.shape_cast %get3A_10 : vector<512xf32> to vector<512x1xf32>
    %div3A = vector.broadcast %broadcast_in_dim3A : vector<512x1xf32> to vector<512x64xf32>
    %div3A_14 = arith.divf %add3A, %div3A : vector<512x64xf32>
    %get3A_15 = arith.constant 0 : index
    %get3A_16 = arith.constant 0 : index
    %get3A_17 = vector.load %arg3[%get3A_15, %get3A_16] : memref<1x64xf32, #tpu.memory_space<vmem>>, vector<1x64xf32>
    %add3A_18 = vector.broadcast %get3A_17 : vector<1x64xf32> to vector<512x64xf32>
    %add3A_19 = arith.addf %div3A_14, %add3A_18 : vector<512x64xf32>
    %add3A_20 = arith.addf %add3A_19, %get3A_13 : vector<512x64xf32>
    %max3A = arith.constant 0.000000e+00 : f32
    %max3A_21 = vector.broadcast %max3A : f32 to vector<512x64xf32>
    %max3A_22 = arith.maximumf %add3A_20, %max3A_21 : vector<512x64xf32>
    %swap3A = arith.constant 0 : index
    %swap3A_23 = arith.constant 0 : index
    %swap3A_24 = vector.load %arg7[%swap3A, %swap3A_23] : memref<512x64xf32, #tpu.memory_space<vmem>>, vector<512x64xf32>
    tpu.vector_store %arg7[%swap3A, %swap3A_23], %max3A_22 {strides = array<i32>} : memref<512x64xf32, #tpu.memory_space<vmem>>, vector<512x64xf32>,
    %get3A_25 = arith.constant 0 : index
    %get3A_26 = arith.constant 0 : index
    %get3A_27 = vector.load %arg5[%get3A_25, %get3A_26] : memref<1x64xf32, #tpu.memory_space<vmem>>, vector<1x64xf32>
    %mul3A = vector.broadcast %get3A_27 : vector<1x64xf32> to vector<512x64xf32>
    %mul3A_28 = arith.mulf %max3A_22, %mul3A : vector<512x64xf32>
    %reduce_sum3A = arith.constant dense<0.000000e+00> : vector<512xf32>
    %reduce_sum3A_29 = vector.multi_reduction <add>, %mul3A_28, %reduce_sum3A [1] : vector<512x64xf32> to vector<512xf32>
    %get3A_30 = arith.constant 0 : index
    %get3A_31 = arith.constant 0 : index
    %get3A_32 = vector.load %arg6[%get3A_30, %get3A_31] : memref<1x1xf32, #tpu.memory_space<vmem>>, vector<1x1xf32>
    %get3A_33 = vector.extract %get3A_32[0, 0] : f32 from vector<1x1xf32>
    %add3A_34 = vector.broadcast %get3A_33 : f32 to vector<512xf32>
    %add3A_35 = arith.addf %reduce_sum3A_29, %add3A_34 : vector<512xf32>
    %swap3A_36 = arith.constant 0 : index
    %swap3A_37 = vector.load %arg8[%swap3A_36] : memref<512xf32, #tpu.memory_space<vmem>>, vector<512xf32>
    tpu.vector_store %arg8[%swap3A_36], %add3A_35 {strides = array<i32>} : memref<512xf32, #tpu.memory_space<vmem>>, vector<512xf32>,
    return
  }
  func.func @transform_0(%arg0: i32) -> (i32, i32, i32) {
    %c0_i32 = arith.constant 0 : i32
    %c0_i32_0 = arith.constant 0 : i32
    %c0_i32_1 = arith.constant 0 : i32
    return %c0_i32, %arg0, %c0_i32_0 : i32, i32, i32
  }
  func.func @transform_1(%arg0: i32) -> i32 {
    %c0_i32 = arith.constant 0 : i32
    return %arg0 : i32
  }
  func.func @transform_2(%arg0: i32) -> (i32, i32) {
    %c0_i32 = arith.constant 0 : i32
    %c0_i32_0 = arith.constant 0 : i32
    %c0_i32_1 = arith.constant 0 : i32
    return %c0_i32, %c0_i32_0 : i32, i32
  }
  func.func @transform_3(%arg0: i32) -> (i32, i32) {
    %c0_i32 = arith.constant 0 : i32
    %c0_i32_0 = arith.constant 0 : i32
    return %arg0, %c0_i32 : i32, i32
  }
  func.func @transform_4(%arg0: i32) -> (i32, i32) {
    %c0_i32 = arith.constant 0 : i32
    %c0_i32_0 = arith.constant 0 : i32
    %c0_i32_1 = arith.constant 0 : i32
    return %c0_i32, %c0_i32_0 : i32, i32
  }
  func.func @transform_5(%arg0: i32) -> (i32, i32) {
    %c0_i32 = arith.constant 0 : i32
    %c0_i32_0 = arith.constant 0 : i32
    %c0_i32_1 = arith.constant 0 : i32
    return %c0_i32, %c0_i32_0 : i32, i32
  }
  func.func @transform_6(%arg0: i32) -> (i32, i32) {
    %c0_i32 = arith.constant 0 : i32
    %c0_i32_0 = arith.constant 0 : i32
    return %arg0, %c0_i32 : i32, i32
  }
  func.func @transform_7(%arg0: i32) -> i32 {
    %c0_i32 = arith.constant 0 : i32
    return %arg0 : i32
  }
}

</mosaic_0001>

<sc_bundles>
// kernel: kernel.10.cloned.1.call-start
scs
__scs_entry_jumppad:
0x0: {  	(pc) =	sbr.rel $0x88, $3  }
0x1: {  	(tag) =	ssettag $0x0;
	lr =	simm.s32 $0x1  }
0x2: {  	[smem:$0x3F97] =	sst lr;
	_ =	strace $0xD0000000  }
0x3: {  	_ = 	snop  }
0x4: {  	_ = 	snop  }
0x5: {  	_ = 	snop  }
0x6: {  	_ = 	snop  }
0x7: {  	_ = 	snop  }
__scs_overlays_trampoline_lowered:
0x8: {  	[smem:$0x3FA6] =	sst s0  }
0x9: {  	[smem:$0x3FA7] =	sst s1  }
0xa: {  	[smem:$0x3FA8] =	sst s2  }
0xb: {  	[smem:$0x3FA9] =	sst s3  }
0xc: {  	[smem:$0x3FAA] =	sst s4  }
0xd: {  	[smem:$0x3FAB] =	sst s5  }
0xe: {  	[smem:$0x3FAC] =	sst s6  }
0xf: {  	[smem:$0x3FAD] =	sst s7  }
0x10: {  	[smem:$0x3FAE] =	sst s8  }
0x11: {  	[smem:$0x3FAF] =	sst s9;
	s0 =	simm.s32 @!p0 $0x0  }
0x12: {  	s1 =	sld [smem:$0x3F95];
	s0 =	simm.s32 @p0 $0x1  }
0x13: {  	[smem:$0x3FB0] =	sst s0;
	s0 =	simm.s32 @!p1 $0x0  }
0x14: {  	s2 =	sld [smem:$0x3F94];
	s0 =	simm.s32 @p1 $0x1  }
0x15: {  	[smem:$0x3FB1] =	sst s0;
	s0 =	simm.s32 @!p2 $0x0  }
0x16: {  	s3 =	sld [smem:$0x3FDB];
	s0 =	simm.s32 @p2 $0x1  }
0x17: {  	s4 =	simm.s32 $0x1BF5;
	[smem:$0x3FB3] =	sst s0  }
0x18: {  	s0 =	sld [smem:$0x3F96];
	_ =	swait.ge [sflag:s4], $0x0  }
0x19: {  	s7 =	sld [smem:$0x3F97]  }
0x1a: {  	s8 =	sadd.s32 $0xFFFFE003, lr  }
0x1b: {  	s9 =	sadd.s32 $0xFFFFFEF7, lr;
	s5 =	simm.s32 $0xFFFFFFFF;
	p2 =	slt.u32 s8, $0xFFFFF086  }
0x1c: {  	p1 =	slt.u32 s9, $0xF7A;
	s5 =	simm.s32 @!p2 $0x0  }
0x1d: {  	s5 =	simm.s32 @p1 $0x1;
	p0 =	seq.s32 s7, s2  }
0x1e: {  	s7 =	smul.u32 @!p0 $0xF7A, s2;
	p2 =	seq.s32 @!p0 s5, $0x0  }
0x1f: {  	s9 =	smul.u32 $0xF7A, s1;
	s8 =	simm.s32 @!p0 $0x1BF5;
	p2 =	por !p2, p0  }
0x20: {  	[sflag:s8] =	ssyncset.s32 @!p0 $0xFFFFF086;
	s6 =	sadd.s32 @!p0 s3, s7;
	s7 =	simm.s32 @!p0 $0x108  }
0x21: {  	s3 =	sadd.s32 s3, s9;
	s6 =	sadd.s32 @!p0 $0x88, s6;
	s7 =	simm.s32 @p2 $0x1082  }
0x22: {  	[simem:s7], [sflag:s8] =	dma.local @!p0 [hbm:s6], $0xF7A  }
0x23: {  	s9 =	sor.u32 $0xD0000000, s2;
	s6 =	simm.s32 $0x108;
	_ =	swait.ge @!p0 [sflag:s8], $0x0  }
0x24: {  	s3 =	sadd.s32 $0x88, s3;
	s6 =	simm.s32 @!p1 $0x1082;
	[sflag:s4] =	ssyncset.s32 $0xFFFFF086  }
0x25: {  	[simem:s6], [sflag:s4] =	dma.local [hbm:s3], $0xF7A  }
0x26: {  	[smem:$0x3F97] =	sst s1;
	(tag) =	ssettag s2;
	_ =	strace s9  }
0x27: {  	s1 =	sld [smem:$0x3FA7]  }
0x28: {  	s2 =	sld [smem:$0x3FA8]  }
0x29: {  	s4 =	sld [smem:$0x3FAA]  }
0x2a: {  	p0 =	seq.s32 s5, $0x0;
	s5 =	sld [smem:$0x3FAB]  }
0x2b: {  	s6 =	sld [smem:$0x3FAC]  }
0x2c: {  	s7 =	sld [smem:$0x3FAD]  }
0x2d: {  	s3 =	simm.s32 $0x108;
	s8 =	sld [smem:$0x3FAE]  }
0x2e: {  	s3 =	simm.s32 @!p0 $0x1082;
	s9 =	sld [smem:$0x3FAF]  }
0x2f: {  	lr =	sadd.s32 s0, s3;
	s0 =	sld [smem:$0x3FA6]  }
0x30: {  	s3 =	sld [smem:$0x3FA9]  }
0x31: {  	[smem:$0x3FB2] =	sst s10  }
0x32: {  	s10 =	sld [smem:$0x3FB0];
	_ =	sdelay $0x3  }
0x33: {  	p0 =	seq.s32 s10, $0x1;
	s10 =	sld [smem:$0x3FB2];
	_ =	sdelay $0x3  }
0x34: {  	[smem:$0x3FB2] =	sst s10  }
0x35: {  	s10 =	sld [smem:$0x3FB1];
	_ =	sdelay $0x3  }
0x36: {  	p1 =	seq.s32 s10, $0x1;
	s10 =	sld [smem:$0x3FB2];
	_ =	sdelay $0x3  }
0x37: {  	[smem:$0x3FB2] =	sst s10  }
0x38: {  	s10 =	sld [smem:$0x3FB3]  }
0x39: {  	_ = 	snop;
	(pc) =	sbr.ind lr, $3  }
0x3a: {  	_ = 	snop  }
0x3b: {  	_ = 	snop  }
0x3c: {  	p2 =	seq.s32 s10, $0x1;
	s10 =	sld [smem:$0x3FB2]  }
0x3d: {  	_ =	shalt  }
0x3e: {  	_ =	shalt  }
0x3f: {  	_ =	shalt  }
0x40: {  	_ =	shalt  }
0x41: {  	_ =	shalt  }
0x42: {  	_ =	shalt  }
0x43: {  	_ =	shalt  }
0x44: {  	_ =	shalt  }
0x45: {  	_ =	shalt  }
0x46: {  	_ =	shalt  }
0x47: {  	_ =	shalt  }
0x48: {  	_ =	shalt  }
0x49: {  	_ =	shalt  }
0x4a: {  	_ =	shalt  }
0x4b: {  	_ =	shalt  }
0x4c: {  	_ =	shalt  }
0x4d: {  	_ =	shalt  }
0x4e: {  	_ =	shalt  }
0x4f: {  	_ =	shalt  }
0x50: {  	_ =	shalt  }
0x51: {  	_ =	shalt  }
0x52: {  	_ =	shalt  }
0x53: {  	_ =	shalt  }
0x54: {  	_ =	shalt  }
0x55: {  	_ =	shalt  }
0x56: {  	_ =	shalt  }
0x57: {  	_ =	shalt  }
0x58: {  	_ =	shalt  }
0x59: {  	_ =	shalt  }
0x5a: {  	_ =	shalt  }
0x5b: {  	_ =	shalt  }
0x5c: {  	_ =	shalt  }
0x5d: {  	_ =	shalt  }
0x5e: {  	_ =	shalt  }
0x5f: {  	_ =	shalt  }
0x60: {  	_ =	shalt  }
0x61: {  	_ =	shalt  }
0x62: {  	_ =	shalt  }
0x63: {  	_ =	shalt  }
0x64: {  	_ =	shalt  }
0x65: {  	_ =	shalt  }
0x66: {  	_ =	shalt  }
0x67: {  	_ =	shalt  }
0x68: {  	_ =	shalt  }
0x69: {  	_ =	shalt  }
0x6a: {  	_ =	shalt  }
0x6b: {  	_ =	shalt  }
0x6c: {  	_ =	shalt  }
0x6d: {  	_ =	shalt  }
0x6e: {  	_ =	shalt  }
0x6f: {  	_ =	shalt  }
0x70: {  	_ =	shalt  }
0x71: {  	_ =	shalt  }
0x72: {  	_ =	shalt  }
0x73: {  	_ =	shalt  }
0x74: {  	_ =	shalt  }
0x75: {  	_ =	shalt  }
0x76: {  	_ =	shalt  }
0x77: {  	_ =	shalt  }
0x78: {  	_ =	shalt  }
0x79: {  	_ =	shalt  }
0x7a: {  	_ =	shalt  }
0x7b: {  	_ =	shalt  }
0x7c: {  	_ =	shalt  }
0x7d: {  	_ =	shalt  }
0x7e: {  	_ =	shalt  }
0x7f: {  	_ =	shalt  }
0x80: {  	_ =	shalt  }
0x81: {  	_ =	shalt  }
0x82: {  	_ =	shalt  }
0x83: {  	_ =	shalt  }
0x84: {  	_ =	shalt  }
0x85: {  	_ =	shalt  }
0x86: {  	_ =	shalt  }
0x87: {  	_ =	shalt  }
.Lfunc_end0:
.L_simem_size_0:
called_computation.1_lowered:
.L_overlay_start_0:
0x88: {  	s2 =	sld [smem:$0x3FD9]  }
0x89: {  	s3 =	sld [smem:$0x3FFE];
	_ =	sdelay $0x1  }
0x8a: {  	s1 =	srdreg.scid  }
0x8b: {  	s0 =	sand.u32 $0x1, s1  }
0x8c: {  	s14 =	sshll.u32 s0, $0xA;
	s2 =	sadd.s32 s3, s2  }
0x8d: {  	s2 =	sadd.s32 s2, s14  }
0x8e: {  	[smem:$0x3FBE] =	sst s2  }
0x8f: {  	_ = 	snop  }
0x90: {  	s2 =	sld [smem:$0x3FD0];
	_ =	sdelay $0x2  }
0x91: {  	s15 =	simm.s32 $0xA;
	s4 =	simm.s32 $0x10  }
0x92: {  	[smem:s4], [sflag:s15] =	dma.local [hbm:s2], $0x1  }
0x93: {  	_ =	swait.eq [sflag:s15], $0x1  }
0x94: {  	[sflag:s15] =	ssyncset.done $0x0  }
0x95: {  	[sflag:s15] =	ssyncadd.s32 $0xFFFFFFFF  }
0x96: {  	s16 =	sld [smem:$0x11];
	(tm) =	ssettm $0x1  }
0x97: {  	s17 =	sld [smem:$0x3FFB];
	_ =	sdelay $0x3  }
0x98: {  	_ =	strace s17  }
0x99: {  	s3 =	sld [smem:$0x3FFC];
	_ =	sdelay $0x3  }
0x9a: {  	_ =	strace s3  }
0x9b: {  	s3 =	sld [smem:$0x3FFD];
	_ =	sdelay $0x3  }
0x9c: {  	_ =	strace s3  }
0x9d: {  	_ =	strace $0x8FFFFFFF  }
0x9e: {  	s18 =	sld [smem:$0x3FDB];
	_ =	sdelay $0x1  }
0x9f: {  	s19 =	simm.s32 $_scs_section_size  }
0xa0: {  	s5 =	simm.s32 $_size__tile_overlayer_lowered;
	s6 =	simm.s32 $_tile_overlayer_lowered  }
0xa1: {  	s22 =	simm.s32 $0x1BFF;
	s21 =	sshll.u32 s6, $0x1;
	s3 =	sadd.s32 s19, s18  }
0xa2: {  	s7 =	simm.s32 $0x0;
	s20 =	sshll.u32 s5, $0x1;
	s5 =	sadd.s32 s21, s3  }
0xa3: {  	[timem:s7], [sflag:s22] =	dma.local [hbm:s5], s20  }
0xa4: {  	_ =	swait.ge [sflag:s22], s20  }
0xa5: {  	s4 =	ssub.s32 $0x0, s20;
	[sflag:s22] =	ssyncset.done $0x0  }
0xa6: {  	[sflag:s22] =	ssyncadd.s32 s4;
	_ =	sdelay $0x1  }
0xa7: {  	s23 =	simm.s32 $0x1B8B  }
0xa8: {  	_ =	swait.ge [sflag:s23], $0x1  }
0xa9: {  	[sflag:s23] =	ssyncset.done $0x0  }
0xaa: {  	s25 =	simm.s32 $0x1B8E;
	s24 =	sld [smem:$0x3FFE];
	[sflag:s23] =	ssyncadd.s32 $0xFFFFFFFF  }
0xab: {  	s26 =	simm.s32 $execute0_lowered;
	[smem:$0x3FD2] =	sst s25  }
0xac: {  	s5 =	sshll.u32 s26, $0x1;
	_ =	strace $0x80000049;
	[dreg:$0x1] =	wrdreg $0xFFFFFFFF  }
0xad: {  	s28 =	simm.s32 $_size_execute0_lowered;
	s3 =	sadd.s32 s3, s5;
	[dreg:$0x0] =	wrdreg $0x0  }
0xae: {  	s5 =	sshll.u32 s28, $0x1;
	[dreg:$0x2] =	wrdreg s3  }
0xaf: {  	[dreg:$0x3] =	wrdreg s5  }
0xb0: {  	[dreg:$0x4] =	wrdreg $0xC0  }
0xb1: {  	_ =	task [dreg:s7], $0x5FFFF  }
0xb2: {  	[dreg:$0x1] =	wrdreg $0xFFFFFFFF  }
0xb3: {  	[dreg:$0x0] =	wrdreg $0x60  }
0xb4: {  	[dreg:$0x2] =	wrdreg s24  }
0xb5: {  	[dreg:$0x3] =	wrdreg s16  }
0xb6: {  	[dreg:$0x4] =	wrdreg $0x0  }
0xb7: {  	[dreg:$0x5] =	wrdreg $0x9  }
0xb8: {  	_ =	task.clear_ibuf [dreg:s7], $0x6FFFF;
	_ =	strace $0x90000049  }
0xb9: {  	s29 =	simm.s32 $0x9;
	_ =	strace $0x8000004B  }
0xba: {  	_ =	swait.ge [sflag:s29], $0x1  }
0xbb: {  	[sflag:s29] =	ssyncadd.s32 $0xFFFFFFFF  }
0xbc: {  	_ =	strace $0x9000004B  }
0xbd: {  	_ =	sfence  }
0xbe: {  	s30 =	sld [smem:$0x0];
	_ =	sdelay $0x2  }
0xbf: {  	s31 =	sshll.u32 s1, $0xD;
	s1 =	sshrl.u32 s1, $0x2  }
0xc0: {  	s3 =	sand.u32 $0x4000, s31;
	s1 =	sadd.s32 s1, s30  }
0xc1: {  	s0 =	sor.u32 s3, s0;
	s1 =	sshll.u32 s1, $0x11  }
0xc2: {  	s0 =	sor.u32 s1, s0  }
0xc3: {  	s0 =	sadd.s32 $0x8F2B, s0  }
0xc4: {  	[sflag:s0] =	ssyncadd.remote.s32 $0x1  }
0xc5: {  	_ =	sfence.sel $0xFFFF  }
0xc6: {  	[dreg:$0x0] =	wrdreg $0xFFFFFFFF;
	(pc) =	sbr.abs _section_cstart, $3  }
0xc7: {  	[dreg:$0x1] =	wrdreg $0xFFFFFFFF  }
0xc8: {  	_ =	task.clear_ibuf [dreg:s7], $0x2FFFF;
	_ =	strace $0x9FFFFFFF  }
0xc9: {  	(tm) =	ssettm $0x7FFFFFFF  }
tec
execute0_lowered:
.L_overlay_start_1:
0x0: {  	(tag) =	ssettag $0x1  }
0x1: {  	s5 =	rddreg [dreg:$0x0]  }
0x2: {  	s13 =	rddreg [dreg:$0x1];
	s1 =	srdreg.scid  }
0x3: {  	s0 =	stileid.u32;
	s2 =	rddreg [dreg:$0x2]  }
0x4: {  	s3 =	simm.s32 $0x0;
	s17 =	simm.s32 $0x3;
	s18 =	simm.s32 $0x15400  }
0x5: {  	s19 =	simm.s32 $0x80;
	s20 =	simm.s32 $0x16800;
	s21 =	simm.s32 $0x1A800  }
0x6: {  	s22 =	simm.s32 $0x14080;
	s23 =	simm.s32 $0x1;
	s24 =	simm.s32 $0x2  }
0x7: {  	s25 =	simm.s32 $0x16700;
	s6 =	sand.u32 $0x1, s1;
	s1 =	rddreg [dreg:$0x3]  }
0x8: {  	s26 =	simm.s32 $0x16780;
	s7 =	smul.u32 $0x280, s0;
	[smem:$0x7FF] =	sst s3  }
0x9: {  	s4 =	sadd.s32 $0xCE00, s5;
	s28 =	sshll.u32 s0, $0x1;
	s29 =	smul.u32 $0x50000, s0  }
0xa: {  	s8 =	smul.u32 $0x2800, s6;
	s9 =	ssub.s32 $0x2, s6;
	s6 =	sor.u32 s6, s28  }
0xb: {  	s12 =	sadd.s32 $0x2E00, s5;
	_ =	strace $0x8000004A;
	s31 =	smul.u32 $0x500, s6  }
0xc: {  	s30 =	sshrl.u32 s9, $0x1;
	s10 =	smul.u32 $0x2800, s6;
	s7 =	sadd.s32 s7, s8  }
0xd: {  	s15 =	ssub.s32 s9, s30;
	s8 =	sshrl.u32 s29, $0x2;
	s7 =	sshll.u32 s7, $0x4  }
0xe: {  	s6 =	sadd.s32 s13, s31;
	s16 =	sshrl.u32 s10, $0x3;
	s15 =	smax.u32 s15, $0x1  }
0xf: {  	s14 =	sadd.s32 s7, s5;
	s5 =	sadd.s32 s12, s31;
	s7 =	sadd.s32 s8, s2  }
0x10: {  	s16 =	sadd.s32 $0x280, s16;
	s8 =	sadd.s32 $0x4000, s7;
	s9 =	sadd.s32 $0x8000, s7  }
0x11: {  	s10 =	sadd.s32 $0xC000, s7;
	s11 =	sadd.s32 $0x10000, s7;
	s12 =	sadd.s32 s12, s16  }
0x12: {  	v0 =	vimm.f32 $0.0e+00;
	s13 =	sadd.s32 s13, s16;
	s14 =	sadd.s32 $0x34E00, s14;
	s16 =	simm.s32 $0x14000  }
.LBB2_1:
0x13: {  	s28 =	simm.s32 $0x0;
	s29 =	simm.s32 $0x200  }
.LBB2_2:
0x14: {  	p0 =	sne.s32 s29, $0xFE00;
	[tilespmem:s28+$0x1A870] =	vst v0  }
0x15: {  	[tilespmem:s28+$0x1A800] =	vst v0  }
0x16: {  	[tilespmem:s28+$0x1A810] =	vst v0  }
.Ltmp0:
0x17: {  	[tilespmem:s28+$0x1A820] =	vst v0;
	(pc) =	sbr.rel @p0 .LBB2_2-.Ltmp0, $4  }
0x18: {  	[tilespmem:s28+$0x1A830] =	vst v0  }
0x19: {  	[tilespmem:s28+$0x1A840] =	vst v0  }
0x1a: {  	[tilespmem:s28+$0x1A850] =	vst v0  }
0x1b: {  	[tilespmem:s28+$0x1A860] =	vst v0;
	s28 =	sshra.s32 s29, $0x2;
	s29 =	sadd.s32 $0x200, s29  }
0x1c: {  	[tilespmem:s28+$0x1A870] =	vst v0  }
0x1d: {  	[tilespmem:s28+$0x1A800] =	vst v0  }
0x1e: {  	[tilespmem:s28+$0x1A810] =	vst v0  }
0x1f: {  	[tilespmem:s28+$0x1A820] =	vst v0  }
0x20: {  	[tilespmem:s28+$0x1A830] =	vst v0  }
0x21: {  	[tilespmem:s28+$0x1A840] =	vst v0  }
0x22: {  	[tilespmem:s28+$0x1A850] =	vst v0  }
0x23: {  	[tilespmem:s28+$0x1A860] =	vst v0;
	s28 =	simm.s32 $0x0  }
0x24: {  	[tilespmem:s16], [sflag:$0x3] =	stream.linear.gather [hbm4b:s5+s28], $0x1400, $0x38;
	[tilespmem:$0x1E800] =	vst v63  }
0x25: {  	_ =	swait.ge [sflag:s17], $0x1400  }
0x26: {  	[sflag:s17] =	ssyncset.done $0x0  }
0x27: {  	[sflag:s17] =	ssyncadd.s32 $0xFFFFEC00  }
0x28: {  	[tilespmem:s18], [sflag:$0x3] =	stream.linear.gather [hbm4b:s6+s28], $0x1400, $0x38;
	[tilespmem:$0x1E800] =	vst v63  }
0x29: {  	_ =	swait.ge [sflag:s17], $0x1400  }
0x2a: {  	[sflag:s17] =	ssyncset.done $0x0  }
0x2b: {  	[sflag:s17] =	ssyncadd.s32 $0xFFFFEC00  }
0x2c: {  	[tilespmem:s20], [sflag:$0x1] =	stream.indirect.gather [hbm4b:s4+s19], $0x80, s16, s19, $0xb8;
	[tilespmem:$0x1E800] =	vst v63  }
0x2d: {  	_ = 	snop  }
0x2e: {  	[spmem:s7] =	stream.linear.scatter [tilespmem:s21], [sflag:$0x3], $0x4000, $0x38;
	[tilespmem:$0x1E800] =	vst v63  }
0x2f: {  	_ =	swait.ge [sflag:s17], $0x4000  }
0x30: {  	[sflag:s17] =	ssyncset.done $0x0  }
0x31: {  	[sflag:s17] =	ssyncadd.s32 $0xFFFFC000  }
0x32: {  	[spmem:s8] =	stream.linear.scatter [tilespmem:s21], [sflag:$0x3], $0x4000, $0x38;
	[tilespmem:$0x1E800] =	vst v63  }
0x33: {  	_ =	swait.ge [sflag:s17], $0x4000  }
0x34: {  	[sflag:s17] =	ssyncset.done $0x0  }
0x35: {  	[sflag:s17] =	ssyncadd.s32 $0xFFFFC000  }
0x36: {  	[spmem:s9] =	stream.linear.scatter [tilespmem:s21], [sflag:$0x3], $0x4000, $0x38;
	[tilespmem:$0x1E800] =	vst v63  }
0x37: {  	_ =	swait.ge [sflag:s17], $0x4000  }
0x38: {  	[sflag:s17] =	ssyncset.done $0x0  }
0x39: {  	[sflag:s17] =	ssyncadd.s32 $0xFFFFC000  }
0x3a: {  	[spmem:s10] =	stream.linear.scatter [tilespmem:s21], [sflag:$0x3], $0x4000, $0x38;
	[tilespmem:$0x1E800] =	vst v63  }
0x3b: {  	_ =	swait.ge [sflag:s17], $0x4000  }
0x3c: {  	[sflag:s17] =	ssyncset.done $0x0  }
0x3d: {  	[sflag:s17] =	ssyncadd.s32 $0xFFFFC000  }
0x3e: {  	[spmem:s11] =	stream.linear.scatter [tilespmem:s21], [sflag:$0x3], $0x4000, $0x38;
	[tilespmem:$0x1E800] =	vst v63  }
0x3f: {  	_ =	swait.ge [sflag:s17], $0x4000  }
0x40: {  	[sflag:s17] =	ssyncset.done $0x0  }
0x41: {  	[sflag:s17] =	ssyncadd.s32 $0xFFFFC000  }
0x42: {  	[bflag:$0x0] =	sbarrier.arrive $0xFFFF  }
0x43: {  	[tilespmem:s21], [sflag:$0x2] =	stream.indirect.gather [hbm4b:s4+s19], $0x80, s22, s19, $0xb8;
	[tilespmem:$0x1E800] =	vst v63  }
0x44: {  	_ =	swait.ge [sflag:s23], $0x4000  }
0x45: {  	[sflag:s23] =	ssyncset.done $0x0  }
0x46: {  	s28 =	simm.s32 $0x15400;
	[sflag:s23] =	ssyncadd.s32 $0xFFFFC000  }
0x47: {  	[spmem:s2] =	stream.indirect.scatter.add.f32 [tilespmem:s20], [sflag:$0x3], $0x80, s28, s19, $0xb8;
	[tilespmem:$0x1E800] =	vst v63  }
0x48: {  	_ =	swait.ge [sflag:s17], $0x4000  }
0x49: {  	[sflag:s17] =	ssyncset.done $0x0  }
0x4a: {  	s28 =	simm.s32 $0x14100;
	[sflag:s17] =	ssyncadd.s32 $0xFFFFC000  }
0x4b: {  	[tilespmem:s20], [sflag:$0x1] =	stream.indirect.gather [hbm4b:s4+s19], $0x80, s28, s19, $0xb8;
	[tilespmem:$0x1E800] =	vst v63  }
0x4c: {  	_ =	swait.ge [sflag:s24], $0x4000  }
0x4d: {  	[sflag:s24] =	ssyncset.done $0x0  }
0x4e: {  	s28 =	simm.s32 $0x15480;
	[sflag:s24] =	ssyncadd.s32 $0xFFFFC000  }
0x4f: {  	[spmem:s2] =	stream.indirect.scatter.add.f32 [tilespmem:s21], [sflag:$0x3], $0x80, s28, s19, $0xb8;
	[tilespmem:$0x1E800] =	vst v63  }
0x50: {  	_ =	swait.ge [sflag:s17], $0x4000  }
0x51: {  	[sflag:s17] =	ssyncset.done $0x0  }
0x52: {  	s29 =	simm.s32 $0x14180;
	s28 =	simm.s32 $0x400;
	[sflag:s17] =	ssyncadd.s32 $0xFFFFC000  }
.LBB2_4:
0x53: {  	[tilespmem:s21], [sflag:$0x2] =	stream.indirect.gather [hbm4b:s4+s19], $0x80, s29, s19, $0xb8;
	[tilespmem:$0x1E800] =	vst v63  }
0x54: {  	s29 =	smov.u32 s28  }
0x55: {  	p0 =	sne.s32 s28, $0x4800;
	s28 =	sadd.s32 $0x400, s28;
	_ =	swait.ge [sflag:s23], $0x4000  }
0x56: {  	s29 =	sshra.s32 s29, $0x2;
	[sflag:s23] =	ssyncset.done $0x0  }
0x57: {  	s30 =	sadd.s32 $0x15400, s29;
	[sflag:s23] =	ssyncadd.s32 $0xFFFFC000  }
0x58: {  	[spmem:s2] =	stream.indirect.scatter.add.f32 [tilespmem:s20], [sflag:$0x3], $0x80, s30, s19, $0xb8;
	[tilespmem:$0x1E800] =	vst v63  }
0x59: {  	_ =	swait.ge [sflag:s17], $0x4000  }
0x5a: {  	[sflag:s17] =	ssyncset.done $0x0  }
0x5b: {  	s30 =	sadd.s32 $0x14100, s29;
	[sflag:s17] =	ssyncadd.s32 $0xFFFFC000  }
0x5c: {  	[tilespmem:s20], [sflag:$0x1] =	stream.indirect.gather [hbm4b:s4+s19], $0x80, s30, s19, $0xb8;
	[tilespmem:$0x1E800] =	vst v63  }
0x5d: {  	_ =	swait.ge [sflag:s24], $0x4000  }
0x5e: {  	[sflag:s24] =	ssyncset.done $0x0  }
.Ltmp1:
0x5f: {  	s30 =	sadd.s32 $0x15480, s29;
	[sflag:s24] =	ssyncadd.s32 $0xFFFFC000;
	(pc) =	sbr.rel @p0 .LBB2_4-.Ltmp1, $4  }
0x60: {  	[spmem:s2] =	stream.indirect.scatter.add.f32 [tilespmem:s21], [sflag:$0x3], $0x80, s30, s19, $0xb8;
	[tilespmem:$0x1E800] =	vst v63  }
0x61: {  	_ =	swait.ge [sflag:s17], $0x4000  }
0x62: {  	[sflag:s17] =	ssyncset.done $0x0  }
0x63: {  	s29 =	sadd.s32 $0x14180, s29;
	[sflag:s17] =	ssyncadd.s32 $0xFFFFC000  }
0x64: {  	[tilespmem:s21], [sflag:$0x2] =	stream.indirect.gather [hbm4b:s4+s19], $0x80, s29, s19, $0xb8;
	[tilespmem:$0x1E800] =	vst v63  }
0x65: {  	_ =	swait.ge [sflag:s23], $0x4000  }
0x66: {  	[sflag:s23] =	ssyncset.done $0x0  }
0x67: {  	[sflag:s23] =	ssyncadd.s32 $0xFFFFC000  }
0x68: {  	[spmem:s2] =	stream.indirect.scatter.add.f32 [tilespmem:s20], [sflag:$0x3], $0x80, s25, s19, $0xb8;
	[tilespmem:$0x1E800] =	vst v63  }
0x69: {  	_ =	swait.ge [sflag:s17], $0x4000  }
0x6a: {  	[sflag:s17] =	ssyncset.done $0x0  }
0x6b: {  	[sflag:s17] =	ssyncadd.s32 $0xFFFFC000  }
0x6c: {  	_ =	swait.ge [sflag:s24], $0x4000  }
0x6d: {  	[sflag:s24] =	ssyncset.done $0x0  }
0x6e: {  	[sflag:s24] =	ssyncadd.s32 $0xFFFFC000  }
0x6f: {  	[spmem:s2] =	stream.indirect.scatter.add.f32 [tilespmem:s21], [sflag:$0x3], $0x80, s26, s19, $0xb8;
	[tilespmem:$0x1E800] =	vst v63  }
0x70: {  	_ =	swait.ge [sflag:s17], $0x4000  }
0x71: {  	[sflag:s17] =	ssyncset.done $0x0  }
0x72: {  	s28 =	simm.s32 $0x0;
	[sflag:s17] =	ssyncadd.s32 $0xFFFFC000  }
0x73: {  	[tilespmem:s16], [sflag:$0x3] =	stream.linear.gather [hbm4b:s12+s28], $0x1400, $0x38;
	[tilespmem:$0x1E800] =	vst v63  }
0x74: {  	_ =	swait.ge [sflag:s17], $0x1400  }
0x75: {  	[sflag:s17] =	ssyncset.done $0x0  }
0x76: {  	[sflag:s17] =	ssyncadd.s32 $0xFFFFEC00  }
0x77: {  	[tilespmem:s18], [sflag:$0x3] =	stream.linear.gather [hbm4b:s13+s28], $0x1400, $0x38;
	[tilespmem:$0x1E800] =	vst v63  }
0x78: {  	_ =	swait.ge [sflag:s17], $0x1400  }
0x79: {  	[sflag:s17] =	ssyncset.done $0x0  }
0x7a: {  	[sflag:s17] =	ssyncadd.s32 $0xFFFFEC00  }
0x7b: {  	[tilespmem:s20], [sflag:$0x1] =	stream.indirect.gather [hbm4b:s4+s19], $0x80, s16, s19, $0xb8;
	[tilespmem:$0x1E800] =	vst v63  }
0x7c: {  	_ = 	snop  }
0x7d: {  	[tilespmem:s21], [sflag:$0x2] =	stream.indirect.gather [hbm4b:s4+s19], $0x80, s22, s19, $0xb8;
	[tilespmem:$0x1E800] =	vst v63  }
0x7e: {  	_ =	swait.ge [sflag:s23], $0x4000  }
0x7f: {  	[sflag:s23] =	ssyncset.done $0x0  }
0x80: {  	s28 =	simm.s32 $0x15400;
	[sflag:s23] =	ssyncadd.s32 $0xFFFFC000  }
0x81: {  	[spmem:s2] =	stream.indirect.scatter.add.f32 [tilespmem:s20], [sflag:$0x3], $0x80, s28, s19, $0xb8;
	[tilespmem:$0x1E800] =	vst v63  }
0x82: {  	_ =	swait.ge [sflag:s17], $0x4000  }
0x83: {  	[sflag:s17] =	ssyncset.done $0x0  }
0x84: {  	s28 =	simm.s32 $0x14100;
	[sflag:s17] =	ssyncadd.s32 $0xFFFFC000  }
0x85: {  	[tilespmem:s20], [sflag:$0x1] =	stream.indirect.gather [hbm4b:s4+s19], $0x80, s28, s19, $0xb8;
	[tilespmem:$0x1E800] =	vst v63  }
0x86: {  	_ =	swait.ge [sflag:s24], $0x4000  }
0x87: {  	[sflag:s24] =	ssyncset.done $0x0  }
0x88: {  	s28 =	simm.s32 $0x15480;
	[sflag:s24] =	ssyncadd.s32 $0xFFFFC000  }
0x89: {  	[spmem:s2] =	stream.indirect.scatter.add.f32 [tilespmem:s21], [sflag:$0x3], $0x80, s28, s19, $0xb8;
	[tilespmem:$0x1E800] =	vst v63  }
0x8a: {  	_ =	swait.ge [sflag:s17], $0x4000  }
0x8b: {  	[sflag:s17] =	ssyncset.done $0x0  }
0x8c: {  	s29 =	simm.s32 $0x14180;
	s28 =	simm.s32 $0x400;
	[sflag:s17] =	ssyncadd.s32 $0xFFFFC000  }
.LBB2_6:
0x8d: {  	[tilespmem:s21], [sflag:$0x2] =	stream.indirect.gather [hbm4b:s4+s19], $0x80, s29, s19, $0xb8;
	[tilespmem:$0x1E800] =	vst v63  }
0x8e: {  	s29 =	smov.u32 s28  }
0x8f: {  	p0 =	sne.s32 s28, $0x4800;
	s28 =	sadd.s32 $0x400, s28;
	_ =	swait.ge [sflag:s23], $0x4000  }
0x90: {  	s29 =	sshra.s32 s29, $0x2;
	[sflag:s23] =	ssyncset.done $0x0  }
0x91: {  	s30 =	sadd.s32 $0x15400, s29;
	[sflag:s23] =	ssyncadd.s32 $0xFFFFC000  }
0x92: {  	[spmem:s2] =	stream.indirect.scatter.add.f32 [tilespmem:s20], [sflag:$0x3], $0x80, s30, s19, $0xb8;
	[tilespmem:$0x1E800] =	vst v63  }
0x93: {  	_ =	swait.ge [sflag:s17], $0x4000  }
0x94: {  	[sflag:s17] =	ssyncset.done $0x0  }
0x95: {  	s30 =	sadd.s32 $0x14100, s29;
	[sflag:s17] =	ssyncadd.s32 $0xFFFFC000  }
0x96: {  	[tilespmem:s20], [sflag:$0x1] =	stream.indirect.gather [hbm4b:s4+s19], $0x80, s30, s19, $0xb8;
	[tilespmem:$0x1E800] =	vst v63  }
0x97: {  	_ =	swait.ge [sflag:s24], $0x4000  }
0x98: {  	[sflag:s24] =	ssyncset.done $0x0  }
.Ltmp2:
0x99: {  	s30 =	sadd.s32 $0x15480, s29;
	[sflag:s24] =	ssyncadd.s32 $0xFFFFC000;
	(pc) =	sbr.rel @p0 .LBB2_6-.Ltmp2, $4  }
0x9a: {  	[spmem:s2] =	stream.indirect.scatter.add.f32 [tilespmem:s21], [sflag:$0x3], $0x80, s30, s19, $0xb8;
	[tilespmem:$0x1E800] =	vst v63  }
0x9b: {  	_ =	swait.ge [sflag:s17], $0x4000  }
0x9c: {  	[sflag:s17] =	ssyncset.done $0x0  }
0x9d: {  	s29 =	sadd.s32 $0x14180, s29;
	[sflag:s17] =	ssyncadd.s32 $0xFFFFC000  }
0x9e: {  	[tilespmem:s21], [sflag:$0x2] =	stream.indirect.gather [hbm4b:s4+s19], $0x80, s29, s19, $0xb8;
	[tilespmem:$0x1E800] =	vst v63  }
0x9f: {  	_ =	swait.ge [sflag:s23], $0x4000  }
0xa0: {  	[sflag:s23] =	ssyncset.done $0x0  }
0xa1: {  	[sflag:s23] =	ssyncadd.s32 $0xFFFFC000  }
0xa2: {  	[spmem:s2] =	stream.indirect.scatter.add.f32 [tilespmem:s20], [sflag:$0x3], $0x80, s25, s19, $0xb8;
	[tilespmem:$0x1E800] =	vst v63  }
0xa3: {  	_ =	swait.ge [sflag:s17], $0x4000  }
0xa4: {  	[sflag:s17] =	ssyncset.done $0x0  }
0xa5: {  	[sflag:s17] =	ssyncadd.s32 $0xFFFFC000  }
0xa6: {  	_ =	swait.ge [sflag:s24], $0x4000  }
0xa7: {  	[sflag:s24] =	ssyncset.done $0x0  }
0xa8: {  	[sflag:s24] =	ssyncadd.s32 $0xFFFFC000  }
0xa9: {  	[spmem:s2] =	stream.indirect.scatter.add.f32 [tilespmem:s21], [sflag:$0x3], $0x80, s26, s19, $0xb8;
	[tilespmem:$0x1E800] =	vst v63  }
0xaa: {  	_ =	swait.ge [sflag:s17], $0x4000  }
0xab: {  	s28 =	sshll.u32 s0, $0x6;
	s3 =	sadd.s32 $0x1, s3;
	[sflag:s17] =	ssyncset.done $0x0  }
0xac: {  	s31 =	sshrl.u32 s7, $0x3;
	p0 =	sne.s32 s3, s15;
	[sflag:s17] =	ssyncadd.s32 $0xFFFFC000  }
.Ltmp3:
0xad: {  	s28 =	sor.u32 $0x1C03, s28;
	[bflag:$0x0] =	sbarrier.arrive $0xFFFF;
	(pc) =	sbr.rel @p0 .LBB2_1-.Ltmp3, $4  }
0xae: {  	[hbm:s14], [sflag:s28] =	dma.local [spmem:s31], $0x2800  }
0xaf: {  	_ =	swait.ge [sflag:s17], $0x2800  }
0xb0: {  	[sflag:s17] =	ssyncset.done $0x0  }
0xb1: {  	[sflag:s17] =	ssyncadd.s32 $0xFFFFD800  }
0xb2: {  	_ =	sfence.sel $0x180000  }
0xb3: {  	[bflag:$0x0] =	sbarrier.arrive $0xFFFF  }
0xb4: {  	p0 =	sne.s32 s0, $0x0;
	_ =	strace $0x9000004A  }
0xb5: {  	s0 =	sadd.s32 @!p0 $0x100000, s1;
	[bflag:$0x2] =	sbarrier.arrive $0xFFFF  }
0xb6: {  	[sflag:s0] =	ssyncadd.tile.s32 @!p0 $0x1;
	_ =	shalt  }
.Lfunc_end2:
_tile_overlayer_lowered:
.L_overlay_start_2:
0xb7: {  	(tag) =	ssettag $0x2  }
0xb8: {  	s0 =	rddreg [dreg:$0x0];
	s2 =	stileid.u32  }
0xb9: {  	s1 =	rddreg [dreg:$0x1];
	p0 =	sne.s32 s2, $0x0  }
0xba: {  	s3 =	rddreg [dreg:$0x2];
	[bflag:$0x3] =	sbarrier.arrive $0xFFFF;
	s2 =	simm.s32 @!p0 $0x1C03  }
0xbb: {  	[timem:s3], [sflag:s2] =	dma.local @!p0 [hbm:s0], s1  }
0xbc: {  	s0 =	simm.s32 @!p0 $0x3  }
0xbd: {  	_ =	swait.ge @!p0 [sflag:s0], s1  }
0xbe: {  	s1 =	ssub.s32 @!p0 $0x0, s1;
	[sflag:s0] =	ssyncset.done @!p0 $0x0  }
0xbf: {  	[sflag:s0] =	ssyncadd.s32 @!p0 s1  }
0xc0: {  	[bflag:$0x3] =	sbarrier.arrive $0xFFFF  }
0xc1: {  	_ =	shalt  }

// kernel: kernel.7.cloned.1.call-start
scs
__scs_entry_jumppad:
0x0: {  	(pc) =	sbr.rel $0x88, $3  }
0x1: {  	(tag) =	ssettag $0x0;
	lr =	simm.s32 $0x1  }
0x2: {  	[smem:$0x3F97] =	sst lr;
	_ =	strace $0xD0000000  }
0x3: {  	_ = 	snop  }
0x4: {  	_ = 	snop  }
0x5: {  	_ = 	snop  }
0x6: {  	_ = 	snop  }
0x7: {  	_ = 	snop  }
__scs_overlays_trampoline_lowered:
0x8: {  	[smem:$0x3FA6] =	sst s0  }
0x9: {  	[smem:$0x3FA7] =	sst s1  }
0xa: {  	[smem:$0x3FA8] =	sst s2  }
0xb: {  	[smem:$0x3FA9] =	sst s3  }
0xc: {  	[smem:$0x3FAA] =	sst s4  }
0xd: {  	[smem:$0x3FAB] =	sst s5  }
0xe: {  	[smem:$0x3FAC] =	sst s6  }
0xf: {  	[smem:$0x3FAD] =	sst s7  }
0x10: {  	[smem:$0x3FAE] =	sst s8  }
0x11: {  	[smem:$0x3FAF] =	sst s9;
	s0 =	simm.s32 @!p0 $0x0  }
0x12: {  	s1 =	sld [smem:$0x3F95];
	s0 =	simm.s32 @p0 $0x1  }
0x13: {  	[smem:$0x3FB0] =	sst s0;
	s0 =	simm.s32 @!p1 $0x0  }
0x14: {  	s2 =	sld [smem:$0x3F94];
	s0 =	simm.s32 @p1 $0x1  }
0x15: {  	[smem:$0x3FB1] =	sst s0;
	s0 =	simm.s32 @!p2 $0x0  }
0x16: {  	s3 =	sld [smem:$0x3FDB];
	s0 =	simm.s32 @p2 $0x1  }
0x17: {  	s4 =	simm.s32 $0x1BF5;
	[smem:$0x3FB3] =	sst s0  }
0x18: {  	s0 =	sld [smem:$0x3F96];
	_ =	swait.ge [sflag:s4], $0x0  }
0x19: {  	s7 =	sld [smem:$0x3F97]  }
0x1a: {  	s8 =	sadd.s32 $0xFFFFE003, lr  }
0x1b: {  	s9 =	sadd.s32 $0xFFFFFEF7, lr;
	s5 =	simm.s32 $0xFFFFFFFF;
	p2 =	slt.u32 s8, $0xFFFFF086  }
0x1c: {  	p1 =	slt.u32 s9, $0xF7A;
	s5 =	simm.s32 @!p2 $0x0  }
0x1d: {  	s5 =	simm.s32 @p1 $0x1;
	p0 =	seq.s32 s7, s2  }
0x1e: {  	s7 =	smul.u32 @!p0 $0xF7A, s2;
	p2 =	seq.s32 @!p0 s5, $0x0  }
0x1f: {  	s9 =	smul.u32 $0xF7A, s1;
	s8 =	simm.s32 @!p0 $0x1BF5;
	p2 =	por !p2, p0  }
0x20: {  	[sflag:s8] =	ssyncset.s32 @!p0 $0xFFFFF086;
	s6 =	sadd.s32 @!p0 s3, s7;
	s7 =	simm.s32 @!p0 $0x108  }
0x21: {  	s3 =	sadd.s32 s3, s9;
	s6 =	sadd.s32 @!p0 $0x88, s6;
	s7 =	simm.s32 @p2 $0x1082  }
0x22: {  	[simem:s7], [sflag:s8] =	dma.local @!p0 [hbm:s6], $0xF7A  }
0x23: {  	s9 =	sor.u32 $0xD0000000, s2;
	s6 =	simm.s32 $0x108;
	_ =	swait.ge @!p0 [sflag:s8], $0x0  }
0x24: {  	s3 =	sadd.s32 $0x88, s3;
	s6 =	simm.s32 @!p1 $0x1082;
	[sflag:s4] =	ssyncset.s32 $0xFFFFF086  }
0x25: {  	[simem:s6], [sflag:s4] =	dma.local [hbm:s3], $0xF7A  }
0x26: {  	[smem:$0x3F97] =	sst s1;
	(tag) =	ssettag s2;
	_ =	strace s9  }
0x27: {  	s1 =	sld [smem:$0x3FA7]  }
0x28: {  	s2 =	sld [smem:$0x3FA8]  }
0x29: {  	s4 =	sld [smem:$0x3FAA]  }
0x2a: {  	p0 =	seq.s32 s5, $0x0;
	s5 =	sld [smem:$0x3FAB]  }
0x2b: {  	s6 =	sld [smem:$0x3FAC]  }
0x2c: {  	s7 =	sld [smem:$0x3FAD]  }
0x2d: {  	s3 =	simm.s32 $0x108;
	s8 =	sld [smem:$0x3FAE]  }
0x2e: {  	s3 =	simm.s32 @!p0 $0x1082;
	s9 =	sld [smem:$0x3FAF]  }
0x2f: {  	lr =	sadd.s32 s0, s3;
	s0 =	sld [smem:$0x3FA6]  }
0x30: {  	s3 =	sld [smem:$0x3FA9]  }
0x31: {  	[smem:$0x3FB2] =	sst s10  }
0x32: {  	s10 =	sld [smem:$0x3FB0];
	_ =	sdelay $0x3  }
0x33: {  	p0 =	seq.s32 s10, $0x1;
	s10 =	sld [smem:$0x3FB2];
	_ =	sdelay $0x3  }
0x34: {  	[smem:$0x3FB2] =	sst s10  }
0x35: {  	s10 =	sld [smem:$0x3FB1];
	_ =	sdelay $0x3  }
0x36: {  	p1 =	seq.s32 s10, $0x1;
	s10 =	sld [smem:$0x3FB2];
	_ =	sdelay $0x3  }
0x37: {  	[smem:$0x3FB2] =	sst s10  }
0x38: {  	s10 =	sld [smem:$0x3FB3]  }
0x39: {  	_ = 	snop;
	(pc) =	sbr.ind lr, $3  }
0x3a: {  	_ = 	snop  }
0x3b: {  	_ = 	snop  }
0x3c: {  	p2 =	seq.s32 s10, $0x1;
	s10 =	sld [smem:$0x3FB2]  }
0x3d: {  	_ =	shalt  }
0x3e: {  	_ =	shalt  }
0x3f: {  	_ =	shalt  }
0x40: {  	_ =	shalt  }
0x41: {  	_ =	shalt  }
0x42: {  	_ =	shalt  }
0x43: {  	_ =	shalt  }
0x44: {  	_ =	shalt  }
0x45: {  	_ =	shalt  }
0x46: {  	_ =	shalt  }
0x47: {  	_ =	shalt  }
0x48: {  	_ =	shalt  }
0x49: {  	_ =	shalt  }
0x4a: {  	_ =	shalt  }
0x4b: {  	_ =	shalt  }
0x4c: {  	_ =	shalt  }
0x4d: {  	_ =	shalt  }
0x4e: {  	_ =	shalt  }
0x4f: {  	_ =	shalt  }
0x50: {  	_ =	shalt  }
0x51: {  	_ =	shalt  }
0x52: {  	_ =	shalt  }
0x53: {  	_ =	shalt  }
0x54: {  	_ =	shalt  }
0x55: {  	_ =	shalt  }
0x56: {  	_ =	shalt  }
0x57: {  	_ =	shalt  }
0x58: {  	_ =	shalt  }
0x59: {  	_ =	shalt  }
0x5a: {  	_ =	shalt  }
0x5b: {  	_ =	shalt  }
0x5c: {  	_ =	shalt  }
0x5d: {  	_ =	shalt  }
0x5e: {  	_ =	shalt  }
0x5f: {  	_ =	shalt  }
0x60: {  	_ =	shalt  }
0x61: {  	_ =	shalt  }
0x62: {  	_ =	shalt  }
0x63: {  	_ =	shalt  }
0x64: {  	_ =	shalt  }
0x65: {  	_ =	shalt  }
0x66: {  	_ =	shalt  }
0x67: {  	_ =	shalt  }
0x68: {  	_ =	shalt  }
0x69: {  	_ =	shalt  }
0x6a: {  	_ =	shalt  }
0x6b: {  	_ =	shalt  }
0x6c: {  	_ =	shalt  }
0x6d: {  	_ =	shalt  }
0x6e: {  	_ =	shalt  }
0x6f: {  	_ =	shalt  }
0x70: {  	_ =	shalt  }
0x71: {  	_ =	shalt  }
0x72: {  	_ =	shalt  }
0x73: {  	_ =	shalt  }
0x74: {  	_ =	shalt  }
0x75: {  	_ =	shalt  }
0x76: {  	_ =	shalt  }
0x77: {  	_ =	shalt  }
0x78: {  	_ =	shalt  }
0x79: {  	_ =	shalt  }
0x7a: {  	_ =	shalt  }
0x7b: {  	_ =	shalt  }
0x7c: {  	_ =	shalt  }
0x7d: {  	_ =	shalt  }
0x7e: {  	_ =	shalt  }
0x7f: {  	_ =	shalt  }
0x80: {  	_ =	shalt  }
0x81: {  	_ =	shalt  }
0x82: {  	_ =	shalt  }
0x83: {  	_ =	shalt  }
0x84: {  	_ =	shalt  }
0x85: {  	_ =	shalt  }
0x86: {  	_ =	shalt  }
0x87: {  	_ =	shalt  }
.Lfunc_end0:
.L_simem_size_0:
called_computation_lowered:
.L_overlay_start_0:
0x88: {  	s2 =	sld [smem:$0x3FD9]  }
0x89: {  	s3 =	sld [smem:$0x3FFE];
	_ =	sdelay $0x1  }
0x8a: {  	s1 =	srdreg.scid  }
0x8b: {  	s0 =	sand.u32 $0x1, s1  }
0x8c: {  	s14 =	sshll.u32 s0, $0xA;
	s2 =	sadd.s32 s3, s2  }
0x8d: {  	s2 =	sadd.s32 s2, s14  }
0x8e: {  	[smem:$0x3FBE] =	sst s2  }
0x8f: {  	_ = 	snop  }
0x90: {  	s2 =	sld [smem:$0x3FD0];
	_ =	sdelay $0x2  }
0x91: {  	s15 =	simm.s32 $0xA;
	s4 =	simm.s32 $0x10  }
0x92: {  	[smem:s4], [sflag:s15] =	dma.local [hbm:s2], $0x1  }
0x93: {  	_ =	swait.eq [sflag:s15], $0x1  }
0x94: {  	[sflag:s15] =	ssyncset.done $0x0  }
0x95: {  	[sflag:s15] =	ssyncadd.s32 $0xFFFFFFFF  }
0x96: {  	s16 =	sld [smem:$0x11];
	(tm) =	ssettm $0x1  }
0x97: {  	s17 =	sld [smem:$0x3FFB];
	_ =	sdelay $0x3  }
0x98: {  	_ =	strace s17  }
0x99: {  	s3 =	sld [smem:$0x3FFC];
	_ =	sdelay $0x3  }
0x9a: {  	_ =	strace s3  }
0x9b: {  	s3 =	sld [smem:$0x3FFD];
	_ =	sdelay $0x3  }
0x9c: {  	_ =	strace s3  }
0x9d: {  	_ =	strace $0x8FFFFFFF  }
0x9e: {  	s18 =	sld [smem:$0x3FDB];
	_ =	sdelay $0x1  }
0x9f: {  	s19 =	simm.s32 $_scs_section_size  }
0xa0: {  	s5 =	simm.s32 $_size__tile_overlayer_lowered;
	s6 =	simm.s32 $_tile_overlayer_lowered  }
0xa1: {  	s22 =	simm.s32 $0x1BFF;
	s21 =	sshll.u32 s6, $0x1;
	s3 =	sadd.s32 s19, s18  }
0xa2: {  	s7 =	simm.s32 $0x0;
	s20 =	sshll.u32 s5, $0x1;
	s5 =	sadd.s32 s21, s3  }
0xa3: {  	[timem:s7], [sflag:s22] =	dma.local [hbm:s5], s20  }
0xa4: {  	_ =	swait.ge [sflag:s22], s20  }
0xa5: {  	s4 =	ssub.s32 $0x0, s20;
	[sflag:s22] =	ssyncset.done $0x0  }
0xa6: {  	[sflag:s22] =	ssyncadd.s32 s4;
	_ =	sdelay $0x1  }
0xa7: {  	s23 =	simm.s32 $0x1B8B  }
0xa8: {  	_ =	swait.ge [sflag:s23], $0x1  }
0xa9: {  	[sflag:s23] =	ssyncset.done $0x0  }
0xaa: {  	s25 =	simm.s32 $0x1B8E;
	s24 =	sld [smem:$0x3FFE];
	[sflag:s23] =	ssyncadd.s32 $0xFFFFFFFF  }
0xab: {  	s26 =	simm.s32 $execute0_lowered;
	[smem:$0x3FD2] =	sst s25  }
0xac: {  	s5 =	sshll.u32 s26, $0x1;
	_ =	strace $0x80000046;
	[dreg:$0x1] =	wrdreg $0xFFFFFFFF  }
0xad: {  	s28 =	simm.s32 $_size_execute0_lowered;
	s3 =	sadd.s32 s3, s5;
	[dreg:$0x0] =	wrdreg $0x0  }
0xae: {  	s5 =	sshll.u32 s28, $0x1;
	[dreg:$0x2] =	wrdreg s3  }
0xaf: {  	[dreg:$0x3] =	wrdreg s5  }
0xb0: {  	[dreg:$0x4] =	wrdreg $0xC0  }
0xb1: {  	_ =	task [dreg:s7], $0x5FFFF  }
0xb2: {  	[dreg:$0x1] =	wrdreg $0xFFFFFFFF  }
0xb3: {  	[dreg:$0x0] =	wrdreg $0x60  }
0xb4: {  	[dreg:$0x2] =	wrdreg s24  }
0xb5: {  	[dreg:$0x3] =	wrdreg s16  }
0xb6: {  	[dreg:$0x4] =	wrdreg $0x0  }
0xb7: {  	[dreg:$0x5] =	wrdreg $0x9  }
0xb8: {  	_ =	task.clear_ibuf [dreg:s7], $0x6FFFF;
	_ =	strace $0x90000046  }
0xb9: {  	s29 =	simm.s32 $0x9;
	_ =	strace $0x80000048  }
0xba: {  	_ =	swait.ge [sflag:s29], $0x1  }
0xbb: {  	[sflag:s29] =	ssyncadd.s32 $0xFFFFFFFF  }
0xbc: {  	_ =	strace $0x90000048  }
0xbd: {  	_ =	sfence  }
0xbe: {  	s30 =	sld [smem:$0x0];
	_ =	sdelay $0x2  }
0xbf: {  	s31 =	sshll.u32 s1, $0xD;
	s1 =	sshrl.u32 s1, $0x2  }
0xc0: {  	s3 =	sand.u32 $0x4000, s31;
	s1 =	sadd.s32 s1, s30  }
0xc1: {  	s0 =	sor.u32 s3, s0;
	s1 =	sshll.u32 s1, $0x11  }
0xc2: {  	s0 =	sor.u32 s1, s0  }
0xc3: {  	s0 =	sadd.s32 $0x8F2B, s0  }
0xc4: {  	[sflag:s0] =	ssyncadd.remote.s32 $0x1  }
0xc5: {  	_ =	sfence.sel $0xFFFF  }
0xc6: {  	[dreg:$0x0] =	wrdreg $0xFFFFFFFF;
	(pc) =	sbr.abs _section_cstart, $3  }
0xc7: {  	[dreg:$0x1] =	wrdreg $0xFFFFFFFF  }
0xc8: {  	_ =	task.clear_ibuf [dreg:s7], $0x2FFFF;
	_ =	strace $0x9FFFFFFF  }
0xc9: {  	(tm) =	ssettm $0x7FFFFFFF  }
tec
execute0_lowered:
.L_overlay_start_1:
0x0: {  	(tag) =	ssettag $0x1  }
0x1: {  	s5 =	rddreg [dreg:$0x0]  }
0x2: {  	s13 =	rddreg [dreg:$0x1]  }
0x3: {  	s2 =	rddreg [dreg:$0x2]  }
0x4: {  	s0 =	rddreg [dreg:$0x3]  }
0x5: {  	s4 =	srdreg.scid;
	s1 =	stileid.u32;
	s3 =	simm.s32 $0x0  }
0x6: {  	s17 =	simm.s32 $0x3;
	s18 =	simm.s32 $0x15400;
	s19 =	simm.s32 $0x80  }
0x7: {  	s20 =	simm.s32 $0x16800;
	s21 =	simm.s32 $0x1A800;
	s22 =	simm.s32 $0x14080  }
0x8: {  	s23 =	simm.s32 $0x1;
	s24 =	simm.s32 $0x2;
	s6 =	sand.u32 $0x1, s4  }
0x9: {  	s7 =	smul.u32 $0x280, s1;
	[smem:$0x7FF] =	sst s3;
	s9 =	sshll.u32 s1, $0x1  }
0xa: {  	s4 =	sadd.s32 $0xCE00, s5;
	s12 =	sadd.s32 $0x2E00, s5;
	s10 =	smul.u32 $0x50000, s1  }
0xb: {  	s8 =	smul.u32 $0x2800, s6;
	s9 =	sor.u32 s6, s9;
	s6 =	ssub.s32 $0x2, s6  }
0xc: {  	_ =	strace $0x80000047;
	s28 =	smul.u32 $0x500, s9;
	s29 =	sshrl.u32 s6, $0x1  }
0xd: {  	s9 =	smul.u32 $0x2800, s9;
	s30 =	sshrl.u32 s10, $0x2;
	s7 =	sadd.s32 s7, s8  }
0xe: {  	s15 =	ssub.s32 s6, s29;
	s7 =	sshll.u32 s7, $0x4;
	s6 =	sadd.s32 s13, s28  }
.Ltmp0:
0xf: {  	s31 =	sshrl.u32 s9, $0x3;
	s15 =	smax.u32 s15, $0x1;
	(pc) =	sbr.rel .LBB2_1-.Ltmp0, $4  }
0x10: {  	s14 =	sadd.s32 s7, s5;
	s5 =	sadd.s32 s12, s28;
	s7 =	sadd.s32 s30, s2  }
0x11: {  	s16 =	sadd.s32 $0x280, s31;
	s8 =	sadd.s32 $0x4000, s7;
	s9 =	sadd.s32 $0x8000, s7  }
0x12: {  	v0 =	vimm.f32 $0.0e+00;
	vm0 =	vcmask $0x300;
	s10 =	sadd.s32 $0xC000, s7;
	s11 =	sadd.s32 $0x10000, s7;
	s12 =	sadd.s32 s12, s16  }
0x13: {  	v1 =	vsel vm0, $0x3F800000, v0;
	s13 =	sadd.s32 s13, s16;
	s14 =	sadd.s32 $0x34E00, s14;
	s16 =	simm.s32 $0x14000  }
.LBB2_9:
0x14: {  	s3 =	sadd.s32 $0x1, s3  }
0x15: {  	s25 =	sshll.u32 s1, $0x6;
	[bflag:$0x0] =	sbarrier.arrive $0xFFFF;
	p0 =	sne.s32 s3, s15  }
.Ltmp1:
0x16: {  	s26 =	sshrl.u32 s7, $0x3;
	s25 =	sor.u32 $0x1C03, s25;
	(pc) =	sbr.rel @!p0 .LBB2_10-.Ltmp1, $4  }
0x17: {  	[hbm:s14], [sflag:s25] =	dma.local [spmem:s26], $0x2800  }
0x18: {  	_ =	swait.ge [sflag:s17], $0x2800  }
0x19: {  	[sflag:s17] =	ssyncset.done $0x0  }
0x1a: {  	[sflag:s17] =	ssyncadd.s32 $0xFFFFD800  }
.LBB2_1:
0x1b: {  	s25 =	simm.s32 $0x0;
	s26 =	simm.s32 $0x200  }
.LBB2_2:
0x1c: {  	p0 =	sne.s32 s26, $0xFE00;
	[tilespmem:s25+$0x1A870] =	vst v0  }
0x1d: {  	[tilespmem:s25+$0x1A800] =	vst v0  }
0x1e: {  	[tilespmem:s25+$0x1A810] =	vst v0  }
.Ltmp2:
0x1f: {  	[tilespmem:s25+$0x1A820] =	vst v0;
	(pc) =	sbr.rel @p0 .LBB2_2-.Ltmp2, $4  }
0x20: {  	[tilespmem:s25+$0x1A830] =	vst v0  }
0x21: {  	[tilespmem:s25+$0x1A840] =	vst v0  }
0x22: {  	[tilespmem:s25+$0x1A850] =	vst v0  }
0x23: {  	[tilespmem:s25+$0x1A860] =	vst v0;
	s25 =	sshra.s32 s26, $0x2;
	s26 =	sadd.s32 $0x200, s26  }
0x24: {  	[tilespmem:s25+$0x1A870] =	vst v0  }
0x25: {  	[tilespmem:s25+$0x1A800] =	vst v0  }
0x26: {  	[tilespmem:s25+$0x1A810] =	vst v0  }
0x27: {  	[tilespmem:s25+$0x1A820] =	vst v0  }
0x28: {  	[tilespmem:s25+$0x1A830] =	vst v0  }
0x29: {  	[tilespmem:s25+$0x1A840] =	vst v0  }
0x2a: {  	[tilespmem:s25+$0x1A850] =	vst v0  }
0x2b: {  	[tilespmem:s25+$0x1A860] =	vst v0;
	s25 =	simm.s32 $0x0  }
0x2c: {  	[tilespmem:s16], [sflag:$0x3] =	stream.linear.gather [hbm4b:s5+s25], $0x1400, $0x38;
	[tilespmem:$0x1E800] =	vst v63  }
0x2d: {  	_ =	swait.ge [sflag:s17], $0x1400  }
0x2e: {  	[sflag:s17] =	ssyncset.done $0x0  }
0x2f: {  	[sflag:s17] =	ssyncadd.s32 $0xFFFFEC00  }
0x30: {  	[tilespmem:s18], [sflag:$0x3] =	stream.linear.gather [hbm4b:s6+s25], $0x1400, $0x38;
	[tilespmem:$0x1E800] =	vst v63  }
0x31: {  	_ =	swait.ge [sflag:s17], $0x1400  }
0x32: {  	[sflag:s17] =	ssyncset.done $0x0  }
0x33: {  	[sflag:s17] =	ssyncadd.s32 $0xFFFFEC00  }
0x34: {  	[tilespmem:s20], [sflag:$0x1] =	stream.indirect.gather [hbm4b:s4+s19], $0x80, s16, s19, $0xb8;
	[tilespmem:$0x1E800] =	vst v63  }
0x35: {  	_ = 	snop  }
0x36: {  	[spmem:s7] =	stream.linear.scatter [tilespmem:s21], [sflag:$0x3], $0x4000, $0x38;
	[tilespmem:$0x1E800] =	vst v63  }
0x37: {  	_ =	swait.ge [sflag:s17], $0x4000  }
0x38: {  	[sflag:s17] =	ssyncset.done $0x0  }
0x39: {  	[sflag:s17] =	ssyncadd.s32 $0xFFFFC000  }
0x3a: {  	[spmem:s8] =	stream.linear.scatter [tilespmem:s21], [sflag:$0x3], $0x4000, $0x38;
	[tilespmem:$0x1E800] =	vst v63  }
0x3b: {  	_ =	swait.ge [sflag:s17], $0x4000  }
0x3c: {  	[sflag:s17] =	ssyncset.done $0x0  }
0x3d: {  	[sflag:s17] =	ssyncadd.s32 $0xFFFFC000  }
0x3e: {  	[spmem:s9] =	stream.linear.scatter [tilespmem:s21], [sflag:$0x3], $0x4000, $0x38;
	[tilespmem:$0x1E800] =	vst v63  }
0x3f: {  	_ =	swait.ge [sflag:s17], $0x4000  }
0x40: {  	[sflag:s17] =	ssyncset.done $0x0  }
0x41: {  	[sflag:s17] =	ssyncadd.s32 $0xFFFFC000  }
0x42: {  	[spmem:s10] =	stream.linear.scatter [tilespmem:s21], [sflag:$0x3], $0x4000, $0x38;
	[tilespmem:$0x1E800] =	vst v63  }
0x43: {  	_ =	swait.ge [sflag:s17], $0x4000  }
0x44: {  	[sflag:s17] =	ssyncset.done $0x0  }
0x45: {  	[sflag:s17] =	ssyncadd.s32 $0xFFFFC000  }
0x46: {  	[spmem:s11] =	stream.linear.scatter [tilespmem:s21], [sflag:$0x3], $0x4000, $0x38;
	[tilespmem:$0x1E800] =	vst v63  }
0x47: {  	_ =	swait.ge [sflag:s17], $0x4000  }
0x48: {  	[sflag:s17] =	ssyncset.done $0x0  }
0x49: {  	[sflag:s17] =	ssyncadd.s32 $0xFFFFC000  }
0x4a: {  	[bflag:$0x0] =	sbarrier.arrive $0xFFFF  }
0x4b: {  	[tilespmem:s21], [sflag:$0x2] =	stream.indirect.gather [hbm4b:s4+s19], $0x80, s22, s19, $0xb8;
	[tilespmem:$0x1E800] =	vst v63  }
.LBB2_4:
0x4c: {  	_ =	swait.ge [sflag:s23], $0x4000  }
0x4d: {  	[sflag:s23] =	ssyncset.done $0x0  }
0x4e: {  	[sflag:s23] =	ssyncadd.s32 $0xFFFFC000  }
0x4f: {  	[tilespmem:$0x16840] =	vst v1  }
0x50: {  	[tilespmem:$0x168C0] =	vst v1  }
0x51: {  	[tilespmem:$0x16940] =	vst v1  }
0x52: {  	[tilespmem:$0x169C0] =	vst v1  }
0x53: {  	[tilespmem:$0x16A40] =	vst v1  }
0x54: {  	[tilespmem:$0x16AC0] =	vst v1  }
0x55: {  	[tilespmem:$0x16B40] =	vst v1  }
0x56: {  	[tilespmem:$0x16BC0] =	vst v1  }
0x57: {  	[tilespmem:$0x16C40] =	vst v1  }
0x58: {  	[tilespmem:$0x16CC0] =	vst v1  }
0x59: {  	[tilespmem:$0x16D40] =	vst v1  }
0x5a: {  	[tilespmem:$0x16DC0] =	vst v1  }
0x5b: {  	[tilespmem:$0x16E40] =	vst v1  }
0x5c: {  	[tilespmem:$0x16EC0] =	vst v1  }
0x5d: {  	[tilespmem:$0x16F40] =	vst v1  }
0x5e: {  	[tilespmem:$0x16FC0] =	vst v1  }
0x5f: {  	[tilespmem:$0x17040] =	vst v1  }
0x60: {  	[tilespmem:$0x170C0] =	vst v1  }
0x61: {  	[tilespmem:$0x17140] =	vst v1  }
0x62: {  	[tilespmem:$0x171C0] =	vst v1  }
0x63: {  	[tilespmem:$0x17240] =	vst v1  }
0x64: {  	[tilespmem:$0x172C0] =	vst v1  }
0x65: {  	[tilespmem:$0x17340] =	vst v1  }
0x66: {  	[tilespmem:$0x173C0] =	vst v1  }
0x67: {  	[tilespmem:$0x17440] =	vst v1  }
0x68: {  	[tilespmem:$0x174C0] =	vst v1  }
0x69: {  	[tilespmem:$0x17540] =	vst v1  }
0x6a: {  	[tilespmem:$0x175C0] =	vst v1  }
0x6b: {  	[tilespmem:$0x17640] =	vst v1  }
0x6c: {  	[tilespmem:$0x176C0] =	vst v1  }
0x6d: {  	[tilespmem:$0x17740] =	vst v1  }
0x6e: {  	[tilespmem:$0x177C0] =	vst v1  }
0x6f: {  	[tilespmem:$0x17840] =	vst v1  }
0x70: {  	[tilespmem:$0x178C0] =	vst v1  }
0x71: {  	[tilespmem:$0x17940] =	vst v1  }
0x72: {  	[tilespmem:$0x179C0] =	vst v1  }
0x73: {  	[tilespmem:$0x17A40] =	vst v1  }
0x74: {  	[tilespmem:$0x17AC0] =	vst v1  }
0x75: {  	[tilespmem:$0x17B40] =	vst v1  }
0x76: {  	[tilespmem:$0x17BC0] =	vst v1  }
0x77: {  	[tilespmem:$0x17C40] =	vst v1  }
0x78: {  	[tilespmem:$0x17CC0] =	vst v1  }
0x79: {  	[tilespmem:$0x17D40] =	vst v1  }
0x7a: {  	[tilespmem:$0x17DC0] =	vst v1  }
0x7b: {  	[tilespmem:$0x17E40] =	vst v1  }
0x7c: {  	[tilespmem:$0x17EC0] =	vst v1  }
0x7d: {  	[tilespmem:$0x17F40] =	vst v1  }
0x7e: {  	[tilespmem:$0x17FC0] =	vst v1  }
0x7f: {  	[tilespmem:$0x18040] =	vst v1  }
0x80: {  	[tilespmem:$0x180C0] =	vst v1  }
0x81: {  	[tilespmem:$0x18140] =	vst v1  }
0x82: {  	[tilespmem:$0x181C0] =	vst v1  }
0x83: {  	[tilespmem:$0x18240] =	vst v1  }
0x84: {  	[tilespmem:$0x182C0] =	vst v1  }
0x85: {  	[tilespmem:$0x18340] =	vst v1  }
0x86: {  	[tilespmem:$0x183C0] =	vst v1  }
0x87: {  	[tilespmem:$0x18440] =	vst v1  }
0x88: {  	[tilespmem:$0x184C0] =	vst v1  }
0x89: {  	[tilespmem:$0x18540] =	vst v1  }
0x8a: {  	[tilespmem:$0x185C0] =	vst v1  }
0x8b: {  	[tilespmem:$0x18640] =	vst v1  }
0x8c: {  	[tilespmem:$0x186C0] =	vst v1  }
0x8d: {  	[tilespmem:$0x18740] =	vst v1  }
0x8e: {  	[tilespmem:$0x187C0] =	vst v1  }
0x8f: {  	[tilespmem:$0x18840] =	vst v1  }
0x90: {  	[tilespmem:$0x188C0] =	vst v1  }
0x91: {  	[tilespmem:$0x18940] =	vst v1  }
0x92: {  	[tilespmem:$0x189C0] =	vst v1  }
0x93: {  	[tilespmem:$0x18A40] =	vst v1  }
0x94: {  	[tilespmem:$0x18AC0] =	vst v1  }
0x95: {  	[tilespmem:$0x18B40] =	vst v1  }
0x96: {  	[tilespmem:$0x18BC0] =	vst v1  }
0x97: {  	[tilespmem:$0x18C40] =	vst v1  }
0x98: {  	[tilespmem:$0x18CC0] =	vst v1  }
0x99: {  	[tilespmem:$0x18D40] =	vst v1  }
0x9a: {  	[tilespmem:$0x18DC0] =	vst v1  }
0x9b: {  	[tilespmem:$0x18E40] =	vst v1  }
0x9c: {  	[tilespmem:$0x18EC0] =	vst v1  }
0x9d: {  	[tilespmem:$0x18F40] =	vst v1  }
0x9e: {  	[tilespmem:$0x18FC0] =	vst v1  }
0x9f: {  	[tilespmem:$0x19040] =	vst v1  }
0xa0: {  	[tilespmem:$0x190C0] =	vst v1  }
0xa1: {  	[tilespmem:$0x19140] =	vst v1  }
0xa2: {  	[tilespmem:$0x191C0] =	vst v1  }
0xa3: {  	[tilespmem:$0x19240] =	vst v1  }
0xa4: {  	[tilespmem:$0x192C0] =	vst v1  }
0xa5: {  	[tilespmem:$0x19340] =	vst v1  }
0xa6: {  	[tilespmem:$0x193C0] =	vst v1  }
0xa7: {  	[tilespmem:$0x19440] =	vst v1  }
0xa8: {  	[tilespmem:$0x194C0] =	vst v1  }
0xa9: {  	[tilespmem:$0x19540] =	vst v1  }
0xaa: {  	[tilespmem:$0x195C0] =	vst v1  }
0xab: {  	[tilespmem:$0x19640] =	vst v1  }
0xac: {  	[tilespmem:$0x196C0] =	vst v1  }
0xad: {  	[tilespmem:$0x19740] =	vst v1  }
0xae: {  	[tilespmem:$0x197C0] =	vst v1  }
0xaf: {  	[tilespmem:$0x19840] =	vst v1  }
0xb0: {  	[tilespmem:$0x198C0] =	vst v1  }
0xb1: {  	[tilespmem:$0x19940] =	vst v1  }
0xb2: {  	[tilespmem:$0x199C0] =	vst v1  }
0xb3: {  	[tilespmem:$0x19A40] =	vst v1  }
0xb4: {  	[tilespmem:$0x19AC0] =	vst v1  }
0xb5: {  	[tilespmem:$0x19B40] =	vst v1  }
0xb6: {  	[tilespmem:$0x19BC0] =	vst v1  }
0xb7: {  	[tilespmem:$0x19C40] =	vst v1  }
0xb8: {  	[tilespmem:$0x19CC0] =	vst v1  }
0xb9: {  	[tilespmem:$0x19D40] =	vst v1  }
0xba: {  	[tilespmem:$0x19DC0] =	vst v1  }
0xbb: {  	[tilespmem:$0x19E40] =	vst v1  }
0xbc: {  	[tilespmem:$0x19EC0] =	vst v1  }
0xbd: {  	[tilespmem:$0x19F40] =	vst v1  }
0xbe: {  	[tilespmem:$0x19FC0] =	vst v1  }
0xbf: {  	[tilespmem:$0x1A040] =	vst v1  }
0xc0: {  	[tilespmem:$0x1A0C0] =	vst v1  }
0xc1: {  	[tilespmem:$0x1A140] =	vst v1  }
0xc2: {  	[tilespmem:$0x1A1C0] =	vst v1  }
0xc3: {  	[tilespmem:$0x1A240] =	vst v1  }
0xc4: {  	[tilespmem:$0x1A2C0] =	vst v1  }
0xc5: {  	[tilespmem:$0x1A340] =	vst v1  }
0xc6: {  	[tilespmem:$0x1A3C0] =	vst v1  }
0xc7: {  	[tilespmem:$0x1A440] =	vst v1  }
0xc8: {  	[tilespmem:$0x1A4C0] =	vst v1  }
0xc9: {  	[tilespmem:$0x1A540] =	vst v1  }
0xca: {  	[tilespmem:$0x1A5C0] =	vst v1  }
0xcb: {  	[tilespmem:$0x1A640] =	vst v1  }
0xcc: {  	[tilespmem:$0x1A6C0] =	vst v1  }
0xcd: {  	s26 =	sshra.s32 s25, $0x2;
	[tilespmem:$0x1A740] =	vst v1  }
0xce: {  	s28 =	sadd.s32 $0x15400, s26;
	[tilespmem:$0x1A7C0] =	vst v1  }
0xcf: {  	[spmem:s2] =	stream.indirect.scatter.add.f32 [tilespmem:s20], [sflag:$0x3], $0x80, s28, s19, $0xb8;
	[tilespmem:$0x1E800] =	vst v63  }
0xd0: {  	p0 =	seq.s32 s25, $0x4C00;
	_ =	swait.ge [sflag:s17], $0x4000  }
0xd1: {  	s29 =	simm.s32 @!p0 $0x80;
	s28 =	sshra.s32 @!p0 s25, $0x2;
	[sflag:s17] =	ssyncset.done $0x0  }
0xd2: {  	s30 =	simm.s32 @!p0 $0x16800;
	s28 =	sadd.s32 @!p0 $0x14100, s28;
	[sflag:s17] =	ssyncadd.s32 $0xFFFFC000  }
0xd3: {  	[tilespmem:s30], [sflag:$0x1] =	stream.indirect.gather @!p0 [hbm4b:s4+s29], $0x80, s28, s29, $0xb8;
	[tilespmem:$0x1E800] =	vst v63  }
0xd4: {  	_ =	swait.ge [sflag:s24], $0x4000  }
0xd5: {  	[sflag:s24] =	ssyncset.done $0x0  }
0xd6: {  	[sflag:s24] =	ssyncadd.s32 $0xFFFFC000  }
0xd7: {  	[tilespmem:$0x1A840] =	vst v1  }
0xd8: {  	[tilespmem:$0x1A8C0] =	vst v1  }
0xd9: {  	[tilespmem:$0x1A940] =	vst v1  }
0xda: {  	[tilespmem:$0x1A9C0] =	vst v1  }
0xdb: {  	[tilespmem:$0x1AA40] =	vst v1  }
0xdc: {  	[tilespmem:$0x1AAC0] =	vst v1  }
0xdd: {  	[tilespmem:$0x1AB40] =	vst v1  }
0xde: {  	[tilespmem:$0x1ABC0] =	vst v1  }
0xdf: {  	[tilespmem:$0x1AC40] =	vst v1  }
0xe0: {  	[tilespmem:$0x1ACC0] =	vst v1  }
0xe1: {  	[tilespmem:$0x1AD40] =	vst v1  }
0xe2: {  	[tilespmem:$0x1ADC0] =	vst v1  }
0xe3: {  	[tilespmem:$0x1AE40] =	vst v1  }
0xe4: {  	[tilespmem:$0x1AEC0] =	vst v1  }
0xe5: {  	[tilespmem:$0x1AF40] =	vst v1  }
0xe6: {  	[tilespmem:$0x1AFC0] =	vst v1  }
0xe7: {  	[tilespmem:$0x1B040] =	vst v1  }
0xe8: {  	[tilespmem:$0x1B0C0] =	vst v1  }
0xe9: {  	[tilespmem:$0x1B140] =	vst v1  }
0xea: {  	[tilespmem:$0x1B1C0] =	vst v1  }
0xeb: {  	[tilespmem:$0x1B240] =	vst v1  }
0xec: {  	[tilespmem:$0x1B2C0] =	vst v1  }
0xed: {  	[tilespmem:$0x1B340] =	vst v1  }
0xee: {  	[tilespmem:$0x1B3C0] =	vst v1  }
0xef: {  	[tilespmem:$0x1B440] =	vst v1  }
0xf0: {  	[tilespmem:$0x1B4C0] =	vst v1  }
0xf1: {  	[tilespmem:$0x1B540] =	vst v1  }
0xf2: {  	[tilespmem:$0x1B5C0] =	vst v1  }
0xf3: {  	[tilespmem:$0x1B640] =	vst v1  }
0xf4: {  	[tilespmem:$0x1B6C0] =	vst v1  }
0xf5: {  	[tilespmem:$0x1B740] =	vst v1  }
0xf6: {  	[tilespmem:$0x1B7C0] =	vst v1  }
0xf7: {  	[tilespmem:$0x1B840] =	vst v1  }
0xf8: {  	[tilespmem:$0x1B8C0] =	vst v1  }
0xf9: {  	[tilespmem:$0x1B940] =	vst v1  }
0xfa: {  	[tilespmem:$0x1B9C0] =	vst v1  }
0xfb: {  	[tilespmem:$0x1BA40] =	vst v1  }
0xfc: {  	[tilespmem:$0x1BAC0] =	vst v1  }
0xfd: {  	[tilespmem:$0x1BB40] =	vst v1  }
0xfe: {  	[tilespmem:$0x1BBC0] =	vst v1  }
0xff: {  	[tilespmem:$0x1BC40] =	vst v1  }
0x100: {  	[tilespmem:$0x1BCC0] =	vst v1  }
0x101: {  	[tilespmem:$0x1BD40] =	vst v1  }
0x102: {  	[tilespmem:$0x1BDC0] =	vst v1  }
0x103: {  	[tilespmem:$0x1BE40] =	vst v1  }
0x104: {  	[tilespmem:$0x1BEC0] =	vst v1  }
0x105: {  	[tilespmem:$0x1BF40] =	vst v1  }
0x106: {  	[tilespmem:$0x1BFC0] =	vst v1  }
0x107: {  	[tilespmem:$0x1C040] =	vst v1  }
0x108: {  	[tilespmem:$0x1C0C0] =	vst v1  }
0x109: {  	[tilespmem:$0x1C140] =	vst v1  }
0x10a: {  	[tilespmem:$0x1C1C0] =	vst v1  }
0x10b: {  	[tilespmem:$0x1C240] =	vst v1  }
0x10c: {  	[tilespmem:$0x1C2C0] =	vst v1  }
0x10d: {  	[tilespmem:$0x1C340] =	vst v1  }
0x10e: {  	[tilespmem:$0x1C3C0] =	vst v1  }
0x10f: {  	[tilespmem:$0x1C440] =	vst v1  }
0x110: {  	[tilespmem:$0x1C4C0] =	vst v1  }
0x111: {  	[tilespmem:$0x1C540] =	vst v1  }
0x112: {  	[tilespmem:$0x1C5C0] =	vst v1  }
0x113: {  	[tilespmem:$0x1C640] =	vst v1  }
0x114: {  	[tilespmem:$0x1C6C0] =	vst v1  }
0x115: {  	[tilespmem:$0x1C740] =	vst v1  }
0x116: {  	[tilespmem:$0x1C7C0] =	vst v1  }
0x117: {  	[tilespmem:$0x1C840] =	vst v1  }
0x118: {  	[tilespmem:$0x1C8C0] =	vst v1  }
0x119: {  	[tilespmem:$0x1C940] =	vst v1  }
0x11a: {  	[tilespmem:$0x1C9C0] =	vst v1  }
0x11b: {  	[tilespmem:$0x1CA40] =	vst v1  }
0x11c: {  	[tilespmem:$0x1CAC0] =	vst v1  }
0x11d: {  	[tilespmem:$0x1CB40] =	vst v1  }
0x11e: {  	[tilespmem:$0x1CBC0] =	vst v1  }
0x11f: {  	[tilespmem:$0x1CC40] =	vst v1  }
0x120: {  	[tilespmem:$0x1CCC0] =	vst v1  }
0x121: {  	[tilespmem:$0x1CD40] =	vst v1  }
0x122: {  	[tilespmem:$0x1CDC0] =	vst v1  }
0x123: {  	[tilespmem:$0x1CE40] =	vst v1  }
0x124: {  	[tilespmem:$0x1CEC0] =	vst v1  }
0x125: {  	[tilespmem:$0x1CF40] =	vst v1  }
0x126: {  	[tilespmem:$0x1CFC0] =	vst v1  }
0x127: {  	[tilespmem:$0x1D040] =	vst v1  }
0x128: {  	[tilespmem:$0x1D0C0] =	vst v1  }
0x129: {  	[tilespmem:$0x1D140] =	vst v1  }
0x12a: {  	[tilespmem:$0x1D1C0] =	vst v1  }
0x12b: {  	[tilespmem:$0x1D240] =	vst v1  }
0x12c: {  	[tilespmem:$0x1D2C0] =	vst v1  }
0x12d: {  	[tilespmem:$0x1D340] =	vst v1  }
0x12e: {  	[tilespmem:$0x1D3C0] =	vst v1  }
0x12f: {  	[tilespmem:$0x1D440] =	vst v1  }
0x130: {  	[tilespmem:$0x1D4C0] =	vst v1  }
0x131: {  	[tilespmem:$0x1D540] =	vst v1  }
0x132: {  	[tilespmem:$0x1D5C0] =	vst v1  }
0x133: {  	[tilespmem:$0x1D640] =	vst v1  }
0x134: {  	[tilespmem:$0x1D6C0] =	vst v1  }
0x135: {  	[tilespmem:$0x1D740] =	vst v1  }
0x136: {  	[tilespmem:$0x1D7C0] =	vst v1  }
0x137: {  	[tilespmem:$0x1D840] =	vst v1  }
0x138: {  	[tilespmem:$0x1D8C0] =	vst v1  }
0x139: {  	[tilespmem:$0x1D940] =	vst v1  }
0x13a: {  	[tilespmem:$0x1D9C0] =	vst v1  }
0x13b: {  	[tilespmem:$0x1DA40] =	vst v1  }
0x13c: {  	[tilespmem:$0x1DAC0] =	vst v1  }
0x13d: {  	[tilespmem:$0x1DB40] =	vst v1  }
0x13e: {  	[tilespmem:$0x1DBC0] =	vst v1  }
0x13f: {  	[tilespmem:$0x1DC40] =	vst v1  }
0x140: {  	[tilespmem:$0x1DCC0] =	vst v1  }
0x141: {  	[tilespmem:$0x1DD40] =	vst v1  }
0x142: {  	[tilespmem:$0x1DDC0] =	vst v1  }
0x143: {  	[tilespmem:$0x1DE40] =	vst v1  }
0x144: {  	[tilespmem:$0x1DEC0] =	vst v1  }
0x145: {  	[tilespmem:$0x1DF40] =	vst v1  }
0x146: {  	[tilespmem:$0x1DFC0] =	vst v1  }
0x147: {  	[tilespmem:$0x1E040] =	vst v1  }
0x148: {  	[tilespmem:$0x1E0C0] =	vst v1  }
0x149: {  	[tilespmem:$0x1E140] =	vst v1  }
0x14a: {  	[tilespmem:$0x1E1C0] =	vst v1  }
0x14b: {  	[tilespmem:$0x1E240] =	vst v1  }
0x14c: {  	[tilespmem:$0x1E2C0] =	vst v1  }
0x14d: {  	[tilespmem:$0x1E340] =	vst v1  }
0x14e: {  	[tilespmem:$0x1E3C0] =	vst v1  }
0x14f: {  	[tilespmem:$0x1E440] =	vst v1  }
0x150: {  	[tilespmem:$0x1E4C0] =	vst v1  }
0x151: {  	[tilespmem:$0x1E540] =	vst v1  }
0x152: {  	[tilespmem:$0x1E5C0] =	vst v1  }
0x153: {  	[tilespmem:$0x1E640] =	vst v1  }
0x154: {  	[tilespmem:$0x1E6C0] =	vst v1  }
0x155: {  	[tilespmem:$0x1E740] =	vst v1  }
.Ltmp3:
0x156: {  	s31 =	sadd.s32 $0x15480, s26;
	[tilespmem:$0x1E7C0] =	vst v1;
	(pc) =	sbr.rel @p0 .LBB2_6-.Ltmp3, $4  }
0x157: {  	[spmem:s2] =	stream.indirect.scatter.add.f32 [tilespmem:s21], [sflag:$0x3], $0x80, s31, s19, $0xb8;
	[tilespmem:$0x1E800] =	vst v63  }
0x158: {  	_ =	swait.ge [sflag:s17], $0x4000  }
0x159: {  	[sflag:s17] =	ssyncset.done $0x0  }
0x15a: {  	[sflag:s17] =	ssyncadd.s32 $0xFFFFC000  }
.Ltmp4:
0x15b: {  	(pc) =	sbr.rel .LBB2_4-.Ltmp4, $3  }
0x15c: {  	_ =	sdelay $0x1  }
0x15d: {  	s26 =	sadd.s32 $0x14180, s26;
	s25 =	sadd.s32 $0x400, s25  }
0x15e: {  	[tilespmem:s21], [sflag:$0x2] =	stream.indirect.gather [hbm4b:s4+s19], $0x80, s26, s19, $0xb8;
	[tilespmem:$0x1E800] =	vst v63  }
.LBB2_6:
0x15f: {  	s25 =	simm.s32 $0x0  }
0x160: {  	[tilespmem:s16], [sflag:$0x3] =	stream.linear.gather [hbm4b:s12+s25], $0x1400, $0x38;
	[tilespmem:$0x1E800] =	vst v63  }
0x161: {  	_ =	swait.ge [sflag:s17], $0x1400  }
0x162: {  	[sflag:s17] =	ssyncset.done $0x0  }
0x163: {  	[sflag:s17] =	ssyncadd.s32 $0xFFFFEC00  }
0x164: {  	[tilespmem:s18], [sflag:$0x3] =	stream.linear.gather [hbm4b:s13+s25], $0x1400, $0x38;
	[tilespmem:$0x1E800] =	vst v63  }
0x165: {  	_ =	swait.ge [sflag:s17], $0x1400  }
0x166: {  	[sflag:s17] =	ssyncset.done $0x0  }
0x167: {  	[sflag:s17] =	ssyncadd.s32 $0xFFFFEC00  }
0x168: {  	[tilespmem:s20], [sflag:$0x1] =	stream.indirect.gather [hbm4b:s4+s19], $0x80, s16, s19, $0xb8;
	[tilespmem:$0x1E800] =	vst v63  }
0x169: {  	_ = 	snop  }
0x16a: {  	[tilespmem:s21], [sflag:$0x2] =	stream.indirect.gather [hbm4b:s4+s19], $0x80, s22, s19, $0xb8;
	[tilespmem:$0x1E800] =	vst v63  }
.LBB2_7:
0x16b: {  	_ =	swait.ge [sflag:s23], $0x4000  }
0x16c: {  	[sflag:s23] =	ssyncset.done $0x0  }
0x16d: {  	[sflag:s23] =	ssyncadd.s32 $0xFFFFC000  }
0x16e: {  	[tilespmem:$0x16840] =	vst v1  }
0x16f: {  	[tilespmem:$0x168C0] =	vst v1  }
0x170: {  	[tilespmem:$0x16940] =	vst v1  }
0x171: {  	[tilespmem:$0x169C0] =	vst v1  }
0x172: {  	[tilespmem:$0x16A40] =	vst v1  }
0x173: {  	[tilespmem:$0x16AC0] =	vst v1  }
0x174: {  	[tilespmem:$0x16B40] =	vst v1  }
0x175: {  	[tilespmem:$0x16BC0] =	vst v1  }
0x176: {  	[tilespmem:$0x16C40] =	vst v1  }
0x177: {  	[tilespmem:$0x16CC0] =	vst v1  }
0x178: {  	[tilespmem:$0x16D40] =	vst v1  }
0x179: {  	[tilespmem:$0x16DC0] =	vst v1  }
0x17a: {  	[tilespmem:$0x16E40] =	vst v1  }
0x17b: {  	[tilespmem:$0x16EC0] =	vst v1  }
0x17c: {  	[tilespmem:$0x16F40] =	vst v1  }
0x17d: {  	[tilespmem:$0x16FC0] =	vst v1  }
0x17e: {  	[tilespmem:$0x17040] =	vst v1  }
0x17f: {  	[tilespmem:$0x170C0] =	vst v1  }
0x180: {  	[tilespmem:$0x17140] =	vst v1  }
0x181: {  	[tilespmem:$0x171C0] =	vst v1  }
0x182: {  	[tilespmem:$0x17240] =	vst v1  }
0x183: {  	[tilespmem:$0x172C0] =	vst v1  }
0x184: {  	[tilespmem:$0x17340] =	vst v1  }
0x185: {  	[tilespmem:$0x173C0] =	vst v1  }
0x186: {  	[tilespmem:$0x17440] =	vst v1  }
0x187: {  	[tilespmem:$0x174C0] =	vst v1  }
0x188: {  	[tilespmem:$0x17540] =	vst v1  }
0x189: {  	[tilespmem:$0x175C0] =	vst v1  }
0x18a: {  	[tilespmem:$0x17640] =	vst v1  }
0x18b: {  	[tilespmem:$0x176C0] =	vst v1  }
0x18c: {  	[tilespmem:$0x17740] =	vst v1  }
0x18d: {  	[tilespmem:$0x177C0] =	vst v1  }
0x18e: {  	[tilespmem:$0x17840] =	vst v1  }
0x18f: {  	[tilespmem:$0x178C0] =	vst v1  }
0x190: {  	[tilespmem:$0x17940] =	vst v1  }
0x191: {  	[tilespmem:$0x179C0] =	vst v1  }
0x192: {  	[tilespmem:$0x17A40] =	vst v1  }
0x193: {  	[tilespmem:$0x17AC0] =	vst v1  }
0x194: {  	[tilespmem:$0x17B40] =	vst v1  }
0x195: {  	[tilespmem:$0x17BC0] =	vst v1  }
0x196: {  	[tilespmem:$0x17C40] =	vst v1  }
0x197: {  	[tilespmem:$0x17CC0] =	vst v1  }
0x198: {  	[tilespmem:$0x17D40] =	vst v1  }
0x199: {  	[tilespmem:$0x17DC0] =	vst v1  }
0x19a: {  	[tilespmem:$0x17E40] =	vst v1  }
0x19b: {  	[tilespmem:$0x17EC0] =	vst v1  }
0x19c: {  	[tilespmem:$0x17F40] =	vst v1  }
0x19d: {  	[tilespmem:$0x17FC0] =	vst v1  }
0x19e: {  	[tilespmem:$0x18040] =	vst v1  }
0x19f: {  	[tilespmem:$0x180C0] =	vst v1  }
0x1a0: {  	[tilespmem:$0x18140] =	vst v1  }
0x1a1: {  	[tilespmem:$0x181C0] =	vst v1  }
0x1a2: {  	[tilespmem:$0x18240] =	vst v1  }
0x1a3: {  	[tilespmem:$0x182C0] =	vst v1  }
0x1a4: {  	[tilespmem:$0x18340] =	vst v1  }
0x1a5: {  	[tilespmem:$0x183C0] =	vst v1  }
0x1a6: {  	[tilespmem:$0x18440] =	vst v1  }
0x1a7: {  	[tilespmem:$0x184C0] =	vst v1  }
0x1a8: {  	[tilespmem:$0x18540] =	vst v1  }
0x1a9: {  	[tilespmem:$0x185C0] =	vst v1  }
0x1aa: {  	[tilespmem:$0x18640] =	vst v1  }
0x1ab: {  	[tilespmem:$0x186C0] =	vst v1  }
0x1ac: {  	[tilespmem:$0x18740] =	vst v1  }
0x1ad: {  	[tilespmem:$0x187C0] =	vst v1  }
0x1ae: {  	[tilespmem:$0x18840] =	vst v1  }
0x1af: {  	[tilespmem:$0x188C0] =	vst v1  }
0x1b0: {  	[tilespmem:$0x18940] =	vst v1  }
0x1b1: {  	[tilespmem:$0x189C0] =	vst v1  }
0x1b2: {  	[tilespmem:$0x18A40] =	vst v1  }
0x1b3: {  	[tilespmem:$0x18AC0] =	vst v1  }
0x1b4: {  	[tilespmem:$0x18B40] =	vst v1  }
0x1b5: {  	[tilespmem:$0x18BC0] =	vst v1  }
0x1b6: {  	[tilespmem:$0x18C40] =	vst v1  }
0x1b7: {  	[tilespmem:$0x18CC0] =	vst v1  }
0x1b8: {  	[tilespmem:$0x18D40] =	vst v1  }
0x1b9: {  	[tilespmem:$0x18DC0] =	vst v1  }
0x1ba: {  	[tilespmem:$0x18E40] =	vst v1  }
0x1bb: {  	[tilespmem:$0x18EC0] =	vst v1  }
0x1bc: {  	[tilespmem:$0x18F40] =	vst v1  }
0x1bd: {  	[tilespmem:$0x18FC0] =	vst v1  }
0x1be: {  	[tilespmem:$0x19040] =	vst v1  }
0x1bf: {  	[tilespmem:$0x190C0] =	vst v1  }
0x1c0: {  	[tilespmem:$0x19140] =	vst v1  }
0x1c1: {  	[tilespmem:$0x191C0] =	vst v1  }
0x1c2: {  	[tilespmem:$0x19240] =	vst v1  }
0x1c3: {  	[tilespmem:$0x192C0] =	vst v1  }
0x1c4: {  	[tilespmem:$0x19340] =	vst v1  }
0x1c5: {  	[tilespmem:$0x193C0] =	vst v1  }
0x1c6: {  	[tilespmem:$0x19440] =	vst v1  }
0x1c7: {  	[tilespmem:$0x194C0] =	vst v1  }
0x1c8: {  	[tilespmem:$0x19540] =	vst v1  }
0x1c9: {  	[tilespmem:$0x195C0] =	vst v1  }
0x1ca: {  	[tilespmem:$0x19640] =	vst v1  }
0x1cb: {  	[tilespmem:$0x196C0] =	vst v1  }
0x1cc: {  	[tilespmem:$0x19740] =	vst v1  }
0x1cd: {  	[tilespmem:$0x197C0] =	vst v1  }
0x1ce: {  	[tilespmem:$0x19840] =	vst v1  }
0x1cf: {  	[tilespmem:$0x198C0] =	vst v1  }
0x1d0: {  	[tilespmem:$0x19940] =	vst v1  }
0x1d1: {  	[tilespmem:$0x199C0] =	vst v1  }
0x1d2: {  	[tilespmem:$0x19A40] =	vst v1  }
0x1d3: {  	[tilespmem:$0x19AC0] =	vst v1  }
0x1d4: {  	[tilespmem:$0x19B40] =	vst v1  }
0x1d5: {  	[tilespmem:$0x19BC0] =	vst v1  }
0x1d6: {  	[tilespmem:$0x19C40] =	vst v1  }
0x1d7: {  	[tilespmem:$0x19CC0] =	vst v1  }
0x1d8: {  	[tilespmem:$0x19D40] =	vst v1  }
0x1d9: {  	[tilespmem:$0x19DC0] =	vst v1  }
0x1da: {  	[tilespmem:$0x19E40] =	vst v1  }
0x1db: {  	[tilespmem:$0x19EC0] =	vst v1  }
0x1dc: {  	[tilespmem:$0x19F40] =	vst v1  }
0x1dd: {  	[tilespmem:$0x19FC0] =	vst v1  }
0x1de: {  	[tilespmem:$0x1A040] =	vst v1  }
0x1df: {  	[tilespmem:$0x1A0C0] =	vst v1  }
0x1e0: {  	[tilespmem:$0x1A140] =	vst v1  }
0x1e1: {  	[tilespmem:$0x1A1C0] =	vst v1  }
0x1e2: {  	[tilespmem:$0x1A240] =	vst v1  }
0x1e3: {  	[tilespmem:$0x1A2C0] =	vst v1  }
0x1e4: {  	[tilespmem:$0x1A340] =	vst v1  }
0x1e5: {  	[tilespmem:$0x1A3C0] =	vst v1  }
0x1e6: {  	[tilespmem:$0x1A440] =	vst v1  }
0x1e7: {  	[tilespmem:$0x1A4C0] =	vst v1  }
0x1e8: {  	[tilespmem:$0x1A540] =	vst v1  }
0x1e9: {  	[tilespmem:$0x1A5C0] =	vst v1  }
0x1ea: {  	[tilespmem:$0x1A640] =	vst v1  }
0x1eb: {  	[tilespmem:$0x1A6C0] =	vst v1  }
0x1ec: {  	s26 =	sshra.s32 s25, $0x2;
	[tilespmem:$0x1A740] =	vst v1  }
0x1ed: {  	s28 =	sadd.s32 $0x15400, s26;
	[tilespmem:$0x1A7C0] =	vst v1  }
0x1ee: {  	[spmem:s2] =	stream.indirect.scatter.add.f32 [tilespmem:s20], [sflag:$0x3], $0x80, s28, s19, $0xb8;
	[tilespmem:$0x1E800] =	vst v63  }
0x1ef: {  	p0 =	seq.s32 s25, $0x4C00;
	_ =	swait.ge [sflag:s17], $0x4000  }
0x1f0: {  	s29 =	simm.s32 @!p0 $0x80;
	s28 =	sshra.s32 @!p0 s25, $0x2;
	[sflag:s17] =	ssyncset.done $0x0  }
0x1f1: {  	s30 =	simm.s32 @!p0 $0x16800;
	s28 =	sadd.s32 @!p0 $0x14100, s28;
	[sflag:s17] =	ssyncadd.s32 $0xFFFFC000  }
0x1f2: {  	[tilespmem:s30], [sflag:$0x1] =	stream.indirect.gather @!p0 [hbm4b:s4+s29], $0x80, s28, s29, $0xb8;
	[tilespmem:$0x1E800] =	vst v63  }
0x1f3: {  	_ =	swait.ge [sflag:s24], $0x4000  }
0x1f4: {  	[sflag:s24] =	ssyncset.done $0x0  }
0x1f5: {  	[sflag:s24] =	ssyncadd.s32 $0xFFFFC000  }
0x1f6: {  	[tilespmem:$0x1A840] =	vst v1  }
0x1f7: {  	[tilespmem:$0x1A8C0] =	vst v1  }
0x1f8: {  	[tilespmem:$0x1A940] =	vst v1  }
0x1f9: {  	[tilespmem:$0x1A9C0] =	vst v1  }
0x1fa: {  	[tilespmem:$0x1AA40] =	vst v1  }
0x1fb: {  	[tilespmem:$0x1AAC0] =	vst v1  }
0x1fc: {  	[tilespmem:$0x1AB40] =	vst v1  }
0x1fd: {  	[tilespmem:$0x1ABC0] =	vst v1  }
0x1fe: {  	[tilespmem:$0x1AC40] =	vst v1  }
0x1ff: {  	[tilespmem:$0x1ACC0] =	vst v1  }
0x200: {  	[tilespmem:$0x1AD40] =	vst v1  }
0x201: {  	[tilespmem:$0x1ADC0] =	vst v1  }
0x202: {  	[tilespmem:$0x1AE40] =	vst v1  }
0x203: {  	[tilespmem:$0x1AEC0] =	vst v1  }
0x204: {  	[tilespmem:$0x1AF40] =	vst v1  }
0x205: {  	[tilespmem:$0x1AFC0] =	vst v1  }
0x206: {  	[tilespmem:$0x1B040] =	vst v1  }
0x207: {  	[tilespmem:$0x1B0C0] =	vst v1  }
0x208: {  	[tilespmem:$0x1B140] =	vst v1  }
0x209: {  	[tilespmem:$0x1B1C0] =	vst v1  }
0x20a: {  	[tilespmem:$0x1B240] =	vst v1  }
0x20b: {  	[tilespmem:$0x1B2C0] =	vst v1  }
0x20c: {  	[tilespmem:$0x1B340] =	vst v1  }
0x20d: {  	[tilespmem:$0x1B3C0] =	vst v1  }
0x20e: {  	[tilespmem:$0x1B440] =	vst v1  }
0x20f: {  	[tilespmem:$0x1B4C0] =	vst v1  }
0x210: {  	[tilespmem:$0x1B540] =	vst v1  }
0x211: {  	[tilespmem:$0x1B5C0] =	vst v1  }
0x212: {  	[tilespmem:$0x1B640] =	vst v1  }
0x213: {  	[tilespmem:$0x1B6C0] =	vst v1  }
0x214: {  	[tilespmem:$0x1B740] =	vst v1  }
0x215: {  	[tilespmem:$0x1B7C0] =	vst v1  }
0x216: {  	[tilespmem:$0x1B840] =	vst v1  }
0x217: {  	[tilespmem:$0x1B8C0] =	vst v1  }
0x218: {  	[tilespmem:$0x1B940] =	vst v1  }
0x219: {  	[tilespmem:$0x1B9C0] =	vst v1  }
0x21a: {  	[tilespmem:$0x1BA40] =	vst v1  }
0x21b: {  	[tilespmem:$0x1BAC0] =	vst v1  }
0x21c: {  	[tilespmem:$0x1BB40] =	vst v1  }
0x21d: {  	[tilespmem:$0x1BBC0] =	vst v1  }
0x21e: {  	[tilespmem:$0x1BC40] =	vst v1  }
0x21f: {  	[tilespmem:$0x1BCC0] =	vst v1  }
0x220: {  	[tilespmem:$0x1BD40] =	vst v1  }
0x221: {  	[tilespmem:$0x1BDC0] =	vst v1  }
0x222: {  	[tilespmem:$0x1BE40] =	vst v1  }
0x223: {  	[tilespmem:$0x1BEC0] =	vst v1  }
0x224: {  	[tilespmem:$0x1BF40] =	vst v1  }
0x225: {  	[tilespmem:$0x1BFC0] =	vst v1  }
0x226: {  	[tilespmem:$0x1C040] =	vst v1  }
0x227: {  	[tilespmem:$0x1C0C0] =	vst v1  }
0x228: {  	[tilespmem:$0x1C140] =	vst v1  }
0x229: {  	[tilespmem:$0x1C1C0] =	vst v1  }
0x22a: {  	[tilespmem:$0x1C240] =	vst v1  }
0x22b: {  	[tilespmem:$0x1C2C0] =	vst v1  }
0x22c: {  	[tilespmem:$0x1C340] =	vst v1  }
0x22d: {  	[tilespmem:$0x1C3C0] =	vst v1  }
0x22e: {  	[tilespmem:$0x1C440] =	vst v1  }
0x22f: {  	[tilespmem:$0x1C4C0] =	vst v1  }
0x230: {  	[tilespmem:$0x1C540] =	vst v1  }
0x231: {  	[tilespmem:$0x1C5C0] =	vst v1  }
0x232: {  	[tilespmem:$0x1C640] =	vst v1  }
0x233: {  	[tilespmem:$0x1C6C0] =	vst v1  }
0x234: {  	[tilespmem:$0x1C740] =	vst v1  }
0x235: {  	[tilespmem:$0x1C7C0] =	vst v1  }
0x236: {  	[tilespmem:$0x1C840] =	vst v1  }
0x237: {  	[tilespmem:$0x1C8C0] =	vst v1  }
0x238: {  	[tilespmem:$0x1C940] =	vst v1  }
0x239: {  	[tilespmem:$0x1C9C0] =	vst v1  }
0x23a: {  	[tilespmem:$0x1CA40] =	vst v1  }
0x23b: {  	[tilespmem:$0x1CAC0] =	vst v1  }
0x23c: {  	[tilespmem:$0x1CB40] =	vst v1  }
0x23d: {  	[tilespmem:$0x1CBC0] =	vst v1  }
0x23e: {  	[tilespmem:$0x1CC40] =	vst v1  }
0x23f: {  	[tilespmem:$0x1CCC0] =	vst v1  }
0x240: {  	[tilespmem:$0x1CD40] =	vst v1  }
0x241: {  	[tilespmem:$0x1CDC0] =	vst v1  }
0x242: {  	[tilespmem:$0x1CE40] =	vst v1  }
0x243: {  	[tilespmem:$0x1CEC0] =	vst v1  }
0x244: {  	[tilespmem:$0x1CF40] =	vst v1  }
0x245: {  	[tilespmem:$0x1CFC0] =	vst v1  }
0x246: {  	[tilespmem:$0x1D040] =	vst v1  }
0x247: {  	[tilespmem:$0x1D0C0] =	vst v1  }
0x248: {  	[tilespmem:$0x1D140] =	vst v1  }
0x249: {  	[tilespmem:$0x1D1C0] =	vst v1  }
0x24a: {  	[tilespmem:$0x1D240] =	vst v1  }
0x24b: {  	[tilespmem:$0x1D2C0] =	vst v1  }
0x24c: {  	[tilespmem:$0x1D340] =	vst v1  }
0x24d: {  	[tilespmem:$0x1D3C0] =	vst v1  }
0x24e: {  	[tilespmem:$0x1D440] =	vst v1  }
0x24f: {  	[tilespmem:$0x1D4C0] =	vst v1  }
0x250: {  	[tilespmem:$0x1D540] =	vst v1  }
0x251: {  	[tilespmem:$0x1D5C0] =	vst v1  }
0x252: {  	[tilespmem:$0x1D640] =	vst v1  }
0x253: {  	[tilespmem:$0x1D6C0] =	vst v1  }
0x254: {  	[tilespmem:$0x1D740] =	vst v1  }
0x255: {  	[tilespmem:$0x1D7C0] =	vst v1  }
0x256: {  	[tilespmem:$0x1D840] =	vst v1  }
0x257: {  	[tilespmem:$0x1D8C0] =	vst v1  }
0x258: {  	[tilespmem:$0x1D940] =	vst v1  }
0x259: {  	[tilespmem:$0x1D9C0] =	vst v1  }
0x25a: {  	[tilespmem:$0x1DA40] =	vst v1  }
0x25b: {  	[tilespmem:$0x1DAC0] =	vst v1  }
0x25c: {  	[tilespmem:$0x1DB40] =	vst v1  }
0x25d: {  	[tilespmem:$0x1DBC0] =	vst v1  }
0x25e: {  	[tilespmem:$0x1DC40] =	vst v1  }
0x25f: {  	[tilespmem:$0x1DCC0] =	vst v1  }
0x260: {  	[tilespmem:$0x1DD40] =	vst v1  }
0x261: {  	[tilespmem:$0x1DDC0] =	vst v1  }
0x262: {  	[tilespmem:$0x1DE40] =	vst v1  }
0x263: {  	[tilespmem:$0x1DEC0] =	vst v1  }
0x264: {  	[tilespmem:$0x1DF40] =	vst v1  }
0x265: {  	[tilespmem:$0x1DFC0] =	vst v1  }
0x266: {  	[tilespmem:$0x1E040] =	vst v1  }
0x267: {  	[tilespmem:$0x1E0C0] =	vst v1  }
0x268: {  	[tilespmem:$0x1E140] =	vst v1  }
0x269: {  	[tilespmem:$0x1E1C0] =	vst v1  }
0x26a: {  	[tilespmem:$0x1E240] =	vst v1  }
0x26b: {  	[tilespmem:$0x1E2C0] =	vst v1  }
0x26c: {  	[tilespmem:$0x1E340] =	vst v1  }
0x26d: {  	[tilespmem:$0x1E3C0] =	vst v1  }
0x26e: {  	[tilespmem:$0x1E440] =	vst v1  }
0x26f: {  	[tilespmem:$0x1E4C0] =	vst v1  }
0x270: {  	[tilespmem:$0x1E540] =	vst v1  }
0x271: {  	[tilespmem:$0x1E5C0] =	vst v1  }
0x272: {  	[tilespmem:$0x1E640] =	vst v1  }
0x273: {  	[tilespmem:$0x1E6C0] =	vst v1  }
0x274: {  	[tilespmem:$0x1E740] =	vst v1  }
.Ltmp5:
0x275: {  	s31 =	sadd.s32 $0x15480, s26;
	[tilespmem:$0x1E7C0] =	vst v1;
	(pc) =	sbr.rel @p0 .LBB2_9-.Ltmp5, $4  }
0x276: {  	[spmem:s2] =	stream.indirect.scatter.add.f32 [tilespmem:s21], [sflag:$0x3], $0x80, s31, s19, $0xb8;
	[tilespmem:$0x1E800] =	vst v63  }
0x277: {  	_ =	swait.ge [sflag:s17], $0x4000  }
0x278: {  	[sflag:s17] =	ssyncset.done $0x0  }
0x279: {  	[sflag:s17] =	ssyncadd.s32 $0xFFFFC000  }
.Ltmp6:
0x27a: {  	(pc) =	sbr.rel .LBB2_7-.Ltmp6, $3  }
0x27b: {  	_ =	sdelay $0x1  }
0x27c: {  	s26 =	sadd.s32 $0x14180, s26;
	s25 =	sadd.s32 $0x400, s25  }
0x27d: {  	[tilespmem:s21], [sflag:$0x2] =	stream.indirect.gather [hbm4b:s4+s19], $0x80, s26, s19, $0xb8;
	[tilespmem:$0x1E800] =	vst v63  }
.LBB2_10:
0x27e: {  	_ =	sfence.sel $0x180000  }
0x27f: {  	[bflag:$0x0] =	sbarrier.arrive $0xFFFF  }
0x280: {  	p0 =	sne.s32 s1, $0x0;
	_ =	strace $0x90000047  }
0x281: {  	s0 =	sadd.s32 @!p0 $0x100000, s0;
	[bflag:$0x2] =	sbarrier.arrive $0xFFFF  }
0x282: {  	[sflag:s0] =	ssyncadd.tile.s32 @!p0 $0x1;
	_ =	shalt  }
.Lfunc_end2:
_tile_overlayer_lowered:
.L_overlay_start_2:
0x283: {  	(tag) =	ssettag $0x2  }
0x284: {  	s0 =	rddreg [dreg:$0x0];
	s2 =	stileid.u32  }
0x285: {  	s1 =	rddreg [dreg:$0x1];
	p0 =	sne.s32 s2, $0x0  }
0x286: {  	s3 =	rddreg [dreg:$0x2];
	[bflag:$0x3] =	sbarrier.arrive $0xFFFF;
	s2 =	simm.s32 @!p0 $0x1C03  }
0x287: {  	[timem:s3], [sflag:s2] =	dma.local @!p0 [hbm:s0], s1  }
0x288: {  	s0 =	simm.s32 @!p0 $0x3  }
0x289: {  	_ =	swait.ge @!p0 [sflag:s0], s1  }
0x28a: {  	s1 =	ssub.s32 @!p0 $0x0, s1;
	[sflag:s0] =	ssyncset.done @!p0 $0x0  }
0x28b: {  	[sflag:s0] =	ssyncadd.s32 @!p0 s1  }
0x28c: {  	[bflag:$0x3] =	sbarrier.arrive $0xFFFF  }
0x28d: {  	_ =	shalt  }

</sc_bundles>
